<compile_context>
chip_gen: v7x
topology: tpu7x:2x2x1
jax: 0.10.2.dev20260603
libtpu: 0.0.44.dev20260713+nightly
codegen_flags: <defaults>
</compile_context>

<pallas_src>
import jax
import jax.numpy as jnp
from jax import lax
from jax.experimental import pallas as pl
from jax.experimental.pallas import tpu as pltpu
from jax.experimental.pallas import tpu_sc as plsc

F32 = jnp.float32
FCH = 32
EBLK = 384
NSUB = 16
ZROWS = 800
NSB = EBLK // 128


def _tc1_body(xt_in, xc_in, wlt, blt, wlc, blc, wself, bself, bs2d, bd2s,
              bctl, wctr, xt_out, xtb_out, xcb_out, pre_out):
    xt = jnp.maximum(jnp.dot(xt_in[:], wlt[:], preferred_element_type=F32) + blt[:], 0.0)
    xc = jnp.maximum(jnp.dot(xc_in[:], wlc[:], preferred_element_type=F32) + blc[:], 0.0)
    xt_out[:] = xt
    xtb_out[:] = xt.astype(jnp.bfloat16)
    xcb_out[:] = xc.astype(jnp.bfloat16)
    bias = bself[:] + 0.5 * bs2d[:] + 0.5 * bd2s[:] + bctl[:]
    pre_out[:] = jnp.dot(xt, wself[:] + wctr[:], preferred_element_type=F32) + bias


def _tc2_body(pre, xt, m1, m2, m3, ca, cb, ws2d, wd2s, wctl, wout, bout, out):
    d1 = jnp.maximum(ca[:][:, 0:1] + cb[:][:, 0:1], 1.0)
    d2 = jnp.maximum(ca[:][:, 8:9] + cb[:][:, 8:9], 1.0)
    d3 = jnp.maximum(ca[:][:, 16:17] + cb[:][:, 16:17], 1.0)
    h = (0.5 * pre[:]
         + 0.25 * jnp.dot(m1[:].astype(F32) / d1, ws2d[:], preferred_element_type=F32)
         + 0.25 * jnp.dot(m2[:].astype(F32) / d2, wd2s[:], preferred_element_type=F32)
         + 0.5 * jnp.dot(m3[:].astype(F32) / d3, wctl[:], preferred_element_type=F32))
    h = jnp.maximum(h + xt[:], 0.0)
    out[:] = jnp.dot(h, wout[:], preferred_element_type=F32) + bout[:]


def _zero_acc(acc, zeros_hbm, zsem, s, RPT):
    for k in range(RPT // ZROWS):
        pltpu.async_copy(zeros_hbm, acc.at[pl.ds(s * RPT + k * ZROWS, ZROWS)], zsem)
    for k in range(RPT // ZROWS):
        pltpu.make_async_copy(zeros_hbm, acc.at[pl.ds(s * RPT + k * ZROWS, ZROWS)],
                              zsem).wait()


def _sc_count_call(NT, NTP, RPT, EPAD, sidxs, zeros_h, ones_h):
    EH = EPAD // 2
    Q = EH // NSUB
    NB = Q // EBLK
    QR = Q // 128
    CW = 8
    mesh = plsc.VectorSubcoreMesh(core_axis_name="c", subcore_axis_name="s")

    def body(s1, s2, s3, zeros_hbm, ones_hbm, oa, ob, acc, idxs, rows,
             ssem, zsem):
        c = lax.axis_index("c")
        s = lax.axis_index("s")
        pltpu.sync_copy(ones_hbm, rows)

        for p, s_h in enumerate((s1, s2, s3)):
            _zero_acc(acc, zeros_hbm, zsem, s, RPT)
            plsc.subcore_barrier()

            def cblock(b, carry):
                rowbase = c * (EH // 128) + s * QR + b * NSB
                pltpu.sync_copy(s_h.at[pl.ds(rowbase, NSB)], idxs)
                for j in range(NSB):
                    pltpu.async_copy(rows.at[pl.ds(j * 128, 128)],
                                     acc.at[idxs.at[j]], ssem, add=True)
                for j in range(NSB):
                    pltpu.make_async_copy(rows.at[pl.ds(j * 128, 128)],
                                          acc.at[idxs.at[j]], ssem).wait()
                return carry
            lax.fori_loop(0, NB, cblock, 0)
            plsc.subcore_barrier()

            @pl.when(c == 0)
            def _():
                pltpu.sync_copy(acc.at[pl.ds(s * RPT, RPT)],
                                oa.at[pl.ds(s * RPT, RPT), pl.ds(p * CW, CW)])

            @pl.when(c == 1)
            def _():
                pltpu.sync_copy(acc.at[pl.ds(s * RPT, RPT)],
                                ob.at[pl.ds(s * RPT, RPT), pl.ds(p * CW, CW)])

    out_type = [jax.ShapeDtypeStruct((NTP, 32), F32) for _ in range(2)]
    scratch = [
        pltpu.VMEM_SHARED((NTP, CW), F32),
        pltpu.VMEM((NSB, 128), jnp.int32),
        pltpu.VMEM((EBLK, CW), F32),
        pltpu.SemaphoreType.DMA,
        pltpu.SemaphoreType.DMA,
    ]
    fn = pl.kernel(body, out_type=out_type, mesh=mesh, scratch_types=scratch,
                   compiler_params=pltpu.CompilerParams(use_tc_tiling_on_sc=False))
    return fn(*sidxs, zeros_h, ones_h)


def _sc_scatter_call(NT, NTP, RPT, EPAD, xtb2, xcb2, gidxs, sidxs, zeros_h):
    Q = EPAD // NSUB
    NB = Q // EBLK
    QR = Q // 128
    mesh = plsc.VectorSubcoreMesh(core_axis_name="c", subcore_axis_name="s")

    def body(*refs):
        xt_t = refs[0]
        xc_t = refs[1]
        gx = refs[2:8]
        sx = refs[8:11]
        zeros_hbm = refs[11]
        outs = refs[12:15]
        acc = refs[15]
        idxg = refs[16:18]
        idxs = refs[18:20]
        rows = refs[20:22]
        sems = refs[22:24]
        ssems = refs[24:26]
        zsem = refs[26]

        c = lax.axis_index("c")
        s = lax.axis_index("s")

        def do_pass(p, f, table, g_h, s_h, out_h):
            @pl.when(c == (p % 2))
            def _():
                _zero_acc(acc, zeros_hbm, zsem, s, RPT)

                def load_idx(b, buf):
                    pltpu.sync_copy(s_h.at[pl.ds(s * QR + b * NSB, NSB)],
                                    idxs[buf])
                    pltpu.sync_copy(g_h.at[pl.ds(s * Q + b * EBLK, EBLK)],
                                    idxg[buf])

                def start_gather(buf):
                    pltpu.async_copy(table.at[idxg[buf]], rows[buf], sems[buf])

                def finish_gather(buf):
                    pltpu.make_async_copy(table.at[idxg[buf]], rows[buf],
                                          sems[buf]).wait()

                def fire_scatters(buf):
                    for j in range(NSB):
                        pltpu.async_copy(rows[buf].at[pl.ds(j * 128, 128)],
                                         acc.at[idxs[buf].at[j]], ssems[buf],
                                         add=True)

                def drain_scatters(buf):
                    for j in range(NSB):
                        pltpu.make_async_copy(rows[buf].at[pl.ds(j * 128, 128)],
                                              acc.at[idxs[buf].at[j]],
                                              ssems[buf]).wait()

                plsc.subcore_barrier()
                load_idx(0, 0)
                start_gather(0)

                def block2(i, carry):
                    b = i * 2

                    @pl.when(i > 0)
                    def _():
                        drain_scatters(1)
                    load_idx(b + 1, 1)
                    start_gather(1)
                    finish_gather(0)
                    fire_scatters(0)
                    finish_gather(1)
                    fire_scatters(1)

                    @pl.when(i + 1 < NB // 2)
                    def _():
                        drain_scatters(0)
                        load_idx(b + 2, 0)
                        start_gather(0)
                    return carry
                lax.fori_loop(0, NB // 2, block2, 0)
                drain_scatters(0)
                drain_scatters(1)
                plsc.subcore_barrier()
                pltpu.sync_copy(acc.at[pl.ds(s * RPT, RPT)],
                                out_h.at[pl.ds(s * RPT, RPT), pl.ds(f * 64, 64)])

        tables = (xt_t, xt_t, xc_t)
        p = 0
        for o in range(3):
            for f in range(2):
                do_pass(p, f, tables[o], gx[o * 2 + f], sx[o], outs[o])
                p += 1

    out_type = [jax.ShapeDtypeStruct((NTP, 128), jnp.bfloat16) for _ in range(3)]
    scratch = [
        pltpu.VMEM_SHARED((NTP, 64), jnp.bfloat16),
        pltpu.VMEM((EBLK,), jnp.int32),
        pltpu.VMEM((EBLK,), jnp.int32),
        pltpu.VMEM((NSB, 128), jnp.int32),
        pltpu.VMEM((NSB, 128), jnp.int32),
        pltpu.VMEM((EBLK, 64), jnp.bfloat16),
        pltpu.VMEM((EBLK, 64), jnp.bfloat16),
        pltpu.SemaphoreType.DMA,
        pltpu.SemaphoreType.DMA,
        pltpu.SemaphoreType.DMA,
        pltpu.SemaphoreType.DMA,
        pltpu.SemaphoreType.DMA,
    ]
    fn = pl.kernel(body, out_type=out_type, mesh=mesh, scratch_types=scratch,
                   compiler_params=pltpu.CompilerParams(use_tc_tiling_on_sc=False))
    return fn(xtb2, xcb2, *gidxs, *sidxs, zeros_h)


def kernel(x_target, x_context, edge_index_tt, edge_index_ct,
           W_lin_t, b_lin_t, W_lin_c, b_lin_c,
           W_self, b_self, W_s2d, b_s2d, W_d2s, b_d2s,
           W_ct_l, b_ct_l, W_ct_r, W_out, b_out):
    NT, D = x_target.shape
    H = W_lin_t.shape[1]
    E = edge_index_tt.shape[1]
    BM = 2000
    grid = (NT // BM,)
    RPT = (-(-(NT // NSUB) // ZROWS)) * ZROWS
    NTP = RPT * NSUB

    EPAD = ((E + NSUB * EBLK - 1) // (NSUB * EBLK)) * (NSUB * EBLK)
    npad = EPAD - E
    spread = jnp.arange(npad, dtype=jnp.int32) % 1024
    pad_g = spread * 2
    pad_s = NT + spread

    gbase = [jnp.concatenate([edge_index_tt[0] * 2, pad_g]),
             jnp.concatenate([edge_index_tt[1] * 2, pad_g]),
             jnp.concatenate([edge_index_ct[0] * 2, pad_g])]
    gidxs = [gbase[o] + f for o in range(3) for f in range(2)]

    def spad(a):
        return jnp.concatenate([a, pad_s]).reshape(EPAD // 128, 128)

    sidxs = [spad(edge_index_tt[1]), spad(edge_index_tt[0]), spad(edge_index_ct[1])]
    zeros_hc = jnp.zeros((ZROWS, 8), F32)
    zeros_hb = jnp.zeros((ZROWS, 64), jnp.bfloat16)
    ones_h = jnp.ones((EBLK, 8), F32)

    cnt_a, cnt_b = _sc_count_call(NT, NTP, RPT, EPAD, sidxs, zeros_hc, ones_h)

    b2 = lambda b: b.reshape(1, H)
    row_spec = pl.BlockSpec((BM, D), lambda i: (i, 0))
    w_spec = pl.BlockSpec((D, H), lambda i: (0, 0))
    b_spec = pl.BlockSpec((1, H), lambda i: (0, 0))

    tc1 = pl.pallas_call(
        _tc1_body,
        grid=grid,
        in_specs=[row_spec, row_spec, w_spec, b_spec, w_spec, b_spec,
                  w_spec, b_spec, b_spec, b_spec, b_spec, w_spec],
        out_specs=[row_spec] * 4,
        out_shape=[jax.ShapeDtypeStruct((NT, H), F32),
                   jax.ShapeDtypeStruct((NT, H), jnp.bfloat16),
                   jax.ShapeDtypeStruct((NT, H), jnp.bfloat16),
                   jax.ShapeDtypeStruct((NT, H), F32)],
    )
    xt, xtb, xcb, pre = tc1(x_target, x_context, W_lin_t, b2(b_lin_t),
                            W_lin_c, b2(b_lin_c), W_self, b2(b_self),
                            b2(b_s2d), b2(b_d2s), b2(b_ct_l), W_ct_r)

    xtb2 = xtb.reshape(2 * NT, 64)
    xcb2 = xcb.reshape(2 * NT, 64)
    m1, m2, m3 = _sc_scatter_call(NT, NTP, RPT, EPAD, xtb2, xcb2, gidxs, sidxs,
                                  zeros_hb)

    cnt_spec = pl.BlockSpec((BM, 32), lambda i: (i, 0))
    tc2 = pl.pallas_call(
        _tc2_body,
        grid=grid,
        in_specs=[row_spec] * 5 + [cnt_spec] * 2
        + [w_spec, w_spec, w_spec, w_spec, b_spec],
        out_specs=row_spec,
        out_shape=jax.ShapeDtypeStruct((NT, H), F32),
    )
    return tc2(pre, xt, m1, m2, m3, cnt_a, cnt_b,
               W_s2d, W_d2s, W_ct_l, W_out, b2(b_out))

# --- scband reference (transcript-rebuilt; emitter-appended) ---
"""Pipeline reference for scband-hetero-forecast-sage-conv-85822036509302 (READ-ONLY COPY).

The authoritative reference and input builder live on the scoring server;
editing this copy changes nothing except your own understanding.
"""

import jax, jax.numpy as jnp
import numpy as np

NT = 50000
NC = 50000
D = 128
H = 128
ETT = 600000
ECT = 600000


def setup_inputs(seed: int = 0) -> dict:
    key = jax.random.key(seed)
    ks = jax.random.split(key, 24)
    s = 0.05
    inp = {}
    inp['x_target'] = jax.random.normal(ks[0], (NT, D), dtype=jnp.float32)
    inp['x_context'] = jax.random.normal(ks[1], (NC, D), dtype=jnp.float32)
    inp['edge_index_tt'] = jax.random.randint(ks[2], (2, ETT), 0, NT, dtype=jnp.int32)
    inp['edge_index_ct'] = jax.random.randint(ks[3], (2, ECT), 0, NC, dtype=jnp.int32)
    # HeteroDictLinear per-type pretransform params
    inp['W_lin_t'] = jax.random.normal(ks[4], (D, H), dtype=jnp.float32) * s
    inp['b_lin_t'] = jnp.zeros((H,), dtype=jnp.float32)
    inp['W_lin_c'] = jax.random.normal(ks[5], (D, H), dtype=jnp.float32) * s
    inp['b_lin_c'] = jnp.zeros((H,), dtype=jnp.float32)
    # DirSageConv (target->target): lin_self, conv_src_to_dst.lin_l, conv_dst_to_src.lin_l
    inp['W_self'] = jax.random.normal(ks[6], (H, H), dtype=jnp.float32) * s
    inp['b_self'] = jnp.zeros((H,), dtype=jnp.float32)
    inp['W_s2d'] = jax.random.normal(ks[7], (H, H), dtype=jnp.float32) * s
    inp['b_s2d'] = jnp.zeros((H,), dtype=jnp.float32)
    inp['W_d2s'] = jax.random.normal(ks[8], (H, H), dtype=jnp.float32) * s
    inp['b_d2s'] = jnp.zeros((H,), dtype=jnp.float32)
    # SAGEConv (context->target): lin_l (with bias), lin_r (no bias)
    inp['W_ct_l'] = jax.random.normal(ks[9], (H, H), dtype=jnp.float32) * s
    inp['b_ct_l'] = jnp.zeros((H,), dtype=jnp.float32)
    inp['W_ct_r'] = jax.random.normal(ks[10], (H, H), dtype=jnp.float32) * s
    # final Linear on target nodes
    inp['W_out'] = jax.random.normal(ks[11], (H, H), dtype=jnp.float32) * s
    inp['b_out'] = jnp.zeros((H,), dtype=jnp.float32)
    return inp


def _seg_mean(vals, idx, n):
    s = jax.ops.segment_sum(vals, idx, num_segments=n)
    c = jax.ops.segment_sum(jnp.ones((idx.shape[0],), dtype=vals.dtype), idx, num_segments=n)
    return s / jnp.clip(c, 1.0)[:, None]


def reference(x_target, x_context, edge_index_tt, edge_index_ct,
              W_lin_t, b_lin_t, W_lin_c, b_lin_c,
              W_self, b_self, W_s2d, b_s2d, W_d2s, b_d2s,
              W_ct_l, b_ct_l, W_ct_r, W_out, b_out):
    # HeteroDictLinear pretransform + relu
    x_t = jax.nn.relu(x_target @ W_lin_t + b_lin_t)
    x_c = jax.nn.relu(x_context @ W_lin_c + b_lin_c)
    res_t = x_t
    nt = x_t.shape[0]
    # --- DirSageConv on (target,to,target) ---
    src_tt = edge_index_tt[0]
    dst_tt = edge_index_tt[1]
    self_part = x_t @ W_self + b_self
    # SAGEConv flow source_to_target, root_weight=False: mean of x[src] at dst, then lin_l
    aggr_s2d = _seg_mean(jnp.take(x_t, src_tt, axis=0), dst_tt, nt)
    s2d = aggr_s2d @ W_s2d + b_s2d
    # SAGEConv flow target_to_source, root_weight=False: mean of x[dst] at src, then lin_l
    aggr_d2s = _seg_mean(jnp.take(x_t, dst_tt, axis=0), src_tt, nt)
    d2s = aggr_d2s @ W_d2s + b_d2s
    alpha = 0.5
    out_tt = self_part + (1.0 - alpha) * s2d + alpha * d2s
    # --- SAGEConv on (context,to,target) ---
    src_ct = edge_index_ct[0]
    dst_ct = edge_index_ct[1]
    aggr_ct = _seg_mean(jnp.take(x_c, src_ct, axis=0), dst_ct, nt)
    out_ct = aggr_ct @ W_ct_l + b_ct_l + x_t @ W_ct_r
    # --- HeteroConv aggr='mean' over edge-type outputs landing on 'target' ---
    x_t_new = (out_tt + out_ct) / 2.0
    # skip connection + relu
    x_t_new = jax.nn.relu(x_t_new + res_t)
    # final linear on target node type
    out = x_t_new @ W_out + b_out
    return out

if __name__ == "__main__":
    import jax
    _d = setup_inputs()
    print(jax.jit(kernel)(*tuple(_d.values())))

</pallas_src>

<mosaic_0001>
#map = affine_map<(d0, d1) -> (0, 0)>
#map1 = affine_map<(d0, d1) -> (0)>
module attributes {stable_mosaic.version = 14 : i64} {
  func.func @body(%arg0: i32, %arg1: i32, %arg2: memref<100000x64xbf16, #tpu.memory_space<hbm>>, %arg3: memref<100000x64xbf16, #tpu.memory_space<hbm>>, %arg4: memref<602112xi32, #tpu.memory_space<hbm>>, %arg5: memref<602112xi32, #tpu.memory_space<hbm>>, %arg6: memref<602112xi32, #tpu.memory_space<hbm>>, %arg7: memref<602112xi32, #tpu.memory_space<hbm>>, %arg8: memref<602112xi32, #tpu.memory_space<hbm>>, %arg9: memref<602112xi32, #tpu.memory_space<hbm>>, %arg10: memref<4704x128xi32, #tpu.memory_space<hbm>>, %arg11: memref<4704x128xi32, #tpu.memory_space<hbm>>, %arg12: memref<4704x128xi32, #tpu.memory_space<hbm>>, %arg13: memref<800x64xbf16, #tpu.memory_space<hbm>>, %arg14: memref<51200x128xbf16, #tpu.memory_space<hbm>>, %arg15: memref<51200x128xbf16, #tpu.memory_space<hbm>>, %arg16: memref<51200x128xbf16, #tpu.memory_space<hbm>>, %arg17: memref<51200x64xbf16, #tpu.memory_space<vmem_shared>>, %arg18: memref<384xi32, #tpu.memory_space<vmem>>, %arg19: memref<384xi32, #tpu.memory_space<vmem>>, %arg20: memref<3x128xi32, #tpu.memory_space<vmem>>, %arg21: memref<3x128xi32, #tpu.memory_space<vmem>>, %arg22: memref<384x64xbf16, #tpu.memory_space<vmem>>, %arg23: memref<384x64xbf16, #tpu.memory_space<vmem>>, %arg24: memref<!tpu.dma_semaphore, #tpu.memory_space<semaphore_mem>>, %arg25: memref<!tpu.dma_semaphore, #tpu.memory_space<semaphore_mem>>, %arg26: memref<!tpu.dma_semaphore, #tpu.memory_space<semaphore_mem>>, %arg27: memref<!tpu.dma_semaphore, #tpu.memory_space<semaphore_mem>>, %arg28: memref<!tpu.dma_semaphore, #tpu.memory_space<semaphore_mem>>) attributes {dimension_semantics = [#tpu.dimension_semantics<core_parallel>, #tpu.dimension_semantics<subcore_parallel>], iteration_bounds = array<i64: 2, 16>, scalar_prefetch = 0 : i64, scratch_operands = 12 : i64, tpu.core_type = #tpu.core_type<sc_vector_subcore>, window_params = [{transform_indices = #map}, {transform_indices = #map}, {transform_indices = #map1}, {transform_indices = #map1}, {transform_indices = #map1}, {transform_indices = #map1}, {transform_indices = #map1}, {transform_indices = #map1}, {transform_indices = #map}, {transform_indices = #map}, {transform_indices = #map}, {transform_indices = #map}, {transform_indices = #map}, {transform_indices = #map}, {transform_indices = #map}]} {
    %eq3A = arith.constant 0 : i32
    %eq3A_0 = arith.cmpi eq, %arg0, %eq3A : i32
    %convert_element_type3A = arith.extui %eq3A_0 : i1 to i32
    %cond3A = arith.constant 0 : i32
    %cond3A_1 = arith.cmpi ne, %convert_element_type3A, %cond3A : i32
    scf.if %cond3A_1 {
      %mul3A = arith.constant 3200 : i32
      %mul3A_27 = arith.muli %arg1, %mul3A : i32
      %add3A = arith.constant 0 : i32
      %add3A_28 = arith.addi %mul3A_27, %add3A : i32
      %dma_start3A = arith.constant 0 : i32
      %dma_start3A_29 = tpu.memref_slice %arg17[%add3A_28, %dma_start3A] : memref<51200x64xbf16, #tpu.memory_space<vmem_shared>> -> memref<800x64xbf16, #tpu.memory_space<vmem_shared>>
      tpu.enqueue_dma source(%arg13 : memref<800x64xbf16, #tpu.memory_space<hbm>>) target(%dma_start3A_29 : memref<800x64xbf16, #tpu.memory_space<vmem_shared>>) target_semaphore(%arg28 : memref<!tpu.dma_semaphore, #tpu.memory_space<semaphore_mem>>)
      %mul3A_30 = arith.constant 3200 : i32
      %mul3A_31 = arith.muli %arg1, %mul3A_30 : i32
      %add3A_32 = arith.constant 800 : i32
      %add3A_33 = arith.addi %mul3A_31, %add3A_32 : i32
      %dma_start3A_34 = arith.constant 0 : i32
      %dma_start3A_35 = tpu.memref_slice %arg17[%add3A_33, %dma_start3A_34] : memref<51200x64xbf16, #tpu.memory_space<vmem_shared>> -> memref<800x64xbf16, #tpu.memory_space<vmem_shared>>
      tpu.enqueue_dma source(%arg13 : memref<800x64xbf16, #tpu.memory_space<hbm>>) target(%dma_start3A_35 : memref<800x64xbf16, #tpu.memory_space<vmem_shared>>) target_semaphore(%arg28 : memref<!tpu.dma_semaphore, #tpu.memory_space<semaphore_mem>>)
      %mul3A_36 = arith.constant 3200 : i32
      %mul3A_37 = arith.muli %arg1, %mul3A_36 : i32
      %add3A_38 = arith.constant 1600 : i32
      %add3A_39 = arith.addi %mul3A_37, %add3A_38 : i32
      %dma_start3A_40 = arith.constant 0 : i32
      %dma_start3A_41 = tpu.memref_slice %arg17[%add3A_39, %dma_start3A_40] : memref<51200x64xbf16, #tpu.memory_space<vmem_shared>> -> memref<800x64xbf16, #tpu.memory_space<vmem_shared>>
      tpu.enqueue_dma source(%arg13 : memref<800x64xbf16, #tpu.memory_space<hbm>>) target(%dma_start3A_41 : memref<800x64xbf16, #tpu.memory_space<vmem_shared>>) target_semaphore(%arg28 : memref<!tpu.dma_semaphore, #tpu.memory_space<semaphore_mem>>)
      %mul3A_42 = arith.constant 3200 : i32
      %mul3A_43 = arith.muli %arg1, %mul3A_42 : i32
      %add3A_44 = arith.constant 2400 : i32
      %add3A_45 = arith.addi %mul3A_43, %add3A_44 : i32
      %dma_start3A_46 = arith.constant 0 : i32
      %dma_start3A_47 = tpu.memref_slice %arg17[%add3A_45, %dma_start3A_46] : memref<51200x64xbf16, #tpu.memory_space<vmem_shared>> -> memref<800x64xbf16, #tpu.memory_space<vmem_shared>>
      tpu.enqueue_dma source(%arg13 : memref<800x64xbf16, #tpu.memory_space<hbm>>) target(%dma_start3A_47 : memref<800x64xbf16, #tpu.memory_space<vmem_shared>>) target_semaphore(%arg28 : memref<!tpu.dma_semaphore, #tpu.memory_space<semaphore_mem>>)
      %mul3A_48 = arith.constant 3200 : i32
      %mul3A_49 = arith.muli %arg1, %mul3A_48 : i32
      %add3A_50 = arith.constant 0 : i32
      %add3A_51 = arith.addi %mul3A_49, %add3A_50 : i32
      %dma_wait3A = arith.constant 0 : i32
      %dma_wait3A_52 = tpu.memref_slice %arg17[%add3A_51, %dma_wait3A] : memref<51200x64xbf16, #tpu.memory_space<vmem_shared>> -> memref<800x64xbf16, #tpu.memory_space<vmem_shared>>
      tpu.wait_dma2 semaphore(%arg28 : memref<!tpu.dma_semaphore, #tpu.memory_space<semaphore_mem>>) src(%arg13 : memref<800x64xbf16, #tpu.memory_space<hbm>>) dst(%dma_wait3A_52 : memref<800x64xbf16, #tpu.memory_space<vmem_shared>>)
      %mul3A_53 = arith.constant 3200 : i32
      %mul3A_54 = arith.muli %arg1, %mul3A_53 : i32
      %add3A_55 = arith.constant 800 : i32
      %add3A_56 = arith.addi %mul3A_54, %add3A_55 : i32
      %dma_wait3A_57 = arith.constant 0 : i32
      %dma_wait3A_58 = tpu.memref_slice %arg17[%add3A_56, %dma_wait3A_57] : memref<51200x64xbf16, #tpu.memory_space<vmem_shared>> -> memref<800x64xbf16, #tpu.memory_space<vmem_shared>>
      tpu.wait_dma2 semaphore(%arg28 : memref<!tpu.dma_semaphore, #tpu.memory_space<semaphore_mem>>) src(%arg13 : memref<800x64xbf16, #tpu.memory_space<hbm>>) dst(%dma_wait3A_58 : memref<800x64xbf16, #tpu.memory_space<vmem_shared>>)
      %mul3A_59 = arith.constant 3200 : i32
      %mul3A_60 = arith.muli %arg1, %mul3A_59 : i32
      %add3A_61 = arith.constant 1600 : i32
      %add3A_62 = arith.addi %mul3A_60, %add3A_61 : i32
      %dma_wait3A_63 = arith.constant 0 : i32
      %dma_wait3A_64 = tpu.memref_slice %arg17[%add3A_62, %dma_wait3A_63] : memref<51200x64xbf16, #tpu.memory_space<vmem_shared>> -> memref<800x64xbf16, #tpu.memory_space<vmem_shared>>
      tpu.wait_dma2 semaphore(%arg28 : memref<!tpu.dma_semaphore, #tpu.memory_space<semaphore_mem>>) src(%arg13 : memref<800x64xbf16, #tpu.memory_space<hbm>>) dst(%dma_wait3A_64 : memref<800x64xbf16, #tpu.memory_space<vmem_shared>>)
      %mul3A_65 = arith.constant 3200 : i32
      %mul3A_66 = arith.muli %arg1, %mul3A_65 : i32
      %add3A_67 = arith.constant 2400 : i32
      %add3A_68 = arith.addi %mul3A_66, %add3A_67 : i32
      %dma_wait3A_69 = arith.constant 0 : i32
      %dma_wait3A_70 = tpu.memref_slice %arg17[%add3A_68, %dma_wait3A_69] : memref<51200x64xbf16, #tpu.memory_space<vmem_shared>> -> memref<800x64xbf16, #tpu.memory_space<vmem_shared>>
      tpu.wait_dma2 semaphore(%arg28 : memref<!tpu.dma_semaphore, #tpu.memory_space<semaphore_mem>>) src(%arg13 : memref<800x64xbf16, #tpu.memory_space<hbm>>) dst(%dma_wait3A_70 : memref<800x64xbf16, #tpu.memory_space<vmem_shared>>)
      %barrier3A = arith.constant 0 : index
      tpu.barrier barrier_id(%barrier3A)
      %mul3A_71 = arith.constant 294 : i32
      %mul3A_72 = arith.muli %arg1, %mul3A_71 : i32
      %add3A_73 = arith.constant 0 : i32
      %add3A_74 = arith.addi %mul3A_72, %add3A_73 : i32
      "tpu.region"() ({
        %run_scoped3A = tpu.sem_alloc : memref<!tpu.dma_semaphore, #tpu.memory_space<semaphore_mem>>
        %dma_start3A_152 = arith.constant 0 : i32
        %dma_start3A_153 = tpu.memref_slice %arg10[%add3A_74, %dma_start3A_152] : memref<4704x128xi32, #tpu.memory_space<hbm>> -> memref<3x128xi32, #tpu.memory_space<hbm>>
        %dma_start3A_154 = arith.constant 0 : i32
        %dma_start3A_155 = tpu.memref_slice %arg10[%add3A_74, %dma_start3A_154] : memref<4704x128xi32, #tpu.memory_space<hbm>> -> memref<3x128xi32, #tpu.memory_space<hbm>>
        tpu.enqueue_dma source(%dma_start3A_155 : memref<3x128xi32, #tpu.memory_space<hbm>>) target(%arg20 : memref<3x128xi32, #tpu.memory_space<vmem>>) target_semaphore(%run_scoped3A : memref<!tpu.dma_semaphore, #tpu.memory_space<semaphore_mem>>)
        %dma_wait3A_156 = arith.constant 0 : i32
        %dma_wait3A_157 = tpu.memref_slice %arg10[%add3A_74, %dma_wait3A_156] : memref<4704x128xi32, #tpu.memory_space<hbm>> -> memref<3x128xi32, #tpu.memory_space<hbm>>
        %dma_wait3A_158 = arith.constant 0 : i32
        %dma_wait3A_159 = tpu.memref_slice %arg10[%add3A_74, %dma_wait3A_158] : memref<4704x128xi32, #tpu.memory_space<hbm>> -> memref<3x128xi32, #tpu.memory_space<hbm>>
        tpu.wait_dma2 semaphore(%run_scoped3A : memref<!tpu.dma_semaphore, #tpu.memory_space<semaphore_mem>>) src(%dma_wait3A_159 : memref<3x128xi32, #tpu.memory_space<hbm>>) dst(%arg20 : memref<3x128xi32, #tpu.memory_space<vmem>>)
        tpu.yield
      }) : () -> ()
      %mul3A_75 = arith.constant 37632 : i32
      %mul3A_76 = arith.muli %arg1, %mul3A_75 : i32
      %add3A_77 = arith.constant 0 : i32
      %add3A_78 = arith.addi %mul3A_76, %add3A_77 : i32
      "tpu.region"() ({
        %run_scoped3A = tpu.sem_alloc : memref<!tpu.dma_semaphore, #tpu.memory_space<semaphore_mem>>
        %dma_start3A_152 = tpu.memref_slice %arg4[%add3A_78] : memref<602112xi32, #tpu.memory_space<hbm>> -> memref<384xi32, #tpu.memory_space<hbm>>
        %dma_start3A_153 = tpu.memref_slice %arg4[%add3A_78] : memref<602112xi32, #tpu.memory_space<hbm>> -> memref<384xi32, #tpu.memory_space<hbm>>
        tpu.enqueue_dma source(%dma_start3A_153 : memref<384xi32, #tpu.memory_space<hbm>>) target(%arg18 : memref<384xi32, #tpu.memory_space<vmem>>) target_semaphore(%run_scoped3A : memref<!tpu.dma_semaphore, #tpu.memory_space<semaphore_mem>>)
        %dma_wait3A_154 = tpu.memref_slice %arg4[%add3A_78] : memref<602112xi32, #tpu.memory_space<hbm>> -> memref<384xi32, #tpu.memory_space<hbm>>
        %dma_wait3A_155 = tpu.memref_slice %arg4[%add3A_78] : memref<602112xi32, #tpu.memory_space<hbm>> -> memref<384xi32, #tpu.memory_space<hbm>>
        tpu.wait_dma2 semaphore(%run_scoped3A : memref<!tpu.dma_semaphore, #tpu.memory_space<semaphore_mem>>) src(%dma_wait3A_155 : memref<384xi32, #tpu.memory_space<hbm>>) dst(%arg18 : memref<384xi32, #tpu.memory_space<vmem>>)
        tpu.yield
      }) : () -> ()
      %dma_start3A_79 = arith.constant 0 : i32
      %dma_start3A_80 = arith.constant 0 : i32
      %dma_start3A_81 = tpu.memref_slice %arg2[%dma_start3A_79, %dma_start3A_80] : memref<100000x64xbf16, #tpu.memory_space<hbm>> -> memref<100000x64xbf16, #tpu.memory_space<hbm>>
      tpu.enqueue_indirect_dma source(%dma_start3A_81 : memref<100000x64xbf16, #tpu.memory_space<hbm>>) target(%arg22 : memref<384x64xbf16, #tpu.memory_space<vmem>>) offsets(%arg18 : memref<384xi32, #tpu.memory_space<vmem>>) semaphore(%arg24 : memref<!tpu.dma_semaphore, #tpu.memory_space<semaphore_mem>>)
      %scan3A = arith.constant 0 : i32
      %scan3A_82 = arith.constant 0 : i32
      %scan3A_83 = arith.constant 49 : i32
      %scan3A_84 = arith.addi %scan3A_82, %scan3A_83 : i32
      %scan3A_85 = arith.constant 1 : i32
      scf.for %scan3A_152 = %scan3A_82 to %scan3A_84 step %scan3A_85  : i32 {
        %mul3A_153 = arith.constant 2 : i32
        %mul3A_154 = arith.muli %scan3A_152, %mul3A_153 : i32
        %gt3A = arith.constant 0 : i32
        %gt3A_155 = arith.cmpi sgt, %scan3A_152, %gt3A : i32
        %convert_element_type3A_156 = arith.extui %gt3A_155 : i1 to i32
        %cond3A_157 = arith.constant 0 : i32
        %cond3A_158 = arith.cmpi ne, %convert_element_type3A_156, %cond3A_157 : i32
        scf.if %cond3A_158 {
          %dma_wait3A_246 = arith.constant 0 : i32
          %dma_wait3A_247 = arith.constant 0 : i32
          %dma_wait3A_248 = arith.constant 0 : i32
          %dma_wait3A_249 = tpu.memref_slice %arg23[%dma_wait3A_247, %dma_wait3A_248] : memref<384x64xbf16, #tpu.memory_space<vmem>> -> memref<128x64xbf16, #tpu.memory_space<vmem>>
          %dma_wait3A_250 = arith.constant 0 : i32
          %dma_wait3A_251 = tpu.memref_slice %arg21[%dma_wait3A_246, %dma_wait3A_250] : memref<3x128xi32, #tpu.memory_space<vmem>> -> memref<1x128xi32, #tpu.memory_space<vmem>>
          %dma_wait3A_252 = tpu.memref_squeeze %dma_wait3A_251 : memref<1x128xi32, #tpu.memory_space<vmem>> -> memref<128xi32, #tpu.memory_space<vmem>>
          %dma_wait3A_253 = arith.constant 0 : i32
          %dma_wait3A_254 = arith.constant 0 : i32
          %dma_wait3A_255 = tpu.memref_slice %arg17[%dma_wait3A_253, %dma_wait3A_254] : memref<51200x64xbf16, #tpu.memory_space<vmem_shared>> -> memref<51200x64xbf16, #tpu.memory_space<vmem_shared>>
          tpu.wait_indirect_dma semaphore(%arg27 : memref<!tpu.dma_semaphore, #tpu.memory_space<semaphore_mem>>) src(%dma_wait3A_249 : memref<128x64xbf16, #tpu.memory_space<vmem>>) dst(%dma_wait3A_255 : memref<51200x64xbf16, #tpu.memory_space<vmem_shared>>)
          %dma_wait3A_256 = arith.constant 1 : i32
          %dma_wait3A_257 = arith.constant 128 : i32
          %dma_wait3A_258 = arith.constant 0 : i32
          %dma_wait3A_259 = tpu.memref_slice %arg23[%dma_wait3A_257, %dma_wait3A_258] : memref<384x64xbf16, #tpu.memory_space<vmem>> -> memref<128x64xbf16, #tpu.memory_space<vmem>>
          %dma_wait3A_260 = arith.constant 0 : i32
          %dma_wait3A_261 = tpu.memref_slice %arg21[%dma_wait3A_256, %dma_wait3A_260] : memref<3x128xi32, #tpu.memory_space<vmem>> -> memref<1x128xi32, #tpu.memory_space<vmem>>
          %dma_wait3A_262 = tpu.memref_squeeze %dma_wait3A_261 : memref<1x128xi32, #tpu.memory_space<vmem>> -> memref<128xi32, #tpu.memory_space<vmem>>
          %dma_wait3A_263 = arith.constant 0 : i32
          %dma_wait3A_264 = arith.constant 0 : i32
          %dma_wait3A_265 = tpu.memref_slice %arg17[%dma_wait3A_263, %dma_wait3A_264] : memref<51200x64xbf16, #tpu.memory_space<vmem_shared>> -> memref<51200x64xbf16, #tpu.memory_space<vmem_shared>>
          tpu.wait_indirect_dma semaphore(%arg27 : memref<!tpu.dma_semaphore, #tpu.memory_space<semaphore_mem>>) src(%dma_wait3A_259 : memref<128x64xbf16, #tpu.memory_space<vmem>>) dst(%dma_wait3A_265 : memref<51200x64xbf16, #tpu.memory_space<vmem_shared>>)
          %dma_wait3A_266 = arith.constant 2 : i32
          %dma_wait3A_267 = arith.constant 256 : i32
          %dma_wait3A_268 = arith.constant 0 : i32
          %dma_wait3A_269 = tpu.memref_slice %arg23[%dma_wait3A_267, %dma_wait3A_268] : memref<384x64xbf16, #tpu.memory_space<vmem>> -> memref<128x64xbf16, #tpu.memory_space<vmem>>
          %dma_wait3A_270 = arith.constant 0 : i32
          %dma_wait3A_271 = tpu.memref_slice %arg21[%dma_wait3A_266, %dma_wait3A_270] : memref<3x128xi32, #tpu.memory_space<vmem>> -> memref<1x128xi32, #tpu.memory_space<vmem>>
          %dma_wait3A_272 = tpu.memref_squeeze %dma_wait3A_271 : memref<1x128xi32, #tpu.memory_space<vmem>> -> memref<128xi32, #tpu.memory_space<vmem>>
          %dma_wait3A_273 = arith.constant 0 : i32
          %dma_wait3A_274 = arith.constant 0 : i32
          %dma_wait3A_275 = tpu.memref_slice %arg17[%dma_wait3A_273, %dma_wait3A_274] : memref<51200x64xbf16, #tpu.memory_space<vmem_shared>> -> memref<51200x64xbf16, #tpu.memory_space<vmem_shared>>
          tpu.wait_indirect_dma semaphore(%arg27 : memref<!tpu.dma_semaphore, #tpu.memory_space<semaphore_mem>>) src(%dma_wait3A_269 : memref<128x64xbf16, #tpu.memory_space<vmem>>) dst(%dma_wait3A_275 : memref<51200x64xbf16, #tpu.memory_space<vmem_shared>>)
        } else {
        }
        %add3A_159 = arith.constant 1 : i32
        %add3A_160 = arith.addi %mul3A_154, %add3A_159 : i32
        %mul3A_161 = arith.constant 294 : i32
        %mul3A_162 = arith.muli %arg1, %mul3A_161 : i32
        %mul3A_163 = arith.constant 3 : i32
        %mul3A_164 = arith.muli %add3A_160, %mul3A_163 : i32
        %add3A_165 = arith.addi %mul3A_162, %mul3A_164 : i32
        "tpu.region"() ({
          %run_scoped3A = tpu.sem_alloc : memref<!tpu.dma_semaphore, #tpu.memory_space<semaphore_mem>>
          %dma_start3A_246 = arith.constant 0 : i32
          %dma_start3A_247 = tpu.memref_slice %arg10[%add3A_165, %dma_start3A_246] : memref<4704x128xi32, #tpu.memory_space<hbm>> -> memref<3x128xi32, #tpu.memory_space<hbm>>
          %dma_start3A_248 = arith.constant 0 : i32
          %dma_start3A_249 = tpu.memref_slice %arg10[%add3A_165, %dma_start3A_248] : memref<4704x128xi32, #tpu.memory_space<hbm>> -> memref<3x128xi32, #tpu.memory_space<hbm>>
          tpu.enqueue_dma source(%dma_start3A_249 : memref<3x128xi32, #tpu.memory_space<hbm>>) target(%arg21 : memref<3x128xi32, #tpu.memory_space<vmem>>) target_semaphore(%run_scoped3A : memref<!tpu.dma_semaphore, #tpu.memory_space<semaphore_mem>>)
          %dma_wait3A_250 = arith.constant 0 : i32
          %dma_wait3A_251 = tpu.memref_slice %arg10[%add3A_165, %dma_wait3A_250] : memref<4704x128xi32, #tpu.memory_space<hbm>> -> memref<3x128xi32, #tpu.memory_space<hbm>>
          %dma_wait3A_252 = arith.constant 0 : i32
          %dma_wait3A_253 = tpu.memref_slice %arg10[%add3A_165, %dma_wait3A_252] : memref<4704x128xi32, #tpu.memory_space<hbm>> -> memref<3x128xi32, #tpu.memory_space<hbm>>
          tpu.wait_dma2 semaphore(%run_scoped3A : memref<!tpu.dma_semaphore, #tpu.memory_space<semaphore_mem>>) src(%dma_wait3A_253 : memref<3x128xi32, #tpu.memory_space<hbm>>) dst(%arg21 : memref<3x128xi32, #tpu.memory_space<vmem>>)
          tpu.yield
        }) : () -> ()
        %mul3A_166 = arith.constant 37632 : i32
        %mul3A_167 = arith.muli %arg1, %mul3A_166 : i32
        %mul3A_168 = arith.constant 384 : i32
        %mul3A_169 = arith.muli %add3A_160, %mul3A_168 : i32
        %add3A_170 = arith.addi %mul3A_167, %mul3A_169 : i32
        "tpu.region"() ({
          %run_scoped3A = tpu.sem_alloc : memref<!tpu.dma_semaphore, #tpu.memory_space<semaphore_mem>>
          %dma_start3A_246 = tpu.memref_slice %arg4[%add3A_170] : memref<602112xi32, #tpu.memory_space<hbm>> -> memref<384xi32, #tpu.memory_space<hbm>>
          %dma_start3A_247 = tpu.memref_slice %arg4[%add3A_170] : memref<602112xi32, #tpu.memory_space<hbm>> -> memref<384xi32, #tpu.memory_space<hbm>>
          tpu.enqueue_dma source(%dma_start3A_247 : memref<384xi32, #tpu.memory_space<hbm>>) target(%arg19 : memref<384xi32, #tpu.memory_space<vmem>>) target_semaphore(%run_scoped3A : memref<!tpu.dma_semaphore, #tpu.memory_space<semaphore_mem>>)
          %dma_wait3A_248 = tpu.memref_slice %arg4[%add3A_170] : memref<602112xi32, #tpu.memory_space<hbm>> -> memref<384xi32, #tpu.memory_space<hbm>>
          %dma_wait3A_249 = tpu.memref_slice %arg4[%add3A_170] : memref<602112xi32, #tpu.memory_space<hbm>> -> memref<384xi32, #tpu.memory_space<hbm>>
          tpu.wait_dma2 semaphore(%run_scoped3A : memref<!tpu.dma_semaphore, #tpu.memory_space<semaphore_mem>>) src(%dma_wait3A_249 : memref<384xi32, #tpu.memory_space<hbm>>) dst(%arg19 : memref<384xi32, #tpu.memory_space<vmem>>)
          tpu.yield
        }) : () -> ()
        %dma_start3A_171 = arith.constant 0 : i32
        %dma_start3A_172 = arith.constant 0 : i32
        %dma_start3A_173 = tpu.memref_slice %arg2[%dma_start3A_171, %dma_start3A_172] : memref<100000x64xbf16, #tpu.memory_space<hbm>> -> memref<100000x64xbf16, #tpu.memory_space<hbm>>
        tpu.enqueue_indirect_dma source(%dma_start3A_173 : memref<100000x64xbf16, #tpu.memory_space<hbm>>) target(%arg23 : memref<384x64xbf16, #tpu.memory_space<vmem>>) offsets(%arg19 : memref<384xi32, #tpu.memory_space<vmem>>) semaphore(%arg25 : memref<!tpu.dma_semaphore, #tpu.memory_space<semaphore_mem>>)
        %dma_wait3A_174 = arith.constant 0 : i32
        %dma_wait3A_175 = arith.constant 0 : i32
        %dma_wait3A_176 = tpu.memref_slice %arg2[%dma_wait3A_174, %dma_wait3A_175] : memref<100000x64xbf16, #tpu.memory_space<hbm>> -> memref<100000x64xbf16, #tpu.memory_space<hbm>>
        tpu.wait_indirect_dma semaphore(%arg24 : memref<!tpu.dma_semaphore, #tpu.memory_space<semaphore_mem>>) src(%dma_wait3A_176 : memref<100000x64xbf16, #tpu.memory_space<hbm>>) dst(%arg22 : memref<384x64xbf16, #tpu.memory_space<vmem>>)
        %dma_start3A_177 = arith.constant 0 : i32
        %dma_start3A_178 = arith.constant 0 : i32
        %dma_start3A_179 = arith.constant 0 : i32
        %dma_start3A_180 = tpu.memref_slice %arg22[%dma_start3A_178, %dma_start3A_179] : memref<384x64xbf16, #tpu.memory_space<vmem>> -> memref<128x64xbf16, #tpu.memory_space<vmem>>
        %dma_start3A_181 = arith.constant 0 : i32
        %dma_start3A_182 = tpu.memref_slice %arg20[%dma_start3A_177, %dma_start3A_181] : memref<3x128xi32, #tpu.memory_space<vmem>> -> memref<1x128xi32, #tpu.memory_space<vmem>>
        %dma_start3A_183 = tpu.memref_squeeze %dma_start3A_182 : memref<1x128xi32, #tpu.memory_space<vmem>> -> memref<128xi32, #tpu.memory_space<vmem>>
        %dma_start3A_184 = arith.constant 0 : i32
        %dma_start3A_185 = arith.constant 0 : i32
        %dma_start3A_186 = tpu.memref_slice %arg17[%dma_start3A_184, %dma_start3A_185] : memref<51200x64xbf16, #tpu.memory_space<vmem_shared>> -> memref<51200x64xbf16, #tpu.memory_space<vmem_shared>>
        tpu.enqueue_indirect_dma source(%dma_start3A_180 : memref<128x64xbf16, #tpu.memory_space<vmem>>) target(%dma_start3A_186 : memref<51200x64xbf16, #tpu.memory_space<vmem_shared>>) offsets(%dma_start3A_183 : memref<128xi32, #tpu.memory_space<vmem>>) semaphore(%arg26 : memref<!tpu.dma_semaphore, #tpu.memory_space<semaphore_mem>>) {add = true}
        %dma_start3A_187 = arith.constant 1 : i32
        %dma_start3A_188 = arith.constant 128 : i32
        %dma_start3A_189 = arith.constant 0 : i32
        %dma_start3A_190 = tpu.memref_slice %arg22[%dma_start3A_188, %dma_start3A_189] : memref<384x64xbf16, #tpu.memory_space<vmem>> -> memref<128x64xbf16, #tpu.memory_space<vmem>>
        %dma_start3A_191 = arith.constant 0 : i32
        %dma_start3A_192 = tpu.memref_slice %arg20[%dma_start3A_187, %dma_start3A_191] : memref<3x128xi32, #tpu.memory_space<vmem>> -> memref<1x128xi32, #tpu.memory_space<vmem>>
        %dma_start3A_193 = tpu.memref_squeeze %dma_start3A_192 : memref<1x128xi32, #tpu.memory_space<vmem>> -> memref<128xi32, #tpu.memory_space<vmem>>
        %dma_start3A_194 = arith.constant 0 : i32
        %dma_start3A_195 = arith.constant 0 : i32
        %dma_start3A_196 = tpu.memref_slice %arg17[%dma_start3A_194, %dma_start3A_195] : memref<51200x64xbf16, #tpu.memory_space<vmem_shared>> -> memref<51200x64xbf16, #tpu.memory_space<vmem_shared>>
        tpu.enqueue_indirect_dma source(%dma_start3A_190 : memref<128x64xbf16, #tpu.memory_space<vmem>>) target(%dma_start3A_196 : memref<51200x64xbf16, #tpu.memory_space<vmem_shared>>) offsets(%dma_start3A_193 : memref<128xi32, #tpu.memory_space<vmem>>) semaphore(%arg26 : memref<!tpu.dma_semaphore, #tpu.memory_space<semaphore_mem>>) {add = true}
        %dma_start3A_197 = arith.constant 2 : i32
        %dma_start3A_198 = arith.constant 256 : i32
        %dma_start3A_199 = arith.constant 0 : i32
        %dma_start3A_200 = tpu.memref_slice %arg22[%dma_start3A_198, %dma_start3A_199] : memref<384x64xbf16, #tpu.memory_space<vmem>> -> memref<128x64xbf16, #tpu.memory_space<vmem>>
        %dma_start3A_201 = arith.constant 0 : i32
        %dma_start3A_202 = tpu.memref_slice %arg20[%dma_start3A_197, %dma_start3A_201] : memref<3x128xi32, #tpu.memory_space<vmem>> -> memref<1x128xi32, #tpu.memory_space<vmem>>
        %dma_start3A_203 = tpu.memref_squeeze %dma_start3A_202 : memref<1x128xi32, #tpu.memory_space<vmem>> -> memref<128xi32, #tpu.memory_space<vmem>>
        %dma_start3A_204 = arith.constant 0 : i32
        %dma_start3A_205 = arith.constant 0 : i32
        %dma_start3A_206 = tpu.memref_slice %arg17[%dma_start3A_204, %dma_start3A_205] : memref<51200x64xbf16, #tpu.memory_space<vmem_shared>> -> memref<51200x64xbf16, #tpu.memory_space<vmem_shared>>
        tpu.enqueue_indirect_dma source(%dma_start3A_200 : memref<128x64xbf16, #tpu.memory_space<vmem>>) target(%dma_start3A_206 : memref<51200x64xbf16, #tpu.memory_space<vmem_shared>>) offsets(%dma_start3A_203 : memref<128xi32, #tpu.memory_space<vmem>>) semaphore(%arg26 : memref<!tpu.dma_semaphore, #tpu.memory_space<semaphore_mem>>) {add = true}
        %dma_wait3A_207 = arith.constant 0 : i32
        %dma_wait3A_208 = arith.constant 0 : i32
        %dma_wait3A_209 = tpu.memref_slice %arg2[%dma_wait3A_207, %dma_wait3A_208] : memref<100000x64xbf16, #tpu.memory_space<hbm>> -> memref<100000x64xbf16, #tpu.memory_space<hbm>>
        tpu.wait_indirect_dma semaphore(%arg25 : memref<!tpu.dma_semaphore, #tpu.memory_space<semaphore_mem>>) src(%dma_wait3A_209 : memref<100000x64xbf16, #tpu.memory_space<hbm>>) dst(%arg23 : memref<384x64xbf16, #tpu.memory_space<vmem>>)
        %dma_start3A_210 = arith.constant 0 : i32
        %dma_start3A_211 = arith.constant 0 : i32
        %dma_start3A_212 = arith.constant 0 : i32
        %dma_start3A_213 = tpu.memref_slice %arg23[%dma_start3A_211, %dma_start3A_212] : memref<384x64xbf16, #tpu.memory_space<vmem>> -> memref<128x64xbf16, #tpu.memory_space<vmem>>
        %dma_start3A_214 = arith.constant 0 : i32
        %dma_start3A_215 = tpu.memref_slice %arg21[%dma_start3A_210, %dma_start3A_214] : memref<3x128xi32, #tpu.memory_space<vmem>> -> memref<1x128xi32, #tpu.memory_space<vmem>>
        %dma_start3A_216 = tpu.memref_squeeze %dma_start3A_215 : memref<1x128xi32, #tpu.memory_space<vmem>> -> memref<128xi32, #tpu.memory_space<vmem>>
        %dma_start3A_217 = arith.constant 0 : i32
        %dma_start3A_218 = arith.constant 0 : i32
        %dma_start3A_219 = tpu.memref_slice %arg17[%dma_start3A_217, %dma_start3A_218] : memref<51200x64xbf16, #tpu.memory_space<vmem_shared>> -> memref<51200x64xbf16, #tpu.memory_space<vmem_shared>>
        tpu.enqueue_indirect_dma source(%dma_start3A_213 : memref<128x64xbf16, #tpu.memory_space<vmem>>) target(%dma_start3A_219 : memref<51200x64xbf16, #tpu.memory_space<vmem_shared>>) offsets(%dma_start3A_216 : memref<128xi32, #tpu.memory_space<vmem>>) semaphore(%arg27 : memref<!tpu.dma_semaphore, #tpu.memory_space<semaphore_mem>>) {add = true}
        %dma_start3A_220 = arith.constant 1 : i32
        %dma_start3A_221 = arith.constant 128 : i32
        %dma_start3A_222 = arith.constant 0 : i32
        %dma_start3A_223 = tpu.memref_slice %arg23[%dma_start3A_221, %dma_start3A_222] : memref<384x64xbf16, #tpu.memory_space<vmem>> -> memref<128x64xbf16, #tpu.memory_space<vmem>>
        %dma_start3A_224 = arith.constant 0 : i32
        %dma_start3A_225 = tpu.memref_slice %arg21[%dma_start3A_220, %dma_start3A_224] : memref<3x128xi32, #tpu.memory_space<vmem>> -> memref<1x128xi32, #tpu.memory_space<vmem>>
        %dma_start3A_226 = tpu.memref_squeeze %dma_start3A_225 : memref<1x128xi32, #tpu.memory_space<vmem>> -> memref<128xi32, #tpu.memory_space<vmem>>
        %dma_start3A_227 = arith.constant 0 : i32
        %dma_start3A_228 = arith.constant 0 : i32
        %dma_start3A_229 = tpu.memref_slice %arg17[%dma_start3A_227, %dma_start3A_228] : memref<51200x64xbf16, #tpu.memory_space<vmem_shared>> -> memref<51200x64xbf16, #tpu.memory_space<vmem_shared>>
        tpu.enqueue_indirect_dma source(%dma_start3A_223 : memref<128x64xbf16, #tpu.memory_space<vmem>>) target(%dma_start3A_229 : memref<51200x64xbf16, #tpu.memory_space<vmem_shared>>) offsets(%dma_start3A_226 : memref<128xi32, #tpu.memory_space<vmem>>) semaphore(%arg27 : memref<!tpu.dma_semaphore, #tpu.memory_space<semaphore_mem>>) {add = true}
        %dma_start3A_230 = arith.constant 2 : i32
        %dma_start3A_231 = arith.constant 256 : i32
        %dma_start3A_232 = arith.constant 0 : i32
        %dma_start3A_233 = tpu.memref_slice %arg23[%dma_start3A_231, %dma_start3A_232] : memref<384x64xbf16, #tpu.memory_space<vmem>> -> memref<128x64xbf16, #tpu.memory_space<vmem>>
        %dma_start3A_234 = arith.constant 0 : i32
        %dma_start3A_235 = tpu.memref_slice %arg21[%dma_start3A_230, %dma_start3A_234] : memref<3x128xi32, #tpu.memory_space<vmem>> -> memref<1x128xi32, #tpu.memory_space<vmem>>
        %dma_start3A_236 = tpu.memref_squeeze %dma_start3A_235 : memref<1x128xi32, #tpu.memory_space<vmem>> -> memref<128xi32, #tpu.memory_space<vmem>>
        %dma_start3A_237 = arith.constant 0 : i32
        %dma_start3A_238 = arith.constant 0 : i32
        %dma_start3A_239 = tpu.memref_slice %arg17[%dma_start3A_237, %dma_start3A_238] : memref<51200x64xbf16, #tpu.memory_space<vmem_shared>> -> memref<51200x64xbf16, #tpu.memory_space<vmem_shared>>
        tpu.enqueue_indirect_dma source(%dma_start3A_233 : memref<128x64xbf16, #tpu.memory_space<vmem>>) target(%dma_start3A_239 : memref<51200x64xbf16, #tpu.memory_space<vmem_shared>>) offsets(%dma_start3A_236 : memref<128xi32, #tpu.memory_space<vmem>>) semaphore(%arg27 : memref<!tpu.dma_semaphore, #tpu.memory_space<semaphore_mem>>) {add = true}
        %add3A_240 = arith.constant 1 : i32
        %add3A_241 = arith.addi %scan3A_152, %add3A_240 : i32
        %lt3A = arith.constant 49 : i32
        %lt3A_242 = arith.cmpi slt, %add3A_241, %lt3A : i32
        %convert_element_type3A_243 = arith.extui %lt3A_242 : i1 to i32
        %cond3A_244 = arith.constant 0 : i32
        %cond3A_245 = arith.cmpi ne, %convert_element_type3A_243, %cond3A_244 : i32
        scf.if %cond3A_245 {
          %dma_wait3A_246 = arith.constant 0 : i32
          %dma_wait3A_247 = arith.constant 0 : i32
          %dma_wait3A_248 = arith.constant 0 : i32
          %dma_wait3A_249 = tpu.memref_slice %arg22[%dma_wait3A_247, %dma_wait3A_248] : memref<384x64xbf16, #tpu.memory_space<vmem>> -> memref<128x64xbf16, #tpu.memory_space<vmem>>
          %dma_wait3A_250 = arith.constant 0 : i32
          %dma_wait3A_251 = tpu.memref_slice %arg20[%dma_wait3A_246, %dma_wait3A_250] : memref<3x128xi32, #tpu.memory_space<vmem>> -> memref<1x128xi32, #tpu.memory_space<vmem>>
          %dma_wait3A_252 = tpu.memref_squeeze %dma_wait3A_251 : memref<1x128xi32, #tpu.memory_space<vmem>> -> memref<128xi32, #tpu.memory_space<vmem>>
          %dma_wait3A_253 = arith.constant 0 : i32
          %dma_wait3A_254 = arith.constant 0 : i32
          %dma_wait3A_255 = tpu.memref_slice %arg17[%dma_wait3A_253, %dma_wait3A_254] : memref<51200x64xbf16, #tpu.memory_space<vmem_shared>> -> memref<51200x64xbf16, #tpu.memory_space<vmem_shared>>
          tpu.wait_indirect_dma semaphore(%arg26 : memref<!tpu.dma_semaphore, #tpu.memory_space<semaphore_mem>>) src(%dma_wait3A_249 : memref<128x64xbf16, #tpu.memory_space<vmem>>) dst(%dma_wait3A_255 : memref<51200x64xbf16, #tpu.memory_space<vmem_shared>>)
          %dma_wait3A_256 = arith.constant 1 : i32
          %dma_wait3A_257 = arith.constant 128 : i32
          %dma_wait3A_258 = arith.constant 0 : i32
          %dma_wait3A_259 = tpu.memref_slice %arg22[%dma_wait3A_257, %dma_wait3A_258] : memref<384x64xbf16, #tpu.memory_space<vmem>> -> memref<128x64xbf16, #tpu.memory_space<vmem>>
          %dma_wait3A_260 = arith.constant 0 : i32
          %dma_wait3A_261 = tpu.memref_slice %arg20[%dma_wait3A_256, %dma_wait3A_260] : memref<3x128xi32, #tpu.memory_space<vmem>> -> memref<1x128xi32, #tpu.memory_space<vmem>>
          %dma_wait3A_262 = tpu.memref_squeeze %dma_wait3A_261 : memref<1x128xi32, #tpu.memory_space<vmem>> -> memref<128xi32, #tpu.memory_space<vmem>>
          %dma_wait3A_263 = arith.constant 0 : i32
          %dma_wait3A_264 = arith.constant 0 : i32
          %dma_wait3A_265 = tpu.memref_slice %arg17[%dma_wait3A_263, %dma_wait3A_264] : memref<51200x64xbf16, #tpu.memory_space<vmem_shared>> -> memref<51200x64xbf16, #tpu.memory_space<vmem_shared>>
          tpu.wait_indirect_dma semaphore(%arg26 : memref<!tpu.dma_semaphore, #tpu.memory_space<semaphore_mem>>) src(%dma_wait3A_259 : memref<128x64xbf16, #tpu.memory_space<vmem>>) dst(%dma_wait3A_265 : memref<51200x64xbf16, #tpu.memory_space<vmem_shared>>)
          %dma_wait3A_266 = arith.constant 2 : i32
          %dma_wait3A_267 = arith.constant 256 : i32
          %dma_wait3A_268 = arith.constant 0 : i32
          %dma_wait3A_269 = tpu.memref_slice %arg22[%dma_wait3A_267, %dma_wait3A_268] : memref<384x64xbf16, #tpu.memory_space<vmem>> -> memref<128x64xbf16, #tpu.memory_space<vmem>>
          %dma_wait3A_270 = arith.constant 0 : i32
          %dma_wait3A_271 = tpu.memref_slice %arg20[%dma_wait3A_266, %dma_wait3A_270] : memref<3x128xi32, #tpu.memory_space<vmem>> -> memref<1x128xi32, #tpu.memory_space<vmem>>
          %dma_wait3A_272 = tpu.memref_squeeze %dma_wait3A_271 : memref<1x128xi32, #tpu.memory_space<vmem>> -> memref<128xi32, #tpu.memory_space<vmem>>
          %dma_wait3A_273 = arith.constant 0 : i32
          %dma_wait3A_274 = arith.constant 0 : i32
          %dma_wait3A_275 = tpu.memref_slice %arg17[%dma_wait3A_273, %dma_wait3A_274] : memref<51200x64xbf16, #tpu.memory_space<vmem_shared>> -> memref<51200x64xbf16, #tpu.memory_space<vmem_shared>>
          tpu.wait_indirect_dma semaphore(%arg26 : memref<!tpu.dma_semaphore, #tpu.memory_space<semaphore_mem>>) src(%dma_wait3A_269 : memref<128x64xbf16, #tpu.memory_space<vmem>>) dst(%dma_wait3A_275 : memref<51200x64xbf16, #tpu.memory_space<vmem_shared>>)
          %add3A_276 = arith.constant 2 : i32
          %add3A_277 = arith.addi %mul3A_154, %add3A_276 : i32
          %mul3A_278 = arith.constant 294 : i32
          %mul3A_279 = arith.muli %arg1, %mul3A_278 : i32
          %mul3A_280 = arith.constant 3 : i32
          %mul3A_281 = arith.muli %add3A_277, %mul3A_280 : i32
          %add3A_282 = arith.addi %mul3A_279, %mul3A_281 : i32
          "tpu.region"() ({
            %run_scoped3A = tpu.sem_alloc : memref<!tpu.dma_semaphore, #tpu.memory_space<semaphore_mem>>
            %dma_start3A_291 = arith.constant 0 : i32
            %dma_start3A_292 = tpu.memref_slice %arg10[%add3A_282, %dma_start3A_291] : memref<4704x128xi32, #tpu.memory_space<hbm>> -> memref<3x128xi32, #tpu.memory_space<hbm>>
            %dma_start3A_293 = arith.constant 0 : i32
            %dma_start3A_294 = tpu.memref_slice %arg10[%add3A_282, %dma_start3A_293] : memref<4704x128xi32, #tpu.memory_space<hbm>> -> memref<3x128xi32, #tpu.memory_space<hbm>>
            tpu.enqueue_dma source(%dma_start3A_294 : memref<3x128xi32, #tpu.memory_space<hbm>>) target(%arg20 : memref<3x128xi32, #tpu.memory_space<vmem>>) target_semaphore(%run_scoped3A : memref<!tpu.dma_semaphore, #tpu.memory_space<semaphore_mem>>)
            %dma_wait3A_295 = arith.constant 0 : i32
            %dma_wait3A_296 = tpu.memref_slice %arg10[%add3A_282, %dma_wait3A_295] : memref<4704x128xi32, #tpu.memory_space<hbm>> -> memref<3x128xi32, #tpu.memory_space<hbm>>
            %dma_wait3A_297 = arith.constant 0 : i32
            %dma_wait3A_298 = tpu.memref_slice %arg10[%add3A_282, %dma_wait3A_297] : memref<4704x128xi32, #tpu.memory_space<hbm>> -> memref<3x128xi32, #tpu.memory_space<hbm>>
            tpu.wait_dma2 semaphore(%run_scoped3A : memref<!tpu.dma_semaphore, #tpu.memory_space<semaphore_mem>>) src(%dma_wait3A_298 : memref<3x128xi32, #tpu.memory_space<hbm>>) dst(%arg20 : memref<3x128xi32, #tpu.memory_space<vmem>>)
            tpu.yield
          }) : () -> ()
          %mul3A_283 = arith.constant 37632 : i32
          %mul3A_284 = arith.muli %arg1, %mul3A_283 : i32
          %mul3A_285 = arith.constant 384 : i32
          %mul3A_286 = arith.muli %add3A_277, %mul3A_285 : i32
          %add3A_287 = arith.addi %mul3A_284, %mul3A_286 : i32
          "tpu.region"() ({
            %run_scoped3A = tpu.sem_alloc : memref<!tpu.dma_semaphore, #tpu.memory_space<semaphore_mem>>
            %dma_start3A_291 = tpu.memref_slice %arg4[%add3A_287] : memref<602112xi32, #tpu.memory_space<hbm>> -> memref<384xi32, #tpu.memory_space<hbm>>
            %dma_start3A_292 = tpu.memref_slice %arg4[%add3A_287] : memref<602112xi32, #tpu.memory_space<hbm>> -> memref<384xi32, #tpu.memory_space<hbm>>
            tpu.enqueue_dma source(%dma_start3A_292 : memref<384xi32, #tpu.memory_space<hbm>>) target(%arg18 : memref<384xi32, #tpu.memory_space<vmem>>) target_semaphore(%run_scoped3A : memref<!tpu.dma_semaphore, #tpu.memory_space<semaphore_mem>>)
            %dma_wait3A_293 = tpu.memref_slice %arg4[%add3A_287] : memref<602112xi32, #tpu.memory_space<hbm>> -> memref<384xi32, #tpu.memory_space<hbm>>
            %dma_wait3A_294 = tpu.memref_slice %arg4[%add3A_287] : memref<602112xi32, #tpu.memory_space<hbm>> -> memref<384xi32, #tpu.memory_space<hbm>>
            tpu.wait_dma2 semaphore(%run_scoped3A : memref<!tpu.dma_semaphore, #tpu.memory_space<semaphore_mem>>) src(%dma_wait3A_294 : memref<384xi32, #tpu.memory_space<hbm>>) dst(%arg18 : memref<384xi32, #tpu.memory_space<vmem>>)
            tpu.yield
          }) : () -> ()
          %dma_start3A_288 = arith.constant 0 : i32
          %dma_start3A_289 = arith.constant 0 : i32
          %dma_start3A_290 = tpu.memref_slice %arg2[%dma_start3A_288, %dma_start3A_289] : memref<100000x64xbf16, #tpu.memory_space<hbm>> -> memref<100000x64xbf16, #tpu.memory_space<hbm>>
          tpu.enqueue_indirect_dma source(%dma_start3A_290 : memref<100000x64xbf16, #tpu.memory_space<hbm>>) target(%arg22 : memref<384x64xbf16, #tpu.memory_space<vmem>>) offsets(%arg18 : memref<384xi32, #tpu.memory_space<vmem>>) semaphore(%arg24 : memref<!tpu.dma_semaphore, #tpu.memory_space<semaphore_mem>>)
        } else {
        }
      }
      %scan3A_86 = arith.constant 49 : i32
      %dma_wait3A_87 = arith.constant 0 : i32
      %dma_wait3A_88 = arith.constant 0 : i32
      %dma_wait3A_89 = arith.constant 0 : i32
      %dma_wait3A_90 = tpu.memref_slice %arg22[%dma_wait3A_88, %dma_wait3A_89] : memref<384x64xbf16, #tpu.memory_space<vmem>> -> memref<128x64xbf16, #tpu.memory_space<vmem>>
      %dma_wait3A_91 = arith.constant 0 : i32
      %dma_wait3A_92 = tpu.memref_slice %arg20[%dma_wait3A_87, %dma_wait3A_91] : memref<3x128xi32, #tpu.memory_space<vmem>> -> memref<1x128xi32, #tpu.memory_space<vmem>>
      %dma_wait3A_93 = tpu.memref_squeeze %dma_wait3A_92 : memref<1x128xi32, #tpu.memory_space<vmem>> -> memref<128xi32, #tpu.memory_space<vmem>>
      %dma_wait3A_94 = arith.constant 0 : i32
      %dma_wait3A_95 = arith.constant 0 : i32
      %dma_wait3A_96 = tpu.memref_slice %arg17[%dma_wait3A_94, %dma_wait3A_95] : memref<51200x64xbf16, #tpu.memory_space<vmem_shared>> -> memref<51200x64xbf16, #tpu.memory_space<vmem_shared>>
      tpu.wait_indirect_dma semaphore(%arg26 : memref<!tpu.dma_semaphore, #tpu.memory_space<semaphore_mem>>) src(%dma_wait3A_90 : memref<128x64xbf16, #tpu.memory_space<vmem>>) dst(%dma_wait3A_96 : memref<51200x64xbf16, #tpu.memory_space<vmem_shared>>)
      %dma_wait3A_97 = arith.constant 1 : i32
      %dma_wait3A_98 = arith.constant 128 : i32
      %dma_wait3A_99 = arith.constant 0 : i32
      %dma_wait3A_100 = tpu.memref_slice %arg22[%dma_wait3A_98, %dma_wait3A_99] : memref<384x64xbf16, #tpu.memory_space<vmem>> -> memref<128x64xbf16, #tpu.memory_space<vmem>>
      %dma_wait3A_101 = arith.constant 0 : i32
      %dma_wait3A_102 = tpu.memref_slice %arg20[%dma_wait3A_97, %dma_wait3A_101] : memref<3x128xi32, #tpu.memory_space<vmem>> -> memref<1x128xi32, #tpu.memory_space<vmem>>
      %dma_wait3A_103 = tpu.memref_squeeze %dma_wait3A_102 : memref<1x128xi32, #tpu.memory_space<vmem>> -> memref<128xi32, #tpu.memory_space<vmem>>
      %dma_wait3A_104 = arith.constant 0 : i32
      %dma_wait3A_105 = arith.constant 0 : i32
      %dma_wait3A_106 = tpu.memref_slice %arg17[%dma_wait3A_104, %dma_wait3A_105] : memref<51200x64xbf16, #tpu.memory_space<vmem_shared>> -> memref<51200x64xbf16, #tpu.memory_space<vmem_shared>>
      tpu.wait_indirect_dma semaphore(%arg26 : memref<!tpu.dma_semaphore, #tpu.memory_space<semaphore_mem>>) src(%dma_wait3A_100 : memref<128x64xbf16, #tpu.memory_space<vmem>>) dst(%dma_wait3A_106 : memref<51200x64xbf16, #tpu.memory_space<vmem_shared>>)
      %dma_wait3A_107 = arith.constant 2 : i32
      %dma_wait3A_108 = arith.constant 256 : i32
      %dma_wait3A_109 = arith.constant 0 : i32
      %dma_wait3A_110 = tpu.memref_slice %arg22[%dma_wait3A_108, %dma_wait3A_109] : memref<384x64xbf16, #tpu.memory_space<vmem>> -> memref<128x64xbf16, #tpu.memory_space<vmem>>
      %dma_wait3A_111 = arith.constant 0 : i32
      %dma_wait3A_112 = tpu.memref_slice %arg20[%dma_wait3A_107, %dma_wait3A_111] : memref<3x128xi32, #tpu.memory_space<vmem>> -> memref<1x128xi32, #tpu.memory_space<vmem>>
      %dma_wait3A_113 = tpu.memref_squeeze %dma_wait3A_112 : memref<1x128xi32, #tpu.memory_space<vmem>> -> memref<128xi32, #tpu.memory_space<vmem>>
      %dma_wait3A_114 = arith.constant 0 : i32
      %dma_wait3A_115 = arith.constant 0 : i32
      %dma_wait3A_116 = tpu.memref_slice %arg17[%dma_wait3A_114, %dma_wait3A_115] : memref<51200x64xbf16, #tpu.memory_space<vmem_shared>> -> memref<51200x64xbf16, #tpu.memory_space<vmem_shared>>
      tpu.wait_indirect_dma semaphore(%arg26 : memref<!tpu.dma_semaphore, #tpu.memory_space<semaphore_mem>>) src(%dma_wait3A_110 : memref<128x64xbf16, #tpu.memory_space<vmem>>) dst(%dma_wait3A_116 : memref<51200x64xbf16, #tpu.memory_space<vmem_shared>>)
      %dma_wait3A_117 = arith.constant 0 : i32
      %dma_wait3A_118 = arith.constant 0 : i32
      %dma_wait3A_119 = arith.constant 0 : i32
      %dma_wait3A_120 = tpu.memref_slice %arg23[%dma_wait3A_118, %dma_wait3A_119] : memref<384x64xbf16, #tpu.memory_space<vmem>> -> memref<128x64xbf16, #tpu.memory_space<vmem>>
      %dma_wait3A_121 = arith.constant 0 : i32
      %dma_wait3A_122 = tpu.memref_slice %arg21[%dma_wait3A_117, %dma_wait3A_121] : memref<3x128xi32, #tpu.memory_space<vmem>> -> memref<1x128xi32, #tpu.memory_space<vmem>>
      %dma_wait3A_123 = tpu.memref_squeeze %dma_wait3A_122 : memref<1x128xi32, #tpu.memory_space<vmem>> -> memref<128xi32, #tpu.memory_space<vmem>>
      %dma_wait3A_124 = arith.constant 0 : i32
      %dma_wait3A_125 = arith.constant 0 : i32
      %dma_wait3A_126 = tpu.memref_slice %arg17[%dma_wait3A_124, %dma_wait3A_125] : memref<51200x64xbf16, #tpu.memory_space<vmem_shared>> -> memref<51200x64xbf16, #tpu.memory_space<vmem_shared>>
      tpu.wait_indirect_dma semaphore(%arg27 : memref<!tpu.dma_semaphore, #tpu.memory_space<semaphore_mem>>) src(%dma_wait3A_120 : memref<128x64xbf16, #tpu.memory_space<vmem>>) dst(%dma_wait3A_126 : memref<51200x64xbf16, #tpu.memory_space<vmem_shared>>)
      %dma_wait3A_127 = arith.constant 1 : i32
      %dma_wait3A_128 = arith.constant 128 : i32
      %dma_wait3A_129 = arith.constant 0 : i32
      %dma_wait3A_130 = tpu.memref_slice %arg23[%dma_wait3A_128, %dma_wait3A_129] : memref<384x64xbf16, #tpu.memory_space<vmem>> -> memref<128x64xbf16, #tpu.memory_space<vmem>>
      %dma_wait3A_131 = arith.constant 0 : i32
      %dma_wait3A_132 = tpu.memref_slice %arg21[%dma_wait3A_127, %dma_wait3A_131] : memref<3x128xi32, #tpu.memory_space<vmem>> -> memref<1x128xi32, #tpu.memory_space<vmem>>
      %dma_wait3A_133 = tpu.memref_squeeze %dma_wait3A_132 : memref<1x128xi32, #tpu.memory_space<vmem>> -> memref<128xi32, #tpu.memory_space<vmem>>
      %dma_wait3A_134 = arith.constant 0 : i32
      %dma_wait3A_135 = arith.constant 0 : i32
      %dma_wait3A_136 = tpu.memref_slice %arg17[%dma_wait3A_134, %dma_wait3A_135] : memref<51200x64xbf16, #tpu.memory_space<vmem_shared>> -> memref<51200x64xbf16, #tpu.memory_space<vmem_shared>>
      tpu.wait_indirect_dma semaphore(%arg27 : memref<!tpu.dma_semaphore, #tpu.memory_space<semaphore_mem>>) src(%dma_wait3A_130 : memref<128x64xbf16, #tpu.memory_space<vmem>>) dst(%dma_wait3A_136 : memref<51200x64xbf16, #tpu.memory_space<vmem_shared>>)
      %dma_wait3A_137 = arith.constant 2 : i32
      %dma_wait3A_138 = arith.constant 256 : i32
      %dma_wait3A_139 = arith.constant 0 : i32
      %dma_wait3A_140 = tpu.memref_slice %arg23[%dma_wait3A_138, %dma_wait3A_139] : memref<384x64xbf16, #tpu.memory_space<vmem>> -> memref<128x64xbf16, #tpu.memory_space<vmem>>
      %dma_wait3A_141 = arith.constant 0 : i32
      %dma_wait3A_142 = tpu.memref_slice %arg21[%dma_wait3A_137, %dma_wait3A_141] : memref<3x128xi32, #tpu.memory_space<vmem>> -> memref<1x128xi32, #tpu.memory_space<vmem>>
      %dma_wait3A_143 = tpu.memref_squeeze %dma_wait3A_142 : memref<1x128xi32, #tpu.memory_space<vmem>> -> memref<128xi32, #tpu.memory_space<vmem>>
      %dma_wait3A_144 = arith.constant 0 : i32
      %dma_wait3A_145 = arith.constant 0 : i32
      %dma_wait3A_146 = tpu.memref_slice %arg17[%dma_wait3A_144, %dma_wait3A_145] : memref<51200x64xbf16, #tpu.memory_space<vmem_shared>> -> memref<51200x64xbf16, #tpu.memory_space<vmem_shared>>
      tpu.wait_indirect_dma semaphore(%arg27 : memref<!tpu.dma_semaphore, #tpu.memory_space<semaphore_mem>>) src(%dma_wait3A_140 : memref<128x64xbf16, #tpu.memory_space<vmem>>) dst(%dma_wait3A_146 : memref<51200x64xbf16, #tpu.memory_space<vmem_shared>>)
      %barrier3A_147 = arith.constant 0 : index
      tpu.barrier barrier_id(%barrier3A_147)
      %mul3A_148 = arith.constant 3200 : i32
      %mul3A_149 = arith.muli %arg1, %mul3A_148 : i32
      %mul3A_150 = arith.constant 3200 : i32
      %mul3A_151 = arith.muli %arg1, %mul3A_150 : i32
      "tpu.region"() ({
        %run_scoped3A = tpu.sem_alloc : memref<!tpu.dma_semaphore, #tpu.memory_space<semaphore_mem>>
        %dma_start3A_152 = arith.constant 0 : i32
        %dma_start3A_153 = tpu.memref_slice %arg14[%mul3A_151, %dma_start3A_152] : memref<51200x128xbf16, #tpu.memory_space<hbm>> -> memref<3200x64xbf16, #tpu.memory_space<hbm>>
        %dma_start3A_154 = arith.constant 0 : i32
        %dma_start3A_155 = tpu.memref_slice %arg17[%mul3A_149, %dma_start3A_154] : memref<51200x64xbf16, #tpu.memory_space<vmem_shared>> -> memref<3200x64xbf16, #tpu.memory_space<vmem_shared>>
        tpu.enqueue_dma source(%dma_start3A_155 : memref<3200x64xbf16, #tpu.memory_space<vmem_shared>>) target(%dma_start3A_153 : memref<3200x64xbf16, #tpu.memory_space<hbm>>) target_semaphore(%run_scoped3A : memref<!tpu.dma_semaphore, #tpu.memory_space<semaphore_mem>>)
        %dma_wait3A_156 = arith.constant 0 : i32
        %dma_wait3A_157 = tpu.memref_slice %arg14[%mul3A_151, %dma_wait3A_156] : memref<51200x128xbf16, #tpu.memory_space<hbm>> -> memref<3200x64xbf16, #tpu.memory_space<hbm>>
        %dma_wait3A_158 = arith.constant 0 : i32
        %dma_wait3A_159 = tpu.memref_slice %arg17[%mul3A_149, %dma_wait3A_158] : memref<51200x64xbf16, #tpu.memory_space<vmem_shared>> -> memref<3200x64xbf16, #tpu.memory_space<vmem_shared>>
        tpu.wait_dma2 semaphore(%run_scoped3A : memref<!tpu.dma_semaphore, #tpu.memory_space<semaphore_mem>>) src(%dma_wait3A_159 : memref<3200x64xbf16, #tpu.memory_space<vmem_shared>>) dst(%dma_wait3A_157 : memref<3200x64xbf16, #tpu.memory_space<hbm>>)
        tpu.yield
      }) : () -> ()
    } else {
    }
    %eq3A_2 = arith.constant 1 : i32
    %eq3A_3 = arith.cmpi eq, %arg0, %eq3A_2 : i32
    %convert_element_type3A_4 = arith.extui %eq3A_3 : i1 to i32
    %cond3A_5 = arith.constant 0 : i32
    %cond3A_6 = arith.cmpi ne, %convert_element_type3A_4, %cond3A_5 : i32
    scf.if %cond3A_6 {
      %mul3A = arith.constant 3200 : i32
      %mul3A_27 = arith.muli %arg1, %mul3A : i32
      %add3A = arith.constant 0 : i32
      %add3A_28 = arith.addi %mul3A_27, %add3A : i32
      %dma_start3A = arith.constant 0 : i32
      %dma_start3A_29 = tpu.memref_slice %arg17[%add3A_28, %dma_start3A] : memref<51200x64xbf16, #tpu.memory_space<vmem_shared>> -> memref<800x64xbf16, #tpu.memory_space<vmem_shared>>
      tpu.enqueue_dma source(%arg13 : memref<800x64xbf16, #tpu.memory_space<hbm>>) target(%dma_start3A_29 : memref<800x64xbf16, #tpu.memory_space<vmem_shared>>) target_semaphore(%arg28 : memref<!tpu.dma_semaphore, #tpu.memory_space<semaphore_mem>>)
      %mul3A_30 = arith.constant 3200 : i32
      %mul3A_31 = arith.muli %arg1, %mul3A_30 : i32
      %add3A_32 = arith.constant 800 : i32
      %add3A_33 = arith.addi %mul3A_31, %add3A_32 : i32
      %dma_start3A_34 = arith.constant 0 : i32
      %dma_start3A_35 = tpu.memref_slice %arg17[%add3A_33, %dma_start3A_34] : memref<51200x64xbf16, #tpu.memory_space<vmem_shared>> -> memref<800x64xbf16, #tpu.memory_space<vmem_shared>>
      tpu.enqueue_dma source(%arg13 : memref<800x64xbf16, #tpu.memory_space<hbm>>) target(%dma_start3A_35 : memref<800x64xbf16, #tpu.memory_space<vmem_shared>>) target_semaphore(%arg28 : memref<!tpu.dma_semaphore, #tpu.memory_space<semaphore_mem>>)
      %mul3A_36 = arith.constant 3200 : i32
      %mul3A_37 = arith.muli %arg1, %mul3A_36 : i32
      %add3A_38 = arith.constant 1600 : i32
      %add3A_39 = arith.addi %mul3A_37, %add3A_38 : i32
      %dma_start3A_40 = arith.constant 0 : i32
      %dma_start3A_41 = tpu.memref_slice %arg17[%add3A_39, %dma_start3A_40] : memref<51200x64xbf16, #tpu.memory_space<vmem_shared>> -> memref<800x64xbf16, #tpu.memory_space<vmem_shared>>
      tpu.enqueue_dma source(%arg13 : memref<800x64xbf16, #tpu.memory_space<hbm>>) target(%dma_start3A_41 : memref<800x64xbf16, #tpu.memory_space<vmem_shared>>) target_semaphore(%arg28 : memref<!tpu.dma_semaphore, #tpu.memory_space<semaphore_mem>>)
      %mul3A_42 = arith.constant 3200 : i32
      %mul3A_43 = arith.muli %arg1, %mul3A_42 : i32
      %add3A_44 = arith.constant 2400 : i32
      %add3A_45 = arith.addi %mul3A_43, %add3A_44 : i32
      %dma_start3A_46 = arith.constant 0 : i32
      %dma_start3A_47 = tpu.memref_slice %arg17[%add3A_45, %dma_start3A_46] : memref<51200x64xbf16, #tpu.memory_space<vmem_shared>> -> memref<800x64xbf16, #tpu.memory_space<vmem_shared>>
      tpu.enqueue_dma source(%arg13 : memref<800x64xbf16, #tpu.memory_space<hbm>>) target(%dma_start3A_47 : memref<800x64xbf16, #tpu.memory_space<vmem_shared>>) target_semaphore(%arg28 : memref<!tpu.dma_semaphore, #tpu.memory_space<semaphore_mem>>)
      %mul3A_48 = arith.constant 3200 : i32
      %mul3A_49 = arith.muli %arg1, %mul3A_48 : i32
      %add3A_50 = arith.constant 0 : i32
      %add3A_51 = arith.addi %mul3A_49, %add3A_50 : i32
      %dma_wait3A = arith.constant 0 : i32
      %dma_wait3A_52 = tpu.memref_slice %arg17[%add3A_51, %dma_wait3A] : memref<51200x64xbf16, #tpu.memory_space<vmem_shared>> -> memref<800x64xbf16, #tpu.memory_space<vmem_shared>>
      tpu.wait_dma2 semaphore(%arg28 : memref<!tpu.dma_semaphore, #tpu.memory_space<semaphore_mem>>) src(%arg13 : memref<800x64xbf16, #tpu.memory_space<hbm>>) dst(%dma_wait3A_52 : memref<800x64xbf16, #tpu.memory_space<vmem_shared>>)
      %mul3A_53 = arith.constant 3200 : i32
      %mul3A_54 = arith.muli %arg1, %mul3A_53 : i32
      %add3A_55 = arith.constant 800 : i32
      %add3A_56 = arith.addi %mul3A_54, %add3A_55 : i32
      %dma_wait3A_57 = arith.constant 0 : i32
      %dma_wait3A_58 = tpu.memref_slice %arg17[%add3A_56, %dma_wait3A_57] : memref<51200x64xbf16, #tpu.memory_space<vmem_shared>> -> memref<800x64xbf16, #tpu.memory_space<vmem_shared>>
      tpu.wait_dma2 semaphore(%arg28 : memref<!tpu.dma_semaphore, #tpu.memory_space<semaphore_mem>>) src(%arg13 : memref<800x64xbf16, #tpu.memory_space<hbm>>) dst(%dma_wait3A_58 : memref<800x64xbf16, #tpu.memory_space<vmem_shared>>)
      %mul3A_59 = arith.constant 3200 : i32
      %mul3A_60 = arith.muli %arg1, %mul3A_59 : i32
      %add3A_61 = arith.constant 1600 : i32
      %add3A_62 = arith.addi %mul3A_60, %add3A_61 : i32
      %dma_wait3A_63 = arith.constant 0 : i32
      %dma_wait3A_64 = tpu.memref_slice %arg17[%add3A_62, %dma_wait3A_63] : memref<51200x64xbf16, #tpu.memory_space<vmem_shared>> -> memref<800x64xbf16, #tpu.memory_space<vmem_shared>>
      tpu.wait_dma2 semaphore(%arg28 : memref<!tpu.dma_semaphore, #tpu.memory_space<semaphore_mem>>) src(%arg13 : memref<800x64xbf16, #tpu.memory_space<hbm>>) dst(%dma_wait3A_64 : memref<800x64xbf16, #tpu.memory_space<vmem_shared>>)
      %mul3A_65 = arith.constant 3200 : i32
      %mul3A_66 = arith.muli %arg1, %mul3A_65 : i32
      %add3A_67 = arith.constant 2400 : i32
      %add3A_68 = arith.addi %mul3A_66, %add3A_67 : i32
      %dma_wait3A_69 = arith.constant 0 : i32
      %dma_wait3A_70 = tpu.memref_slice %arg17[%add3A_68, %dma_wait3A_69] : memref<51200x64xbf16, #tpu.memory_space<vmem_shared>> -> memref<800x64xbf16, #tpu.memory_space<vmem_shared>>
      tpu.wait_dma2 semaphore(%arg28 : memref<!tpu.dma_semaphore, #tpu.memory_space<semaphore_mem>>) src(%arg13 : memref<800x64xbf16, #tpu.memory_space<hbm>>) dst(%dma_wait3A_70 : memref<800x64xbf16, #tpu.memory_space<vmem_shared>>)
      %barrier3A = arith.constant 0 : index
      tpu.barrier barrier_id(%barrier3A)
      %mul3A_71 = arith.constant 294 : i32
      %mul3A_72 = arith.muli %arg1, %mul3A_71 : i32
      %add3A_73 = arith.constant 0 : i32
      %add3A_74 = arith.addi %mul3A_72, %add3A_73 : i32
      "tpu.region"() ({
        %run_scoped3A = tpu.sem_alloc : memref<!tpu.dma_semaphore, #tpu.memory_space<semaphore_mem>>
        %dma_start3A_152 = arith.constant 0 : i32
        %dma_start3A_153 = tpu.memref_slice %arg10[%add3A_74, %dma_start3A_152] : memref<4704x128xi32, #tpu.memory_space<hbm>> -> memref<3x128xi32, #tpu.memory_space<hbm>>
        %dma_start3A_154 = arith.constant 0 : i32
        %dma_start3A_155 = tpu.memref_slice %arg10[%add3A_74, %dma_start3A_154] : memref<4704x128xi32, #tpu.memory_space<hbm>> -> memref<3x128xi32, #tpu.memory_space<hbm>>
        tpu.enqueue_dma source(%dma_start3A_155 : memref<3x128xi32, #tpu.memory_space<hbm>>) target(%arg20 : memref<3x128xi32, #tpu.memory_space<vmem>>) target_semaphore(%run_scoped3A : memref<!tpu.dma_semaphore, #tpu.memory_space<semaphore_mem>>)
        %dma_wait3A_156 = arith.constant 0 : i32
        %dma_wait3A_157 = tpu.memref_slice %arg10[%add3A_74, %dma_wait3A_156] : memref<4704x128xi32, #tpu.memory_space<hbm>> -> memref<3x128xi32, #tpu.memory_space<hbm>>
        %dma_wait3A_158 = arith.constant 0 : i32
        %dma_wait3A_159 = tpu.memref_slice %arg10[%add3A_74, %dma_wait3A_158] : memref<4704x128xi32, #tpu.memory_space<hbm>> -> memref<3x128xi32, #tpu.memory_space<hbm>>
        tpu.wait_dma2 semaphore(%run_scoped3A : memref<!tpu.dma_semaphore, #tpu.memory_space<semaphore_mem>>) src(%dma_wait3A_159 : memref<3x128xi32, #tpu.memory_space<hbm>>) dst(%arg20 : memref<3x128xi32, #tpu.memory_space<vmem>>)
        tpu.yield
      }) : () -> ()
      %mul3A_75 = arith.constant 37632 : i32
      %mul3A_76 = arith.muli %arg1, %mul3A_75 : i32
      %add3A_77 = arith.constant 0 : i32
      %add3A_78 = arith.addi %mul3A_76, %add3A_77 : i32
      "tpu.region"() ({
        %run_scoped3A = tpu.sem_alloc : memref<!tpu.dma_semaphore, #tpu.memory_space<semaphore_mem>>
        %dma_start3A_152 = tpu.memref_slice %arg5[%add3A_78] : memref<602112xi32, #tpu.memory_space<hbm>> -> memref<384xi32, #tpu.memory_space<hbm>>
        %dma_start3A_153 = tpu.memref_slice %arg5[%add3A_78] : memref<602112xi32, #tpu.memory_space<hbm>> -> memref<384xi32, #tpu.memory_space<hbm>>
        tpu.enqueue_dma source(%dma_start3A_153 : memref<384xi32, #tpu.memory_space<hbm>>) target(%arg18 : memref<384xi32, #tpu.memory_space<vmem>>) target_semaphore(%run_scoped3A : memref<!tpu.dma_semaphore, #tpu.memory_space<semaphore_mem>>)
        %dma_wait3A_154 = tpu.memref_slice %arg5[%add3A_78] : memref<602112xi32, #tpu.memory_space<hbm>> -> memref<384xi32, #tpu.memory_space<hbm>>
        %dma_wait3A_155 = tpu.memref_slice %arg5[%add3A_78] : memref<602112xi32, #tpu.memory_space<hbm>> -> memref<384xi32, #tpu.memory_space<hbm>>
        tpu.wait_dma2 semaphore(%run_scoped3A : memref<!tpu.dma_semaphore, #tpu.memory_space<semaphore_mem>>) src(%dma_wait3A_155 : memref<384xi32, #tpu.memory_space<hbm>>) dst(%arg18 : memref<384xi32, #tpu.memory_space<vmem>>)
        tpu.yield
      }) : () -> ()
      %dma_start3A_79 = arith.constant 0 : i32
      %dma_start3A_80 = arith.constant 0 : i32
      %dma_start3A_81 = tpu.memref_slice %arg2[%dma_start3A_79, %dma_start3A_80] : memref<100000x64xbf16, #tpu.memory_space<hbm>> -> memref<100000x64xbf16, #tpu.memory_space<hbm>>
      tpu.enqueue_indirect_dma source(%dma_start3A_81 : memref<100000x64xbf16, #tpu.memory_space<hbm>>) target(%arg22 : memref<384x64xbf16, #tpu.memory_space<vmem>>) offsets(%arg18 : memref<384xi32, #tpu.memory_space<vmem>>) semaphore(%arg24 : memref<!tpu.dma_semaphore, #tpu.memory_space<semaphore_mem>>)
      %scan3A = arith.constant 0 : i32
      %scan3A_82 = arith.constant 0 : i32
      %scan3A_83 = arith.constant 49 : i32
      %scan3A_84 = arith.addi %scan3A_82, %scan3A_83 : i32
      %scan3A_85 = arith.constant 1 : i32
      scf.for %scan3A_152 = %scan3A_82 to %scan3A_84 step %scan3A_85  : i32 {
        %mul3A_153 = arith.constant 2 : i32
        %mul3A_154 = arith.muli %scan3A_152, %mul3A_153 : i32
        %gt3A = arith.constant 0 : i32
        %gt3A_155 = arith.cmpi sgt, %scan3A_152, %gt3A : i32
        %convert_element_type3A_156 = arith.extui %gt3A_155 : i1 to i32
        %cond3A_157 = arith.constant 0 : i32
        %cond3A_158 = arith.cmpi ne, %convert_element_type3A_156, %cond3A_157 : i32
        scf.if %cond3A_158 {
          %dma_wait3A_246 = arith.constant 0 : i32
          %dma_wait3A_247 = arith.constant 0 : i32
          %dma_wait3A_248 = arith.constant 0 : i32
          %dma_wait3A_249 = tpu.memref_slice %arg23[%dma_wait3A_247, %dma_wait3A_248] : memref<384x64xbf16, #tpu.memory_space<vmem>> -> memref<128x64xbf16, #tpu.memory_space<vmem>>
          %dma_wait3A_250 = arith.constant 0 : i32
          %dma_wait3A_251 = tpu.memref_slice %arg21[%dma_wait3A_246, %dma_wait3A_250] : memref<3x128xi32, #tpu.memory_space<vmem>> -> memref<1x128xi32, #tpu.memory_space<vmem>>
          %dma_wait3A_252 = tpu.memref_squeeze %dma_wait3A_251 : memref<1x128xi32, #tpu.memory_space<vmem>> -> memref<128xi32, #tpu.memory_space<vmem>>
          %dma_wait3A_253 = arith.constant 0 : i32
          %dma_wait3A_254 = arith.constant 0 : i32
          %dma_wait3A_255 = tpu.memref_slice %arg17[%dma_wait3A_253, %dma_wait3A_254] : memref<51200x64xbf16, #tpu.memory_space<vmem_shared>> -> memref<51200x64xbf16, #tpu.memory_space<vmem_shared>>
          tpu.wait_indirect_dma semaphore(%arg27 : memref<!tpu.dma_semaphore, #tpu.memory_space<semaphore_mem>>) src(%dma_wait3A_249 : memref<128x64xbf16, #tpu.memory_space<vmem>>) dst(%dma_wait3A_255 : memref<51200x64xbf16, #tpu.memory_space<vmem_shared>>)
          %dma_wait3A_256 = arith.constant 1 : i32
          %dma_wait3A_257 = arith.constant 128 : i32
          %dma_wait3A_258 = arith.constant 0 : i32
          %dma_wait3A_259 = tpu.memref_slice %arg23[%dma_wait3A_257, %dma_wait3A_258] : memref<384x64xbf16, #tpu.memory_space<vmem>> -> memref<128x64xbf16, #tpu.memory_space<vmem>>
          %dma_wait3A_260 = arith.constant 0 : i32
          %dma_wait3A_261 = tpu.memref_slice %arg21[%dma_wait3A_256, %dma_wait3A_260] : memref<3x128xi32, #tpu.memory_space<vmem>> -> memref<1x128xi32, #tpu.memory_space<vmem>>
          %dma_wait3A_262 = tpu.memref_squeeze %dma_wait3A_261 : memref<1x128xi32, #tpu.memory_space<vmem>> -> memref<128xi32, #tpu.memory_space<vmem>>
          %dma_wait3A_263 = arith.constant 0 : i32
          %dma_wait3A_264 = arith.constant 0 : i32
          %dma_wait3A_265 = tpu.memref_slice %arg17[%dma_wait3A_263, %dma_wait3A_264] : memref<51200x64xbf16, #tpu.memory_space<vmem_shared>> -> memref<51200x64xbf16, #tpu.memory_space<vmem_shared>>
          tpu.wait_indirect_dma semaphore(%arg27 : memref<!tpu.dma_semaphore, #tpu.memory_space<semaphore_mem>>) src(%dma_wait3A_259 : memref<128x64xbf16, #tpu.memory_space<vmem>>) dst(%dma_wait3A_265 : memref<51200x64xbf16, #tpu.memory_space<vmem_shared>>)
          %dma_wait3A_266 = arith.constant 2 : i32
          %dma_wait3A_267 = arith.constant 256 : i32
          %dma_wait3A_268 = arith.constant 0 : i32
          %dma_wait3A_269 = tpu.memref_slice %arg23[%dma_wait3A_267, %dma_wait3A_268] : memref<384x64xbf16, #tpu.memory_space<vmem>> -> memref<128x64xbf16, #tpu.memory_space<vmem>>
          %dma_wait3A_270 = arith.constant 0 : i32
          %dma_wait3A_271 = tpu.memref_slice %arg21[%dma_wait3A_266, %dma_wait3A_270] : memref<3x128xi32, #tpu.memory_space<vmem>> -> memref<1x128xi32, #tpu.memory_space<vmem>>
          %dma_wait3A_272 = tpu.memref_squeeze %dma_wait3A_271 : memref<1x128xi32, #tpu.memory_space<vmem>> -> memref<128xi32, #tpu.memory_space<vmem>>
          %dma_wait3A_273 = arith.constant 0 : i32
          %dma_wait3A_274 = arith.constant 0 : i32
          %dma_wait3A_275 = tpu.memref_slice %arg17[%dma_wait3A_273, %dma_wait3A_274] : memref<51200x64xbf16, #tpu.memory_space<vmem_shared>> -> memref<51200x64xbf16, #tpu.memory_space<vmem_shared>>
          tpu.wait_indirect_dma semaphore(%arg27 : memref<!tpu.dma_semaphore, #tpu.memory_space<semaphore_mem>>) src(%dma_wait3A_269 : memref<128x64xbf16, #tpu.memory_space<vmem>>) dst(%dma_wait3A_275 : memref<51200x64xbf16, #tpu.memory_space<vmem_shared>>)
        } else {
        }
        %add3A_159 = arith.constant 1 : i32
        %add3A_160 = arith.addi %mul3A_154, %add3A_159 : i32
        %mul3A_161 = arith.constant 294 : i32
        %mul3A_162 = arith.muli %arg1, %mul3A_161 : i32
        %mul3A_163 = arith.constant 3 : i32
        %mul3A_164 = arith.muli %add3A_160, %mul3A_163 : i32
        %add3A_165 = arith.addi %mul3A_162, %mul3A_164 : i32
        "tpu.region"() ({
          %run_scoped3A = tpu.sem_alloc : memref<!tpu.dma_semaphore, #tpu.memory_space<semaphore_mem>>
          %dma_start3A_246 = arith.constant 0 : i32
          %dma_start3A_247 = tpu.memref_slice %arg10[%add3A_165, %dma_start3A_246] : memref<4704x128xi32, #tpu.memory_space<hbm>> -> memref<3x128xi32, #tpu.memory_space<hbm>>
          %dma_start3A_248 = arith.constant 0 : i32
          %dma_start3A_249 = tpu.memref_slice %arg10[%add3A_165, %dma_start3A_248] : memref<4704x128xi32, #tpu.memory_space<hbm>> -> memref<3x128xi32, #tpu.memory_space<hbm>>
          tpu.enqueue_dma source(%dma_start3A_249 : memref<3x128xi32, #tpu.memory_space<hbm>>) target(%arg21 : memref<3x128xi32, #tpu.memory_space<vmem>>) target_semaphore(%run_scoped3A : memref<!tpu.dma_semaphore, #tpu.memory_space<semaphore_mem>>)
          %dma_wait3A_250 = arith.constant 0 : i32
          %dma_wait3A_251 = tpu.memref_slice %arg10[%add3A_165, %dma_wait3A_250] : memref<4704x128xi32, #tpu.memory_space<hbm>> -> memref<3x128xi32, #tpu.memory_space<hbm>>
          %dma_wait3A_252 = arith.constant 0 : i32
          %dma_wait3A_253 = tpu.memref_slice %arg10[%add3A_165, %dma_wait3A_252] : memref<4704x128xi32, #tpu.memory_space<hbm>> -> memref<3x128xi32, #tpu.memory_space<hbm>>
          tpu.wait_dma2 semaphore(%run_scoped3A : memref<!tpu.dma_semaphore, #tpu.memory_space<semaphore_mem>>) src(%dma_wait3A_253 : memref<3x128xi32, #tpu.memory_space<hbm>>) dst(%arg21 : memref<3x128xi32, #tpu.memory_space<vmem>>)
          tpu.yield
        }) : () -> ()
        %mul3A_166 = arith.constant 37632 : i32
        %mul3A_167 = arith.muli %arg1, %mul3A_166 : i32
        %mul3A_168 = arith.constant 384 : i32
        %mul3A_169 = arith.muli %add3A_160, %mul3A_168 : i32
        %add3A_170 = arith.addi %mul3A_167, %mul3A_169 : i32
        "tpu.region"() ({
          %run_scoped3A = tpu.sem_alloc : memref<!tpu.dma_semaphore, #tpu.memory_space<semaphore_mem>>
          %dma_start3A_246 = tpu.memref_slice %arg5[%add3A_170] : memref<602112xi32, #tpu.memory_space<hbm>> -> memref<384xi32, #tpu.memory_space<hbm>>
          %dma_start3A_247 = tpu.memref_slice %arg5[%add3A_170] : memref<602112xi32, #tpu.memory_space<hbm>> -> memref<384xi32, #tpu.memory_space<hbm>>
          tpu.enqueue_dma source(%dma_start3A_247 : memref<384xi32, #tpu.memory_space<hbm>>) target(%arg19 : memref<384xi32, #tpu.memory_space<vmem>>) target_semaphore(%run_scoped3A : memref<!tpu.dma_semaphore, #tpu.memory_space<semaphore_mem>>)
          %dma_wait3A_248 = tpu.memref_slice %arg5[%add3A_170] : memref<602112xi32, #tpu.memory_space<hbm>> -> memref<384xi32, #tpu.memory_space<hbm>>
          %dma_wait3A_249 = tpu.memref_slice %arg5[%add3A_170] : memref<602112xi32, #tpu.memory_space<hbm>> -> memref<384xi32, #tpu.memory_space<hbm>>
          tpu.wait_dma2 semaphore(%run_scoped3A : memref<!tpu.dma_semaphore, #tpu.memory_space<semaphore_mem>>) src(%dma_wait3A_249 : memref<384xi32, #tpu.memory_space<hbm>>) dst(%arg19 : memref<384xi32, #tpu.memory_space<vmem>>)
          tpu.yield
        }) : () -> ()
        %dma_start3A_171 = arith.constant 0 : i32
        %dma_start3A_172 = arith.constant 0 : i32
        %dma_start3A_173 = tpu.memref_slice %arg2[%dma_start3A_171, %dma_start3A_172] : memref<100000x64xbf16, #tpu.memory_space<hbm>> -> memref<100000x64xbf16, #tpu.memory_space<hbm>>
        tpu.enqueue_indirect_dma source(%dma_start3A_173 : memref<100000x64xbf16, #tpu.memory_space<hbm>>) target(%arg23 : memref<384x64xbf16, #tpu.memory_space<vmem>>) offsets(%arg19 : memref<384xi32, #tpu.memory_space<vmem>>) semaphore(%arg25 : memref<!tpu.dma_semaphore, #tpu.memory_space<semaphore_mem>>)
        %dma_wait3A_174 = arith.constant 0 : i32
        %dma_wait3A_175 = arith.constant 0 : i32
        %dma_wait3A_176 = tpu.memref_slice %arg2[%dma_wait3A_174, %dma_wait3A_175] : memref<100000x64xbf16, #tpu.memory_space<hbm>> -> memref<100000x64xbf16, #tpu.memory_space<hbm>>
        tpu.wait_indirect_dma semaphore(%arg24 : memref<!tpu.dma_semaphore, #tpu.memory_space<semaphore_mem>>) src(%dma_wait3A_176 : memref<100000x64xbf16, #tpu.memory_space<hbm>>) dst(%arg22 : memref<384x64xbf16, #tpu.memory_space<vmem>>)
        %dma_start3A_177 = arith.constant 0 : i32
        %dma_start3A_178 = arith.constant 0 : i32
        %dma_start3A_179 = arith.constant 0 : i32
        %dma_start3A_180 = tpu.memref_slice %arg22[%dma_start3A_178, %dma_start3A_179] : memref<384x64xbf16, #tpu.memory_space<vmem>> -> memref<128x64xbf16, #tpu.memory_space<vmem>>
        %dma_start3A_181 = arith.constant 0 : i32
        %dma_start3A_182 = tpu.memref_slice %arg20[%dma_start3A_177, %dma_start3A_181] : memref<3x128xi32, #tpu.memory_space<vmem>> -> memref<1x128xi32, #tpu.memory_space<vmem>>
        %dma_start3A_183 = tpu.memref_squeeze %dma_start3A_182 : memref<1x128xi32, #tpu.memory_space<vmem>> -> memref<128xi32, #tpu.memory_space<vmem>>
        %dma_start3A_184 = arith.constant 0 : i32
        %dma_start3A_185 = arith.constant 0 : i32
        %dma_start3A_186 = tpu.memref_slice %arg17[%dma_start3A_184, %dma_start3A_185] : memref<51200x64xbf16, #tpu.memory_space<vmem_shared>> -> memref<51200x64xbf16, #tpu.memory_space<vmem_shared>>
        tpu.enqueue_indirect_dma source(%dma_start3A_180 : memref<128x64xbf16, #tpu.memory_space<vmem>>) target(%dma_start3A_186 : memref<51200x64xbf16, #tpu.memory_space<vmem_shared>>) offsets(%dma_start3A_183 : memref<128xi32, #tpu.memory_space<vmem>>) semaphore(%arg26 : memref<!tpu.dma_semaphore, #tpu.memory_space<semaphore_mem>>) {add = true}
        %dma_start3A_187 = arith.constant 1 : i32
        %dma_start3A_188 = arith.constant 128 : i32
        %dma_start3A_189 = arith.constant 0 : i32
        %dma_start3A_190 = tpu.memref_slice %arg22[%dma_start3A_188, %dma_start3A_189] : memref<384x64xbf16, #tpu.memory_space<vmem>> -> memref<128x64xbf16, #tpu.memory_space<vmem>>
        %dma_start3A_191 = arith.constant 0 : i32
        %dma_start3A_192 = tpu.memref_slice %arg20[%dma_start3A_187, %dma_start3A_191] : memref<3x128xi32, #tpu.memory_space<vmem>> -> memref<1x128xi32, #tpu.memory_space<vmem>>
        %dma_start3A_193 = tpu.memref_squeeze %dma_start3A_192 : memref<1x128xi32, #tpu.memory_space<vmem>> -> memref<128xi32, #tpu.memory_space<vmem>>
        %dma_start3A_194 = arith.constant 0 : i32
        %dma_start3A_195 = arith.constant 0 : i32
        %dma_start3A_196 = tpu.memref_slice %arg17[%dma_start3A_194, %dma_start3A_195] : memref<51200x64xbf16, #tpu.memory_space<vmem_shared>> -> memref<51200x64xbf16, #tpu.memory_space<vmem_shared>>
        tpu.enqueue_indirect_dma source(%dma_start3A_190 : memref<128x64xbf16, #tpu.memory_space<vmem>>) target(%dma_start3A_196 : memref<51200x64xbf16, #tpu.memory_space<vmem_shared>>) offsets(%dma_start3A_193 : memref<128xi32, #tpu.memory_space<vmem>>) semaphore(%arg26 : memref<!tpu.dma_semaphore, #tpu.memory_space<semaphore_mem>>) {add = true}
        %dma_start3A_197 = arith.constant 2 : i32
        %dma_start3A_198 = arith.constant 256 : i32
        %dma_start3A_199 = arith.constant 0 : i32
        %dma_start3A_200 = tpu.memref_slice %arg22[%dma_start3A_198, %dma_start3A_199] : memref<384x64xbf16, #tpu.memory_space<vmem>> -> memref<128x64xbf16, #tpu.memory_space<vmem>>
        %dma_start3A_201 = arith.constant 0 : i32
        %dma_start3A_202 = tpu.memref_slice %arg20[%dma_start3A_197, %dma_start3A_201] : memref<3x128xi32, #tpu.memory_space<vmem>> -> memref<1x128xi32, #tpu.memory_space<vmem>>
        %dma_start3A_203 = tpu.memref_squeeze %dma_start3A_202 : memref<1x128xi32, #tpu.memory_space<vmem>> -> memref<128xi32, #tpu.memory_space<vmem>>
        %dma_start3A_204 = arith.constant 0 : i32
        %dma_start3A_205 = arith.constant 0 : i32
        %dma_start3A_206 = tpu.memref_slice %arg17[%dma_start3A_204, %dma_start3A_205] : memref<51200x64xbf16, #tpu.memory_space<vmem_shared>> -> memref<51200x64xbf16, #tpu.memory_space<vmem_shared>>
        tpu.enqueue_indirect_dma source(%dma_start3A_200 : memref<128x64xbf16, #tpu.memory_space<vmem>>) target(%dma_start3A_206 : memref<51200x64xbf16, #tpu.memory_space<vmem_shared>>) offsets(%dma_start3A_203 : memref<128xi32, #tpu.memory_space<vmem>>) semaphore(%arg26 : memref<!tpu.dma_semaphore, #tpu.memory_space<semaphore_mem>>) {add = true}
        %dma_wait3A_207 = arith.constant 0 : i32
        %dma_wait3A_208 = arith.constant 0 : i32
        %dma_wait3A_209 = tpu.memref_slice %arg2[%dma_wait3A_207, %dma_wait3A_208] : memref<100000x64xbf16, #tpu.memory_space<hbm>> -> memref<100000x64xbf16, #tpu.memory_space<hbm>>
        tpu.wait_indirect_dma semaphore(%arg25 : memref<!tpu.dma_semaphore, #tpu.memory_space<semaphore_mem>>) src(%dma_wait3A_209 : memref<100000x64xbf16, #tpu.memory_space<hbm>>) dst(%arg23 : memref<384x64xbf16, #tpu.memory_space<vmem>>)
        %dma_start3A_210 = arith.constant 0 : i32
        %dma_start3A_211 = arith.constant 0 : i32
        %dma_start3A_212 = arith.constant 0 : i32
        %dma_start3A_213 = tpu.memref_slice %arg23[%dma_start3A_211, %dma_start3A_212] : memref<384x64xbf16, #tpu.memory_space<vmem>> -> memref<128x64xbf16, #tpu.memory_space<vmem>>
        %dma_start3A_214 = arith.constant 0 : i32
        %dma_start3A_215 = tpu.memref_slice %arg21[%dma_start3A_210, %dma_start3A_214] : memref<3x128xi32, #tpu.memory_space<vmem>> -> memref<1x128xi32, #tpu.memory_space<vmem>>
        %dma_start3A_216 = tpu.memref_squeeze %dma_start3A_215 : memref<1x128xi32, #tpu.memory_space<vmem>> -> memref<128xi32, #tpu.memory_space<vmem>>
        %dma_start3A_217 = arith.constant 0 : i32
        %dma_start3A_218 = arith.constant 0 : i32
        %dma_start3A_219 = tpu.memref_slice %arg17[%dma_start3A_217, %dma_start3A_218] : memref<51200x64xbf16, #tpu.memory_space<vmem_shared>> -> memref<51200x64xbf16, #tpu.memory_space<vmem_shared>>
        tpu.enqueue_indirect_dma source(%dma_start3A_213 : memref<128x64xbf16, #tpu.memory_space<vmem>>) target(%dma_start3A_219 : memref<51200x64xbf16, #tpu.memory_space<vmem_shared>>) offsets(%dma_start3A_216 : memref<128xi32, #tpu.memory_space<vmem>>) semaphore(%arg27 : memref<!tpu.dma_semaphore, #tpu.memory_space<semaphore_mem>>) {add = true}
        %dma_start3A_220 = arith.constant 1 : i32
        %dma_start3A_221 = arith.constant 128 : i32
        %dma_start3A_222 = arith.constant 0 : i32
        %dma_start3A_223 = tpu.memref_slice %arg23[%dma_start3A_221, %dma_start3A_222] : memref<384x64xbf16, #tpu.memory_space<vmem>> -> memref<128x64xbf16, #tpu.memory_space<vmem>>
        %dma_start3A_224 = arith.constant 0 : i32
        %dma_start3A_225 = tpu.memref_slice %arg21[%dma_start3A_220, %dma_start3A_224] : memref<3x128xi32, #tpu.memory_space<vmem>> -> memref<1x128xi32, #tpu.memory_space<vmem>>
        %dma_start3A_226 = tpu.memref_squeeze %dma_start3A_225 : memref<1x128xi32, #tpu.memory_space<vmem>> -> memref<128xi32, #tpu.memory_space<vmem>>
        %dma_start3A_227 = arith.constant 0 : i32
        %dma_start3A_228 = arith.constant 0 : i32
        %dma_start3A_229 = tpu.memref_slice %arg17[%dma_start3A_227, %dma_start3A_228] : memref<51200x64xbf16, #tpu.memory_space<vmem_shared>> -> memref<51200x64xbf16, #tpu.memory_space<vmem_shared>>
        tpu.enqueue_indirect_dma source(%dma_start3A_223 : memref<128x64xbf16, #tpu.memory_space<vmem>>) target(%dma_start3A_229 : memref<51200x64xbf16, #tpu.memory_space<vmem_shared>>) offsets(%dma_start3A_226 : memref<128xi32, #tpu.memory_space<vmem>>) semaphore(%arg27 : memref<!tpu.dma_semaphore, #tpu.memory_space<semaphore_mem>>) {add = true}
        %dma_start3A_230 = arith.constant 2 : i32
        %dma_start3A_231 = arith.constant 256 : i32
        %dma_start3A_232 = arith.constant 0 : i32
        %dma_start3A_233 = tpu.memref_slice %arg23[%dma_start3A_231, %dma_start3A_232] : memref<384x64xbf16, #tpu.memory_space<vmem>> -> memref<128x64xbf16, #tpu.memory_space<vmem>>
        %dma_start3A_234 = arith.constant 0 : i32
        %dma_start3A_235 = tpu.memref_slice %arg21[%dma_start3A_230, %dma_start3A_234] : memref<3x128xi32, #tpu.memory_space<vmem>> -> memref<1x128xi32, #tpu.memory_space<vmem>>
        %dma_start3A_236 = tpu.memref_squeeze %dma_start3A_235 : memref<1x128xi32, #tpu.memory_space<vmem>> -> memref<128xi32, #tpu.memory_space<vmem>>
        %dma_start3A_237 = arith.constant 0 : i32
        %dma_start3A_238 = arith.constant 0 : i32
        %dma_start3A_239 = tpu.memref_slice %arg17[%dma_start3A_237, %dma_start3A_238] : memref<51200x64xbf16, #tpu.memory_space<vmem_shared>> -> memref<51200x64xbf16, #tpu.memory_space<vmem_shared>>
        tpu.enqueue_indirect_dma source(%dma_start3A_233 : memref<128x64xbf16, #tpu.memory_space<vmem>>) target(%dma_start3A_239 : memref<51200x64xbf16, #tpu.memory_space<vmem_shared>>) offsets(%dma_start3A_236 : memref<128xi32, #tpu.memory_space<vmem>>) semaphore(%arg27 : memref<!tpu.dma_semaphore, #tpu.memory_space<semaphore_mem>>) {add = true}
        %add3A_240 = arith.constant 1 : i32
        %add3A_241 = arith.addi %scan3A_152, %add3A_240 : i32
        %lt3A = arith.constant 49 : i32
        %lt3A_242 = arith.cmpi slt, %add3A_241, %lt3A : i32
        %convert_element_type3A_243 = arith.extui %lt3A_242 : i1 to i32
        %cond3A_244 = arith.constant 0 : i32
        %cond3A_245 = arith.cmpi ne, %convert_element_type3A_243, %cond3A_244 : i32
        scf.if %cond3A_245 {
          %dma_wait3A_246 = arith.constant 0 : i32
          %dma_wait3A_247 = arith.constant 0 : i32
          %dma_wait3A_248 = arith.constant 0 : i32
          %dma_wait3A_249 = tpu.memref_slice %arg22[%dma_wait3A_247, %dma_wait3A_248] : memref<384x64xbf16, #tpu.memory_space<vmem>> -> memref<128x64xbf16, #tpu.memory_space<vmem>>
          %dma_wait3A_250 = arith.constant 0 : i32
          %dma_wait3A_251 = tpu.memref_slice %arg20[%dma_wait3A_246, %dma_wait3A_250] : memref<3x128xi32, #tpu.memory_space<vmem>> -> memref<1x128xi32, #tpu.memory_space<vmem>>
          %dma_wait3A_252 = tpu.memref_squeeze %dma_wait3A_251 : memref<1x128xi32, #tpu.memory_space<vmem>> -> memref<128xi32, #tpu.memory_space<vmem>>
          %dma_wait3A_253 = arith.constant 0 : i32
          %dma_wait3A_254 = arith.constant 0 : i32
          %dma_wait3A_255 = tpu.memref_slice %arg17[%dma_wait3A_253, %dma_wait3A_254] : memref<51200x64xbf16, #tpu.memory_space<vmem_shared>> -> memref<51200x64xbf16, #tpu.memory_space<vmem_shared>>
          tpu.wait_indirect_dma semaphore(%arg26 : memref<!tpu.dma_semaphore, #tpu.memory_space<semaphore_mem>>) src(%dma_wait3A_249 : memref<128x64xbf16, #tpu.memory_space<vmem>>) dst(%dma_wait3A_255 : memref<51200x64xbf16, #tpu.memory_space<vmem_shared>>)
          %dma_wait3A_256 = arith.constant 1 : i32
          %dma_wait3A_257 = arith.constant 128 : i32
          %dma_wait3A_258 = arith.constant 0 : i32
          %dma_wait3A_259 = tpu.memref_slice %arg22[%dma_wait3A_257, %dma_wait3A_258] : memref<384x64xbf16, #tpu.memory_space<vmem>> -> memref<128x64xbf16, #tpu.memory_space<vmem>>
          %dma_wait3A_260 = arith.constant 0 : i32
          %dma_wait3A_261 = tpu.memref_slice %arg20[%dma_wait3A_256, %dma_wait3A_260] : memref<3x128xi32, #tpu.memory_space<vmem>> -> memref<1x128xi32, #tpu.memory_space<vmem>>
          %dma_wait3A_262 = tpu.memref_squeeze %dma_wait3A_261 : memref<1x128xi32, #tpu.memory_space<vmem>> -> memref<128xi32, #tpu.memory_space<vmem>>
          %dma_wait3A_263 = arith.constant 0 : i32
          %dma_wait3A_264 = arith.constant 0 : i32
          %dma_wait3A_265 = tpu.memref_slice %arg17[%dma_wait3A_263, %dma_wait3A_264] : memref<51200x64xbf16, #tpu.memory_space<vmem_shared>> -> memref<51200x64xbf16, #tpu.memory_space<vmem_shared>>
          tpu.wait_indirect_dma semaphore(%arg26 : memref<!tpu.dma_semaphore, #tpu.memory_space<semaphore_mem>>) src(%dma_wait3A_259 : memref<128x64xbf16, #tpu.memory_space<vmem>>) dst(%dma_wait3A_265 : memref<51200x64xbf16, #tpu.memory_space<vmem_shared>>)
          %dma_wait3A_266 = arith.constant 2 : i32
          %dma_wait3A_267 = arith.constant 256 : i32
          %dma_wait3A_268 = arith.constant 0 : i32
          %dma_wait3A_269 = tpu.memref_slice %arg22[%dma_wait3A_267, %dma_wait3A_268] : memref<384x64xbf16, #tpu.memory_space<vmem>> -> memref<128x64xbf16, #tpu.memory_space<vmem>>
          %dma_wait3A_270 = arith.constant 0 : i32
          %dma_wait3A_271 = tpu.memref_slice %arg20[%dma_wait3A_266, %dma_wait3A_270] : memref<3x128xi32, #tpu.memory_space<vmem>> -> memref<1x128xi32, #tpu.memory_space<vmem>>
          %dma_wait3A_272 = tpu.memref_squeeze %dma_wait3A_271 : memref<1x128xi32, #tpu.memory_space<vmem>> -> memref<128xi32, #tpu.memory_space<vmem>>
          %dma_wait3A_273 = arith.constant 0 : i32
          %dma_wait3A_274 = arith.constant 0 : i32
          %dma_wait3A_275 = tpu.memref_slice %arg17[%dma_wait3A_273, %dma_wait3A_274] : memref<51200x64xbf16, #tpu.memory_space<vmem_shared>> -> memref<51200x64xbf16, #tpu.memory_space<vmem_shared>>
          tpu.wait_indirect_dma semaphore(%arg26 : memref<!tpu.dma_semaphore, #tpu.memory_space<semaphore_mem>>) src(%dma_wait3A_269 : memref<128x64xbf16, #tpu.memory_space<vmem>>) dst(%dma_wait3A_275 : memref<51200x64xbf16, #tpu.memory_space<vmem_shared>>)
          %add3A_276 = arith.constant 2 : i32
          %add3A_277 = arith.addi %mul3A_154, %add3A_276 : i32
          %mul3A_278 = arith.constant 294 : i32
          %mul3A_279 = arith.muli %arg1, %mul3A_278 : i32
          %mul3A_280 = arith.constant 3 : i32
          %mul3A_281 = arith.muli %add3A_277, %mul3A_280 : i32
          %add3A_282 = arith.addi %mul3A_279, %mul3A_281 : i32
          "tpu.region"() ({
            %run_scoped3A = tpu.sem_alloc : memref<!tpu.dma_semaphore, #tpu.memory_space<semaphore_mem>>
            %dma_start3A_291 = arith.constant 0 : i32
            %dma_start3A_292 = tpu.memref_slice %arg10[%add3A_282, %dma_start3A_291] : memref<4704x128xi32, #tpu.memory_space<hbm>> -> memref<3x128xi32, #tpu.memory_space<hbm>>
            %dma_start3A_293 = arith.constant 0 : i32
            %dma_start3A_294 = tpu.memref_slice %arg10[%add3A_282, %dma_start3A_293] : memref<4704x128xi32, #tpu.memory_space<hbm>> -> memref<3x128xi32, #tpu.memory_space<hbm>>
            tpu.enqueue_dma source(%dma_start3A_294 : memref<3x128xi32, #tpu.memory_space<hbm>>) target(%arg20 : memref<3x128xi32, #tpu.memory_space<vmem>>) target_semaphore(%run_scoped3A : memref<!tpu.dma_semaphore, #tpu.memory_space<semaphore_mem>>)
            %dma_wait3A_295 = arith.constant 0 : i32
            %dma_wait3A_296 = tpu.memref_slice %arg10[%add3A_282, %dma_wait3A_295] : memref<4704x128xi32, #tpu.memory_space<hbm>> -> memref<3x128xi32, #tpu.memory_space<hbm>>
            %dma_wait3A_297 = arith.constant 0 : i32
            %dma_wait3A_298 = tpu.memref_slice %arg10[%add3A_282, %dma_wait3A_297] : memref<4704x128xi32, #tpu.memory_space<hbm>> -> memref<3x128xi32, #tpu.memory_space<hbm>>
            tpu.wait_dma2 semaphore(%run_scoped3A : memref<!tpu.dma_semaphore, #tpu.memory_space<semaphore_mem>>) src(%dma_wait3A_298 : memref<3x128xi32, #tpu.memory_space<hbm>>) dst(%arg20 : memref<3x128xi32, #tpu.memory_space<vmem>>)
            tpu.yield
          }) : () -> ()
          %mul3A_283 = arith.constant 37632 : i32
          %mul3A_284 = arith.muli %arg1, %mul3A_283 : i32
          %mul3A_285 = arith.constant 384 : i32
          %mul3A_286 = arith.muli %add3A_277, %mul3A_285 : i32
          %add3A_287 = arith.addi %mul3A_284, %mul3A_286 : i32
          "tpu.region"() ({
            %run_scoped3A = tpu.sem_alloc : memref<!tpu.dma_semaphore, #tpu.memory_space<semaphore_mem>>
            %dma_start3A_291 = tpu.memref_slice %arg5[%add3A_287] : memref<602112xi32, #tpu.memory_space<hbm>> -> memref<384xi32, #tpu.memory_space<hbm>>
            %dma_start3A_292 = tpu.memref_slice %arg5[%add3A_287] : memref<602112xi32, #tpu.memory_space<hbm>> -> memref<384xi32, #tpu.memory_space<hbm>>
            tpu.enqueue_dma source(%dma_start3A_292 : memref<384xi32, #tpu.memory_space<hbm>>) target(%arg18 : memref<384xi32, #tpu.memory_space<vmem>>) target_semaphore(%run_scoped3A : memref<!tpu.dma_semaphore, #tpu.memory_space<semaphore_mem>>)
            %dma_wait3A_293 = tpu.memref_slice %arg5[%add3A_287] : memref<602112xi32, #tpu.memory_space<hbm>> -> memref<384xi32, #tpu.memory_space<hbm>>
            %dma_wait3A_294 = tpu.memref_slice %arg5[%add3A_287] : memref<602112xi32, #tpu.memory_space<hbm>> -> memref<384xi32, #tpu.memory_space<hbm>>
            tpu.wait_dma2 semaphore(%run_scoped3A : memref<!tpu.dma_semaphore, #tpu.memory_space<semaphore_mem>>) src(%dma_wait3A_294 : memref<384xi32, #tpu.memory_space<hbm>>) dst(%arg18 : memref<384xi32, #tpu.memory_space<vmem>>)
            tpu.yield
          }) : () -> ()
          %dma_start3A_288 = arith.constant 0 : i32
          %dma_start3A_289 = arith.constant 0 : i32
          %dma_start3A_290 = tpu.memref_slice %arg2[%dma_start3A_288, %dma_start3A_289] : memref<100000x64xbf16, #tpu.memory_space<hbm>> -> memref<100000x64xbf16, #tpu.memory_space<hbm>>
          tpu.enqueue_indirect_dma source(%dma_start3A_290 : memref<100000x64xbf16, #tpu.memory_space<hbm>>) target(%arg22 : memref<384x64xbf16, #tpu.memory_space<vmem>>) offsets(%arg18 : memref<384xi32, #tpu.memory_space<vmem>>) semaphore(%arg24 : memref<!tpu.dma_semaphore, #tpu.memory_space<semaphore_mem>>)
        } else {
        }
      }
      %scan3A_86 = arith.constant 49 : i32
      %dma_wait3A_87 = arith.constant 0 : i32
      %dma_wait3A_88 = arith.constant 0 : i32
      %dma_wait3A_89 = arith.constant 0 : i32
      %dma_wait3A_90 = tpu.memref_slice %arg22[%dma_wait3A_88, %dma_wait3A_89] : memref<384x64xbf16, #tpu.memory_space<vmem>> -> memref<128x64xbf16, #tpu.memory_space<vmem>>
      %dma_wait3A_91 = arith.constant 0 : i32
      %dma_wait3A_92 = tpu.memref_slice %arg20[%dma_wait3A_87, %dma_wait3A_91] : memref<3x128xi32, #tpu.memory_space<vmem>> -> memref<1x128xi32, #tpu.memory_space<vmem>>
      %dma_wait3A_93 = tpu.memref_squeeze %dma_wait3A_92 : memref<1x128xi32, #tpu.memory_space<vmem>> -> memref<128xi32, #tpu.memory_space<vmem>>
      %dma_wait3A_94 = arith.constant 0 : i32
      %dma_wait3A_95 = arith.constant 0 : i32
      %dma_wait3A_96 = tpu.memref_slice %arg17[%dma_wait3A_94, %dma_wait3A_95] : memref<51200x64xbf16, #tpu.memory_space<vmem_shared>> -> memref<51200x64xbf16, #tpu.memory_space<vmem_shared>>
      tpu.wait_indirect_dma semaphore(%arg26 : memref<!tpu.dma_semaphore, #tpu.memory_space<semaphore_mem>>) src(%dma_wait3A_90 : memref<128x64xbf16, #tpu.memory_space<vmem>>) dst(%dma_wait3A_96 : memref<51200x64xbf16, #tpu.memory_space<vmem_shared>>)
      %dma_wait3A_97 = arith.constant 1 : i32
      %dma_wait3A_98 = arith.constant 128 : i32
      %dma_wait3A_99 = arith.constant 0 : i32
      %dma_wait3A_100 = tpu.memref_slice %arg22[%dma_wait3A_98, %dma_wait3A_99] : memref<384x64xbf16, #tpu.memory_space<vmem>> -> memref<128x64xbf16, #tpu.memory_space<vmem>>
      %dma_wait3A_101 = arith.constant 0 : i32
      %dma_wait3A_102 = tpu.memref_slice %arg20[%dma_wait3A_97, %dma_wait3A_101] : memref<3x128xi32, #tpu.memory_space<vmem>> -> memref<1x128xi32, #tpu.memory_space<vmem>>
      %dma_wait3A_103 = tpu.memref_squeeze %dma_wait3A_102 : memref<1x128xi32, #tpu.memory_space<vmem>> -> memref<128xi32, #tpu.memory_space<vmem>>
      %dma_wait3A_104 = arith.constant 0 : i32
      %dma_wait3A_105 = arith.constant 0 : i32
      %dma_wait3A_106 = tpu.memref_slice %arg17[%dma_wait3A_104, %dma_wait3A_105] : memref<51200x64xbf16, #tpu.memory_space<vmem_shared>> -> memref<51200x64xbf16, #tpu.memory_space<vmem_shared>>
      tpu.wait_indirect_dma semaphore(%arg26 : memref<!tpu.dma_semaphore, #tpu.memory_space<semaphore_mem>>) src(%dma_wait3A_100 : memref<128x64xbf16, #tpu.memory_space<vmem>>) dst(%dma_wait3A_106 : memref<51200x64xbf16, #tpu.memory_space<vmem_shared>>)
      %dma_wait3A_107 = arith.constant 2 : i32
      %dma_wait3A_108 = arith.constant 256 : i32
      %dma_wait3A_109 = arith.constant 0 : i32
      %dma_wait3A_110 = tpu.memref_slice %arg22[%dma_wait3A_108, %dma_wait3A_109] : memref<384x64xbf16, #tpu.memory_space<vmem>> -> memref<128x64xbf16, #tpu.memory_space<vmem>>
      %dma_wait3A_111 = arith.constant 0 : i32
      %dma_wait3A_112 = tpu.memref_slice %arg20[%dma_wait3A_107, %dma_wait3A_111] : memref<3x128xi32, #tpu.memory_space<vmem>> -> memref<1x128xi32, #tpu.memory_space<vmem>>
      %dma_wait3A_113 = tpu.memref_squeeze %dma_wait3A_112 : memref<1x128xi32, #tpu.memory_space<vmem>> -> memref<128xi32, #tpu.memory_space<vmem>>
      %dma_wait3A_114 = arith.constant 0 : i32
      %dma_wait3A_115 = arith.constant 0 : i32
      %dma_wait3A_116 = tpu.memref_slice %arg17[%dma_wait3A_114, %dma_wait3A_115] : memref<51200x64xbf16, #tpu.memory_space<vmem_shared>> -> memref<51200x64xbf16, #tpu.memory_space<vmem_shared>>
      tpu.wait_indirect_dma semaphore(%arg26 : memref<!tpu.dma_semaphore, #tpu.memory_space<semaphore_mem>>) src(%dma_wait3A_110 : memref<128x64xbf16, #tpu.memory_space<vmem>>) dst(%dma_wait3A_116 : memref<51200x64xbf16, #tpu.memory_space<vmem_shared>>)
      %dma_wait3A_117 = arith.constant 0 : i32
      %dma_wait3A_118 = arith.constant 0 : i32
      %dma_wait3A_119 = arith.constant 0 : i32
      %dma_wait3A_120 = tpu.memref_slice %arg23[%dma_wait3A_118, %dma_wait3A_119] : memref<384x64xbf16, #tpu.memory_space<vmem>> -> memref<128x64xbf16, #tpu.memory_space<vmem>>
      %dma_wait3A_121 = arith.constant 0 : i32
      %dma_wait3A_122 = tpu.memref_slice %arg21[%dma_wait3A_117, %dma_wait3A_121] : memref<3x128xi32, #tpu.memory_space<vmem>> -> memref<1x128xi32, #tpu.memory_space<vmem>>
      %dma_wait3A_123 = tpu.memref_squeeze %dma_wait3A_122 : memref<1x128xi32, #tpu.memory_space<vmem>> -> memref<128xi32, #tpu.memory_space<vmem>>
      %dma_wait3A_124 = arith.constant 0 : i32
      %dma_wait3A_125 = arith.constant 0 : i32
      %dma_wait3A_126 = tpu.memref_slice %arg17[%dma_wait3A_124, %dma_wait3A_125] : memref<51200x64xbf16, #tpu.memory_space<vmem_shared>> -> memref<51200x64xbf16, #tpu.memory_space<vmem_shared>>
      tpu.wait_indirect_dma semaphore(%arg27 : memref<!tpu.dma_semaphore, #tpu.memory_space<semaphore_mem>>) src(%dma_wait3A_120 : memref<128x64xbf16, #tpu.memory_space<vmem>>) dst(%dma_wait3A_126 : memref<51200x64xbf16, #tpu.memory_space<vmem_shared>>)
      %dma_wait3A_127 = arith.constant 1 : i32
      %dma_wait3A_128 = arith.constant 128 : i32
      %dma_wait3A_129 = arith.constant 0 : i32
      %dma_wait3A_130 = tpu.memref_slice %arg23[%dma_wait3A_128, %dma_wait3A_129] : memref<384x64xbf16, #tpu.memory_space<vmem>> -> memref<128x64xbf16, #tpu.memory_space<vmem>>
      %dma_wait3A_131 = arith.constant 0 : i32
      %dma_wait3A_132 = tpu.memref_slice %arg21[%dma_wait3A_127, %dma_wait3A_131] : memref<3x128xi32, #tpu.memory_space<vmem>> -> memref<1x128xi32, #tpu.memory_space<vmem>>
      %dma_wait3A_133 = tpu.memref_squeeze %dma_wait3A_132 : memref<1x128xi32, #tpu.memory_space<vmem>> -> memref<128xi32, #tpu.memory_space<vmem>>
      %dma_wait3A_134 = arith.constant 0 : i32
      %dma_wait3A_135 = arith.constant 0 : i32
      %dma_wait3A_136 = tpu.memref_slice %arg17[%dma_wait3A_134, %dma_wait3A_135] : memref<51200x64xbf16, #tpu.memory_space<vmem_shared>> -> memref<51200x64xbf16, #tpu.memory_space<vmem_shared>>
      tpu.wait_indirect_dma semaphore(%arg27 : memref<!tpu.dma_semaphore, #tpu.memory_space<semaphore_mem>>) src(%dma_wait3A_130 : memref<128x64xbf16, #tpu.memory_space<vmem>>) dst(%dma_wait3A_136 : memref<51200x64xbf16, #tpu.memory_space<vmem_shared>>)
      %dma_wait3A_137 = arith.constant 2 : i32
      %dma_wait3A_138 = arith.constant 256 : i32
      %dma_wait3A_139 = arith.constant 0 : i32
      %dma_wait3A_140 = tpu.memref_slice %arg23[%dma_wait3A_138, %dma_wait3A_139] : memref<384x64xbf16, #tpu.memory_space<vmem>> -> memref<128x64xbf16, #tpu.memory_space<vmem>>
      %dma_wait3A_141 = arith.constant 0 : i32
      %dma_wait3A_142 = tpu.memref_slice %arg21[%dma_wait3A_137, %dma_wait3A_141] : memref<3x128xi32, #tpu.memory_space<vmem>> -> memref<1x128xi32, #tpu.memory_space<vmem>>
      %dma_wait3A_143 = tpu.memref_squeeze %dma_wait3A_142 : memref<1x128xi32, #tpu.memory_space<vmem>> -> memref<128xi32, #tpu.memory_space<vmem>>
      %dma_wait3A_144 = arith.constant 0 : i32
      %dma_wait3A_145 = arith.constant 0 : i32
      %dma_wait3A_146 = tpu.memref_slice %arg17[%dma_wait3A_144, %dma_wait3A_145] : memref<51200x64xbf16, #tpu.memory_space<vmem_shared>> -> memref<51200x64xbf16, #tpu.memory_space<vmem_shared>>
      tpu.wait_indirect_dma semaphore(%arg27 : memref<!tpu.dma_semaphore, #tpu.memory_space<semaphore_mem>>) src(%dma_wait3A_140 : memref<128x64xbf16, #tpu.memory_space<vmem>>) dst(%dma_wait3A_146 : memref<51200x64xbf16, #tpu.memory_space<vmem_shared>>)
      %barrier3A_147 = arith.constant 0 : index
      tpu.barrier barrier_id(%barrier3A_147)
      %mul3A_148 = arith.constant 3200 : i32
      %mul3A_149 = arith.muli %arg1, %mul3A_148 : i32
      %mul3A_150 = arith.constant 3200 : i32
      %mul3A_151 = arith.muli %arg1, %mul3A_150 : i32
      "tpu.region"() ({
        %run_scoped3A = tpu.sem_alloc : memref<!tpu.dma_semaphore, #tpu.memory_space<semaphore_mem>>
        %dma_start3A_152 = arith.constant 64 : i32
        %dma_start3A_153 = tpu.memref_slice %arg14[%mul3A_151, %dma_start3A_152] : memref<51200x128xbf16, #tpu.memory_space<hbm>> -> memref<3200x64xbf16, #tpu.memory_space<hbm>>
        %dma_start3A_154 = arith.constant 0 : i32
        %dma_start3A_155 = tpu.memref_slice %arg17[%mul3A_149, %dma_start3A_154] : memref<51200x64xbf16, #tpu.memory_space<vmem_shared>> -> memref<3200x64xbf16, #tpu.memory_space<vmem_shared>>
        tpu.enqueue_dma source(%dma_start3A_155 : memref<3200x64xbf16, #tpu.memory_space<vmem_shared>>) target(%dma_start3A_153 : memref<3200x64xbf16, #tpu.memory_space<hbm>>) target_semaphore(%run_scoped3A : memref<!tpu.dma_semaphore, #tpu.memory_space<semaphore_mem>>)
        %dma_wait3A_156 = arith.constant 64 : i32
        %dma_wait3A_157 = tpu.memref_slice %arg14[%mul3A_151, %dma_wait3A_156] : memref<51200x128xbf16, #tpu.memory_space<hbm>> -> memref<3200x64xbf16, #tpu.memory_space<hbm>>
        %dma_wait3A_158 = arith.constant 0 : i32
        %dma_wait3A_159 = tpu.memref_slice %arg17[%mul3A_149, %dma_wait3A_158] : memref<51200x64xbf16, #tpu.memory_space<vmem_shared>> -> memref<3200x64xbf16, #tpu.memory_space<vmem_shared>>
        tpu.wait_dma2 semaphore(%run_scoped3A : memref<!tpu.dma_semaphore, #tpu.memory_space<semaphore_mem>>) src(%dma_wait3A_159 : memref<3200x64xbf16, #tpu.memory_space<vmem_shared>>) dst(%dma_wait3A_157 : memref<3200x64xbf16, #tpu.memory_space<hbm>>)
        tpu.yield
      }) : () -> ()
    } else {
    }
    %eq3A_7 = arith.constant 0 : i32
    %eq3A_8 = arith.cmpi eq, %arg0, %eq3A_7 : i32
    %convert_element_type3A_9 = arith.extui %eq3A_8 : i1 to i32
    %cond3A_10 = arith.constant 0 : i32
    %cond3A_11 = arith.cmpi ne, %convert_element_type3A_9, %cond3A_10 : i32
    scf.if %cond3A_11 {
      %mul3A = arith.constant 3200 : i32
      %mul3A_27 = arith.muli %arg1, %mul3A : i32
      %add3A = arith.constant 0 : i32
      %add3A_28 = arith.addi %mul3A_27, %add3A : i32
      %dma_start3A = arith.constant 0 : i32
      %dma_start3A_29 = tpu.memref_slice %arg17[%add3A_28, %dma_start3A] : memref<51200x64xbf16, #tpu.memory_space<vmem_shared>> -> memref<800x64xbf16, #tpu.memory_space<vmem_shared>>
      tpu.enqueue_dma source(%arg13 : memref<800x64xbf16, #tpu.memory_space<hbm>>) target(%dma_start3A_29 : memref<800x64xbf16, #tpu.memory_space<vmem_shared>>) target_semaphore(%arg28 : memref<!tpu.dma_semaphore, #tpu.memory_space<semaphore_mem>>)
      %mul3A_30 = arith.constant 3200 : i32
      %mul3A_31 = arith.muli %arg1, %mul3A_30 : i32
      %add3A_32 = arith.constant 800 : i32
      %add3A_33 = arith.addi %mul3A_31, %add3A_32 : i32
      %dma_start3A_34 = arith.constant 0 : i32
      %dma_start3A_35 = tpu.memref_slice %arg17[%add3A_33, %dma_start3A_34] : memref<51200x64xbf16, #tpu.memory_space<vmem_shared>> -> memref<800x64xbf16, #tpu.memory_space<vmem_shared>>
      tpu.enqueue_dma source(%arg13 : memref<800x64xbf16, #tpu.memory_space<hbm>>) target(%dma_start3A_35 : memref<800x64xbf16, #tpu.memory_space<vmem_shared>>) target_semaphore(%arg28 : memref<!tpu.dma_semaphore, #tpu.memory_space<semaphore_mem>>)
      %mul3A_36 = arith.constant 3200 : i32
      %mul3A_37 = arith.muli %arg1, %mul3A_36 : i32
      %add3A_38 = arith.constant 1600 : i32
      %add3A_39 = arith.addi %mul3A_37, %add3A_38 : i32
      %dma_start3A_40 = arith.constant 0 : i32
      %dma_start3A_41 = tpu.memref_slice %arg17[%add3A_39, %dma_start3A_40] : memref<51200x64xbf16, #tpu.memory_space<vmem_shared>> -> memref<800x64xbf16, #tpu.memory_space<vmem_shared>>
      tpu.enqueue_dma source(%arg13 : memref<800x64xbf16, #tpu.memory_space<hbm>>) target(%dma_start3A_41 : memref<800x64xbf16, #tpu.memory_space<vmem_shared>>) target_semaphore(%arg28 : memref<!tpu.dma_semaphore, #tpu.memory_space<semaphore_mem>>)
      %mul3A_42 = arith.constant 3200 : i32
      %mul3A_43 = arith.muli %arg1, %mul3A_42 : i32
      %add3A_44 = arith.constant 2400 : i32
      %add3A_45 = arith.addi %mul3A_43, %add3A_44 : i32
      %dma_start3A_46 = arith.constant 0 : i32
      %dma_start3A_47 = tpu.memref_slice %arg17[%add3A_45, %dma_start3A_46] : memref<51200x64xbf16, #tpu.memory_space<vmem_shared>> -> memref<800x64xbf16, #tpu.memory_space<vmem_shared>>
      tpu.enqueue_dma source(%arg13 : memref<800x64xbf16, #tpu.memory_space<hbm>>) target(%dma_start3A_47 : memref<800x64xbf16, #tpu.memory_space<vmem_shared>>) target_semaphore(%arg28 : memref<!tpu.dma_semaphore, #tpu.memory_space<semaphore_mem>>)
      %mul3A_48 = arith.constant 3200 : i32
      %mul3A_49 = arith.muli %arg1, %mul3A_48 : i32
      %add3A_50 = arith.constant 0 : i32
      %add3A_51 = arith.addi %mul3A_49, %add3A_50 : i32
      %dma_wait3A = arith.constant 0 : i32
      %dma_wait3A_52 = tpu.memref_slice %arg17[%add3A_51, %dma_wait3A] : memref<51200x64xbf16, #tpu.memory_space<vmem_shared>> -> memref<800x64xbf16, #tpu.memory_space<vmem_shared>>
      tpu.wait_dma2 semaphore(%arg28 : memref<!tpu.dma_semaphore, #tpu.memory_space<semaphore_mem>>) src(%arg13 : memref<800x64xbf16, #tpu.memory_space<hbm>>) dst(%dma_wait3A_52 : memref<800x64xbf16, #tpu.memory_space<vmem_shared>>)
      %mul3A_53 = arith.constant 3200 : i32
      %mul3A_54 = arith.muli %arg1, %mul3A_53 : i32
      %add3A_55 = arith.constant 800 : i32
      %add3A_56 = arith.addi %mul3A_54, %add3A_55 : i32
      %dma_wait3A_57 = arith.constant 0 : i32
      %dma_wait3A_58 = tpu.memref_slice %arg17[%add3A_56, %dma_wait3A_57] : memref<51200x64xbf16, #tpu.memory_space<vmem_shared>> -> memref<800x64xbf16, #tpu.memory_space<vmem_shared>>
      tpu.wait_dma2 semaphore(%arg28 : memref<!tpu.dma_semaphore, #tpu.memory_space<semaphore_mem>>) src(%arg13 : memref<800x64xbf16, #tpu.memory_space<hbm>>) dst(%dma_wait3A_58 : memref<800x64xbf16, #tpu.memory_space<vmem_shared>>)
      %mul3A_59 = arith.constant 3200 : i32
      %mul3A_60 = arith.muli %arg1, %mul3A_59 : i32
      %add3A_61 = arith.constant 1600 : i32
      %add3A_62 = arith.addi %mul3A_60, %add3A_61 : i32
      %dma_wait3A_63 = arith.constant 0 : i32
      %dma_wait3A_64 = tpu.memref_slice %arg17[%add3A_62, %dma_wait3A_63] : memref<51200x64xbf16, #tpu.memory_space<vmem_shared>> -> memref<800x64xbf16, #tpu.memory_space<vmem_shared>>
      tpu.wait_dma2 semaphore(%arg28 : memref<!tpu.dma_semaphore, #tpu.memory_space<semaphore_mem>>) src(%arg13 : memref<800x64xbf16, #tpu.memory_space<hbm>>) dst(%dma_wait3A_64 : memref<800x64xbf16, #tpu.memory_space<vmem_shared>>)
      %mul3A_65 = arith.constant 3200 : i32
      %mul3A_66 = arith.muli %arg1, %mul3A_65 : i32
      %add3A_67 = arith.constant 2400 : i32
      %add3A_68 = arith.addi %mul3A_66, %add3A_67 : i32
      %dma_wait3A_69 = arith.constant 0 : i32
      %dma_wait3A_70 = tpu.memref_slice %arg17[%add3A_68, %dma_wait3A_69] : memref<51200x64xbf16, #tpu.memory_space<vmem_shared>> -> memref<800x64xbf16, #tpu.memory_space<vmem_shared>>
      tpu.wait_dma2 semaphore(%arg28 : memref<!tpu.dma_semaphore, #tpu.memory_space<semaphore_mem>>) src(%arg13 : memref<800x64xbf16, #tpu.memory_space<hbm>>) dst(%dma_wait3A_70 : memref<800x64xbf16, #tpu.memory_space<vmem_shared>>)
      %barrier3A = arith.constant 0 : index
      tpu.barrier barrier_id(%barrier3A)
      %mul3A_71 = arith.constant 294 : i32
      %mul3A_72 = arith.muli %arg1, %mul3A_71 : i32
      %add3A_73 = arith.constant 0 : i32
      %add3A_74 = arith.addi %mul3A_72, %add3A_73 : i32
      "tpu.region"() ({
        %run_scoped3A = tpu.sem_alloc : memref<!tpu.dma_semaphore, #tpu.memory_space<semaphore_mem>>
        %dma_start3A_152 = arith.constant 0 : i32
        %dma_start3A_153 = tpu.memref_slice %arg11[%add3A_74, %dma_start3A_152] : memref<4704x128xi32, #tpu.memory_space<hbm>> -> memref<3x128xi32, #tpu.memory_space<hbm>>
        %dma_start3A_154 = arith.constant 0 : i32
        %dma_start3A_155 = tpu.memref_slice %arg11[%add3A_74, %dma_start3A_154] : memref<4704x128xi32, #tpu.memory_space<hbm>> -> memref<3x128xi32, #tpu.memory_space<hbm>>
        tpu.enqueue_dma source(%dma_start3A_155 : memref<3x128xi32, #tpu.memory_space<hbm>>) target(%arg20 : memref<3x128xi32, #tpu.memory_space<vmem>>) target_semaphore(%run_scoped3A : memref<!tpu.dma_semaphore, #tpu.memory_space<semaphore_mem>>)
        %dma_wait3A_156 = arith.constant 0 : i32
        %dma_wait3A_157 = tpu.memref_slice %arg11[%add3A_74, %dma_wait3A_156] : memref<4704x128xi32, #tpu.memory_space<hbm>> -> memref<3x128xi32, #tpu.memory_space<hbm>>
        %dma_wait3A_158 = arith.constant 0 : i32
        %dma_wait3A_159 = tpu.memref_slice %arg11[%add3A_74, %dma_wait3A_158] : memref<4704x128xi32, #tpu.memory_space<hbm>> -> memref<3x128xi32, #tpu.memory_space<hbm>>
        tpu.wait_dma2 semaphore(%run_scoped3A : memref<!tpu.dma_semaphore, #tpu.memory_space<semaphore_mem>>) src(%dma_wait3A_159 : memref<3x128xi32, #tpu.memory_space<hbm>>) dst(%arg20 : memref<3x128xi32, #tpu.memory_space<vmem>>)
        tpu.yield
      }) : () -> ()
      %mul3A_75 = arith.constant 37632 : i32
      %mul3A_76 = arith.muli %arg1, %mul3A_75 : i32
      %add3A_77 = arith.constant 0 : i32
      %add3A_78 = arith.addi %mul3A_76, %add3A_77 : i32
      "tpu.region"() ({
        %run_scoped3A = tpu.sem_alloc : memref<!tpu.dma_semaphore, #tpu.memory_space<semaphore_mem>>
        %dma_start3A_152 = tpu.memref_slice %arg6[%add3A_78] : memref<602112xi32, #tpu.memory_space<hbm>> -> memref<384xi32, #tpu.memory_space<hbm>>
        %dma_start3A_153 = tpu.memref_slice %arg6[%add3A_78] : memref<602112xi32, #tpu.memory_space<hbm>> -> memref<384xi32, #tpu.memory_space<hbm>>
        tpu.enqueue_dma source(%dma_start3A_153 : memref<384xi32, #tpu.memory_space<hbm>>) target(%arg18 : memref<384xi32, #tpu.memory_space<vmem>>) target_semaphore(%run_scoped3A : memref<!tpu.dma_semaphore, #tpu.memory_space<semaphore_mem>>)
        %dma_wait3A_154 = tpu.memref_slice %arg6[%add3A_78] : memref<602112xi32, #tpu.memory_space<hbm>> -> memref<384xi32, #tpu.memory_space<hbm>>
        %dma_wait3A_155 = tpu.memref_slice %arg6[%add3A_78] : memref<602112xi32, #tpu.memory_space<hbm>> -> memref<384xi32, #tpu.memory_space<hbm>>
        tpu.wait_dma2 semaphore(%run_scoped3A : memref<!tpu.dma_semaphore, #tpu.memory_space<semaphore_mem>>) src(%dma_wait3A_155 : memref<384xi32, #tpu.memory_space<hbm>>) dst(%arg18 : memref<384xi32, #tpu.memory_space<vmem>>)
        tpu.yield
      }) : () -> ()
      %dma_start3A_79 = arith.constant 0 : i32
      %dma_start3A_80 = arith.constant 0 : i32
      %dma_start3A_81 = tpu.memref_slice %arg2[%dma_start3A_79, %dma_start3A_80] : memref<100000x64xbf16, #tpu.memory_space<hbm>> -> memref<100000x64xbf16, #tpu.memory_space<hbm>>
      tpu.enqueue_indirect_dma source(%dma_start3A_81 : memref<100000x64xbf16, #tpu.memory_space<hbm>>) target(%arg22 : memref<384x64xbf16, #tpu.memory_space<vmem>>) offsets(%arg18 : memref<384xi32, #tpu.memory_space<vmem>>) semaphore(%arg24 : memref<!tpu.dma_semaphore, #tpu.memory_space<semaphore_mem>>)
      %scan3A = arith.constant 0 : i32
      %scan3A_82 = arith.constant 0 : i32
      %scan3A_83 = arith.constant 49 : i32
      %scan3A_84 = arith.addi %scan3A_82, %scan3A_83 : i32
      %scan3A_85 = arith.constant 1 : i32
      scf.for %scan3A_152 = %scan3A_82 to %scan3A_84 step %scan3A_85  : i32 {
        %mul3A_153 = arith.constant 2 : i32
        %mul3A_154 = arith.muli %scan3A_152, %mul3A_153 : i32
        %gt3A = arith.constant 0 : i32
        %gt3A_155 = arith.cmpi sgt, %scan3A_152, %gt3A : i32
        %convert_element_type3A_156 = arith.extui %gt3A_155 : i1 to i32
        %cond3A_157 = arith.constant 0 : i32
        %cond3A_158 = arith.cmpi ne, %convert_element_type3A_156, %cond3A_157 : i32
        scf.if %cond3A_158 {
          %dma_wait3A_246 = arith.constant 0 : i32
          %dma_wait3A_247 = arith.constant 0 : i32
          %dma_wait3A_248 = arith.constant 0 : i32
          %dma_wait3A_249 = tpu.memref_slice %arg23[%dma_wait3A_247, %dma_wait3A_248] : memref<384x64xbf16, #tpu.memory_space<vmem>> -> memref<128x64xbf16, #tpu.memory_space<vmem>>
          %dma_wait3A_250 = arith.constant 0 : i32
          %dma_wait3A_251 = tpu.memref_slice %arg21[%dma_wait3A_246, %dma_wait3A_250] : memref<3x128xi32, #tpu.memory_space<vmem>> -> memref<1x128xi32, #tpu.memory_space<vmem>>
          %dma_wait3A_252 = tpu.memref_squeeze %dma_wait3A_251 : memref<1x128xi32, #tpu.memory_space<vmem>> -> memref<128xi32, #tpu.memory_space<vmem>>
          %dma_wait3A_253 = arith.constant 0 : i32
          %dma_wait3A_254 = arith.constant 0 : i32
          %dma_wait3A_255 = tpu.memref_slice %arg17[%dma_wait3A_253, %dma_wait3A_254] : memref<51200x64xbf16, #tpu.memory_space<vmem_shared>> -> memref<51200x64xbf16, #tpu.memory_space<vmem_shared>>
          tpu.wait_indirect_dma semaphore(%arg27 : memref<!tpu.dma_semaphore, #tpu.memory_space<semaphore_mem>>) src(%dma_wait3A_249 : memref<128x64xbf16, #tpu.memory_space<vmem>>) dst(%dma_wait3A_255 : memref<51200x64xbf16, #tpu.memory_space<vmem_shared>>)
          %dma_wait3A_256 = arith.constant 1 : i32
          %dma_wait3A_257 = arith.constant 128 : i32
          %dma_wait3A_258 = arith.constant 0 : i32
          %dma_wait3A_259 = tpu.memref_slice %arg23[%dma_wait3A_257, %dma_wait3A_258] : memref<384x64xbf16, #tpu.memory_space<vmem>> -> memref<128x64xbf16, #tpu.memory_space<vmem>>
          %dma_wait3A_260 = arith.constant 0 : i32
          %dma_wait3A_261 = tpu.memref_slice %arg21[%dma_wait3A_256, %dma_wait3A_260] : memref<3x128xi32, #tpu.memory_space<vmem>> -> memref<1x128xi32, #tpu.memory_space<vmem>>
          %dma_wait3A_262 = tpu.memref_squeeze %dma_wait3A_261 : memref<1x128xi32, #tpu.memory_space<vmem>> -> memref<128xi32, #tpu.memory_space<vmem>>
          %dma_wait3A_263 = arith.constant 0 : i32
          %dma_wait3A_264 = arith.constant 0 : i32
          %dma_wait3A_265 = tpu.memref_slice %arg17[%dma_wait3A_263, %dma_wait3A_264] : memref<51200x64xbf16, #tpu.memory_space<vmem_shared>> -> memref<51200x64xbf16, #tpu.memory_space<vmem_shared>>
          tpu.wait_indirect_dma semaphore(%arg27 : memref<!tpu.dma_semaphore, #tpu.memory_space<semaphore_mem>>) src(%dma_wait3A_259 : memref<128x64xbf16, #tpu.memory_space<vmem>>) dst(%dma_wait3A_265 : memref<51200x64xbf16, #tpu.memory_space<vmem_shared>>)
          %dma_wait3A_266 = arith.constant 2 : i32
          %dma_wait3A_267 = arith.constant 256 : i32
          %dma_wait3A_268 = arith.constant 0 : i32
          %dma_wait3A_269 = tpu.memref_slice %arg23[%dma_wait3A_267, %dma_wait3A_268] : memref<384x64xbf16, #tpu.memory_space<vmem>> -> memref<128x64xbf16, #tpu.memory_space<vmem>>
          %dma_wait3A_270 = arith.constant 0 : i32
          %dma_wait3A_271 = tpu.memref_slice %arg21[%dma_wait3A_266, %dma_wait3A_270] : memref<3x128xi32, #tpu.memory_space<vmem>> -> memref<1x128xi32, #tpu.memory_space<vmem>>
          %dma_wait3A_272 = tpu.memref_squeeze %dma_wait3A_271 : memref<1x128xi32, #tpu.memory_space<vmem>> -> memref<128xi32, #tpu.memory_space<vmem>>
          %dma_wait3A_273 = arith.constant 0 : i32
          %dma_wait3A_274 = arith.constant 0 : i32
          %dma_wait3A_275 = tpu.memref_slice %arg17[%dma_wait3A_273, %dma_wait3A_274] : memref<51200x64xbf16, #tpu.memory_space<vmem_shared>> -> memref<51200x64xbf16, #tpu.memory_space<vmem_shared>>
          tpu.wait_indirect_dma semaphore(%arg27 : memref<!tpu.dma_semaphore, #tpu.memory_space<semaphore_mem>>) src(%dma_wait3A_269 : memref<128x64xbf16, #tpu.memory_space<vmem>>) dst(%dma_wait3A_275 : memref<51200x64xbf16, #tpu.memory_space<vmem_shared>>)
        } else {
        }
        %add3A_159 = arith.constant 1 : i32
        %add3A_160 = arith.addi %mul3A_154, %add3A_159 : i32
        %mul3A_161 = arith.constant 294 : i32
        %mul3A_162 = arith.muli %arg1, %mul3A_161 : i32
        %mul3A_163 = arith.constant 3 : i32
        %mul3A_164 = arith.muli %add3A_160, %mul3A_163 : i32
        %add3A_165 = arith.addi %mul3A_162, %mul3A_164 : i32
        "tpu.region"() ({
          %run_scoped3A = tpu.sem_alloc : memref<!tpu.dma_semaphore, #tpu.memory_space<semaphore_mem>>
          %dma_start3A_246 = arith.constant 0 : i32
          %dma_start3A_247 = tpu.memref_slice %arg11[%add3A_165, %dma_start3A_246] : memref<4704x128xi32, #tpu.memory_space<hbm>> -> memref<3x128xi32, #tpu.memory_space<hbm>>
          %dma_start3A_248 = arith.constant 0 : i32
          %dma_start3A_249 = tpu.memref_slice %arg11[%add3A_165, %dma_start3A_248] : memref<4704x128xi32, #tpu.memory_space<hbm>> -> memref<3x128xi32, #tpu.memory_space<hbm>>
          tpu.enqueue_dma source(%dma_start3A_249 : memref<3x128xi32, #tpu.memory_space<hbm>>) target(%arg21 : memref<3x128xi32, #tpu.memory_space<vmem>>) target_semaphore(%run_scoped3A : memref<!tpu.dma_semaphore, #tpu.memory_space<semaphore_mem>>)
          %dma_wait3A_250 = arith.constant 0 : i32
          %dma_wait3A_251 = tpu.memref_slice %arg11[%add3A_165, %dma_wait3A_250] : memref<4704x128xi32, #tpu.memory_space<hbm>> -> memref<3x128xi32, #tpu.memory_space<hbm>>
          %dma_wait3A_252 = arith.constant 0 : i32
          %dma_wait3A_253 = tpu.memref_slice %arg11[%add3A_165, %dma_wait3A_252] : memref<4704x128xi32, #tpu.memory_space<hbm>> -> memref<3x128xi32, #tpu.memory_space<hbm>>
          tpu.wait_dma2 semaphore(%run_scoped3A : memref<!tpu.dma_semaphore, #tpu.memory_space<semaphore_mem>>) src(%dma_wait3A_253 : memref<3x128xi32, #tpu.memory_space<hbm>>) dst(%arg21 : memref<3x128xi32, #tpu.memory_space<vmem>>)
          tpu.yield
        }) : () -> ()
        %mul3A_166 = arith.constant 37632 : i32
        %mul3A_167 = arith.muli %arg1, %mul3A_166 : i32
        %mul3A_168 = arith.constant 384 : i32
        %mul3A_169 = arith.muli %add3A_160, %mul3A_168 : i32
        %add3A_170 = arith.addi %mul3A_167, %mul3A_169 : i32
        "tpu.region"() ({
          %run_scoped3A = tpu.sem_alloc : memref<!tpu.dma_semaphore, #tpu.memory_space<semaphore_mem>>
          %dma_start3A_246 = tpu.memref_slice %arg6[%add3A_170] : memref<602112xi32, #tpu.memory_space<hbm>> -> memref<384xi32, #tpu.memory_space<hbm>>
          %dma_start3A_247 = tpu.memref_slice %arg6[%add3A_170] : memref<602112xi32, #tpu.memory_space<hbm>> -> memref<384xi32, #tpu.memory_space<hbm>>
          tpu.enqueue_dma source(%dma_start3A_247 : memref<384xi32, #tpu.memory_space<hbm>>) target(%arg19 : memref<384xi32, #tpu.memory_space<vmem>>) target_semaphore(%run_scoped3A : memref<!tpu.dma_semaphore, #tpu.memory_space<semaphore_mem>>)
          %dma_wait3A_248 = tpu.memref_slice %arg6[%add3A_170] : memref<602112xi32, #tpu.memory_space<hbm>> -> memref<384xi32, #tpu.memory_space<hbm>>
          %dma_wait3A_249 = tpu.memref_slice %arg6[%add3A_170] : memref<602112xi32, #tpu.memory_space<hbm>> -> memref<384xi32, #tpu.memory_space<hbm>>
          tpu.wait_dma2 semaphore(%run_scoped3A : memref<!tpu.dma_semaphore, #tpu.memory_space<semaphore_mem>>) src(%dma_wait3A_249 : memref<384xi32, #tpu.memory_space<hbm>>) dst(%arg19 : memref<384xi32, #tpu.memory_space<vmem>>)
          tpu.yield
        }) : () -> ()
        %dma_start3A_171 = arith.constant 0 : i32
        %dma_start3A_172 = arith.constant 0 : i32
        %dma_start3A_173 = tpu.memref_slice %arg2[%dma_start3A_171, %dma_start3A_172] : memref<100000x64xbf16, #tpu.memory_space<hbm>> -> memref<100000x64xbf16, #tpu.memory_space<hbm>>
        tpu.enqueue_indirect_dma source(%dma_start3A_173 : memref<100000x64xbf16, #tpu.memory_space<hbm>>) target(%arg23 : memref<384x64xbf16, #tpu.memory_space<vmem>>) offsets(%arg19 : memref<384xi32, #tpu.memory_space<vmem>>) semaphore(%arg25 : memref<!tpu.dma_semaphore, #tpu.memory_space<semaphore_mem>>)
        %dma_wait3A_174 = arith.constant 0 : i32
        %dma_wait3A_175 = arith.constant 0 : i32
        %dma_wait3A_176 = tpu.memref_slice %arg2[%dma_wait3A_174, %dma_wait3A_175] : memref<100000x64xbf16, #tpu.memory_space<hbm>> -> memref<100000x64xbf16, #tpu.memory_space<hbm>>
        tpu.wait_indirect_dma semaphore(%arg24 : memref<!tpu.dma_semaphore, #tpu.memory_space<semaphore_mem>>) src(%dma_wait3A_176 : memref<100000x64xbf16, #tpu.memory_space<hbm>>) dst(%arg22 : memref<384x64xbf16, #tpu.memory_space<vmem>>)
        %dma_start3A_177 = arith.constant 0 : i32
        %dma_start3A_178 = arith.constant 0 : i32
        %dma_start3A_179 = arith.constant 0 : i32
        %dma_start3A_180 = tpu.memref_slice %arg22[%dma_start3A_178, %dma_start3A_179] : memref<384x64xbf16, #tpu.memory_space<vmem>> -> memref<128x64xbf16, #tpu.memory_space<vmem>>
        %dma_start3A_181 = arith.constant 0 : i32
        %dma_start3A_182 = tpu.memref_slice %arg20[%dma_start3A_177, %dma_start3A_181] : memref<3x128xi32, #tpu.memory_space<vmem>> -> memref<1x128xi32, #tpu.memory_space<vmem>>
        %dma_start3A_183 = tpu.memref_squeeze %dma_start3A_182 : memref<1x128xi32, #tpu.memory_space<vmem>> -> memref<128xi32, #tpu.memory_space<vmem>>
        %dma_start3A_184 = arith.constant 0 : i32
        %dma_start3A_185 = arith.constant 0 : i32
        %dma_start3A_186 = tpu.memref_slice %arg17[%dma_start3A_184, %dma_start3A_185] : memref<51200x64xbf16, #tpu.memory_space<vmem_shared>> -> memref<51200x64xbf16, #tpu.memory_space<vmem_shared>>
        tpu.enqueue_indirect_dma source(%dma_start3A_180 : memref<128x64xbf16, #tpu.memory_space<vmem>>) target(%dma_start3A_186 : memref<51200x64xbf16, #tpu.memory_space<vmem_shared>>) offsets(%dma_start3A_183 : memref<128xi32, #tpu.memory_space<vmem>>) semaphore(%arg26 : memref<!tpu.dma_semaphore, #tpu.memory_space<semaphore_mem>>) {add = true}
        %dma_start3A_187 = arith.constant 1 : i32
        %dma_start3A_188 = arith.constant 128 : i32
        %dma_start3A_189 = arith.constant 0 : i32
        %dma_start3A_190 = tpu.memref_slice %arg22[%dma_start3A_188, %dma_start3A_189] : memref<384x64xbf16, #tpu.memory_space<vmem>> -> memref<128x64xbf16, #tpu.memory_space<vmem>>
        %dma_start3A_191 = arith.constant 0 : i32
        %dma_start3A_192 = tpu.memref_slice %arg20[%dma_start3A_187, %dma_start3A_191] : memref<3x128xi32, #tpu.memory_space<vmem>> -> memref<1x128xi32, #tpu.memory_space<vmem>>
        %dma_start3A_193 = tpu.memref_squeeze %dma_start3A_192 : memref<1x128xi32, #tpu.memory_space<vmem>> -> memref<128xi32, #tpu.memory_space<vmem>>
        %dma_start3A_194 = arith.constant 0 : i32
        %dma_start3A_195 = arith.constant 0 : i32
        %dma_start3A_196 = tpu.memref_slice %arg17[%dma_start3A_194, %dma_start3A_195] : memref<51200x64xbf16, #tpu.memory_space<vmem_shared>> -> memref<51200x64xbf16, #tpu.memory_space<vmem_shared>>
        tpu.enqueue_indirect_dma source(%dma_start3A_190 : memref<128x64xbf16, #tpu.memory_space<vmem>>) target(%dma_start3A_196 : memref<51200x64xbf16, #tpu.memory_space<vmem_shared>>) offsets(%dma_start3A_193 : memref<128xi32, #tpu.memory_space<vmem>>) semaphore(%arg26 : memref<!tpu.dma_semaphore, #tpu.memory_space<semaphore_mem>>) {add = true}
        %dma_start3A_197 = arith.constant 2 : i32
        %dma_start3A_198 = arith.constant 256 : i32
        %dma_start3A_199 = arith.constant 0 : i32
        %dma_start3A_200 = tpu.memref_slice %arg22[%dma_start3A_198, %dma_start3A_199] : memref<384x64xbf16, #tpu.memory_space<vmem>> -> memref<128x64xbf16, #tpu.memory_space<vmem>>
        %dma_start3A_201 = arith.constant 0 : i32
        %dma_start3A_202 = tpu.memref_slice %arg20[%dma_start3A_197, %dma_start3A_201] : memref<3x128xi32, #tpu.memory_space<vmem>> -> memref<1x128xi32, #tpu.memory_space<vmem>>
        %dma_start3A_203 = tpu.memref_squeeze %dma_start3A_202 : memref<1x128xi32, #tpu.memory_space<vmem>> -> memref<128xi32, #tpu.memory_space<vmem>>
        %dma_start3A_204 = arith.constant 0 : i32
        %dma_start3A_205 = arith.constant 0 : i32
        %dma_start3A_206 = tpu.memref_slice %arg17[%dma_start3A_204, %dma_start3A_205] : memref<51200x64xbf16, #tpu.memory_space<vmem_shared>> -> memref<51200x64xbf16, #tpu.memory_space<vmem_shared>>
        tpu.enqueue_indirect_dma source(%dma_start3A_200 : memref<128x64xbf16, #tpu.memory_space<vmem>>) target(%dma_start3A_206 : memref<51200x64xbf16, #tpu.memory_space<vmem_shared>>) offsets(%dma_start3A_203 : memref<128xi32, #tpu.memory_space<vmem>>) semaphore(%arg26 : memref<!tpu.dma_semaphore, #tpu.memory_space<semaphore_mem>>) {add = true}
        %dma_wait3A_207 = arith.constant 0 : i32
        %dma_wait3A_208 = arith.constant 0 : i32
        %dma_wait3A_209 = tpu.memref_slice %arg2[%dma_wait3A_207, %dma_wait3A_208] : memref<100000x64xbf16, #tpu.memory_space<hbm>> -> memref<100000x64xbf16, #tpu.memory_space<hbm>>
        tpu.wait_indirect_dma semaphore(%arg25 : memref<!tpu.dma_semaphore, #tpu.memory_space<semaphore_mem>>) src(%dma_wait3A_209 : memref<100000x64xbf16, #tpu.memory_space<hbm>>) dst(%arg23 : memref<384x64xbf16, #tpu.memory_space<vmem>>)
        %dma_start3A_210 = arith.constant 0 : i32
        %dma_start3A_211 = arith.constant 0 : i32
        %dma_start3A_212 = arith.constant 0 : i32
        %dma_start3A_213 = tpu.memref_slice %arg23[%dma_start3A_211, %dma_start3A_212] : memref<384x64xbf16, #tpu.memory_space<vmem>> -> memref<128x64xbf16, #tpu.memory_space<vmem>>
        %dma_start3A_214 = arith.constant 0 : i32
        %dma_start3A_215 = tpu.memref_slice %arg21[%dma_start3A_210, %dma_start3A_214] : memref<3x128xi32, #tpu.memory_space<vmem>> -> memref<1x128xi32, #tpu.memory_space<vmem>>
        %dma_start3A_216 = tpu.memref_squeeze %dma_start3A_215 : memref<1x128xi32, #tpu.memory_space<vmem>> -> memref<128xi32, #tpu.memory_space<vmem>>
        %dma_start3A_217 = arith.constant 0 : i32
        %dma_start3A_218 = arith.constant 0 : i32
        %dma_start3A_219 = tpu.memref_slice %arg17[%dma_start3A_217, %dma_start3A_218] : memref<51200x64xbf16, #tpu.memory_space<vmem_shared>> -> memref<51200x64xbf16, #tpu.memory_space<vmem_shared>>
        tpu.enqueue_indirect_dma source(%dma_start3A_213 : memref<128x64xbf16, #tpu.memory_space<vmem>>) target(%dma_start3A_219 : memref<51200x64xbf16, #tpu.memory_space<vmem_shared>>) offsets(%dma_start3A_216 : memref<128xi32, #tpu.memory_space<vmem>>) semaphore(%arg27 : memref<!tpu.dma_semaphore, #tpu.memory_space<semaphore_mem>>) {add = true}
        %dma_start3A_220 = arith.constant 1 : i32
        %dma_start3A_221 = arith.constant 128 : i32
        %dma_start3A_222 = arith.constant 0 : i32
        %dma_start3A_223 = tpu.memref_slice %arg23[%dma_start3A_221, %dma_start3A_222] : memref<384x64xbf16, #tpu.memory_space<vmem>> -> memref<128x64xbf16, #tpu.memory_space<vmem>>
        %dma_start3A_224 = arith.constant 0 : i32
        %dma_start3A_225 = tpu.memref_slice %arg21[%dma_start3A_220, %dma_start3A_224] : memref<3x128xi32, #tpu.memory_space<vmem>> -> memref<1x128xi32, #tpu.memory_space<vmem>>
        %dma_start3A_226 = tpu.memref_squeeze %dma_start3A_225 : memref<1x128xi32, #tpu.memory_space<vmem>> -> memref<128xi32, #tpu.memory_space<vmem>>
        %dma_start3A_227 = arith.constant 0 : i32
        %dma_start3A_228 = arith.constant 0 : i32
        %dma_start3A_229 = tpu.memref_slice %arg17[%dma_start3A_227, %dma_start3A_228] : memref<51200x64xbf16, #tpu.memory_space<vmem_shared>> -> memref<51200x64xbf16, #tpu.memory_space<vmem_shared>>
        tpu.enqueue_indirect_dma source(%dma_start3A_223 : memref<128x64xbf16, #tpu.memory_space<vmem>>) target(%dma_start3A_229 : memref<51200x64xbf16, #tpu.memory_space<vmem_shared>>) offsets(%dma_start3A_226 : memref<128xi32, #tpu.memory_space<vmem>>) semaphore(%arg27 : memref<!tpu.dma_semaphore, #tpu.memory_space<semaphore_mem>>) {add = true}
        %dma_start3A_230 = arith.constant 2 : i32
        %dma_start3A_231 = arith.constant 256 : i32
        %dma_start3A_232 = arith.constant 0 : i32
        %dma_start3A_233 = tpu.memref_slice %arg23[%dma_start3A_231, %dma_start3A_232] : memref<384x64xbf16, #tpu.memory_space<vmem>> -> memref<128x64xbf16, #tpu.memory_space<vmem>>
        %dma_start3A_234 = arith.constant 0 : i32
        %dma_start3A_235 = tpu.memref_slice %arg21[%dma_start3A_230, %dma_start3A_234] : memref<3x128xi32, #tpu.memory_space<vmem>> -> memref<1x128xi32, #tpu.memory_space<vmem>>
        %dma_start3A_236 = tpu.memref_squeeze %dma_start3A_235 : memref<1x128xi32, #tpu.memory_space<vmem>> -> memref<128xi32, #tpu.memory_space<vmem>>
        %dma_start3A_237 = arith.constant 0 : i32
        %dma_start3A_238 = arith.constant 0 : i32
        %dma_start3A_239 = tpu.memref_slice %arg17[%dma_start3A_237, %dma_start3A_238] : memref<51200x64xbf16, #tpu.memory_space<vmem_shared>> -> memref<51200x64xbf16, #tpu.memory_space<vmem_shared>>
        tpu.enqueue_indirect_dma source(%dma_start3A_233 : memref<128x64xbf16, #tpu.memory_space<vmem>>) target(%dma_start3A_239 : memref<51200x64xbf16, #tpu.memory_space<vmem_shared>>) offsets(%dma_start3A_236 : memref<128xi32, #tpu.memory_space<vmem>>) semaphore(%arg27 : memref<!tpu.dma_semaphore, #tpu.memory_space<semaphore_mem>>) {add = true}
        %add3A_240 = arith.constant 1 : i32
        %add3A_241 = arith.addi %scan3A_152, %add3A_240 : i32
        %lt3A = arith.constant 49 : i32
        %lt3A_242 = arith.cmpi slt, %add3A_241, %lt3A : i32
        %convert_element_type3A_243 = arith.extui %lt3A_242 : i1 to i32
        %cond3A_244 = arith.constant 0 : i32
        %cond3A_245 = arith.cmpi ne, %convert_element_type3A_243, %cond3A_244 : i32
        scf.if %cond3A_245 {
          %dma_wait3A_246 = arith.constant 0 : i32
          %dma_wait3A_247 = arith.constant 0 : i32
          %dma_wait3A_248 = arith.constant 0 : i32
          %dma_wait3A_249 = tpu.memref_slice %arg22[%dma_wait3A_247, %dma_wait3A_248] : memref<384x64xbf16, #tpu.memory_space<vmem>> -> memref<128x64xbf16, #tpu.memory_space<vmem>>
          %dma_wait3A_250 = arith.constant 0 : i32
          %dma_wait3A_251 = tpu.memref_slice %arg20[%dma_wait3A_246, %dma_wait3A_250] : memref<3x128xi32, #tpu.memory_space<vmem>> -> memref<1x128xi32, #tpu.memory_space<vmem>>
          %dma_wait3A_252 = tpu.memref_squeeze %dma_wait3A_251 : memref<1x128xi32, #tpu.memory_space<vmem>> -> memref<128xi32, #tpu.memory_space<vmem>>
          %dma_wait3A_253 = arith.constant 0 : i32
          %dma_wait3A_254 = arith.constant 0 : i32
          %dma_wait3A_255 = tpu.memref_slice %arg17[%dma_wait3A_253, %dma_wait3A_254] : memref<51200x64xbf16, #tpu.memory_space<vmem_shared>> -> memref<51200x64xbf16, #tpu.memory_space<vmem_shared>>
          tpu.wait_indirect_dma semaphore(%arg26 : memref<!tpu.dma_semaphore, #tpu.memory_space<semaphore_mem>>) src(%dma_wait3A_249 : memref<128x64xbf16, #tpu.memory_space<vmem>>) dst(%dma_wait3A_255 : memref<51200x64xbf16, #tpu.memory_space<vmem_shared>>)
          %dma_wait3A_256 = arith.constant 1 : i32
          %dma_wait3A_257 = arith.constant 128 : i32
          %dma_wait3A_258 = arith.constant 0 : i32
          %dma_wait3A_259 = tpu.memref_slice %arg22[%dma_wait3A_257, %dma_wait3A_258] : memref<384x64xbf16, #tpu.memory_space<vmem>> -> memref<128x64xbf16, #tpu.memory_space<vmem>>
          %dma_wait3A_260 = arith.constant 0 : i32
          %dma_wait3A_261 = tpu.memref_slice %arg20[%dma_wait3A_256, %dma_wait3A_260] : memref<3x128xi32, #tpu.memory_space<vmem>> -> memref<1x128xi32, #tpu.memory_space<vmem>>
          %dma_wait3A_262 = tpu.memref_squeeze %dma_wait3A_261 : memref<1x128xi32, #tpu.memory_space<vmem>> -> memref<128xi32, #tpu.memory_space<vmem>>
          %dma_wait3A_263 = arith.constant 0 : i32
          %dma_wait3A_264 = arith.constant 0 : i32
          %dma_wait3A_265 = tpu.memref_slice %arg17[%dma_wait3A_263, %dma_wait3A_264] : memref<51200x64xbf16, #tpu.memory_space<vmem_shared>> -> memref<51200x64xbf16, #tpu.memory_space<vmem_shared>>
          tpu.wait_indirect_dma semaphore(%arg26 : memref<!tpu.dma_semaphore, #tpu.memory_space<semaphore_mem>>) src(%dma_wait3A_259 : memref<128x64xbf16, #tpu.memory_space<vmem>>) dst(%dma_wait3A_265 : memref<51200x64xbf16, #tpu.memory_space<vmem_shared>>)
          %dma_wait3A_266 = arith.constant 2 : i32
          %dma_wait3A_267 = arith.constant 256 : i32
          %dma_wait3A_268 = arith.constant 0 : i32
          %dma_wait3A_269 = tpu.memref_slice %arg22[%dma_wait3A_267, %dma_wait3A_268] : memref<384x64xbf16, #tpu.memory_space<vmem>> -> memref<128x64xbf16, #tpu.memory_space<vmem>>
          %dma_wait3A_270 = arith.constant 0 : i32
          %dma_wait3A_271 = tpu.memref_slice %arg20[%dma_wait3A_266, %dma_wait3A_270] : memref<3x128xi32, #tpu.memory_space<vmem>> -> memref<1x128xi32, #tpu.memory_space<vmem>>
          %dma_wait3A_272 = tpu.memref_squeeze %dma_wait3A_271 : memref<1x128xi32, #tpu.memory_space<vmem>> -> memref<128xi32, #tpu.memory_space<vmem>>
          %dma_wait3A_273 = arith.constant 0 : i32
          %dma_wait3A_274 = arith.constant 0 : i32
          %dma_wait3A_275 = tpu.memref_slice %arg17[%dma_wait3A_273, %dma_wait3A_274] : memref<51200x64xbf16, #tpu.memory_space<vmem_shared>> -> memref<51200x64xbf16, #tpu.memory_space<vmem_shared>>
          tpu.wait_indirect_dma semaphore(%arg26 : memref<!tpu.dma_semaphore, #tpu.memory_space<semaphore_mem>>) src(%dma_wait3A_269 : memref<128x64xbf16, #tpu.memory_space<vmem>>) dst(%dma_wait3A_275 : memref<51200x64xbf16, #tpu.memory_space<vmem_shared>>)
          %add3A_276 = arith.constant 2 : i32
          %add3A_277 = arith.addi %mul3A_154, %add3A_276 : i32
          %mul3A_278 = arith.constant 294 : i32
          %mul3A_279 = arith.muli %arg1, %mul3A_278 : i32
          %mul3A_280 = arith.constant 3 : i32
          %mul3A_281 = arith.muli %add3A_277, %mul3A_280 : i32
          %add3A_282 = arith.addi %mul3A_279, %mul3A_281 : i32
          "tpu.region"() ({
            %run_scoped3A = tpu.sem_alloc : memref<!tpu.dma_semaphore, #tpu.memory_space<semaphore_mem>>
            %dma_start3A_291 = arith.constant 0 : i32
            %dma_start3A_292 = tpu.memref_slice %arg11[%add3A_282, %dma_start3A_291] : memref<4704x128xi32, #tpu.memory_space<hbm>> -> memref<3x128xi32, #tpu.memory_space<hbm>>
            %dma_start3A_293 = arith.constant 0 : i32
            %dma_start3A_294 = tpu.memref_slice %arg11[%add3A_282, %dma_start3A_293] : memref<4704x128xi32, #tpu.memory_space<hbm>> -> memref<3x128xi32, #tpu.memory_space<hbm>>
            tpu.enqueue_dma source(%dma_start3A_294 : memref<3x128xi32, #tpu.memory_space<hbm>>) target(%arg20 : memref<3x128xi32, #tpu.memory_space<vmem>>) target_semaphore(%run_scoped3A : memref<!tpu.dma_semaphore, #tpu.memory_space<semaphore_mem>>)
            %dma_wait3A_295 = arith.constant 0 : i32
            %dma_wait3A_296 = tpu.memref_slice %arg11[%add3A_282, %dma_wait3A_295] : memref<4704x128xi32, #tpu.memory_space<hbm>> -> memref<3x128xi32, #tpu.memory_space<hbm>>
            %dma_wait3A_297 = arith.constant 0 : i32
            %dma_wait3A_298 = tpu.memref_slice %arg11[%add3A_282, %dma_wait3A_297] : memref<4704x128xi32, #tpu.memory_space<hbm>> -> memref<3x128xi32, #tpu.memory_space<hbm>>
            tpu.wait_dma2 semaphore(%run_scoped3A : memref<!tpu.dma_semaphore, #tpu.memory_space<semaphore_mem>>) src(%dma_wait3A_298 : memref<3x128xi32, #tpu.memory_space<hbm>>) dst(%arg20 : memref<3x128xi32, #tpu.memory_space<vmem>>)
            tpu.yield
          }) : () -> ()
          %mul3A_283 = arith.constant 37632 : i32
          %mul3A_284 = arith.muli %arg1, %mul3A_283 : i32
          %mul3A_285 = arith.constant 384 : i32
          %mul3A_286 = arith.muli %add3A_277, %mul3A_285 : i32
          %add3A_287 = arith.addi %mul3A_284, %mul3A_286 : i32
          "tpu.region"() ({
            %run_scoped3A = tpu.sem_alloc : memref<!tpu.dma_semaphore, #tpu.memory_space<semaphore_mem>>
            %dma_start3A_291 = tpu.memref_slice %arg6[%add3A_287] : memref<602112xi32, #tpu.memory_space<hbm>> -> memref<384xi32, #tpu.memory_space<hbm>>
            %dma_start3A_292 = tpu.memref_slice %arg6[%add3A_287] : memref<602112xi32, #tpu.memory_space<hbm>> -> memref<384xi32, #tpu.memory_space<hbm>>
            tpu.enqueue_dma source(%dma_start3A_292 : memref<384xi32, #tpu.memory_space<hbm>>) target(%arg18 : memref<384xi32, #tpu.memory_space<vmem>>) target_semaphore(%run_scoped3A : memref<!tpu.dma_semaphore, #tpu.memory_space<semaphore_mem>>)
            %dma_wait3A_293 = tpu.memref_slice %arg6[%add3A_287] : memref<602112xi32, #tpu.memory_space<hbm>> -> memref<384xi32, #tpu.memory_space<hbm>>
            %dma_wait3A_294 = tpu.memref_slice %arg6[%add3A_287] : memref<602112xi32, #tpu.memory_space<hbm>> -> memref<384xi32, #tpu.memory_space<hbm>>
            tpu.wait_dma2 semaphore(%run_scoped3A : memref<!tpu.dma_semaphore, #tpu.memory_space<semaphore_mem>>) src(%dma_wait3A_294 : memref<384xi32, #tpu.memory_space<hbm>>) dst(%arg18 : memref<384xi32, #tpu.memory_space<vmem>>)
            tpu.yield
          }) : () -> ()
          %dma_start3A_288 = arith.constant 0 : i32
          %dma_start3A_289 = arith.constant 0 : i32
          %dma_start3A_290 = tpu.memref_slice %arg2[%dma_start3A_288, %dma_start3A_289] : memref<100000x64xbf16, #tpu.memory_space<hbm>> -> memref<100000x64xbf16, #tpu.memory_space<hbm>>
          tpu.enqueue_indirect_dma source(%dma_start3A_290 : memref<100000x64xbf16, #tpu.memory_space<hbm>>) target(%arg22 : memref<384x64xbf16, #tpu.memory_space<vmem>>) offsets(%arg18 : memref<384xi32, #tpu.memory_space<vmem>>) semaphore(%arg24 : memref<!tpu.dma_semaphore, #tpu.memory_space<semaphore_mem>>)
        } else {
        }
      }
      %scan3A_86 = arith.constant 49 : i32
      %dma_wait3A_87 = arith.constant 0 : i32
      %dma_wait3A_88 = arith.constant 0 : i32
      %dma_wait3A_89 = arith.constant 0 : i32
      %dma_wait3A_90 = tpu.memref_slice %arg22[%dma_wait3A_88, %dma_wait3A_89] : memref<384x64xbf16, #tpu.memory_space<vmem>> -> memref<128x64xbf16, #tpu.memory_space<vmem>>
      %dma_wait3A_91 = arith.constant 0 : i32
      %dma_wait3A_92 = tpu.memref_slice %arg20[%dma_wait3A_87, %dma_wait3A_91] : memref<3x128xi32, #tpu.memory_space<vmem>> -> memref<1x128xi32, #tpu.memory_space<vmem>>
      %dma_wait3A_93 = tpu.memref_squeeze %dma_wait3A_92 : memref<1x128xi32, #tpu.memory_space<vmem>> -> memref<128xi32, #tpu.memory_space<vmem>>
      %dma_wait3A_94 = arith.constant 0 : i32
      %dma_wait3A_95 = arith.constant 0 : i32
      %dma_wait3A_96 = tpu.memref_slice %arg17[%dma_wait3A_94, %dma_wait3A_95] : memref<51200x64xbf16, #tpu.memory_space<vmem_shared>> -> memref<51200x64xbf16, #tpu.memory_space<vmem_shared>>
      tpu.wait_indirect_dma semaphore(%arg26 : memref<!tpu.dma_semaphore, #tpu.memory_space<semaphore_mem>>) src(%dma_wait3A_90 : memref<128x64xbf16, #tpu.memory_space<vmem>>) dst(%dma_wait3A_96 : memref<51200x64xbf16, #tpu.memory_space<vmem_shared>>)
      %dma_wait3A_97 = arith.constant 1 : i32
      %dma_wait3A_98 = arith.constant 128 : i32
      %dma_wait3A_99 = arith.constant 0 : i32
      %dma_wait3A_100 = tpu.memref_slice %arg22[%dma_wait3A_98, %dma_wait3A_99] : memref<384x64xbf16, #tpu.memory_space<vmem>> -> memref<128x64xbf16, #tpu.memory_space<vmem>>
      %dma_wait3A_101 = arith.constant 0 : i32
      %dma_wait3A_102 = tpu.memref_slice %arg20[%dma_wait3A_97, %dma_wait3A_101] : memref<3x128xi32, #tpu.memory_space<vmem>> -> memref<1x128xi32, #tpu.memory_space<vmem>>
      %dma_wait3A_103 = tpu.memref_squeeze %dma_wait3A_102 : memref<1x128xi32, #tpu.memory_space<vmem>> -> memref<128xi32, #tpu.memory_space<vmem>>
      %dma_wait3A_104 = arith.constant 0 : i32
      %dma_wait3A_105 = arith.constant 0 : i32
      %dma_wait3A_106 = tpu.memref_slice %arg17[%dma_wait3A_104, %dma_wait3A_105] : memref<51200x64xbf16, #tpu.memory_space<vmem_shared>> -> memref<51200x64xbf16, #tpu.memory_space<vmem_shared>>
      tpu.wait_indirect_dma semaphore(%arg26 : memref<!tpu.dma_semaphore, #tpu.memory_space<semaphore_mem>>) src(%dma_wait3A_100 : memref<128x64xbf16, #tpu.memory_space<vmem>>) dst(%dma_wait3A_106 : memref<51200x64xbf16, #tpu.memory_space<vmem_shared>>)
      %dma_wait3A_107 = arith.constant 2 : i32
      %dma_wait3A_108 = arith.constant 256 : i32
      %dma_wait3A_109 = arith.constant 0 : i32
      %dma_wait3A_110 = tpu.memref_slice %arg22[%dma_wait3A_108, %dma_wait3A_109] : memref<384x64xbf16, #tpu.memory_space<vmem>> -> memref<128x64xbf16, #tpu.memory_space<vmem>>
      %dma_wait3A_111 = arith.constant 0 : i32
      %dma_wait3A_112 = tpu.memref_slice %arg20[%dma_wait3A_107, %dma_wait3A_111] : memref<3x128xi32, #tpu.memory_space<vmem>> -> memref<1x128xi32, #tpu.memory_space<vmem>>
      %dma_wait3A_113 = tpu.memref_squeeze %dma_wait3A_112 : memref<1x128xi32, #tpu.memory_space<vmem>> -> memref<128xi32, #tpu.memory_space<vmem>>
      %dma_wait3A_114 = arith.constant 0 : i32
      %dma_wait3A_115 = arith.constant 0 : i32
      %dma_wait3A_116 = tpu.memref_slice %arg17[%dma_wait3A_114, %dma_wait3A_115] : memref<51200x64xbf16, #tpu.memory_space<vmem_shared>> -> memref<51200x64xbf16, #tpu.memory_space<vmem_shared>>
      tpu.wait_indirect_dma semaphore(%arg26 : memref<!tpu.dma_semaphore, #tpu.memory_space<semaphore_mem>>) src(%dma_wait3A_110 : memref<128x64xbf16, #tpu.memory_space<vmem>>) dst(%dma_wait3A_116 : memref<51200x64xbf16, #tpu.memory_space<vmem_shared>>)
      %dma_wait3A_117 = arith.constant 0 : i32
      %dma_wait3A_118 = arith.constant 0 : i32
      %dma_wait3A_119 = arith.constant 0 : i32
      %dma_wait3A_120 = tpu.memref_slice %arg23[%dma_wait3A_118, %dma_wait3A_119] : memref<384x64xbf16, #tpu.memory_space<vmem>> -> memref<128x64xbf16, #tpu.memory_space<vmem>>
      %dma_wait3A_121 = arith.constant 0 : i32
      %dma_wait3A_122 = tpu.memref_slice %arg21[%dma_wait3A_117, %dma_wait3A_121] : memref<3x128xi32, #tpu.memory_space<vmem>> -> memref<1x128xi32, #tpu.memory_space<vmem>>
      %dma_wait3A_123 = tpu.memref_squeeze %dma_wait3A_122 : memref<1x128xi32, #tpu.memory_space<vmem>> -> memref<128xi32, #tpu.memory_space<vmem>>
      %dma_wait3A_124 = arith.constant 0 : i32
      %dma_wait3A_125 = arith.constant 0 : i32
      %dma_wait3A_126 = tpu.memref_slice %arg17[%dma_wait3A_124, %dma_wait3A_125] : memref<51200x64xbf16, #tpu.memory_space<vmem_shared>> -> memref<51200x64xbf16, #tpu.memory_space<vmem_shared>>
      tpu.wait_indirect_dma semaphore(%arg27 : memref<!tpu.dma_semaphore, #tpu.memory_space<semaphore_mem>>) src(%dma_wait3A_120 : memref<128x64xbf16, #tpu.memory_space<vmem>>) dst(%dma_wait3A_126 : memref<51200x64xbf16, #tpu.memory_space<vmem_shared>>)
      %dma_wait3A_127 = arith.constant 1 : i32
      %dma_wait3A_128 = arith.constant 128 : i32
      %dma_wait3A_129 = arith.constant 0 : i32
      %dma_wait3A_130 = tpu.memref_slice %arg23[%dma_wait3A_128, %dma_wait3A_129] : memref<384x64xbf16, #tpu.memory_space<vmem>> -> memref<128x64xbf16, #tpu.memory_space<vmem>>
      %dma_wait3A_131 = arith.constant 0 : i32
      %dma_wait3A_132 = tpu.memref_slice %arg21[%dma_wait3A_127, %dma_wait3A_131] : memref<3x128xi32, #tpu.memory_space<vmem>> -> memref<1x128xi32, #tpu.memory_space<vmem>>
      %dma_wait3A_133 = tpu.memref_squeeze %dma_wait3A_132 : memref<1x128xi32, #tpu.memory_space<vmem>> -> memref<128xi32, #tpu.memory_space<vmem>>
      %dma_wait3A_134 = arith.constant 0 : i32
      %dma_wait3A_135 = arith.constant 0 : i32
      %dma_wait3A_136 = tpu.memref_slice %arg17[%dma_wait3A_134, %dma_wait3A_135] : memref<51200x64xbf16, #tpu.memory_space<vmem_shared>> -> memref<51200x64xbf16, #tpu.memory_space<vmem_shared>>
      tpu.wait_indirect_dma semaphore(%arg27 : memref<!tpu.dma_semaphore, #tpu.memory_space<semaphore_mem>>) src(%dma_wait3A_130 : memref<128x64xbf16, #tpu.memory_space<vmem>>) dst(%dma_wait3A_136 : memref<51200x64xbf16, #tpu.memory_space<vmem_shared>>)
      %dma_wait3A_137 = arith.constant 2 : i32
      %dma_wait3A_138 = arith.constant 256 : i32
      %dma_wait3A_139 = arith.constant 0 : i32
      %dma_wait3A_140 = tpu.memref_slice %arg23[%dma_wait3A_138, %dma_wait3A_139] : memref<384x64xbf16, #tpu.memory_space<vmem>> -> memref<128x64xbf16, #tpu.memory_space<vmem>>
      %dma_wait3A_141 = arith.constant 0 : i32
      %dma_wait3A_142 = tpu.memref_slice %arg21[%dma_wait3A_137, %dma_wait3A_141] : memref<3x128xi32, #tpu.memory_space<vmem>> -> memref<1x128xi32, #tpu.memory_space<vmem>>
      %dma_wait3A_143 = tpu.memref_squeeze %dma_wait3A_142 : memref<1x128xi32, #tpu.memory_space<vmem>> -> memref<128xi32, #tpu.memory_space<vmem>>
      %dma_wait3A_144 = arith.constant 0 : i32
      %dma_wait3A_145 = arith.constant 0 : i32
      %dma_wait3A_146 = tpu.memref_slice %arg17[%dma_wait3A_144, %dma_wait3A_145] : memref<51200x64xbf16, #tpu.memory_space<vmem_shared>> -> memref<51200x64xbf16, #tpu.memory_space<vmem_shared>>
      tpu.wait_indirect_dma semaphore(%arg27 : memref<!tpu.dma_semaphore, #tpu.memory_space<semaphore_mem>>) src(%dma_wait3A_140 : memref<128x64xbf16, #tpu.memory_space<vmem>>) dst(%dma_wait3A_146 : memref<51200x64xbf16, #tpu.memory_space<vmem_shared>>)
      %barrier3A_147 = arith.constant 0 : index
      tpu.barrier barrier_id(%barrier3A_147)
      %mul3A_148 = arith.constant 3200 : i32
      %mul3A_149 = arith.muli %arg1, %mul3A_148 : i32
      %mul3A_150 = arith.constant 3200 : i32
      %mul3A_151 = arith.muli %arg1, %mul3A_150 : i32
      "tpu.region"() ({
        %run_scoped3A = tpu.sem_alloc : memref<!tpu.dma_semaphore, #tpu.memory_space<semaphore_mem>>
        %dma_start3A_152 = arith.constant 0 : i32
        %dma_start3A_153 = tpu.memref_slice %arg15[%mul3A_151, %dma_start3A_152] : memref<51200x128xbf16, #tpu.memory_space<hbm>> -> memref<3200x64xbf16, #tpu.memory_space<hbm>>
        %dma_start3A_154 = arith.constant 0 : i32
        %dma_start3A_155 = tpu.memref_slice %arg17[%mul3A_149, %dma_start3A_154] : memref<51200x64xbf16, #tpu.memory_space<vmem_shared>> -> memref<3200x64xbf16, #tpu.memory_space<vmem_shared>>
        tpu.enqueue_dma source(%dma_start3A_155 : memref<3200x64xbf16, #tpu.memory_space<vmem_shared>>) target(%dma_start3A_153 : memref<3200x64xbf16, #tpu.memory_space<hbm>>) target_semaphore(%run_scoped3A : memref<!tpu.dma_semaphore, #tpu.memory_space<semaphore_mem>>)
        %dma_wait3A_156 = arith.constant 0 : i32
        %dma_wait3A_157 = tpu.memref_slice %arg15[%mul3A_151, %dma_wait3A_156] : memref<51200x128xbf16, #tpu.memory_space<hbm>> -> memref<3200x64xbf16, #tpu.memory_space<hbm>>
        %dma_wait3A_158 = arith.constant 0 : i32
        %dma_wait3A_159 = tpu.memref_slice %arg17[%mul3A_149, %dma_wait3A_158] : memref<51200x64xbf16, #tpu.memory_space<vmem_shared>> -> memref<3200x64xbf16, #tpu.memory_space<vmem_shared>>
        tpu.wait_dma2 semaphore(%run_scoped3A : memref<!tpu.dma_semaphore, #tpu.memory_space<semaphore_mem>>) src(%dma_wait3A_159 : memref<3200x64xbf16, #tpu.memory_space<vmem_shared>>) dst(%dma_wait3A_157 : memref<3200x64xbf16, #tpu.memory_space<hbm>>)
        tpu.yield
      }) : () -> ()
    } else {
    }
    %eq3A_12 = arith.constant 1 : i32
    %eq3A_13 = arith.cmpi eq, %arg0, %eq3A_12 : i32
    %convert_element_type3A_14 = arith.extui %eq3A_13 : i1 to i32
    %cond3A_15 = arith.constant 0 : i32
    %cond3A_16 = arith.cmpi ne, %convert_element_type3A_14, %cond3A_15 : i32
    scf.if %cond3A_16 {
      %mul3A = arith.constant 3200 : i32
      %mul3A_27 = arith.muli %arg1, %mul3A : i32
      %add3A = arith.constant 0 : i32
      %add3A_28 = arith.addi %mul3A_27, %add3A : i32
      %dma_start3A = arith.constant 0 : i32
      %dma_start3A_29 = tpu.memref_slice %arg17[%add3A_28, %dma_start3A] : memref<51200x64xbf16, #tpu.memory_space<vmem_shared>> -> memref<800x64xbf16, #tpu.memory_space<vmem_shared>>
      tpu.enqueue_dma source(%arg13 : memref<800x64xbf16, #tpu.memory_space<hbm>>) target(%dma_start3A_29 : memref<800x64xbf16, #tpu.memory_space<vmem_shared>>) target_semaphore(%arg28 : memref<!tpu.dma_semaphore, #tpu.memory_space<semaphore_mem>>)
      %mul3A_30 = arith.constant 3200 : i32
      %mul3A_31 = arith.muli %arg1, %mul3A_30 : i32
      %add3A_32 = arith.constant 800 : i32
      %add3A_33 = arith.addi %mul3A_31, %add3A_32 : i32
      %dma_start3A_34 = arith.constant 0 : i32
      %dma_start3A_35 = tpu.memref_slice %arg17[%add3A_33, %dma_start3A_34] : memref<51200x64xbf16, #tpu.memory_space<vmem_shared>> -> memref<800x64xbf16, #tpu.memory_space<vmem_shared>>
      tpu.enqueue_dma source(%arg13 : memref<800x64xbf16, #tpu.memory_space<hbm>>) target(%dma_start3A_35 : memref<800x64xbf16, #tpu.memory_space<vmem_shared>>) target_semaphore(%arg28 : memref<!tpu.dma_semaphore, #tpu.memory_space<semaphore_mem>>)
      %mul3A_36 = arith.constant 3200 : i32
      %mul3A_37 = arith.muli %arg1, %mul3A_36 : i32
      %add3A_38 = arith.constant 1600 : i32
      %add3A_39 = arith.addi %mul3A_37, %add3A_38 : i32
      %dma_start3A_40 = arith.constant 0 : i32
      %dma_start3A_41 = tpu.memref_slice %arg17[%add3A_39, %dma_start3A_40] : memref<51200x64xbf16, #tpu.memory_space<vmem_shared>> -> memref<800x64xbf16, #tpu.memory_space<vmem_shared>>
      tpu.enqueue_dma source(%arg13 : memref<800x64xbf16, #tpu.memory_space<hbm>>) target(%dma_start3A_41 : memref<800x64xbf16, #tpu.memory_space<vmem_shared>>) target_semaphore(%arg28 : memref<!tpu.dma_semaphore, #tpu.memory_space<semaphore_mem>>)
      %mul3A_42 = arith.constant 3200 : i32
      %mul3A_43 = arith.muli %arg1, %mul3A_42 : i32
      %add3A_44 = arith.constant 2400 : i32
      %add3A_45 = arith.addi %mul3A_43, %add3A_44 : i32
      %dma_start3A_46 = arith.constant 0 : i32
      %dma_start3A_47 = tpu.memref_slice %arg17[%add3A_45, %dma_start3A_46] : memref<51200x64xbf16, #tpu.memory_space<vmem_shared>> -> memref<800x64xbf16, #tpu.memory_space<vmem_shared>>
      tpu.enqueue_dma source(%arg13 : memref<800x64xbf16, #tpu.memory_space<hbm>>) target(%dma_start3A_47 : memref<800x64xbf16, #tpu.memory_space<vmem_shared>>) target_semaphore(%arg28 : memref<!tpu.dma_semaphore, #tpu.memory_space<semaphore_mem>>)
      %mul3A_48 = arith.constant 3200 : i32
      %mul3A_49 = arith.muli %arg1, %mul3A_48 : i32
      %add3A_50 = arith.constant 0 : i32
      %add3A_51 = arith.addi %mul3A_49, %add3A_50 : i32
      %dma_wait3A = arith.constant 0 : i32
      %dma_wait3A_52 = tpu.memref_slice %arg17[%add3A_51, %dma_wait3A] : memref<51200x64xbf16, #tpu.memory_space<vmem_shared>> -> memref<800x64xbf16, #tpu.memory_space<vmem_shared>>
      tpu.wait_dma2 semaphore(%arg28 : memref<!tpu.dma_semaphore, #tpu.memory_space<semaphore_mem>>) src(%arg13 : memref<800x64xbf16, #tpu.memory_space<hbm>>) dst(%dma_wait3A_52 : memref<800x64xbf16, #tpu.memory_space<vmem_shared>>)
      %mul3A_53 = arith.constant 3200 : i32
      %mul3A_54 = arith.muli %arg1, %mul3A_53 : i32
      %add3A_55 = arith.constant 800 : i32
      %add3A_56 = arith.addi %mul3A_54, %add3A_55 : i32
      %dma_wait3A_57 = arith.constant 0 : i32
      %dma_wait3A_58 = tpu.memref_slice %arg17[%add3A_56, %dma_wait3A_57] : memref<51200x64xbf16, #tpu.memory_space<vmem_shared>> -> memref<800x64xbf16, #tpu.memory_space<vmem_shared>>
      tpu.wait_dma2 semaphore(%arg28 : memref<!tpu.dma_semaphore, #tpu.memory_space<semaphore_mem>>) src(%arg13 : memref<800x64xbf16, #tpu.memory_space<hbm>>) dst(%dma_wait3A_58 : memref<800x64xbf16, #tpu.memory_space<vmem_shared>>)
      %mul3A_59 = arith.constant 3200 : i32
      %mul3A_60 = arith.muli %arg1, %mul3A_59 : i32
      %add3A_61 = arith.constant 1600 : i32
      %add3A_62 = arith.addi %mul3A_60, %add3A_61 : i32
      %dma_wait3A_63 = arith.constant 0 : i32
      %dma_wait3A_64 = tpu.memref_slice %arg17[%add3A_62, %dma_wait3A_63] : memref<51200x64xbf16, #tpu.memory_space<vmem_shared>> -> memref<800x64xbf16, #tpu.memory_space<vmem_shared>>
      tpu.wait_dma2 semaphore(%arg28 : memref<!tpu.dma_semaphore, #tpu.memory_space<semaphore_mem>>) src(%arg13 : memref<800x64xbf16, #tpu.memory_space<hbm>>) dst(%dma_wait3A_64 : memref<800x64xbf16, #tpu.memory_space<vmem_shared>>)
      %mul3A_65 = arith.constant 3200 : i32
      %mul3A_66 = arith.muli %arg1, %mul3A_65 : i32
      %add3A_67 = arith.constant 2400 : i32
      %add3A_68 = arith.addi %mul3A_66, %add3A_67 : i32
      %dma_wait3A_69 = arith.constant 0 : i32
      %dma_wait3A_70 = tpu.memref_slice %arg17[%add3A_68, %dma_wait3A_69] : memref<51200x64xbf16, #tpu.memory_space<vmem_shared>> -> memref<800x64xbf16, #tpu.memory_space<vmem_shared>>
      tpu.wait_dma2 semaphore(%arg28 : memref<!tpu.dma_semaphore, #tpu.memory_space<semaphore_mem>>) src(%arg13 : memref<800x64xbf16, #tpu.memory_space<hbm>>) dst(%dma_wait3A_70 : memref<800x64xbf16, #tpu.memory_space<vmem_shared>>)
      %barrier3A = arith.constant 0 : index
      tpu.barrier barrier_id(%barrier3A)
      %mul3A_71 = arith.constant 294 : i32
      %mul3A_72 = arith.muli %arg1, %mul3A_71 : i32
      %add3A_73 = arith.constant 0 : i32
      %add3A_74 = arith.addi %mul3A_72, %add3A_73 : i32
      "tpu.region"() ({
        %run_scoped3A = tpu.sem_alloc : memref<!tpu.dma_semaphore, #tpu.memory_space<semaphore_mem>>
        %dma_start3A_152 = arith.constant 0 : i32
        %dma_start3A_153 = tpu.memref_slice %arg11[%add3A_74, %dma_start3A_152] : memref<4704x128xi32, #tpu.memory_space<hbm>> -> memref<3x128xi32, #tpu.memory_space<hbm>>
        %dma_start3A_154 = arith.constant 0 : i32
        %dma_start3A_155 = tpu.memref_slice %arg11[%add3A_74, %dma_start3A_154] : memref<4704x128xi32, #tpu.memory_space<hbm>> -> memref<3x128xi32, #tpu.memory_space<hbm>>
        tpu.enqueue_dma source(%dma_start3A_155 : memref<3x128xi32, #tpu.memory_space<hbm>>) target(%arg20 : memref<3x128xi32, #tpu.memory_space<vmem>>) target_semaphore(%run_scoped3A : memref<!tpu.dma_semaphore, #tpu.memory_space<semaphore_mem>>)
        %dma_wait3A_156 = arith.constant 0 : i32
        %dma_wait3A_157 = tpu.memref_slice %arg11[%add3A_74, %dma_wait3A_156] : memref<4704x128xi32, #tpu.memory_space<hbm>> -> memref<3x128xi32, #tpu.memory_space<hbm>>
        %dma_wait3A_158 = arith.constant 0 : i32
        %dma_wait3A_159 = tpu.memref_slice %arg11[%add3A_74, %dma_wait3A_158] : memref<4704x128xi32, #tpu.memory_space<hbm>> -> memref<3x128xi32, #tpu.memory_space<hbm>>
        tpu.wait_dma2 semaphore(%run_scoped3A : memref<!tpu.dma_semaphore, #tpu.memory_space<semaphore_mem>>) src(%dma_wait3A_159 : memref<3x128xi32, #tpu.memory_space<hbm>>) dst(%arg20 : memref<3x128xi32, #tpu.memory_space<vmem>>)
        tpu.yield
      }) : () -> ()
      %mul3A_75 = arith.constant 37632 : i32
      %mul3A_76 = arith.muli %arg1, %mul3A_75 : i32
      %add3A_77 = arith.constant 0 : i32
      %add3A_78 = arith.addi %mul3A_76, %add3A_77 : i32
      "tpu.region"() ({
        %run_scoped3A = tpu.sem_alloc : memref<!tpu.dma_semaphore, #tpu.memory_space<semaphore_mem>>
        %dma_start3A_152 = tpu.memref_slice %arg7[%add3A_78] : memref<602112xi32, #tpu.memory_space<hbm>> -> memref<384xi32, #tpu.memory_space<hbm>>
        %dma_start3A_153 = tpu.memref_slice %arg7[%add3A_78] : memref<602112xi32, #tpu.memory_space<hbm>> -> memref<384xi32, #tpu.memory_space<hbm>>
        tpu.enqueue_dma source(%dma_start3A_153 : memref<384xi32, #tpu.memory_space<hbm>>) target(%arg18 : memref<384xi32, #tpu.memory_space<vmem>>) target_semaphore(%run_scoped3A : memref<!tpu.dma_semaphore, #tpu.memory_space<semaphore_mem>>)
        %dma_wait3A_154 = tpu.memref_slice %arg7[%add3A_78] : memref<602112xi32, #tpu.memory_space<hbm>> -> memref<384xi32, #tpu.memory_space<hbm>>
        %dma_wait3A_155 = tpu.memref_slice %arg7[%add3A_78] : memref<602112xi32, #tpu.memory_space<hbm>> -> memref<384xi32, #tpu.memory_space<hbm>>
        tpu.wait_dma2 semaphore(%run_scoped3A : memref<!tpu.dma_semaphore, #tpu.memory_space<semaphore_mem>>) src(%dma_wait3A_155 : memref<384xi32, #tpu.memory_space<hbm>>) dst(%arg18 : memref<384xi32, #tpu.memory_space<vmem>>)
        tpu.yield
      }) : () -> ()
      %dma_start3A_79 = arith.constant 0 : i32
      %dma_start3A_80 = arith.constant 0 : i32
      %dma_start3A_81 = tpu.memref_slice %arg2[%dma_start3A_79, %dma_start3A_80] : memref<100000x64xbf16, #tpu.memory_space<hbm>> -> memref<100000x64xbf16, #tpu.memory_space<hbm>>
      tpu.enqueue_indirect_dma source(%dma_start3A_81 : memref<100000x64xbf16, #tpu.memory_space<hbm>>) target(%arg22 : memref<384x64xbf16, #tpu.memory_space<vmem>>) offsets(%arg18 : memref<384xi32, #tpu.memory_space<vmem>>) semaphore(%arg24 : memref<!tpu.dma_semaphore, #tpu.memory_space<semaphore_mem>>)
      %scan3A = arith.constant 0 : i32
      %scan3A_82 = arith.constant 0 : i32
      %scan3A_83 = arith.constant 49 : i32
      %scan3A_84 = arith.addi %scan3A_82, %scan3A_83 : i32
      %scan3A_85 = arith.constant 1 : i32
      scf.for %scan3A_152 = %scan3A_82 to %scan3A_84 step %scan3A_85  : i32 {
        %mul3A_153 = arith.constant 2 : i32
        %mul3A_154 = arith.muli %scan3A_152, %mul3A_153 : i32
        %gt3A = arith.constant 0 : i32
        %gt3A_155 = arith.cmpi sgt, %scan3A_152, %gt3A : i32
        %convert_element_type3A_156 = arith.extui %gt3A_155 : i1 to i32
        %cond3A_157 = arith.constant 0 : i32
        %cond3A_158 = arith.cmpi ne, %convert_element_type3A_156, %cond3A_157 : i32
        scf.if %cond3A_158 {
          %dma_wait3A_246 = arith.constant 0 : i32
          %dma_wait3A_247 = arith.constant 0 : i32
          %dma_wait3A_248 = arith.constant 0 : i32
          %dma_wait3A_249 = tpu.memref_slice %arg23[%dma_wait3A_247, %dma_wait3A_248] : memref<384x64xbf16, #tpu.memory_space<vmem>> -> memref<128x64xbf16, #tpu.memory_space<vmem>>
          %dma_wait3A_250 = arith.constant 0 : i32
          %dma_wait3A_251 = tpu.memref_slice %arg21[%dma_wait3A_246, %dma_wait3A_250] : memref<3x128xi32, #tpu.memory_space<vmem>> -> memref<1x128xi32, #tpu.memory_space<vmem>>
          %dma_wait3A_252 = tpu.memref_squeeze %dma_wait3A_251 : memref<1x128xi32, #tpu.memory_space<vmem>> -> memref<128xi32, #tpu.memory_space<vmem>>
          %dma_wait3A_253 = arith.constant 0 : i32
          %dma_wait3A_254 = arith.constant 0 : i32
          %dma_wait3A_255 = tpu.memref_slice %arg17[%dma_wait3A_253, %dma_wait3A_254] : memref<51200x64xbf16, #tpu.memory_space<vmem_shared>> -> memref<51200x64xbf16, #tpu.memory_space<vmem_shared>>
          tpu.wait_indirect_dma semaphore(%arg27 : memref<!tpu.dma_semaphore, #tpu.memory_space<semaphore_mem>>) src(%dma_wait3A_249 : memref<128x64xbf16, #tpu.memory_space<vmem>>) dst(%dma_wait3A_255 : memref<51200x64xbf16, #tpu.memory_space<vmem_shared>>)
          %dma_wait3A_256 = arith.constant 1 : i32
          %dma_wait3A_257 = arith.constant 128 : i32
          %dma_wait3A_258 = arith.constant 0 : i32
          %dma_wait3A_259 = tpu.memref_slice %arg23[%dma_wait3A_257, %dma_wait3A_258] : memref<384x64xbf16, #tpu.memory_space<vmem>> -> memref<128x64xbf16, #tpu.memory_space<vmem>>
          %dma_wait3A_260 = arith.constant 0 : i32
          %dma_wait3A_261 = tpu.memref_slice %arg21[%dma_wait3A_256, %dma_wait3A_260] : memref<3x128xi32, #tpu.memory_space<vmem>> -> memref<1x128xi32, #tpu.memory_space<vmem>>
          %dma_wait3A_262 = tpu.memref_squeeze %dma_wait3A_261 : memref<1x128xi32, #tpu.memory_space<vmem>> -> memref<128xi32, #tpu.memory_space<vmem>>
          %dma_wait3A_263 = arith.constant 0 : i32
          %dma_wait3A_264 = arith.constant 0 : i32
          %dma_wait3A_265 = tpu.memref_slice %arg17[%dma_wait3A_263, %dma_wait3A_264] : memref<51200x64xbf16, #tpu.memory_space<vmem_shared>> -> memref<51200x64xbf16, #tpu.memory_space<vmem_shared>>
          tpu.wait_indirect_dma semaphore(%arg27 : memref<!tpu.dma_semaphore, #tpu.memory_space<semaphore_mem>>) src(%dma_wait3A_259 : memref<128x64xbf16, #tpu.memory_space<vmem>>) dst(%dma_wait3A_265 : memref<51200x64xbf16, #tpu.memory_space<vmem_shared>>)
          %dma_wait3A_266 = arith.constant 2 : i32
          %dma_wait3A_267 = arith.constant 256 : i32
          %dma_wait3A_268 = arith.constant 0 : i32
          %dma_wait3A_269 = tpu.memref_slice %arg23[%dma_wait3A_267, %dma_wait3A_268] : memref<384x64xbf16, #tpu.memory_space<vmem>> -> memref<128x64xbf16, #tpu.memory_space<vmem>>
          %dma_wait3A_270 = arith.constant 0 : i32
          %dma_wait3A_271 = tpu.memref_slice %arg21[%dma_wait3A_266, %dma_wait3A_270] : memref<3x128xi32, #tpu.memory_space<vmem>> -> memref<1x128xi32, #tpu.memory_space<vmem>>
          %dma_wait3A_272 = tpu.memref_squeeze %dma_wait3A_271 : memref<1x128xi32, #tpu.memory_space<vmem>> -> memref<128xi32, #tpu.memory_space<vmem>>
          %dma_wait3A_273 = arith.constant 0 : i32
          %dma_wait3A_274 = arith.constant 0 : i32
          %dma_wait3A_275 = tpu.memref_slice %arg17[%dma_wait3A_273, %dma_wait3A_274] : memref<51200x64xbf16, #tpu.memory_space<vmem_shared>> -> memref<51200x64xbf16, #tpu.memory_space<vmem_shared>>
          tpu.wait_indirect_dma semaphore(%arg27 : memref<!tpu.dma_semaphore, #tpu.memory_space<semaphore_mem>>) src(%dma_wait3A_269 : memref<128x64xbf16, #tpu.memory_space<vmem>>) dst(%dma_wait3A_275 : memref<51200x64xbf16, #tpu.memory_space<vmem_shared>>)
        } else {
        }
        %add3A_159 = arith.constant 1 : i32
        %add3A_160 = arith.addi %mul3A_154, %add3A_159 : i32
        %mul3A_161 = arith.constant 294 : i32
        %mul3A_162 = arith.muli %arg1, %mul3A_161 : i32
        %mul3A_163 = arith.constant 3 : i32
        %mul3A_164 = arith.muli %add3A_160, %mul3A_163 : i32
        %add3A_165 = arith.addi %mul3A_162, %mul3A_164 : i32
        "tpu.region"() ({
          %run_scoped3A = tpu.sem_alloc : memref<!tpu.dma_semaphore, #tpu.memory_space<semaphore_mem>>
          %dma_start3A_246 = arith.constant 0 : i32
          %dma_start3A_247 = tpu.memref_slice %arg11[%add3A_165, %dma_start3A_246] : memref<4704x128xi32, #tpu.memory_space<hbm>> -> memref<3x128xi32, #tpu.memory_space<hbm>>
          %dma_start3A_248 = arith.constant 0 : i32
          %dma_start3A_249 = tpu.memref_slice %arg11[%add3A_165, %dma_start3A_248] : memref<4704x128xi32, #tpu.memory_space<hbm>> -> memref<3x128xi32, #tpu.memory_space<hbm>>
          tpu.enqueue_dma source(%dma_start3A_249 : memref<3x128xi32, #tpu.memory_space<hbm>>) target(%arg21 : memref<3x128xi32, #tpu.memory_space<vmem>>) target_semaphore(%run_scoped3A : memref<!tpu.dma_semaphore, #tpu.memory_space<semaphore_mem>>)
          %dma_wait3A_250 = arith.constant 0 : i32
          %dma_wait3A_251 = tpu.memref_slice %arg11[%add3A_165, %dma_wait3A_250] : memref<4704x128xi32, #tpu.memory_space<hbm>> -> memref<3x128xi32, #tpu.memory_space<hbm>>
          %dma_wait3A_252 = arith.constant 0 : i32
          %dma_wait3A_253 = tpu.memref_slice %arg11[%add3A_165, %dma_wait3A_252] : memref<4704x128xi32, #tpu.memory_space<hbm>> -> memref<3x128xi32, #tpu.memory_space<hbm>>
          tpu.wait_dma2 semaphore(%run_scoped3A : memref<!tpu.dma_semaphore, #tpu.memory_space<semaphore_mem>>) src(%dma_wait3A_253 : memref<3x128xi32, #tpu.memory_space<hbm>>) dst(%arg21 : memref<3x128xi32, #tpu.memory_space<vmem>>)
          tpu.yield
        }) : () -> ()
        %mul3A_166 = arith.constant 37632 : i32
        %mul3A_167 = arith.muli %arg1, %mul3A_166 : i32
        %mul3A_168 = arith.constant 384 : i32
        %mul3A_169 = arith.muli %add3A_160, %mul3A_168 : i32
        %add3A_170 = arith.addi %mul3A_167, %mul3A_169 : i32
        "tpu.region"() ({
          %run_scoped3A = tpu.sem_alloc : memref<!tpu.dma_semaphore, #tpu.memory_space<semaphore_mem>>
          %dma_start3A_246 = tpu.memref_slice %arg7[%add3A_170] : memref<602112xi32, #tpu.memory_space<hbm>> -> memref<384xi32, #tpu.memory_space<hbm>>
          %dma_start3A_247 = tpu.memref_slice %arg7[%add3A_170] : memref<602112xi32, #tpu.memory_space<hbm>> -> memref<384xi32, #tpu.memory_space<hbm>>
          tpu.enqueue_dma source(%dma_start3A_247 : memref<384xi32, #tpu.memory_space<hbm>>) target(%arg19 : memref<384xi32, #tpu.memory_space<vmem>>) target_semaphore(%run_scoped3A : memref<!tpu.dma_semaphore, #tpu.memory_space<semaphore_mem>>)
          %dma_wait3A_248 = tpu.memref_slice %arg7[%add3A_170] : memref<602112xi32, #tpu.memory_space<hbm>> -> memref<384xi32, #tpu.memory_space<hbm>>
          %dma_wait3A_249 = tpu.memref_slice %arg7[%add3A_170] : memref<602112xi32, #tpu.memory_space<hbm>> -> memref<384xi32, #tpu.memory_space<hbm>>
          tpu.wait_dma2 semaphore(%run_scoped3A : memref<!tpu.dma_semaphore, #tpu.memory_space<semaphore_mem>>) src(%dma_wait3A_249 : memref<384xi32, #tpu.memory_space<hbm>>) dst(%arg19 : memref<384xi32, #tpu.memory_space<vmem>>)
          tpu.yield
        }) : () -> ()
        %dma_start3A_171 = arith.constant 0 : i32
        %dma_start3A_172 = arith.constant 0 : i32
        %dma_start3A_173 = tpu.memref_slice %arg2[%dma_start3A_171, %dma_start3A_172] : memref<100000x64xbf16, #tpu.memory_space<hbm>> -> memref<100000x64xbf16, #tpu.memory_space<hbm>>
        tpu.enqueue_indirect_dma source(%dma_start3A_173 : memref<100000x64xbf16, #tpu.memory_space<hbm>>) target(%arg23 : memref<384x64xbf16, #tpu.memory_space<vmem>>) offsets(%arg19 : memref<384xi32, #tpu.memory_space<vmem>>) semaphore(%arg25 : memref<!tpu.dma_semaphore, #tpu.memory_space<semaphore_mem>>)
        %dma_wait3A_174 = arith.constant 0 : i32
        %dma_wait3A_175 = arith.constant 0 : i32
        %dma_wait3A_176 = tpu.memref_slice %arg2[%dma_wait3A_174, %dma_wait3A_175] : memref<100000x64xbf16, #tpu.memory_space<hbm>> -> memref<100000x64xbf16, #tpu.memory_space<hbm>>
        tpu.wait_indirect_dma semaphore(%arg24 : memref<!tpu.dma_semaphore, #tpu.memory_space<semaphore_mem>>) src(%dma_wait3A_176 : memref<100000x64xbf16, #tpu.memory_space<hbm>>) dst(%arg22 : memref<384x64xbf16, #tpu.memory_space<vmem>>)
        %dma_start3A_177 = arith.constant 0 : i32
        %dma_start3A_178 = arith.constant 0 : i32
        %dma_start3A_179 = arith.constant 0 : i32
        %dma_start3A_180 = tpu.memref_slice %arg22[%dma_start3A_178, %dma_start3A_179] : memref<384x64xbf16, #tpu.memory_space<vmem>> -> memref<128x64xbf16, #tpu.memory_space<vmem>>
        %dma_start3A_181 = arith.constant 0 : i32
        %dma_start3A_182 = tpu.memref_slice %arg20[%dma_start3A_177, %dma_start3A_181] : memref<3x128xi32, #tpu.memory_space<vmem>> -> memref<1x128xi32, #tpu.memory_space<vmem>>
        %dma_start3A_183 = tpu.memref_squeeze %dma_start3A_182 : memref<1x128xi32, #tpu.memory_space<vmem>> -> memref<128xi32, #tpu.memory_space<vmem>>
        %dma_start3A_184 = arith.constant 0 : i32
        %dma_start3A_185 = arith.constant 0 : i32
        %dma_start3A_186 = tpu.memref_slice %arg17[%dma_start3A_184, %dma_start3A_185] : memref<51200x64xbf16, #tpu.memory_space<vmem_shared>> -> memref<51200x64xbf16, #tpu.memory_space<vmem_shared>>
        tpu.enqueue_indirect_dma source(%dma_start3A_180 : memref<128x64xbf16, #tpu.memory_space<vmem>>) target(%dma_start3A_186 : memref<51200x64xbf16, #tpu.memory_space<vmem_shared>>) offsets(%dma_start3A_183 : memref<128xi32, #tpu.memory_space<vmem>>) semaphore(%arg26 : memref<!tpu.dma_semaphore, #tpu.memory_space<semaphore_mem>>) {add = true}
        %dma_start3A_187 = arith.constant 1 : i32
        %dma_start3A_188 = arith.constant 128 : i32
        %dma_start3A_189 = arith.constant 0 : i32
        %dma_start3A_190 = tpu.memref_slice %arg22[%dma_start3A_188, %dma_start3A_189] : memref<384x64xbf16, #tpu.memory_space<vmem>> -> memref<128x64xbf16, #tpu.memory_space<vmem>>
        %dma_start3A_191 = arith.constant 0 : i32
        %dma_start3A_192 = tpu.memref_slice %arg20[%dma_start3A_187, %dma_start3A_191] : memref<3x128xi32, #tpu.memory_space<vmem>> -> memref<1x128xi32, #tpu.memory_space<vmem>>
        %dma_start3A_193 = tpu.memref_squeeze %dma_start3A_192 : memref<1x128xi32, #tpu.memory_space<vmem>> -> memref<128xi32, #tpu.memory_space<vmem>>
        %dma_start3A_194 = arith.constant 0 : i32
        %dma_start3A_195 = arith.constant 0 : i32
        %dma_start3A_196 = tpu.memref_slice %arg17[%dma_start3A_194, %dma_start3A_195] : memref<51200x64xbf16, #tpu.memory_space<vmem_shared>> -> memref<51200x64xbf16, #tpu.memory_space<vmem_shared>>
        tpu.enqueue_indirect_dma source(%dma_start3A_190 : memref<128x64xbf16, #tpu.memory_space<vmem>>) target(%dma_start3A_196 : memref<51200x64xbf16, #tpu.memory_space<vmem_shared>>) offsets(%dma_start3A_193 : memref<128xi32, #tpu.memory_space<vmem>>) semaphore(%arg26 : memref<!tpu.dma_semaphore, #tpu.memory_space<semaphore_mem>>) {add = true}
        %dma_start3A_197 = arith.constant 2 : i32
        %dma_start3A_198 = arith.constant 256 : i32
        %dma_start3A_199 = arith.constant 0 : i32
        %dma_start3A_200 = tpu.memref_slice %arg22[%dma_start3A_198, %dma_start3A_199] : memref<384x64xbf16, #tpu.memory_space<vmem>> -> memref<128x64xbf16, #tpu.memory_space<vmem>>
        %dma_start3A_201 = arith.constant 0 : i32
        %dma_start3A_202 = tpu.memref_slice %arg20[%dma_start3A_197, %dma_start3A_201] : memref<3x128xi32, #tpu.memory_space<vmem>> -> memref<1x128xi32, #tpu.memory_space<vmem>>
        %dma_start3A_203 = tpu.memref_squeeze %dma_start3A_202 : memref<1x128xi32, #tpu.memory_space<vmem>> -> memref<128xi32, #tpu.memory_space<vmem>>
        %dma_start3A_204 = arith.constant 0 : i32
        %dma_start3A_205 = arith.constant 0 : i32
        %dma_start3A_206 = tpu.memref_slice %arg17[%dma_start3A_204, %dma_start3A_205] : memref<51200x64xbf16, #tpu.memory_space<vmem_shared>> -> memref<51200x64xbf16, #tpu.memory_space<vmem_shared>>
        tpu.enqueue_indirect_dma source(%dma_start3A_200 : memref<128x64xbf16, #tpu.memory_space<vmem>>) target(%dma_start3A_206 : memref<51200x64xbf16, #tpu.memory_space<vmem_shared>>) offsets(%dma_start3A_203 : memref<128xi32, #tpu.memory_space<vmem>>) semaphore(%arg26 : memref<!tpu.dma_semaphore, #tpu.memory_space<semaphore_mem>>) {add = true}
        %dma_wait3A_207 = arith.constant 0 : i32
        %dma_wait3A_208 = arith.constant 0 : i32
        %dma_wait3A_209 = tpu.memref_slice %arg2[%dma_wait3A_207, %dma_wait3A_208] : memref<100000x64xbf16, #tpu.memory_space<hbm>> -> memref<100000x64xbf16, #tpu.memory_space<hbm>>
        tpu.wait_indirect_dma semaphore(%arg25 : memref<!tpu.dma_semaphore, #tpu.memory_space<semaphore_mem>>) src(%dma_wait3A_209 : memref<100000x64xbf16, #tpu.memory_space<hbm>>) dst(%arg23 : memref<384x64xbf16, #tpu.memory_space<vmem>>)
        %dma_start3A_210 = arith.constant 0 : i32
        %dma_start3A_211 = arith.constant 0 : i32
        %dma_start3A_212 = arith.constant 0 : i32
        %dma_start3A_213 = tpu.memref_slice %arg23[%dma_start3A_211, %dma_start3A_212] : memref<384x64xbf16, #tpu.memory_space<vmem>> -> memref<128x64xbf16, #tpu.memory_space<vmem>>
        %dma_start3A_214 = arith.constant 0 : i32
        %dma_start3A_215 = tpu.memref_slice %arg21[%dma_start3A_210, %dma_start3A_214] : memref<3x128xi32, #tpu.memory_space<vmem>> -> memref<1x128xi32, #tpu.memory_space<vmem>>
        %dma_start3A_216 = tpu.memref_squeeze %dma_start3A_215 : memref<1x128xi32, #tpu.memory_space<vmem>> -> memref<128xi32, #tpu.memory_space<vmem>>
        %dma_start3A_217 = arith.constant 0 : i32
        %dma_start3A_218 = arith.constant 0 : i32
        %dma_start3A_219 = tpu.memref_slice %arg17[%dma_start3A_217, %dma_start3A_218] : memref<51200x64xbf16, #tpu.memory_space<vmem_shared>> -> memref<51200x64xbf16, #tpu.memory_space<vmem_shared>>
        tpu.enqueue_indirect_dma source(%dma_start3A_213 : memref<128x64xbf16, #tpu.memory_space<vmem>>) target(%dma_start3A_219 : memref<51200x64xbf16, #tpu.memory_space<vmem_shared>>) offsets(%dma_start3A_216 : memref<128xi32, #tpu.memory_space<vmem>>) semaphore(%arg27 : memref<!tpu.dma_semaphore, #tpu.memory_space<semaphore_mem>>) {add = true}
        %dma_start3A_220 = arith.constant 1 : i32
        %dma_start3A_221 = arith.constant 128 : i32
        %dma_start3A_222 = arith.constant 0 : i32
        %dma_start3A_223 = tpu.memref_slice %arg23[%dma_start3A_221, %dma_start3A_222] : memref<384x64xbf16, #tpu.memory_space<vmem>> -> memref<128x64xbf16, #tpu.memory_space<vmem>>
        %dma_start3A_224 = arith.constant 0 : i32
        %dma_start3A_225 = tpu.memref_slice %arg21[%dma_start3A_220, %dma_start3A_224] : memref<3x128xi32, #tpu.memory_space<vmem>> -> memref<1x128xi32, #tpu.memory_space<vmem>>
        %dma_start3A_226 = tpu.memref_squeeze %dma_start3A_225 : memref<1x128xi32, #tpu.memory_space<vmem>> -> memref<128xi32, #tpu.memory_space<vmem>>
        %dma_start3A_227 = arith.constant 0 : i32
        %dma_start3A_228 = arith.constant 0 : i32
        %dma_start3A_229 = tpu.memref_slice %arg17[%dma_start3A_227, %dma_start3A_228] : memref<51200x64xbf16, #tpu.memory_space<vmem_shared>> -> memref<51200x64xbf16, #tpu.memory_space<vmem_shared>>
        tpu.enqueue_indirect_dma source(%dma_start3A_223 : memref<128x64xbf16, #tpu.memory_space<vmem>>) target(%dma_start3A_229 : memref<51200x64xbf16, #tpu.memory_space<vmem_shared>>) offsets(%dma_start3A_226 : memref<128xi32, #tpu.memory_space<vmem>>) semaphore(%arg27 : memref<!tpu.dma_semaphore, #tpu.memory_space<semaphore_mem>>) {add = true}
        %dma_start3A_230 = arith.constant 2 : i32
        %dma_start3A_231 = arith.constant 256 : i32
        %dma_start3A_232 = arith.constant 0 : i32
        %dma_start3A_233 = tpu.memref_slice %arg23[%dma_start3A_231, %dma_start3A_232] : memref<384x64xbf16, #tpu.memory_space<vmem>> -> memref<128x64xbf16, #tpu.memory_space<vmem>>
        %dma_start3A_234 = arith.constant 0 : i32
        %dma_start3A_235 = tpu.memref_slice %arg21[%dma_start3A_230, %dma_start3A_234] : memref<3x128xi32, #tpu.memory_space<vmem>> -> memref<1x128xi32, #tpu.memory_space<vmem>>
        %dma_start3A_236 = tpu.memref_squeeze %dma_start3A_235 : memref<1x128xi32, #tpu.memory_space<vmem>> -> memref<128xi32, #tpu.memory_space<vmem>>
        %dma_start3A_237 = arith.constant 0 : i32
        %dma_start3A_238 = arith.constant 0 : i32
        %dma_start3A_239 = tpu.memref_slice %arg17[%dma_start3A_237, %dma_start3A_238] : memref<51200x64xbf16, #tpu.memory_space<vmem_shared>> -> memref<51200x64xbf16, #tpu.memory_space<vmem_shared>>
        tpu.enqueue_indirect_dma source(%dma_start3A_233 : memref<128x64xbf16, #tpu.memory_space<vmem>>) target(%dma_start3A_239 : memref<51200x64xbf16, #tpu.memory_space<vmem_shared>>) offsets(%dma_start3A_236 : memref<128xi32, #tpu.memory_space<vmem>>) semaphore(%arg27 : memref<!tpu.dma_semaphore, #tpu.memory_space<semaphore_mem>>) {add = true}
        %add3A_240 = arith.constant 1 : i32
        %add3A_241 = arith.addi %scan3A_152, %add3A_240 : i32
        %lt3A = arith.constant 49 : i32
        %lt3A_242 = arith.cmpi slt, %add3A_241, %lt3A : i32
        %convert_element_type3A_243 = arith.extui %lt3A_242 : i1 to i32
        %cond3A_244 = arith.constant 0 : i32
        %cond3A_245 = arith.cmpi ne, %convert_element_type3A_243, %cond3A_244 : i32
        scf.if %cond3A_245 {
          %dma_wait3A_246 = arith.constant 0 : i32
          %dma_wait3A_247 = arith.constant 0 : i32
          %dma_wait3A_248 = arith.constant 0 : i32
          %dma_wait3A_249 = tpu.memref_slice %arg22[%dma_wait3A_247, %dma_wait3A_248] : memref<384x64xbf16, #tpu.memory_space<vmem>> -> memref<128x64xbf16, #tpu.memory_space<vmem>>
          %dma_wait3A_250 = arith.constant 0 : i32
          %dma_wait3A_251 = tpu.memref_slice %arg20[%dma_wait3A_246, %dma_wait3A_250] : memref<3x128xi32, #tpu.memory_space<vmem>> -> memref<1x128xi32, #tpu.memory_space<vmem>>
          %dma_wait3A_252 = tpu.memref_squeeze %dma_wait3A_251 : memref<1x128xi32, #tpu.memory_space<vmem>> -> memref<128xi32, #tpu.memory_space<vmem>>
          %dma_wait3A_253 = arith.constant 0 : i32
          %dma_wait3A_254 = arith.constant 0 : i32
          %dma_wait3A_255 = tpu.memref_slice %arg17[%dma_wait3A_253, %dma_wait3A_254] : memref<51200x64xbf16, #tpu.memory_space<vmem_shared>> -> memref<51200x64xbf16, #tpu.memory_space<vmem_shared>>
          tpu.wait_indirect_dma semaphore(%arg26 : memref<!tpu.dma_semaphore, #tpu.memory_space<semaphore_mem>>) src(%dma_wait3A_249 : memref<128x64xbf16, #tpu.memory_space<vmem>>) dst(%dma_wait3A_255 : memref<51200x64xbf16, #tpu.memory_space<vmem_shared>>)
          %dma_wait3A_256 = arith.constant 1 : i32
          %dma_wait3A_257 = arith.constant 128 : i32
          %dma_wait3A_258 = arith.constant 0 : i32
          %dma_wait3A_259 = tpu.memref_slice %arg22[%dma_wait3A_257, %dma_wait3A_258] : memref<384x64xbf16, #tpu.memory_space<vmem>> -> memref<128x64xbf16, #tpu.memory_space<vmem>>
          %dma_wait3A_260 = arith.constant 0 : i32
          %dma_wait3A_261 = tpu.memref_slice %arg20[%dma_wait3A_256, %dma_wait3A_260] : memref<3x128xi32, #tpu.memory_space<vmem>> -> memref<1x128xi32, #tpu.memory_space<vmem>>
          %dma_wait3A_262 = tpu.memref_squeeze %dma_wait3A_261 : memref<1x128xi32, #tpu.memory_space<vmem>> -> memref<128xi32, #tpu.memory_space<vmem>>
          %dma_wait3A_263 = arith.constant 0 : i32
          %dma_wait3A_264 = arith.constant 0 : i32
          %dma_wait3A_265 = tpu.memref_slice %arg17[%dma_wait3A_263, %dma_wait3A_264] : memref<51200x64xbf16, #tpu.memory_space<vmem_shared>> -> memref<51200x64xbf16, #tpu.memory_space<vmem_shared>>
          tpu.wait_indirect_dma semaphore(%arg26 : memref<!tpu.dma_semaphore, #tpu.memory_space<semaphore_mem>>) src(%dma_wait3A_259 : memref<128x64xbf16, #tpu.memory_space<vmem>>) dst(%dma_wait3A_265 : memref<51200x64xbf16, #tpu.memory_space<vmem_shared>>)
          %dma_wait3A_266 = arith.constant 2 : i32
          %dma_wait3A_267 = arith.constant 256 : i32
          %dma_wait3A_268 = arith.constant 0 : i32
          %dma_wait3A_269 = tpu.memref_slice %arg22[%dma_wait3A_267, %dma_wait3A_268] : memref<384x64xbf16, #tpu.memory_space<vmem>> -> memref<128x64xbf16, #tpu.memory_space<vmem>>
          %dma_wait3A_270 = arith.constant 0 : i32
          %dma_wait3A_271 = tpu.memref_slice %arg20[%dma_wait3A_266, %dma_wait3A_270] : memref<3x128xi32, #tpu.memory_space<vmem>> -> memref<1x128xi32, #tpu.memory_space<vmem>>
          %dma_wait3A_272 = tpu.memref_squeeze %dma_wait3A_271 : memref<1x128xi32, #tpu.memory_space<vmem>> -> memref<128xi32, #tpu.memory_space<vmem>>
          %dma_wait3A_273 = arith.constant 0 : i32
          %dma_wait3A_274 = arith.constant 0 : i32
          %dma_wait3A_275 = tpu.memref_slice %arg17[%dma_wait3A_273, %dma_wait3A_274] : memref<51200x64xbf16, #tpu.memory_space<vmem_shared>> -> memref<51200x64xbf16, #tpu.memory_space<vmem_shared>>
          tpu.wait_indirect_dma semaphore(%arg26 : memref<!tpu.dma_semaphore, #tpu.memory_space<semaphore_mem>>) src(%dma_wait3A_269 : memref<128x64xbf16, #tpu.memory_space<vmem>>) dst(%dma_wait3A_275 : memref<51200x64xbf16, #tpu.memory_space<vmem_shared>>)
          %add3A_276 = arith.constant 2 : i32
          %add3A_277 = arith.addi %mul3A_154, %add3A_276 : i32
          %mul3A_278 = arith.constant 294 : i32
          %mul3A_279 = arith.muli %arg1, %mul3A_278 : i32
          %mul3A_280 = arith.constant 3 : i32
          %mul3A_281 = arith.muli %add3A_277, %mul3A_280 : i32
          %add3A_282 = arith.addi %mul3A_279, %mul3A_281 : i32
          "tpu.region"() ({
            %run_scoped3A = tpu.sem_alloc : memref<!tpu.dma_semaphore, #tpu.memory_space<semaphore_mem>>
            %dma_start3A_291 = arith.constant 0 : i32
            %dma_start3A_292 = tpu.memref_slice %arg11[%add3A_282, %dma_start3A_291] : memref<4704x128xi32, #tpu.memory_space<hbm>> -> memref<3x128xi32, #tpu.memory_space<hbm>>
            %dma_start3A_293 = arith.constant 0 : i32
            %dma_start3A_294 = tpu.memref_slice %arg11[%add3A_282, %dma_start3A_293] : memref<4704x128xi32, #tpu.memory_space<hbm>> -> memref<3x128xi32, #tpu.memory_space<hbm>>
            tpu.enqueue_dma source(%dma_start3A_294 : memref<3x128xi32, #tpu.memory_space<hbm>>) target(%arg20 : memref<3x128xi32, #tpu.memory_space<vmem>>) target_semaphore(%run_scoped3A : memref<!tpu.dma_semaphore, #tpu.memory_space<semaphore_mem>>)
            %dma_wait3A_295 = arith.constant 0 : i32
            %dma_wait3A_296 = tpu.memref_slice %arg11[%add3A_282, %dma_wait3A_295] : memref<4704x128xi32, #tpu.memory_space<hbm>> -> memref<3x128xi32, #tpu.memory_space<hbm>>
            %dma_wait3A_297 = arith.constant 0 : i32
            %dma_wait3A_298 = tpu.memref_slice %arg11[%add3A_282, %dma_wait3A_297] : memref<4704x128xi32, #tpu.memory_space<hbm>> -> memref<3x128xi32, #tpu.memory_space<hbm>>
            tpu.wait_dma2 semaphore(%run_scoped3A : memref<!tpu.dma_semaphore, #tpu.memory_space<semaphore_mem>>) src(%dma_wait3A_298 : memref<3x128xi32, #tpu.memory_space<hbm>>) dst(%arg20 : memref<3x128xi32, #tpu.memory_space<vmem>>)
            tpu.yield
          }) : () -> ()
          %mul3A_283 = arith.constant 37632 : i32
          %mul3A_284 = arith.muli %arg1, %mul3A_283 : i32
          %mul3A_285 = arith.constant 384 : i32
          %mul3A_286 = arith.muli %add3A_277, %mul3A_285 : i32
          %add3A_287 = arith.addi %mul3A_284, %mul3A_286 : i32
          "tpu.region"() ({
            %run_scoped3A = tpu.sem_alloc : memref<!tpu.dma_semaphore, #tpu.memory_space<semaphore_mem>>
            %dma_start3A_291 = tpu.memref_slice %arg7[%add3A_287] : memref<602112xi32, #tpu.memory_space<hbm>> -> memref<384xi32, #tpu.memory_space<hbm>>
            %dma_start3A_292 = tpu.memref_slice %arg7[%add3A_287] : memref<602112xi32, #tpu.memory_space<hbm>> -> memref<384xi32, #tpu.memory_space<hbm>>
            tpu.enqueue_dma source(%dma_start3A_292 : memref<384xi32, #tpu.memory_space<hbm>>) target(%arg18 : memref<384xi32, #tpu.memory_space<vmem>>) target_semaphore(%run_scoped3A : memref<!tpu.dma_semaphore, #tpu.memory_space<semaphore_mem>>)
            %dma_wait3A_293 = tpu.memref_slice %arg7[%add3A_287] : memref<602112xi32, #tpu.memory_space<hbm>> -> memref<384xi32, #tpu.memory_space<hbm>>
            %dma_wait3A_294 = tpu.memref_slice %arg7[%add3A_287] : memref<602112xi32, #tpu.memory_space<hbm>> -> memref<384xi32, #tpu.memory_space<hbm>>
            tpu.wait_dma2 semaphore(%run_scoped3A : memref<!tpu.dma_semaphore, #tpu.memory_space<semaphore_mem>>) src(%dma_wait3A_294 : memref<384xi32, #tpu.memory_space<hbm>>) dst(%arg18 : memref<384xi32, #tpu.memory_space<vmem>>)
            tpu.yield
          }) : () -> ()
          %dma_start3A_288 = arith.constant 0 : i32
          %dma_start3A_289 = arith.constant 0 : i32
          %dma_start3A_290 = tpu.memref_slice %arg2[%dma_start3A_288, %dma_start3A_289] : memref<100000x64xbf16, #tpu.memory_space<hbm>> -> memref<100000x64xbf16, #tpu.memory_space<hbm>>
          tpu.enqueue_indirect_dma source(%dma_start3A_290 : memref<100000x64xbf16, #tpu.memory_space<hbm>>) target(%arg22 : memref<384x64xbf16, #tpu.memory_space<vmem>>) offsets(%arg18 : memref<384xi32, #tpu.memory_space<vmem>>) semaphore(%arg24 : memref<!tpu.dma_semaphore, #tpu.memory_space<semaphore_mem>>)
        } else {
        }
      }
      %scan3A_86 = arith.constant 49 : i32
      %dma_wait3A_87 = arith.constant 0 : i32
      %dma_wait3A_88 = arith.constant 0 : i32
      %dma_wait3A_89 = arith.constant 0 : i32
      %dma_wait3A_90 = tpu.memref_slice %arg22[%dma_wait3A_88, %dma_wait3A_89] : memref<384x64xbf16, #tpu.memory_space<vmem>> -> memref<128x64xbf16, #tpu.memory_space<vmem>>
      %dma_wait3A_91 = arith.constant 0 : i32
      %dma_wait3A_92 = tpu.memref_slice %arg20[%dma_wait3A_87, %dma_wait3A_91] : memref<3x128xi32, #tpu.memory_space<vmem>> -> memref<1x128xi32, #tpu.memory_space<vmem>>
      %dma_wait3A_93 = tpu.memref_squeeze %dma_wait3A_92 : memref<1x128xi32, #tpu.memory_space<vmem>> -> memref<128xi32, #tpu.memory_space<vmem>>
      %dma_wait3A_94 = arith.constant 0 : i32
      %dma_wait3A_95 = arith.constant 0 : i32
      %dma_wait3A_96 = tpu.memref_slice %arg17[%dma_wait3A_94, %dma_wait3A_95] : memref<51200x64xbf16, #tpu.memory_space<vmem_shared>> -> memref<51200x64xbf16, #tpu.memory_space<vmem_shared>>
      tpu.wait_indirect_dma semaphore(%arg26 : memref<!tpu.dma_semaphore, #tpu.memory_space<semaphore_mem>>) src(%dma_wait3A_90 : memref<128x64xbf16, #tpu.memory_space<vmem>>) dst(%dma_wait3A_96 : memref<51200x64xbf16, #tpu.memory_space<vmem_shared>>)
      %dma_wait3A_97 = arith.constant 1 : i32
      %dma_wait3A_98 = arith.constant 128 : i32
      %dma_wait3A_99 = arith.constant 0 : i32
      %dma_wait3A_100 = tpu.memref_slice %arg22[%dma_wait3A_98, %dma_wait3A_99] : memref<384x64xbf16, #tpu.memory_space<vmem>> -> memref<128x64xbf16, #tpu.memory_space<vmem>>
      %dma_wait3A_101 = arith.constant 0 : i32
      %dma_wait3A_102 = tpu.memref_slice %arg20[%dma_wait3A_97, %dma_wait3A_101] : memref<3x128xi32, #tpu.memory_space<vmem>> -> memref<1x128xi32, #tpu.memory_space<vmem>>
      %dma_wait3A_103 = tpu.memref_squeeze %dma_wait3A_102 : memref<1x128xi32, #tpu.memory_space<vmem>> -> memref<128xi32, #tpu.memory_space<vmem>>
      %dma_wait3A_104 = arith.constant 0 : i32
      %dma_wait3A_105 = arith.constant 0 : i32
      %dma_wait3A_106 = tpu.memref_slice %arg17[%dma_wait3A_104, %dma_wait3A_105] : memref<51200x64xbf16, #tpu.memory_space<vmem_shared>> -> memref<51200x64xbf16, #tpu.memory_space<vmem_shared>>
      tpu.wait_indirect_dma semaphore(%arg26 : memref<!tpu.dma_semaphore, #tpu.memory_space<semaphore_mem>>) src(%dma_wait3A_100 : memref<128x64xbf16, #tpu.memory_space<vmem>>) dst(%dma_wait3A_106 : memref<51200x64xbf16, #tpu.memory_space<vmem_shared>>)
      %dma_wait3A_107 = arith.constant 2 : i32
      %dma_wait3A_108 = arith.constant 256 : i32
      %dma_wait3A_109 = arith.constant 0 : i32
      %dma_wait3A_110 = tpu.memref_slice %arg22[%dma_wait3A_108, %dma_wait3A_109] : memref<384x64xbf16, #tpu.memory_space<vmem>> -> memref<128x64xbf16, #tpu.memory_space<vmem>>
      %dma_wait3A_111 = arith.constant 0 : i32
      %dma_wait3A_112 = tpu.memref_slice %arg20[%dma_wait3A_107, %dma_wait3A_111] : memref<3x128xi32, #tpu.memory_space<vmem>> -> memref<1x128xi32, #tpu.memory_space<vmem>>
      %dma_wait3A_113 = tpu.memref_squeeze %dma_wait3A_112 : memref<1x128xi32, #tpu.memory_space<vmem>> -> memref<128xi32, #tpu.memory_space<vmem>>
      %dma_wait3A_114 = arith.constant 0 : i32
      %dma_wait3A_115 = arith.constant 0 : i32
      %dma_wait3A_116 = tpu.memref_slice %arg17[%dma_wait3A_114, %dma_wait3A_115] : memref<51200x64xbf16, #tpu.memory_space<vmem_shared>> -> memref<51200x64xbf16, #tpu.memory_space<vmem_shared>>
      tpu.wait_indirect_dma semaphore(%arg26 : memref<!tpu.dma_semaphore, #tpu.memory_space<semaphore_mem>>) src(%dma_wait3A_110 : memref<128x64xbf16, #tpu.memory_space<vmem>>) dst(%dma_wait3A_116 : memref<51200x64xbf16, #tpu.memory_space<vmem_shared>>)
      %dma_wait3A_117 = arith.constant 0 : i32
      %dma_wait3A_118 = arith.constant 0 : i32
      %dma_wait3A_119 = arith.constant 0 : i32
      %dma_wait3A_120 = tpu.memref_slice %arg23[%dma_wait3A_118, %dma_wait3A_119] : memref<384x64xbf16, #tpu.memory_space<vmem>> -> memref<128x64xbf16, #tpu.memory_space<vmem>>
      %dma_wait3A_121 = arith.constant 0 : i32
      %dma_wait3A_122 = tpu.memref_slice %arg21[%dma_wait3A_117, %dma_wait3A_121] : memref<3x128xi32, #tpu.memory_space<vmem>> -> memref<1x128xi32, #tpu.memory_space<vmem>>
      %dma_wait3A_123 = tpu.memref_squeeze %dma_wait3A_122 : memref<1x128xi32, #tpu.memory_space<vmem>> -> memref<128xi32, #tpu.memory_space<vmem>>
      %dma_wait3A_124 = arith.constant 0 : i32
      %dma_wait3A_125 = arith.constant 0 : i32
      %dma_wait3A_126 = tpu.memref_slice %arg17[%dma_wait3A_124, %dma_wait3A_125] : memref<51200x64xbf16, #tpu.memory_space<vmem_shared>> -> memref<51200x64xbf16, #tpu.memory_space<vmem_shared>>
      tpu.wait_indirect_dma semaphore(%arg27 : memref<!tpu.dma_semaphore, #tpu.memory_space<semaphore_mem>>) src(%dma_wait3A_120 : memref<128x64xbf16, #tpu.memory_space<vmem>>) dst(%dma_wait3A_126 : memref<51200x64xbf16, #tpu.memory_space<vmem_shared>>)
      %dma_wait3A_127 = arith.constant 1 : i32
      %dma_wait3A_128 = arith.constant 128 : i32
      %dma_wait3A_129 = arith.constant 0 : i32
      %dma_wait3A_130 = tpu.memref_slice %arg23[%dma_wait3A_128, %dma_wait3A_129] : memref<384x64xbf16, #tpu.memory_space<vmem>> -> memref<128x64xbf16, #tpu.memory_space<vmem>>
      %dma_wait3A_131 = arith.constant 0 : i32
      %dma_wait3A_132 = tpu.memref_slice %arg21[%dma_wait3A_127, %dma_wait3A_131] : memref<3x128xi32, #tpu.memory_space<vmem>> -> memref<1x128xi32, #tpu.memory_space<vmem>>
      %dma_wait3A_133 = tpu.memref_squeeze %dma_wait3A_132 : memref<1x128xi32, #tpu.memory_space<vmem>> -> memref<128xi32, #tpu.memory_space<vmem>>
      %dma_wait3A_134 = arith.constant 0 : i32
      %dma_wait3A_135 = arith.constant 0 : i32
      %dma_wait3A_136 = tpu.memref_slice %arg17[%dma_wait3A_134, %dma_wait3A_135] : memref<51200x64xbf16, #tpu.memory_space<vmem_shared>> -> memref<51200x64xbf16, #tpu.memory_space<vmem_shared>>
      tpu.wait_indirect_dma semaphore(%arg27 : memref<!tpu.dma_semaphore, #tpu.memory_space<semaphore_mem>>) src(%dma_wait3A_130 : memref<128x64xbf16, #tpu.memory_space<vmem>>) dst(%dma_wait3A_136 : memref<51200x64xbf16, #tpu.memory_space<vmem_shared>>)
      %dma_wait3A_137 = arith.constant 2 : i32
      %dma_wait3A_138 = arith.constant 256 : i32
      %dma_wait3A_139 = arith.constant 0 : i32
      %dma_wait3A_140 = tpu.memref_slice %arg23[%dma_wait3A_138, %dma_wait3A_139] : memref<384x64xbf16, #tpu.memory_space<vmem>> -> memref<128x64xbf16, #tpu.memory_space<vmem>>
      %dma_wait3A_141 = arith.constant 0 : i32
      %dma_wait3A_142 = tpu.memref_slice %arg21[%dma_wait3A_137, %dma_wait3A_141] : memref<3x128xi32, #tpu.memory_space<vmem>> -> memref<1x128xi32, #tpu.memory_space<vmem>>
      %dma_wait3A_143 = tpu.memref_squeeze %dma_wait3A_142 : memref<1x128xi32, #tpu.memory_space<vmem>> -> memref<128xi32, #tpu.memory_space<vmem>>
      %dma_wait3A_144 = arith.constant 0 : i32
      %dma_wait3A_145 = arith.constant 0 : i32
      %dma_wait3A_146 = tpu.memref_slice %arg17[%dma_wait3A_144, %dma_wait3A_145] : memref<51200x64xbf16, #tpu.memory_space<vmem_shared>> -> memref<51200x64xbf16, #tpu.memory_space<vmem_shared>>
      tpu.wait_indirect_dma semaphore(%arg27 : memref<!tpu.dma_semaphore, #tpu.memory_space<semaphore_mem>>) src(%dma_wait3A_140 : memref<128x64xbf16, #tpu.memory_space<vmem>>) dst(%dma_wait3A_146 : memref<51200x64xbf16, #tpu.memory_space<vmem_shared>>)
      %barrier3A_147 = arith.constant 0 : index
      tpu.barrier barrier_id(%barrier3A_147)
      %mul3A_148 = arith.constant 3200 : i32
      %mul3A_149 = arith.muli %arg1, %mul3A_148 : i32
      %mul3A_150 = arith.constant 3200 : i32
      %mul3A_151 = arith.muli %arg1, %mul3A_150 : i32
      "tpu.region"() ({
        %run_scoped3A = tpu.sem_alloc : memref<!tpu.dma_semaphore, #tpu.memory_space<semaphore_mem>>
        %dma_start3A_152 = arith.constant 64 : i32
        %dma_start3A_153 = tpu.memref_slice %arg15[%mul3A_151, %dma_start3A_152] : memref<51200x128xbf16, #tpu.memory_space<hbm>> -> memref<3200x64xbf16, #tpu.memory_space<hbm>>
        %dma_start3A_154 = arith.constant 0 : i32
        %dma_start3A_155 = tpu.memref_slice %arg17[%mul3A_149, %dma_start3A_154] : memref<51200x64xbf16, #tpu.memory_space<vmem_shared>> -> memref<3200x64xbf16, #tpu.memory_space<vmem_shared>>
        tpu.enqueue_dma source(%dma_start3A_155 : memref<3200x64xbf16, #tpu.memory_space<vmem_shared>>) target(%dma_start3A_153 : memref<3200x64xbf16, #tpu.memory_space<hbm>>) target_semaphore(%run_scoped3A : memref<!tpu.dma_semaphore, #tpu.memory_space<semaphore_mem>>)
        %dma_wait3A_156 = arith.constant 64 : i32
        %dma_wait3A_157 = tpu.memref_slice %arg15[%mul3A_151, %dma_wait3A_156] : memref<51200x128xbf16, #tpu.memory_space<hbm>> -> memref<3200x64xbf16, #tpu.memory_space<hbm>>
        %dma_wait3A_158 = arith.constant 0 : i32
        %dma_wait3A_159 = tpu.memref_slice %arg17[%mul3A_149, %dma_wait3A_158] : memref<51200x64xbf16, #tpu.memory_space<vmem_shared>> -> memref<3200x64xbf16, #tpu.memory_space<vmem_shared>>
        tpu.wait_dma2 semaphore(%run_scoped3A : memref<!tpu.dma_semaphore, #tpu.memory_space<semaphore_mem>>) src(%dma_wait3A_159 : memref<3200x64xbf16, #tpu.memory_space<vmem_shared>>) dst(%dma_wait3A_157 : memref<3200x64xbf16, #tpu.memory_space<hbm>>)
        tpu.yield
      }) : () -> ()
    } else {
    }
    %eq3A_17 = arith.constant 0 : i32
    %eq3A_18 = arith.cmpi eq, %arg0, %eq3A_17 : i32
    %convert_element_type3A_19 = arith.extui %eq3A_18 : i1 to i32
    %cond3A_20 = arith.constant 0 : i32
    %cond3A_21 = arith.cmpi ne, %convert_element_type3A_19, %cond3A_20 : i32
    scf.if %cond3A_21 {
      %mul3A = arith.constant 3200 : i32
      %mul3A_27 = arith.muli %arg1, %mul3A : i32
      %add3A = arith.constant 0 : i32
      %add3A_28 = arith.addi %mul3A_27, %add3A : i32
      %dma_start3A = arith.constant 0 : i32
      %dma_start3A_29 = tpu.memref_slice %arg17[%add3A_28, %dma_start3A] : memref<51200x64xbf16, #tpu.memory_space<vmem_shared>> -> memref<800x64xbf16, #tpu.memory_space<vmem_shared>>
      tpu.enqueue_dma source(%arg13 : memref<800x64xbf16, #tpu.memory_space<hbm>>) target(%dma_start3A_29 : memref<800x64xbf16, #tpu.memory_space<vmem_shared>>) target_semaphore(%arg28 : memref<!tpu.dma_semaphore, #tpu.memory_space<semaphore_mem>>)
      %mul3A_30 = arith.constant 3200 : i32
      %mul3A_31 = arith.muli %arg1, %mul3A_30 : i32
      %add3A_32 = arith.constant 800 : i32
      %add3A_33 = arith.addi %mul3A_31, %add3A_32 : i32
      %dma_start3A_34 = arith.constant 0 : i32
      %dma_start3A_35 = tpu.memref_slice %arg17[%add3A_33, %dma_start3A_34] : memref<51200x64xbf16, #tpu.memory_space<vmem_shared>> -> memref<800x64xbf16, #tpu.memory_space<vmem_shared>>
      tpu.enqueue_dma source(%arg13 : memref<800x64xbf16, #tpu.memory_space<hbm>>) target(%dma_start3A_35 : memref<800x64xbf16, #tpu.memory_space<vmem_shared>>) target_semaphore(%arg28 : memref<!tpu.dma_semaphore, #tpu.memory_space<semaphore_mem>>)
      %mul3A_36 = arith.constant 3200 : i32
      %mul3A_37 = arith.muli %arg1, %mul3A_36 : i32
      %add3A_38 = arith.constant 1600 : i32
      %add3A_39 = arith.addi %mul3A_37, %add3A_38 : i32
      %dma_start3A_40 = arith.constant 0 : i32
      %dma_start3A_41 = tpu.memref_slice %arg17[%add3A_39, %dma_start3A_40] : memref<51200x64xbf16, #tpu.memory_space<vmem_shared>> -> memref<800x64xbf16, #tpu.memory_space<vmem_shared>>
      tpu.enqueue_dma source(%arg13 : memref<800x64xbf16, #tpu.memory_space<hbm>>) target(%dma_start3A_41 : memref<800x64xbf16, #tpu.memory_space<vmem_shared>>) target_semaphore(%arg28 : memref<!tpu.dma_semaphore, #tpu.memory_space<semaphore_mem>>)
      %mul3A_42 = arith.constant 3200 : i32
      %mul3A_43 = arith.muli %arg1, %mul3A_42 : i32
      %add3A_44 = arith.constant 2400 : i32
      %add3A_45 = arith.addi %mul3A_43, %add3A_44 : i32
      %dma_start3A_46 = arith.constant 0 : i32
      %dma_start3A_47 = tpu.memref_slice %arg17[%add3A_45, %dma_start3A_46] : memref<51200x64xbf16, #tpu.memory_space<vmem_shared>> -> memref<800x64xbf16, #tpu.memory_space<vmem_shared>>
      tpu.enqueue_dma source(%arg13 : memref<800x64xbf16, #tpu.memory_space<hbm>>) target(%dma_start3A_47 : memref<800x64xbf16, #tpu.memory_space<vmem_shared>>) target_semaphore(%arg28 : memref<!tpu.dma_semaphore, #tpu.memory_space<semaphore_mem>>)
      %mul3A_48 = arith.constant 3200 : i32
      %mul3A_49 = arith.muli %arg1, %mul3A_48 : i32
      %add3A_50 = arith.constant 0 : i32
      %add3A_51 = arith.addi %mul3A_49, %add3A_50 : i32
      %dma_wait3A = arith.constant 0 : i32
      %dma_wait3A_52 = tpu.memref_slice %arg17[%add3A_51, %dma_wait3A] : memref<51200x64xbf16, #tpu.memory_space<vmem_shared>> -> memref<800x64xbf16, #tpu.memory_space<vmem_shared>>
      tpu.wait_dma2 semaphore(%arg28 : memref<!tpu.dma_semaphore, #tpu.memory_space<semaphore_mem>>) src(%arg13 : memref<800x64xbf16, #tpu.memory_space<hbm>>) dst(%dma_wait3A_52 : memref<800x64xbf16, #tpu.memory_space<vmem_shared>>)
      %mul3A_53 = arith.constant 3200 : i32
      %mul3A_54 = arith.muli %arg1, %mul3A_53 : i32
      %add3A_55 = arith.constant 800 : i32
      %add3A_56 = arith.addi %mul3A_54, %add3A_55 : i32
      %dma_wait3A_57 = arith.constant 0 : i32
      %dma_wait3A_58 = tpu.memref_slice %arg17[%add3A_56, %dma_wait3A_57] : memref<51200x64xbf16, #tpu.memory_space<vmem_shared>> -> memref<800x64xbf16, #tpu.memory_space<vmem_shared>>
      tpu.wait_dma2 semaphore(%arg28 : memref<!tpu.dma_semaphore, #tpu.memory_space<semaphore_mem>>) src(%arg13 : memref<800x64xbf16, #tpu.memory_space<hbm>>) dst(%dma_wait3A_58 : memref<800x64xbf16, #tpu.memory_space<vmem_shared>>)
      %mul3A_59 = arith.constant 3200 : i32
      %mul3A_60 = arith.muli %arg1, %mul3A_59 : i32
      %add3A_61 = arith.constant 1600 : i32
      %add3A_62 = arith.addi %mul3A_60, %add3A_61 : i32
      %dma_wait3A_63 = arith.constant 0 : i32
      %dma_wait3A_64 = tpu.memref_slice %arg17[%add3A_62, %dma_wait3A_63] : memref<51200x64xbf16, #tpu.memory_space<vmem_shared>> -> memref<800x64xbf16, #tpu.memory_space<vmem_shared>>
      tpu.wait_dma2 semaphore(%arg28 : memref<!tpu.dma_semaphore, #tpu.memory_space<semaphore_mem>>) src(%arg13 : memref<800x64xbf16, #tpu.memory_space<hbm>>) dst(%dma_wait3A_64 : memref<800x64xbf16, #tpu.memory_space<vmem_shared>>)
      %mul3A_65 = arith.constant 3200 : i32
      %mul3A_66 = arith.muli %arg1, %mul3A_65 : i32
      %add3A_67 = arith.constant 2400 : i32
      %add3A_68 = arith.addi %mul3A_66, %add3A_67 : i32
      %dma_wait3A_69 = arith.constant 0 : i32
      %dma_wait3A_70 = tpu.memref_slice %arg17[%add3A_68, %dma_wait3A_69] : memref<51200x64xbf16, #tpu.memory_space<vmem_shared>> -> memref<800x64xbf16, #tpu.memory_space<vmem_shared>>
      tpu.wait_dma2 semaphore(%arg28 : memref<!tpu.dma_semaphore, #tpu.memory_space<semaphore_mem>>) src(%arg13 : memref<800x64xbf16, #tpu.memory_space<hbm>>) dst(%dma_wait3A_70 : memref<800x64xbf16, #tpu.memory_space<vmem_shared>>)
      %barrier3A = arith.constant 0 : index
      tpu.barrier barrier_id(%barrier3A)
      %mul3A_71 = arith.constant 294 : i32
      %mul3A_72 = arith.muli %arg1, %mul3A_71 : i32
      %add3A_73 = arith.constant 0 : i32
      %add3A_74 = arith.addi %mul3A_72, %add3A_73 : i32
      "tpu.region"() ({
        %run_scoped3A = tpu.sem_alloc : memref<!tpu.dma_semaphore, #tpu.memory_space<semaphore_mem>>
        %dma_start3A_152 = arith.constant 0 : i32
        %dma_start3A_153 = tpu.memref_slice %arg12[%add3A_74, %dma_start3A_152] : memref<4704x128xi32, #tpu.memory_space<hbm>> -> memref<3x128xi32, #tpu.memory_space<hbm>>
        %dma_start3A_154 = arith.constant 0 : i32
        %dma_start3A_155 = tpu.memref_slice %arg12[%add3A_74, %dma_start3A_154] : memref<4704x128xi32, #tpu.memory_space<hbm>> -> memref<3x128xi32, #tpu.memory_space<hbm>>
        tpu.enqueue_dma source(%dma_start3A_155 : memref<3x128xi32, #tpu.memory_space<hbm>>) target(%arg20 : memref<3x128xi32, #tpu.memory_space<vmem>>) target_semaphore(%run_scoped3A : memref<!tpu.dma_semaphore, #tpu.memory_space<semaphore_mem>>)
        %dma_wait3A_156 = arith.constant 0 : i32
        %dma_wait3A_157 = tpu.memref_slice %arg12[%add3A_74, %dma_wait3A_156] : memref<4704x128xi32, #tpu.memory_space<hbm>> -> memref<3x128xi32, #tpu.memory_space<hbm>>
        %dma_wait3A_158 = arith.constant 0 : i32
        %dma_wait3A_159 = tpu.memref_slice %arg12[%add3A_74, %dma_wait3A_158] : memref<4704x128xi32, #tpu.memory_space<hbm>> -> memref<3x128xi32, #tpu.memory_space<hbm>>
        tpu.wait_dma2 semaphore(%run_scoped3A : memref<!tpu.dma_semaphore, #tpu.memory_space<semaphore_mem>>) src(%dma_wait3A_159 : memref<3x128xi32, #tpu.memory_space<hbm>>) dst(%arg20 : memref<3x128xi32, #tpu.memory_space<vmem>>)
        tpu.yield
      }) : () -> ()
      %mul3A_75 = arith.constant 37632 : i32
      %mul3A_76 = arith.muli %arg1, %mul3A_75 : i32
      %add3A_77 = arith.constant 0 : i32
      %add3A_78 = arith.addi %mul3A_76, %add3A_77 : i32
      "tpu.region"() ({
        %run_scoped3A = tpu.sem_alloc : memref<!tpu.dma_semaphore, #tpu.memory_space<semaphore_mem>>
        %dma_start3A_152 = tpu.memref_slice %arg8[%add3A_78] : memref<602112xi32, #tpu.memory_space<hbm>> -> memref<384xi32, #tpu.memory_space<hbm>>
        %dma_start3A_153 = tpu.memref_slice %arg8[%add3A_78] : memref<602112xi32, #tpu.memory_space<hbm>> -> memref<384xi32, #tpu.memory_space<hbm>>
        tpu.enqueue_dma source(%dma_start3A_153 : memref<384xi32, #tpu.memory_space<hbm>>) target(%arg18 : memref<384xi32, #tpu.memory_space<vmem>>) target_semaphore(%run_scoped3A : memref<!tpu.dma_semaphore, #tpu.memory_space<semaphore_mem>>)
        %dma_wait3A_154 = tpu.memref_slice %arg8[%add3A_78] : memref<602112xi32, #tpu.memory_space<hbm>> -> memref<384xi32, #tpu.memory_space<hbm>>
        %dma_wait3A_155 = tpu.memref_slice %arg8[%add3A_78] : memref<602112xi32, #tpu.memory_space<hbm>> -> memref<384xi32, #tpu.memory_space<hbm>>
        tpu.wait_dma2 semaphore(%run_scoped3A : memref<!tpu.dma_semaphore, #tpu.memory_space<semaphore_mem>>) src(%dma_wait3A_155 : memref<384xi32, #tpu.memory_space<hbm>>) dst(%arg18 : memref<384xi32, #tpu.memory_space<vmem>>)
        tpu.yield
      }) : () -> ()
      %dma_start3A_79 = arith.constant 0 : i32
      %dma_start3A_80 = arith.constant 0 : i32
      %dma_start3A_81 = tpu.memref_slice %arg3[%dma_start3A_79, %dma_start3A_80] : memref<100000x64xbf16, #tpu.memory_space<hbm>> -> memref<100000x64xbf16, #tpu.memory_space<hbm>>
      tpu.enqueue_indirect_dma source(%dma_start3A_81 : memref<100000x64xbf16, #tpu.memory_space<hbm>>) target(%arg22 : memref<384x64xbf16, #tpu.memory_space<vmem>>) offsets(%arg18 : memref<384xi32, #tpu.memory_space<vmem>>) semaphore(%arg24 : memref<!tpu.dma_semaphore, #tpu.memory_space<semaphore_mem>>)
      %scan3A = arith.constant 0 : i32
      %scan3A_82 = arith.constant 0 : i32
      %scan3A_83 = arith.constant 49 : i32
      %scan3A_84 = arith.addi %scan3A_82, %scan3A_83 : i32
      %scan3A_85 = arith.constant 1 : i32
      scf.for %scan3A_152 = %scan3A_82 to %scan3A_84 step %scan3A_85  : i32 {
        %mul3A_153 = arith.constant 2 : i32
        %mul3A_154 = arith.muli %scan3A_152, %mul3A_153 : i32
        %gt3A = arith.constant 0 : i32
        %gt3A_155 = arith.cmpi sgt, %scan3A_152, %gt3A : i32
        %convert_element_type3A_156 = arith.extui %gt3A_155 : i1 to i32
        %cond3A_157 = arith.constant 0 : i32
        %cond3A_158 = arith.cmpi ne, %convert_element_type3A_156, %cond3A_157 : i32
        scf.if %cond3A_158 {
          %dma_wait3A_246 = arith.constant 0 : i32
          %dma_wait3A_247 = arith.constant 0 : i32
          %dma_wait3A_248 = arith.constant 0 : i32
          %dma_wait3A_249 = tpu.memref_slice %arg23[%dma_wait3A_247, %dma_wait3A_248] : memref<384x64xbf16, #tpu.memory_space<vmem>> -> memref<128x64xbf16, #tpu.memory_space<vmem>>
          %dma_wait3A_250 = arith.constant 0 : i32
          %dma_wait3A_251 = tpu.memref_slice %arg21[%dma_wait3A_246, %dma_wait3A_250] : memref<3x128xi32, #tpu.memory_space<vmem>> -> memref<1x128xi32, #tpu.memory_space<vmem>>
          %dma_wait3A_252 = tpu.memref_squeeze %dma_wait3A_251 : memref<1x128xi32, #tpu.memory_space<vmem>> -> memref<128xi32, #tpu.memory_space<vmem>>
          %dma_wait3A_253 = arith.constant 0 : i32
          %dma_wait3A_254 = arith.constant 0 : i32
          %dma_wait3A_255 = tpu.memref_slice %arg17[%dma_wait3A_253, %dma_wait3A_254] : memref<51200x64xbf16, #tpu.memory_space<vmem_shared>> -> memref<51200x64xbf16, #tpu.memory_space<vmem_shared>>
          tpu.wait_indirect_dma semaphore(%arg27 : memref<!tpu.dma_semaphore, #tpu.memory_space<semaphore_mem>>) src(%dma_wait3A_249 : memref<128x64xbf16, #tpu.memory_space<vmem>>) dst(%dma_wait3A_255 : memref<51200x64xbf16, #tpu.memory_space<vmem_shared>>)
          %dma_wait3A_256 = arith.constant 1 : i32
          %dma_wait3A_257 = arith.constant 128 : i32
          %dma_wait3A_258 = arith.constant 0 : i32
          %dma_wait3A_259 = tpu.memref_slice %arg23[%dma_wait3A_257, %dma_wait3A_258] : memref<384x64xbf16, #tpu.memory_space<vmem>> -> memref<128x64xbf16, #tpu.memory_space<vmem>>
          %dma_wait3A_260 = arith.constant 0 : i32
          %dma_wait3A_261 = tpu.memref_slice %arg21[%dma_wait3A_256, %dma_wait3A_260] : memref<3x128xi32, #tpu.memory_space<vmem>> -> memref<1x128xi32, #tpu.memory_space<vmem>>
          %dma_wait3A_262 = tpu.memref_squeeze %dma_wait3A_261 : memref<1x128xi32, #tpu.memory_space<vmem>> -> memref<128xi32, #tpu.memory_space<vmem>>
          %dma_wait3A_263 = arith.constant 0 : i32
          %dma_wait3A_264 = arith.constant 0 : i32
          %dma_wait3A_265 = tpu.memref_slice %arg17[%dma_wait3A_263, %dma_wait3A_264] : memref<51200x64xbf16, #tpu.memory_space<vmem_shared>> -> memref<51200x64xbf16, #tpu.memory_space<vmem_shared>>
          tpu.wait_indirect_dma semaphore(%arg27 : memref<!tpu.dma_semaphore, #tpu.memory_space<semaphore_mem>>) src(%dma_wait3A_259 : memref<128x64xbf16, #tpu.memory_space<vmem>>) dst(%dma_wait3A_265 : memref<51200x64xbf16, #tpu.memory_space<vmem_shared>>)
          %dma_wait3A_266 = arith.constant 2 : i32
          %dma_wait3A_267 = arith.constant 256 : i32
          %dma_wait3A_268 = arith.constant 0 : i32
          %dma_wait3A_269 = tpu.memref_slice %arg23[%dma_wait3A_267, %dma_wait3A_268] : memref<384x64xbf16, #tpu.memory_space<vmem>> -> memref<128x64xbf16, #tpu.memory_space<vmem>>
          %dma_wait3A_270 = arith.constant 0 : i32
          %dma_wait3A_271 = tpu.memref_slice %arg21[%dma_wait3A_266, %dma_wait3A_270] : memref<3x128xi32, #tpu.memory_space<vmem>> -> memref<1x128xi32, #tpu.memory_space<vmem>>
          %dma_wait3A_272 = tpu.memref_squeeze %dma_wait3A_271 : memref<1x128xi32, #tpu.memory_space<vmem>> -> memref<128xi32, #tpu.memory_space<vmem>>
          %dma_wait3A_273 = arith.constant 0 : i32
          %dma_wait3A_274 = arith.constant 0 : i32
          %dma_wait3A_275 = tpu.memref_slice %arg17[%dma_wait3A_273, %dma_wait3A_274] : memref<51200x64xbf16, #tpu.memory_space<vmem_shared>> -> memref<51200x64xbf16, #tpu.memory_space<vmem_shared>>
          tpu.wait_indirect_dma semaphore(%arg27 : memref<!tpu.dma_semaphore, #tpu.memory_space<semaphore_mem>>) src(%dma_wait3A_269 : memref<128x64xbf16, #tpu.memory_space<vmem>>) dst(%dma_wait3A_275 : memref<51200x64xbf16, #tpu.memory_space<vmem_shared>>)
        } else {
        }
        %add3A_159 = arith.constant 1 : i32
        %add3A_160 = arith.addi %mul3A_154, %add3A_159 : i32
        %mul3A_161 = arith.constant 294 : i32
        %mul3A_162 = arith.muli %arg1, %mul3A_161 : i32
        %mul3A_163 = arith.constant 3 : i32
        %mul3A_164 = arith.muli %add3A_160, %mul3A_163 : i32
        %add3A_165 = arith.addi %mul3A_162, %mul3A_164 : i32
        "tpu.region"() ({
          %run_scoped3A = tpu.sem_alloc : memref<!tpu.dma_semaphore, #tpu.memory_space<semaphore_mem>>
          %dma_start3A_246 = arith.constant 0 : i32
          %dma_start3A_247 = tpu.memref_slice %arg12[%add3A_165, %dma_start3A_246] : memref<4704x128xi32, #tpu.memory_space<hbm>> -> memref<3x128xi32, #tpu.memory_space<hbm>>
          %dma_start3A_248 = arith.constant 0 : i32
          %dma_start3A_249 = tpu.memref_slice %arg12[%add3A_165, %dma_start3A_248] : memref<4704x128xi32, #tpu.memory_space<hbm>> -> memref<3x128xi32, #tpu.memory_space<hbm>>
          tpu.enqueue_dma source(%dma_start3A_249 : memref<3x128xi32, #tpu.memory_space<hbm>>) target(%arg21 : memref<3x128xi32, #tpu.memory_space<vmem>>) target_semaphore(%run_scoped3A : memref<!tpu.dma_semaphore, #tpu.memory_space<semaphore_mem>>)
          %dma_wait3A_250 = arith.constant 0 : i32
          %dma_wait3A_251 = tpu.memref_slice %arg12[%add3A_165, %dma_wait3A_250] : memref<4704x128xi32, #tpu.memory_space<hbm>> -> memref<3x128xi32, #tpu.memory_space<hbm>>
          %dma_wait3A_252 = arith.constant 0 : i32
          %dma_wait3A_253 = tpu.memref_slice %arg12[%add3A_165, %dma_wait3A_252] : memref<4704x128xi32, #tpu.memory_space<hbm>> -> memref<3x128xi32, #tpu.memory_space<hbm>>
          tpu.wait_dma2 semaphore(%run_scoped3A : memref<!tpu.dma_semaphore, #tpu.memory_space<semaphore_mem>>) src(%dma_wait3A_253 : memref<3x128xi32, #tpu.memory_space<hbm>>) dst(%arg21 : memref<3x128xi32, #tpu.memory_space<vmem>>)
          tpu.yield
        }) : () -> ()
        %mul3A_166 = arith.constant 37632 : i32
        %mul3A_167 = arith.muli %arg1, %mul3A_166 : i32
        %mul3A_168 = arith.constant 384 : i32
        %mul3A_169 = arith.muli %add3A_160, %mul3A_168 : i32
        %add3A_170 = arith.addi %mul3A_167, %mul3A_169 : i32
        "tpu.region"() ({
          %run_scoped3A = tpu.sem_alloc : memref<!tpu.dma_semaphore, #tpu.memory_space<semaphore_mem>>
          %dma_start3A_246 = tpu.memref_slice %arg8[%add3A_170] : memref<602112xi32, #tpu.memory_space<hbm>> -> memref<384xi32, #tpu.memory_space<hbm>>
          %dma_start3A_247 = tpu.memref_slice %arg8[%add3A_170] : memref<602112xi32, #tpu.memory_space<hbm>> -> memref<384xi32, #tpu.memory_space<hbm>>
          tpu.enqueue_dma source(%dma_start3A_247 : memref<384xi32, #tpu.memory_space<hbm>>) target(%arg19 : memref<384xi32, #tpu.memory_space<vmem>>) target_semaphore(%run_scoped3A : memref<!tpu.dma_semaphore, #tpu.memory_space<semaphore_mem>>)
          %dma_wait3A_248 = tpu.memref_slice %arg8[%add3A_170] : memref<602112xi32, #tpu.memory_space<hbm>> -> memref<384xi32, #tpu.memory_space<hbm>>
          %dma_wait3A_249 = tpu.memref_slice %arg8[%add3A_170] : memref<602112xi32, #tpu.memory_space<hbm>> -> memref<384xi32, #tpu.memory_space<hbm>>
          tpu.wait_dma2 semaphore(%run_scoped3A : memref<!tpu.dma_semaphore, #tpu.memory_space<semaphore_mem>>) src(%dma_wait3A_249 : memref<384xi32, #tpu.memory_space<hbm>>) dst(%arg19 : memref<384xi32, #tpu.memory_space<vmem>>)
          tpu.yield
        }) : () -> ()
        %dma_start3A_171 = arith.constant 0 : i32
        %dma_start3A_172 = arith.constant 0 : i32
        %dma_start3A_173 = tpu.memref_slice %arg3[%dma_start3A_171, %dma_start3A_172] : memref<100000x64xbf16, #tpu.memory_space<hbm>> -> memref<100000x64xbf16, #tpu.memory_space<hbm>>
        tpu.enqueue_indirect_dma source(%dma_start3A_173 : memref<100000x64xbf16, #tpu.memory_space<hbm>>) target(%arg23 : memref<384x64xbf16, #tpu.memory_space<vmem>>) offsets(%arg19 : memref<384xi32, #tpu.memory_space<vmem>>) semaphore(%arg25 : memref<!tpu.dma_semaphore, #tpu.memory_space<semaphore_mem>>)
        %dma_wait3A_174 = arith.constant 0 : i32
        %dma_wait3A_175 = arith.constant 0 : i32
        %dma_wait3A_176 = tpu.memref_slice %arg3[%dma_wait3A_174, %dma_wait3A_175] : memref<100000x64xbf16, #tpu.memory_space<hbm>> -> memref<100000x64xbf16, #tpu.memory_space<hbm>>
        tpu.wait_indirect_dma semaphore(%arg24 : memref<!tpu.dma_semaphore, #tpu.memory_space<semaphore_mem>>) src(%dma_wait3A_176 : memref<100000x64xbf16, #tpu.memory_space<hbm>>) dst(%arg22 : memref<384x64xbf16, #tpu.memory_space<vmem>>)
        %dma_start3A_177 = arith.constant 0 : i32
        %dma_start3A_178 = arith.constant 0 : i32
        %dma_start3A_179 = arith.constant 0 : i32
        %dma_start3A_180 = tpu.memref_slice %arg22[%dma_start3A_178, %dma_start3A_179] : memref<384x64xbf16, #tpu.memory_space<vmem>> -> memref<128x64xbf16, #tpu.memory_space<vmem>>
        %dma_start3A_181 = arith.constant 0 : i32
        %dma_start3A_182 = tpu.memref_slice %arg20[%dma_start3A_177, %dma_start3A_181] : memref<3x128xi32, #tpu.memory_space<vmem>> -> memref<1x128xi32, #tpu.memory_space<vmem>>
        %dma_start3A_183 = tpu.memref_squeeze %dma_start3A_182 : memref<1x128xi32, #tpu.memory_space<vmem>> -> memref<128xi32, #tpu.memory_space<vmem>>
        %dma_start3A_184 = arith.constant 0 : i32
        %dma_start3A_185 = arith.constant 0 : i32
        %dma_start3A_186 = tpu.memref_slice %arg17[%dma_start3A_184, %dma_start3A_185] : memref<51200x64xbf16, #tpu.memory_space<vmem_shared>> -> memref<51200x64xbf16, #tpu.memory_space<vmem_shared>>
        tpu.enqueue_indirect_dma source(%dma_start3A_180 : memref<128x64xbf16, #tpu.memory_space<vmem>>) target(%dma_start3A_186 : memref<51200x64xbf16, #tpu.memory_space<vmem_shared>>) offsets(%dma_start3A_183 : memref<128xi32, #tpu.memory_space<vmem>>) semaphore(%arg26 : memref<!tpu.dma_semaphore, #tpu.memory_space<semaphore_mem>>) {add = true}
        %dma_start3A_187 = arith.constant 1 : i32
        %dma_start3A_188 = arith.constant 128 : i32
        %dma_start3A_189 = arith.constant 0 : i32
        %dma_start3A_190 = tpu.memref_slice %arg22[%dma_start3A_188, %dma_start3A_189] : memref<384x64xbf16, #tpu.memory_space<vmem>> -> memref<128x64xbf16, #tpu.memory_space<vmem>>
        %dma_start3A_191 = arith.constant 0 : i32
        %dma_start3A_192 = tpu.memref_slice %arg20[%dma_start3A_187, %dma_start3A_191] : memref<3x128xi32, #tpu.memory_space<vmem>> -> memref<1x128xi32, #tpu.memory_space<vmem>>
        %dma_start3A_193 = tpu.memref_squeeze %dma_start3A_192 : memref<1x128xi32, #tpu.memory_space<vmem>> -> memref<128xi32, #tpu.memory_space<vmem>>
        %dma_start3A_194 = arith.constant 0 : i32
        %dma_start3A_195 = arith.constant 0 : i32
        %dma_start3A_196 = tpu.memref_slice %arg17[%dma_start3A_194, %dma_start3A_195] : memref<51200x64xbf16, #tpu.memory_space<vmem_shared>> -> memref<51200x64xbf16, #tpu.memory_space<vmem_shared>>
        tpu.enqueue_indirect_dma source(%dma_start3A_190 : memref<128x64xbf16, #tpu.memory_space<vmem>>) target(%dma_start3A_196 : memref<51200x64xbf16, #tpu.memory_space<vmem_shared>>) offsets(%dma_start3A_193 : memref<128xi32, #tpu.memory_space<vmem>>) semaphore(%arg26 : memref<!tpu.dma_semaphore, #tpu.memory_space<semaphore_mem>>) {add = true}
        %dma_start3A_197 = arith.constant 2 : i32
        %dma_start3A_198 = arith.constant 256 : i32
        %dma_start3A_199 = arith.constant 0 : i32
        %dma_start3A_200 = tpu.memref_slice %arg22[%dma_start3A_198, %dma_start3A_199] : memref<384x64xbf16, #tpu.memory_space<vmem>> -> memref<128x64xbf16, #tpu.memory_space<vmem>>
        %dma_start3A_201 = arith.constant 0 : i32
        %dma_start3A_202 = tpu.memref_slice %arg20[%dma_start3A_197, %dma_start3A_201] : memref<3x128xi32, #tpu.memory_space<vmem>> -> memref<1x128xi32, #tpu.memory_space<vmem>>
        %dma_start3A_203 = tpu.memref_squeeze %dma_start3A_202 : memref<1x128xi32, #tpu.memory_space<vmem>> -> memref<128xi32, #tpu.memory_space<vmem>>
        %dma_start3A_204 = arith.constant 0 : i32
        %dma_start3A_205 = arith.constant 0 : i32
        %dma_start3A_206 = tpu.memref_slice %arg17[%dma_start3A_204, %dma_start3A_205] : memref<51200x64xbf16, #tpu.memory_space<vmem_shared>> -> memref<51200x64xbf16, #tpu.memory_space<vmem_shared>>
        tpu.enqueue_indirect_dma source(%dma_start3A_200 : memref<128x64xbf16, #tpu.memory_space<vmem>>) target(%dma_start3A_206 : memref<51200x64xbf16, #tpu.memory_space<vmem_shared>>) offsets(%dma_start3A_203 : memref<128xi32, #tpu.memory_space<vmem>>) semaphore(%arg26 : memref<!tpu.dma_semaphore, #tpu.memory_space<semaphore_mem>>) {add = true}
        %dma_wait3A_207 = arith.constant 0 : i32
        %dma_wait3A_208 = arith.constant 0 : i32
        %dma_wait3A_209 = tpu.memref_slice %arg3[%dma_wait3A_207, %dma_wait3A_208] : memref<100000x64xbf16, #tpu.memory_space<hbm>> -> memref<100000x64xbf16, #tpu.memory_space<hbm>>
        tpu.wait_indirect_dma semaphore(%arg25 : memref<!tpu.dma_semaphore, #tpu.memory_space<semaphore_mem>>) src(%dma_wait3A_209 : memref<100000x64xbf16, #tpu.memory_space<hbm>>) dst(%arg23 : memref<384x64xbf16, #tpu.memory_space<vmem>>)
        %dma_start3A_210 = arith.constant 0 : i32
        %dma_start3A_211 = arith.constant 0 : i32
        %dma_start3A_212 = arith.constant 0 : i32
        %dma_start3A_213 = tpu.memref_slice %arg23[%dma_start3A_211, %dma_start3A_212] : memref<384x64xbf16, #tpu.memory_space<vmem>> -> memref<128x64xbf16, #tpu.memory_space<vmem>>
        %dma_start3A_214 = arith.constant 0 : i32
        %dma_start3A_215 = tpu.memref_slice %arg21[%dma_start3A_210, %dma_start3A_214] : memref<3x128xi32, #tpu.memory_space<vmem>> -> memref<1x128xi32, #tpu.memory_space<vmem>>
        %dma_start3A_216 = tpu.memref_squeeze %dma_start3A_215 : memref<1x128xi32, #tpu.memory_space<vmem>> -> memref<128xi32, #tpu.memory_space<vmem>>
        %dma_start3A_217 = arith.constant 0 : i32
        %dma_start3A_218 = arith.constant 0 : i32
        %dma_start3A_219 = tpu.memref_slice %arg17[%dma_start3A_217, %dma_start3A_218] : memref<51200x64xbf16, #tpu.memory_space<vmem_shared>> -> memref<51200x64xbf16, #tpu.memory_space<vmem_shared>>
        tpu.enqueue_indirect_dma source(%dma_start3A_213 : memref<128x64xbf16, #tpu.memory_space<vmem>>) target(%dma_start3A_219 : memref<51200x64xbf16, #tpu.memory_space<vmem_shared>>) offsets(%dma_start3A_216 : memref<128xi32, #tpu.memory_space<vmem>>) semaphore(%arg27 : memref<!tpu.dma_semaphore, #tpu.memory_space<semaphore_mem>>) {add = true}
        %dma_start3A_220 = arith.constant 1 : i32
        %dma_start3A_221 = arith.constant 128 : i32
        %dma_start3A_222 = arith.constant 0 : i32
        %dma_start3A_223 = tpu.memref_slice %arg23[%dma_start3A_221, %dma_start3A_222] : memref<384x64xbf16, #tpu.memory_space<vmem>> -> memref<128x64xbf16, #tpu.memory_space<vmem>>
        %dma_start3A_224 = arith.constant 0 : i32
        %dma_start3A_225 = tpu.memref_slice %arg21[%dma_start3A_220, %dma_start3A_224] : memref<3x128xi32, #tpu.memory_space<vmem>> -> memref<1x128xi32, #tpu.memory_space<vmem>>
        %dma_start3A_226 = tpu.memref_squeeze %dma_start3A_225 : memref<1x128xi32, #tpu.memory_space<vmem>> -> memref<128xi32, #tpu.memory_space<vmem>>
        %dma_start3A_227 = arith.constant 0 : i32
        %dma_start3A_228 = arith.constant 0 : i32
        %dma_start3A_229 = tpu.memref_slice %arg17[%dma_start3A_227, %dma_start3A_228] : memref<51200x64xbf16, #tpu.memory_space<vmem_shared>> -> memref<51200x64xbf16, #tpu.memory_space<vmem_shared>>
        tpu.enqueue_indirect_dma source(%dma_start3A_223 : memref<128x64xbf16, #tpu.memory_space<vmem>>) target(%dma_start3A_229 : memref<51200x64xbf16, #tpu.memory_space<vmem_shared>>) offsets(%dma_start3A_226 : memref<128xi32, #tpu.memory_space<vmem>>) semaphore(%arg27 : memref<!tpu.dma_semaphore, #tpu.memory_space<semaphore_mem>>) {add = true}
        %dma_start3A_230 = arith.constant 2 : i32
        %dma_start3A_231 = arith.constant 256 : i32
        %dma_start3A_232 = arith.constant 0 : i32
        %dma_start3A_233 = tpu.memref_slice %arg23[%dma_start3A_231, %dma_start3A_232] : memref<384x64xbf16, #tpu.memory_space<vmem>> -> memref<128x64xbf16, #tpu.memory_space<vmem>>
        %dma_start3A_234 = arith.constant 0 : i32
        %dma_start3A_235 = tpu.memref_slice %arg21[%dma_start3A_230, %dma_start3A_234] : memref<3x128xi32, #tpu.memory_space<vmem>> -> memref<1x128xi32, #tpu.memory_space<vmem>>
        %dma_start3A_236 = tpu.memref_squeeze %dma_start3A_235 : memref<1x128xi32, #tpu.memory_space<vmem>> -> memref<128xi32, #tpu.memory_space<vmem>>
        %dma_start3A_237 = arith.constant 0 : i32
        %dma_start3A_238 = arith.constant 0 : i32
        %dma_start3A_239 = tpu.memref_slice %arg17[%dma_start3A_237, %dma_start3A_238] : memref<51200x64xbf16, #tpu.memory_space<vmem_shared>> -> memref<51200x64xbf16, #tpu.memory_space<vmem_shared>>
        tpu.enqueue_indirect_dma source(%dma_start3A_233 : memref<128x64xbf16, #tpu.memory_space<vmem>>) target(%dma_start3A_239 : memref<51200x64xbf16, #tpu.memory_space<vmem_shared>>) offsets(%dma_start3A_236 : memref<128xi32, #tpu.memory_space<vmem>>) semaphore(%arg27 : memref<!tpu.dma_semaphore, #tpu.memory_space<semaphore_mem>>) {add = true}
        %add3A_240 = arith.constant 1 : i32
        %add3A_241 = arith.addi %scan3A_152, %add3A_240 : i32
        %lt3A = arith.constant 49 : i32
        %lt3A_242 = arith.cmpi slt, %add3A_241, %lt3A : i32
        %convert_element_type3A_243 = arith.extui %lt3A_242 : i1 to i32
        %cond3A_244 = arith.constant 0 : i32
        %cond3A_245 = arith.cmpi ne, %convert_element_type3A_243, %cond3A_244 : i32
        scf.if %cond3A_245 {
          %dma_wait3A_246 = arith.constant 0 : i32
          %dma_wait3A_247 = arith.constant 0 : i32
          %dma_wait3A_248 = arith.constant 0 : i32
          %dma_wait3A_249 = tpu.memref_slice %arg22[%dma_wait3A_247, %dma_wait3A_248] : memref<384x64xbf16, #tpu.memory_space<vmem>> -> memref<128x64xbf16, #tpu.memory_space<vmem>>
          %dma_wait3A_250 = arith.constant 0 : i32
          %dma_wait3A_251 = tpu.memref_slice %arg20[%dma_wait3A_246, %dma_wait3A_250] : memref<3x128xi32, #tpu.memory_space<vmem>> -> memref<1x128xi32, #tpu.memory_space<vmem>>
          %dma_wait3A_252 = tpu.memref_squeeze %dma_wait3A_251 : memref<1x128xi32, #tpu.memory_space<vmem>> -> memref<128xi32, #tpu.memory_space<vmem>>
          %dma_wait3A_253 = arith.constant 0 : i32
          %dma_wait3A_254 = arith.constant 0 : i32
          %dma_wait3A_255 = tpu.memref_slice %arg17[%dma_wait3A_253, %dma_wait3A_254] : memref<51200x64xbf16, #tpu.memory_space<vmem_shared>> -> memref<51200x64xbf16, #tpu.memory_space<vmem_shared>>
          tpu.wait_indirect_dma semaphore(%arg26 : memref<!tpu.dma_semaphore, #tpu.memory_space<semaphore_mem>>) src(%dma_wait3A_249 : memref<128x64xbf16, #tpu.memory_space<vmem>>) dst(%dma_wait3A_255 : memref<51200x64xbf16, #tpu.memory_space<vmem_shared>>)
          %dma_wait3A_256 = arith.constant 1 : i32
          %dma_wait3A_257 = arith.constant 128 : i32
          %dma_wait3A_258 = arith.constant 0 : i32
          %dma_wait3A_259 = tpu.memref_slice %arg22[%dma_wait3A_257, %dma_wait3A_258] : memref<384x64xbf16, #tpu.memory_space<vmem>> -> memref<128x64xbf16, #tpu.memory_space<vmem>>
          %dma_wait3A_260 = arith.constant 0 : i32
          %dma_wait3A_261 = tpu.memref_slice %arg20[%dma_wait3A_256, %dma_wait3A_260] : memref<3x128xi32, #tpu.memory_space<vmem>> -> memref<1x128xi32, #tpu.memory_space<vmem>>
          %dma_wait3A_262 = tpu.memref_squeeze %dma_wait3A_261 : memref<1x128xi32, #tpu.memory_space<vmem>> -> memref<128xi32, #tpu.memory_space<vmem>>
          %dma_wait3A_263 = arith.constant 0 : i32
          %dma_wait3A_264 = arith.constant 0 : i32
          %dma_wait3A_265 = tpu.memref_slice %arg17[%dma_wait3A_263, %dma_wait3A_264] : memref<51200x64xbf16, #tpu.memory_space<vmem_shared>> -> memref<51200x64xbf16, #tpu.memory_space<vmem_shared>>
          tpu.wait_indirect_dma semaphore(%arg26 : memref<!tpu.dma_semaphore, #tpu.memory_space<semaphore_mem>>) src(%dma_wait3A_259 : memref<128x64xbf16, #tpu.memory_space<vmem>>) dst(%dma_wait3A_265 : memref<51200x64xbf16, #tpu.memory_space<vmem_shared>>)
          %dma_wait3A_266 = arith.constant 2 : i32
          %dma_wait3A_267 = arith.constant 256 : i32
          %dma_wait3A_268 = arith.constant 0 : i32
          %dma_wait3A_269 = tpu.memref_slice %arg22[%dma_wait3A_267, %dma_wait3A_268] : memref<384x64xbf16, #tpu.memory_space<vmem>> -> memref<128x64xbf16, #tpu.memory_space<vmem>>
          %dma_wait3A_270 = arith.constant 0 : i32
          %dma_wait3A_271 = tpu.memref_slice %arg20[%dma_wait3A_266, %dma_wait3A_270] : memref<3x128xi32, #tpu.memory_space<vmem>> -> memref<1x128xi32, #tpu.memory_space<vmem>>
          %dma_wait3A_272 = tpu.memref_squeeze %dma_wait3A_271 : memref<1x128xi32, #tpu.memory_space<vmem>> -> memref<128xi32, #tpu.memory_space<vmem>>
          %dma_wait3A_273 = arith.constant 0 : i32
          %dma_wait3A_274 = arith.constant 0 : i32
          %dma_wait3A_275 = tpu.memref_slice %arg17[%dma_wait3A_273, %dma_wait3A_274] : memref<51200x64xbf16, #tpu.memory_space<vmem_shared>> -> memref<51200x64xbf16, #tpu.memory_space<vmem_shared>>
          tpu.wait_indirect_dma semaphore(%arg26 : memref<!tpu.dma_semaphore, #tpu.memory_space<semaphore_mem>>) src(%dma_wait3A_269 : memref<128x64xbf16, #tpu.memory_space<vmem>>) dst(%dma_wait3A_275 : memref<51200x64xbf16, #tpu.memory_space<vmem_shared>>)
          %add3A_276 = arith.constant 2 : i32
          %add3A_277 = arith.addi %mul3A_154, %add3A_276 : i32
          %mul3A_278 = arith.constant 294 : i32
          %mul3A_279 = arith.muli %arg1, %mul3A_278 : i32
          %mul3A_280 = arith.constant 3 : i32
          %mul3A_281 = arith.muli %add3A_277, %mul3A_280 : i32
          %add3A_282 = arith.addi %mul3A_279, %mul3A_281 : i32
          "tpu.region"() ({
            %run_scoped3A = tpu.sem_alloc : memref<!tpu.dma_semaphore, #tpu.memory_space<semaphore_mem>>
            %dma_start3A_291 = arith.constant 0 : i32
            %dma_start3A_292 = tpu.memref_slice %arg12[%add3A_282, %dma_start3A_291] : memref<4704x128xi32, #tpu.memory_space<hbm>> -> memref<3x128xi32, #tpu.memory_space<hbm>>
            %dma_start3A_293 = arith.constant 0 : i32
            %dma_start3A_294 = tpu.memref_slice %arg12[%add3A_282, %dma_start3A_293] : memref<4704x128xi32, #tpu.memory_space<hbm>> -> memref<3x128xi32, #tpu.memory_space<hbm>>
            tpu.enqueue_dma source(%dma_start3A_294 : memref<3x128xi32, #tpu.memory_space<hbm>>) target(%arg20 : memref<3x128xi32, #tpu.memory_space<vmem>>) target_semaphore(%run_scoped3A : memref<!tpu.dma_semaphore, #tpu.memory_space<semaphore_mem>>)
            %dma_wait3A_295 = arith.constant 0 : i32
            %dma_wait3A_296 = tpu.memref_slice %arg12[%add3A_282, %dma_wait3A_295] : memref<4704x128xi32, #tpu.memory_space<hbm>> -> memref<3x128xi32, #tpu.memory_space<hbm>>
            %dma_wait3A_297 = arith.constant 0 : i32
            %dma_wait3A_298 = tpu.memref_slice %arg12[%add3A_282, %dma_wait3A_297] : memref<4704x128xi32, #tpu.memory_space<hbm>> -> memref<3x128xi32, #tpu.memory_space<hbm>>
            tpu.wait_dma2 semaphore(%run_scoped3A : memref<!tpu.dma_semaphore, #tpu.memory_space<semaphore_mem>>) src(%dma_wait3A_298 : memref<3x128xi32, #tpu.memory_space<hbm>>) dst(%arg20 : memref<3x128xi32, #tpu.memory_space<vmem>>)
            tpu.yield
          }) : () -> ()
          %mul3A_283 = arith.constant 37632 : i32
          %mul3A_284 = arith.muli %arg1, %mul3A_283 : i32
          %mul3A_285 = arith.constant 384 : i32
          %mul3A_286 = arith.muli %add3A_277, %mul3A_285 : i32
          %add3A_287 = arith.addi %mul3A_284, %mul3A_286 : i32
          "tpu.region"() ({
            %run_scoped3A = tpu.sem_alloc : memref<!tpu.dma_semaphore, #tpu.memory_space<semaphore_mem>>
            %dma_start3A_291 = tpu.memref_slice %arg8[%add3A_287] : memref<602112xi32, #tpu.memory_space<hbm>> -> memref<384xi32, #tpu.memory_space<hbm>>
            %dma_start3A_292 = tpu.memref_slice %arg8[%add3A_287] : memref<602112xi32, #tpu.memory_space<hbm>> -> memref<384xi32, #tpu.memory_space<hbm>>
            tpu.enqueue_dma source(%dma_start3A_292 : memref<384xi32, #tpu.memory_space<hbm>>) target(%arg18 : memref<384xi32, #tpu.memory_space<vmem>>) target_semaphore(%run_scoped3A : memref<!tpu.dma_semaphore, #tpu.memory_space<semaphore_mem>>)
            %dma_wait3A_293 = tpu.memref_slice %arg8[%add3A_287] : memref<602112xi32, #tpu.memory_space<hbm>> -> memref<384xi32, #tpu.memory_space<hbm>>
            %dma_wait3A_294 = tpu.memref_slice %arg8[%add3A_287] : memref<602112xi32, #tpu.memory_space<hbm>> -> memref<384xi32, #tpu.memory_space<hbm>>
            tpu.wait_dma2 semaphore(%run_scoped3A : memref<!tpu.dma_semaphore, #tpu.memory_space<semaphore_mem>>) src(%dma_wait3A_294 : memref<384xi32, #tpu.memory_space<hbm>>) dst(%arg18 : memref<384xi32, #tpu.memory_space<vmem>>)
            tpu.yield
          }) : () -> ()
          %dma_start3A_288 = arith.constant 0 : i32
          %dma_start3A_289 = arith.constant 0 : i32
          %dma_start3A_290 = tpu.memref_slice %arg3[%dma_start3A_288, %dma_start3A_289] : memref<100000x64xbf16, #tpu.memory_space<hbm>> -> memref<100000x64xbf16, #tpu.memory_space<hbm>>
          tpu.enqueue_indirect_dma source(%dma_start3A_290 : memref<100000x64xbf16, #tpu.memory_space<hbm>>) target(%arg22 : memref<384x64xbf16, #tpu.memory_space<vmem>>) offsets(%arg18 : memref<384xi32, #tpu.memory_space<vmem>>) semaphore(%arg24 : memref<!tpu.dma_semaphore, #tpu.memory_space<semaphore_mem>>)
        } else {
        }
      }
      %scan3A_86 = arith.constant 49 : i32
      %dma_wait3A_87 = arith.constant 0 : i32
      %dma_wait3A_88 = arith.constant 0 : i32
      %dma_wait3A_89 = arith.constant 0 : i32
      %dma_wait3A_90 = tpu.memref_slice %arg22[%dma_wait3A_88, %dma_wait3A_89] : memref<384x64xbf16, #tpu.memory_space<vmem>> -> memref<128x64xbf16, #tpu.memory_space<vmem>>
      %dma_wait3A_91 = arith.constant 0 : i32
      %dma_wait3A_92 = tpu.memref_slice %arg20[%dma_wait3A_87, %dma_wait3A_91] : memref<3x128xi32, #tpu.memory_space<vmem>> -> memref<1x128xi32, #tpu.memory_space<vmem>>
      %dma_wait3A_93 = tpu.memref_squeeze %dma_wait3A_92 : memref<1x128xi32, #tpu.memory_space<vmem>> -> memref<128xi32, #tpu.memory_space<vmem>>
      %dma_wait3A_94 = arith.constant 0 : i32
      %dma_wait3A_95 = arith.constant 0 : i32
      %dma_wait3A_96 = tpu.memref_slice %arg17[%dma_wait3A_94, %dma_wait3A_95] : memref<51200x64xbf16, #tpu.memory_space<vmem_shared>> -> memref<51200x64xbf16, #tpu.memory_space<vmem_shared>>
      tpu.wait_indirect_dma semaphore(%arg26 : memref<!tpu.dma_semaphore, #tpu.memory_space<semaphore_mem>>) src(%dma_wait3A_90 : memref<128x64xbf16, #tpu.memory_space<vmem>>) dst(%dma_wait3A_96 : memref<51200x64xbf16, #tpu.memory_space<vmem_shared>>)
      %dma_wait3A_97 = arith.constant 1 : i32
      %dma_wait3A_98 = arith.constant 128 : i32
      %dma_wait3A_99 = arith.constant 0 : i32
      %dma_wait3A_100 = tpu.memref_slice %arg22[%dma_wait3A_98, %dma_wait3A_99] : memref<384x64xbf16, #tpu.memory_space<vmem>> -> memref<128x64xbf16, #tpu.memory_space<vmem>>
      %dma_wait3A_101 = arith.constant 0 : i32
      %dma_wait3A_102 = tpu.memref_slice %arg20[%dma_wait3A_97, %dma_wait3A_101] : memref<3x128xi32, #tpu.memory_space<vmem>> -> memref<1x128xi32, #tpu.memory_space<vmem>>
      %dma_wait3A_103 = tpu.memref_squeeze %dma_wait3A_102 : memref<1x128xi32, #tpu.memory_space<vmem>> -> memref<128xi32, #tpu.memory_space<vmem>>
      %dma_wait3A_104 = arith.constant 0 : i32
      %dma_wait3A_105 = arith.constant 0 : i32
      %dma_wait3A_106 = tpu.memref_slice %arg17[%dma_wait3A_104, %dma_wait3A_105] : memref<51200x64xbf16, #tpu.memory_space<vmem_shared>> -> memref<51200x64xbf16, #tpu.memory_space<vmem_shared>>
      tpu.wait_indirect_dma semaphore(%arg26 : memref<!tpu.dma_semaphore, #tpu.memory_space<semaphore_mem>>) src(%dma_wait3A_100 : memref<128x64xbf16, #tpu.memory_space<vmem>>) dst(%dma_wait3A_106 : memref<51200x64xbf16, #tpu.memory_space<vmem_shared>>)
      %dma_wait3A_107 = arith.constant 2 : i32
      %dma_wait3A_108 = arith.constant 256 : i32
      %dma_wait3A_109 = arith.constant 0 : i32
      %dma_wait3A_110 = tpu.memref_slice %arg22[%dma_wait3A_108, %dma_wait3A_109] : memref<384x64xbf16, #tpu.memory_space<vmem>> -> memref<128x64xbf16, #tpu.memory_space<vmem>>
      %dma_wait3A_111 = arith.constant 0 : i32
      %dma_wait3A_112 = tpu.memref_slice %arg20[%dma_wait3A_107, %dma_wait3A_111] : memref<3x128xi32, #tpu.memory_space<vmem>> -> memref<1x128xi32, #tpu.memory_space<vmem>>
      %dma_wait3A_113 = tpu.memref_squeeze %dma_wait3A_112 : memref<1x128xi32, #tpu.memory_space<vmem>> -> memref<128xi32, #tpu.memory_space<vmem>>
      %dma_wait3A_114 = arith.constant 0 : i32
      %dma_wait3A_115 = arith.constant 0 : i32
      %dma_wait3A_116 = tpu.memref_slice %arg17[%dma_wait3A_114, %dma_wait3A_115] : memref<51200x64xbf16, #tpu.memory_space<vmem_shared>> -> memref<51200x64xbf16, #tpu.memory_space<vmem_shared>>
      tpu.wait_indirect_dma semaphore(%arg26 : memref<!tpu.dma_semaphore, #tpu.memory_space<semaphore_mem>>) src(%dma_wait3A_110 : memref<128x64xbf16, #tpu.memory_space<vmem>>) dst(%dma_wait3A_116 : memref<51200x64xbf16, #tpu.memory_space<vmem_shared>>)
      %dma_wait3A_117 = arith.constant 0 : i32
      %dma_wait3A_118 = arith.constant 0 : i32
      %dma_wait3A_119 = arith.constant 0 : i32
      %dma_wait3A_120 = tpu.memref_slice %arg23[%dma_wait3A_118, %dma_wait3A_119] : memref<384x64xbf16, #tpu.memory_space<vmem>> -> memref<128x64xbf16, #tpu.memory_space<vmem>>
      %dma_wait3A_121 = arith.constant 0 : i32
      %dma_wait3A_122 = tpu.memref_slice %arg21[%dma_wait3A_117, %dma_wait3A_121] : memref<3x128xi32, #tpu.memory_space<vmem>> -> memref<1x128xi32, #tpu.memory_space<vmem>>
      %dma_wait3A_123 = tpu.memref_squeeze %dma_wait3A_122 : memref<1x128xi32, #tpu.memory_space<vmem>> -> memref<128xi32, #tpu.memory_space<vmem>>
      %dma_wait3A_124 = arith.constant 0 : i32
      %dma_wait3A_125 = arith.constant 0 : i32
      %dma_wait3A_126 = tpu.memref_slice %arg17[%dma_wait3A_124, %dma_wait3A_125] : memref<51200x64xbf16, #tpu.memory_space<vmem_shared>> -> memref<51200x64xbf16, #tpu.memory_space<vmem_shared>>
      tpu.wait_indirect_dma semaphore(%arg27 : memref<!tpu.dma_semaphore, #tpu.memory_space<semaphore_mem>>) src(%dma_wait3A_120 : memref<128x64xbf16, #tpu.memory_space<vmem>>) dst(%dma_wait3A_126 : memref<51200x64xbf16, #tpu.memory_space<vmem_shared>>)
      %dma_wait3A_127 = arith.constant 1 : i32
      %dma_wait3A_128 = arith.constant 128 : i32
      %dma_wait3A_129 = arith.constant 0 : i32
      %dma_wait3A_130 = tpu.memref_slice %arg23[%dma_wait3A_128, %dma_wait3A_129] : memref<384x64xbf16, #tpu.memory_space<vmem>> -> memref<128x64xbf16, #tpu.memory_space<vmem>>
      %dma_wait3A_131 = arith.constant 0 : i32
      %dma_wait3A_132 = tpu.memref_slice %arg21[%dma_wait3A_127, %dma_wait3A_131] : memref<3x128xi32, #tpu.memory_space<vmem>> -> memref<1x128xi32, #tpu.memory_space<vmem>>
      %dma_wait3A_133 = tpu.memref_squeeze %dma_wait3A_132 : memref<1x128xi32, #tpu.memory_space<vmem>> -> memref<128xi32, #tpu.memory_space<vmem>>
      %dma_wait3A_134 = arith.constant 0 : i32
      %dma_wait3A_135 = arith.constant 0 : i32
      %dma_wait3A_136 = tpu.memref_slice %arg17[%dma_wait3A_134, %dma_wait3A_135] : memref<51200x64xbf16, #tpu.memory_space<vmem_shared>> -> memref<51200x64xbf16, #tpu.memory_space<vmem_shared>>
      tpu.wait_indirect_dma semaphore(%arg27 : memref<!tpu.dma_semaphore, #tpu.memory_space<semaphore_mem>>) src(%dma_wait3A_130 : memref<128x64xbf16, #tpu.memory_space<vmem>>) dst(%dma_wait3A_136 : memref<51200x64xbf16, #tpu.memory_space<vmem_shared>>)
      %dma_wait3A_137 = arith.constant 2 : i32
      %dma_wait3A_138 = arith.constant 256 : i32
      %dma_wait3A_139 = arith.constant 0 : i32
      %dma_wait3A_140 = tpu.memref_slice %arg23[%dma_wait3A_138, %dma_wait3A_139] : memref<384x64xbf16, #tpu.memory_space<vmem>> -> memref<128x64xbf16, #tpu.memory_space<vmem>>
      %dma_wait3A_141 = arith.constant 0 : i32
      %dma_wait3A_142 = tpu.memref_slice %arg21[%dma_wait3A_137, %dma_wait3A_141] : memref<3x128xi32, #tpu.memory_space<vmem>> -> memref<1x128xi32, #tpu.memory_space<vmem>>
      %dma_wait3A_143 = tpu.memref_squeeze %dma_wait3A_142 : memref<1x128xi32, #tpu.memory_space<vmem>> -> memref<128xi32, #tpu.memory_space<vmem>>
      %dma_wait3A_144 = arith.constant 0 : i32
      %dma_wait3A_145 = arith.constant 0 : i32
      %dma_wait3A_146 = tpu.memref_slice %arg17[%dma_wait3A_144, %dma_wait3A_145] : memref<51200x64xbf16, #tpu.memory_space<vmem_shared>> -> memref<51200x64xbf16, #tpu.memory_space<vmem_shared>>
      tpu.wait_indirect_dma semaphore(%arg27 : memref<!tpu.dma_semaphore, #tpu.memory_space<semaphore_mem>>) src(%dma_wait3A_140 : memref<128x64xbf16, #tpu.memory_space<vmem>>) dst(%dma_wait3A_146 : memref<51200x64xbf16, #tpu.memory_space<vmem_shared>>)
      %barrier3A_147 = arith.constant 0 : index
      tpu.barrier barrier_id(%barrier3A_147)
      %mul3A_148 = arith.constant 3200 : i32
      %mul3A_149 = arith.muli %arg1, %mul3A_148 : i32
      %mul3A_150 = arith.constant 3200 : i32
      %mul3A_151 = arith.muli %arg1, %mul3A_150 : i32
      "tpu.region"() ({
        %run_scoped3A = tpu.sem_alloc : memref<!tpu.dma_semaphore, #tpu.memory_space<semaphore_mem>>
        %dma_start3A_152 = arith.constant 0 : i32
        %dma_start3A_153 = tpu.memref_slice %arg16[%mul3A_151, %dma_start3A_152] : memref<51200x128xbf16, #tpu.memory_space<hbm>> -> memref<3200x64xbf16, #tpu.memory_space<hbm>>
        %dma_start3A_154 = arith.constant 0 : i32
        %dma_start3A_155 = tpu.memref_slice %arg17[%mul3A_149, %dma_start3A_154] : memref<51200x64xbf16, #tpu.memory_space<vmem_shared>> -> memref<3200x64xbf16, #tpu.memory_space<vmem_shared>>
        tpu.enqueue_dma source(%dma_start3A_155 : memref<3200x64xbf16, #tpu.memory_space<vmem_shared>>) target(%dma_start3A_153 : memref<3200x64xbf16, #tpu.memory_space<hbm>>) target_semaphore(%run_scoped3A : memref<!tpu.dma_semaphore, #tpu.memory_space<semaphore_mem>>)
        %dma_wait3A_156 = arith.constant 0 : i32
        %dma_wait3A_157 = tpu.memref_slice %arg16[%mul3A_151, %dma_wait3A_156] : memref<51200x128xbf16, #tpu.memory_space<hbm>> -> memref<3200x64xbf16, #tpu.memory_space<hbm>>
        %dma_wait3A_158 = arith.constant 0 : i32
        %dma_wait3A_159 = tpu.memref_slice %arg17[%mul3A_149, %dma_wait3A_158] : memref<51200x64xbf16, #tpu.memory_space<vmem_shared>> -> memref<3200x64xbf16, #tpu.memory_space<vmem_shared>>
        tpu.wait_dma2 semaphore(%run_scoped3A : memref<!tpu.dma_semaphore, #tpu.memory_space<semaphore_mem>>) src(%dma_wait3A_159 : memref<3200x64xbf16, #tpu.memory_space<vmem_shared>>) dst(%dma_wait3A_157 : memref<3200x64xbf16, #tpu.memory_space<hbm>>)
        tpu.yield
      }) : () -> ()
    } else {
    }
    %eq3A_22 = arith.constant 1 : i32
    %eq3A_23 = arith.cmpi eq, %arg0, %eq3A_22 : i32
    %convert_element_type3A_24 = arith.extui %eq3A_23 : i1 to i32
    %cond3A_25 = arith.constant 0 : i32
    %cond3A_26 = arith.cmpi ne, %convert_element_type3A_24, %cond3A_25 : i32
    scf.if %cond3A_26 {
      %mul3A = arith.constant 3200 : i32
      %mul3A_27 = arith.muli %arg1, %mul3A : i32
      %add3A = arith.constant 0 : i32
      %add3A_28 = arith.addi %mul3A_27, %add3A : i32
      %dma_start3A = arith.constant 0 : i32
      %dma_start3A_29 = tpu.memref_slice %arg17[%add3A_28, %dma_start3A] : memref<51200x64xbf16, #tpu.memory_space<vmem_shared>> -> memref<800x64xbf16, #tpu.memory_space<vmem_shared>>
      tpu.enqueue_dma source(%arg13 : memref<800x64xbf16, #tpu.memory_space<hbm>>) target(%dma_start3A_29 : memref<800x64xbf16, #tpu.memory_space<vmem_shared>>) target_semaphore(%arg28 : memref<!tpu.dma_semaphore, #tpu.memory_space<semaphore_mem>>)
      %mul3A_30 = arith.constant 3200 : i32
      %mul3A_31 = arith.muli %arg1, %mul3A_30 : i32
      %add3A_32 = arith.constant 800 : i32
      %add3A_33 = arith.addi %mul3A_31, %add3A_32 : i32
      %dma_start3A_34 = arith.constant 0 : i32
      %dma_start3A_35 = tpu.memref_slice %arg17[%add3A_33, %dma_start3A_34] : memref<51200x64xbf16, #tpu.memory_space<vmem_shared>> -> memref<800x64xbf16, #tpu.memory_space<vmem_shared>>
      tpu.enqueue_dma source(%arg13 : memref<800x64xbf16, #tpu.memory_space<hbm>>) target(%dma_start3A_35 : memref<800x64xbf16, #tpu.memory_space<vmem_shared>>) target_semaphore(%arg28 : memref<!tpu.dma_semaphore, #tpu.memory_space<semaphore_mem>>)
      %mul3A_36 = arith.constant 3200 : i32
      %mul3A_37 = arith.muli %arg1, %mul3A_36 : i32
      %add3A_38 = arith.constant 1600 : i32
      %add3A_39 = arith.addi %mul3A_37, %add3A_38 : i32
      %dma_start3A_40 = arith.constant 0 : i32
      %dma_start3A_41 = tpu.memref_slice %arg17[%add3A_39, %dma_start3A_40] : memref<51200x64xbf16, #tpu.memory_space<vmem_shared>> -> memref<800x64xbf16, #tpu.memory_space<vmem_shared>>
      tpu.enqueue_dma source(%arg13 : memref<800x64xbf16, #tpu.memory_space<hbm>>) target(%dma_start3A_41 : memref<800x64xbf16, #tpu.memory_space<vmem_shared>>) target_semaphore(%arg28 : memref<!tpu.dma_semaphore, #tpu.memory_space<semaphore_mem>>)
      %mul3A_42 = arith.constant 3200 : i32
      %mul3A_43 = arith.muli %arg1, %mul3A_42 : i32
      %add3A_44 = arith.constant 2400 : i32
      %add3A_45 = arith.addi %mul3A_43, %add3A_44 : i32
      %dma_start3A_46 = arith.constant 0 : i32
      %dma_start3A_47 = tpu.memref_slice %arg17[%add3A_45, %dma_start3A_46] : memref<51200x64xbf16, #tpu.memory_space<vmem_shared>> -> memref<800x64xbf16, #tpu.memory_space<vmem_shared>>
      tpu.enqueue_dma source(%arg13 : memref<800x64xbf16, #tpu.memory_space<hbm>>) target(%dma_start3A_47 : memref<800x64xbf16, #tpu.memory_space<vmem_shared>>) target_semaphore(%arg28 : memref<!tpu.dma_semaphore, #tpu.memory_space<semaphore_mem>>)
      %mul3A_48 = arith.constant 3200 : i32
      %mul3A_49 = arith.muli %arg1, %mul3A_48 : i32
      %add3A_50 = arith.constant 0 : i32
      %add3A_51 = arith.addi %mul3A_49, %add3A_50 : i32
      %dma_wait3A = arith.constant 0 : i32
      %dma_wait3A_52 = tpu.memref_slice %arg17[%add3A_51, %dma_wait3A] : memref<51200x64xbf16, #tpu.memory_space<vmem_shared>> -> memref<800x64xbf16, #tpu.memory_space<vmem_shared>>
      tpu.wait_dma2 semaphore(%arg28 : memref<!tpu.dma_semaphore, #tpu.memory_space<semaphore_mem>>) src(%arg13 : memref<800x64xbf16, #tpu.memory_space<hbm>>) dst(%dma_wait3A_52 : memref<800x64xbf16, #tpu.memory_space<vmem_shared>>)
      %mul3A_53 = arith.constant 3200 : i32
      %mul3A_54 = arith.muli %arg1, %mul3A_53 : i32
      %add3A_55 = arith.constant 800 : i32
      %add3A_56 = arith.addi %mul3A_54, %add3A_55 : i32
      %dma_wait3A_57 = arith.constant 0 : i32
      %dma_wait3A_58 = tpu.memref_slice %arg17[%add3A_56, %dma_wait3A_57] : memref<51200x64xbf16, #tpu.memory_space<vmem_shared>> -> memref<800x64xbf16, #tpu.memory_space<vmem_shared>>
      tpu.wait_dma2 semaphore(%arg28 : memref<!tpu.dma_semaphore, #tpu.memory_space<semaphore_mem>>) src(%arg13 : memref<800x64xbf16, #tpu.memory_space<hbm>>) dst(%dma_wait3A_58 : memref<800x64xbf16, #tpu.memory_space<vmem_shared>>)
      %mul3A_59 = arith.constant 3200 : i32
      %mul3A_60 = arith.muli %arg1, %mul3A_59 : i32
      %add3A_61 = arith.constant 1600 : i32
      %add3A_62 = arith.addi %mul3A_60, %add3A_61 : i32
      %dma_wait3A_63 = arith.constant 0 : i32
      %dma_wait3A_64 = tpu.memref_slice %arg17[%add3A_62, %dma_wait3A_63] : memref<51200x64xbf16, #tpu.memory_space<vmem_shared>> -> memref<800x64xbf16, #tpu.memory_space<vmem_shared>>
      tpu.wait_dma2 semaphore(%arg28 : memref<!tpu.dma_semaphore, #tpu.memory_space<semaphore_mem>>) src(%arg13 : memref<800x64xbf16, #tpu.memory_space<hbm>>) dst(%dma_wait3A_64 : memref<800x64xbf16, #tpu.memory_space<vmem_shared>>)
      %mul3A_65 = arith.constant 3200 : i32
      %mul3A_66 = arith.muli %arg1, %mul3A_65 : i32
      %add3A_67 = arith.constant 2400 : i32
      %add3A_68 = arith.addi %mul3A_66, %add3A_67 : i32
      %dma_wait3A_69 = arith.constant 0 : i32
      %dma_wait3A_70 = tpu.memref_slice %arg17[%add3A_68, %dma_wait3A_69] : memref<51200x64xbf16, #tpu.memory_space<vmem_shared>> -> memref<800x64xbf16, #tpu.memory_space<vmem_shared>>
      tpu.wait_dma2 semaphore(%arg28 : memref<!tpu.dma_semaphore, #tpu.memory_space<semaphore_mem>>) src(%arg13 : memref<800x64xbf16, #tpu.memory_space<hbm>>) dst(%dma_wait3A_70 : memref<800x64xbf16, #tpu.memory_space<vmem_shared>>)
      %barrier3A = arith.constant 0 : index
      tpu.barrier barrier_id(%barrier3A)
      %mul3A_71 = arith.constant 294 : i32
      %mul3A_72 = arith.muli %arg1, %mul3A_71 : i32
      %add3A_73 = arith.constant 0 : i32
      %add3A_74 = arith.addi %mul3A_72, %add3A_73 : i32
      "tpu.region"() ({
        %run_scoped3A = tpu.sem_alloc : memref<!tpu.dma_semaphore, #tpu.memory_space<semaphore_mem>>
        %dma_start3A_152 = arith.constant 0 : i32
        %dma_start3A_153 = tpu.memref_slice %arg12[%add3A_74, %dma_start3A_152] : memref<4704x128xi32, #tpu.memory_space<hbm>> -> memref<3x128xi32, #tpu.memory_space<hbm>>
        %dma_start3A_154 = arith.constant 0 : i32
        %dma_start3A_155 = tpu.memref_slice %arg12[%add3A_74, %dma_start3A_154] : memref<4704x128xi32, #tpu.memory_space<hbm>> -> memref<3x128xi32, #tpu.memory_space<hbm>>
        tpu.enqueue_dma source(%dma_start3A_155 : memref<3x128xi32, #tpu.memory_space<hbm>>) target(%arg20 : memref<3x128xi32, #tpu.memory_space<vmem>>) target_semaphore(%run_scoped3A : memref<!tpu.dma_semaphore, #tpu.memory_space<semaphore_mem>>)
        %dma_wait3A_156 = arith.constant 0 : i32
        %dma_wait3A_157 = tpu.memref_slice %arg12[%add3A_74, %dma_wait3A_156] : memref<4704x128xi32, #tpu.memory_space<hbm>> -> memref<3x128xi32, #tpu.memory_space<hbm>>
        %dma_wait3A_158 = arith.constant 0 : i32
        %dma_wait3A_159 = tpu.memref_slice %arg12[%add3A_74, %dma_wait3A_158] : memref<4704x128xi32, #tpu.memory_space<hbm>> -> memref<3x128xi32, #tpu.memory_space<hbm>>
        tpu.wait_dma2 semaphore(%run_scoped3A : memref<!tpu.dma_semaphore, #tpu.memory_space<semaphore_mem>>) src(%dma_wait3A_159 : memref<3x128xi32, #tpu.memory_space<hbm>>) dst(%arg20 : memref<3x128xi32, #tpu.memory_space<vmem>>)
        tpu.yield
      }) : () -> ()
      %mul3A_75 = arith.constant 37632 : i32
      %mul3A_76 = arith.muli %arg1, %mul3A_75 : i32
      %add3A_77 = arith.constant 0 : i32
      %add3A_78 = arith.addi %mul3A_76, %add3A_77 : i32
      "tpu.region"() ({
        %run_scoped3A = tpu.sem_alloc : memref<!tpu.dma_semaphore, #tpu.memory_space<semaphore_mem>>
        %dma_start3A_152 = tpu.memref_slice %arg9[%add3A_78] : memref<602112xi32, #tpu.memory_space<hbm>> -> memref<384xi32, #tpu.memory_space<hbm>>
        %dma_start3A_153 = tpu.memref_slice %arg9[%add3A_78] : memref<602112xi32, #tpu.memory_space<hbm>> -> memref<384xi32, #tpu.memory_space<hbm>>
        tpu.enqueue_dma source(%dma_start3A_153 : memref<384xi32, #tpu.memory_space<hbm>>) target(%arg18 : memref<384xi32, #tpu.memory_space<vmem>>) target_semaphore(%run_scoped3A : memref<!tpu.dma_semaphore, #tpu.memory_space<semaphore_mem>>)
        %dma_wait3A_154 = tpu.memref_slice %arg9[%add3A_78] : memref<602112xi32, #tpu.memory_space<hbm>> -> memref<384xi32, #tpu.memory_space<hbm>>
        %dma_wait3A_155 = tpu.memref_slice %arg9[%add3A_78] : memref<602112xi32, #tpu.memory_space<hbm>> -> memref<384xi32, #tpu.memory_space<hbm>>
        tpu.wait_dma2 semaphore(%run_scoped3A : memref<!tpu.dma_semaphore, #tpu.memory_space<semaphore_mem>>) src(%dma_wait3A_155 : memref<384xi32, #tpu.memory_space<hbm>>) dst(%arg18 : memref<384xi32, #tpu.memory_space<vmem>>)
        tpu.yield
      }) : () -> ()
      %dma_start3A_79 = arith.constant 0 : i32
      %dma_start3A_80 = arith.constant 0 : i32
      %dma_start3A_81 = tpu.memref_slice %arg3[%dma_start3A_79, %dma_start3A_80] : memref<100000x64xbf16, #tpu.memory_space<hbm>> -> memref<100000x64xbf16, #tpu.memory_space<hbm>>
      tpu.enqueue_indirect_dma source(%dma_start3A_81 : memref<100000x64xbf16, #tpu.memory_space<hbm>>) target(%arg22 : memref<384x64xbf16, #tpu.memory_space<vmem>>) offsets(%arg18 : memref<384xi32, #tpu.memory_space<vmem>>) semaphore(%arg24 : memref<!tpu.dma_semaphore, #tpu.memory_space<semaphore_mem>>)
      %scan3A = arith.constant 0 : i32
      %scan3A_82 = arith.constant 0 : i32
      %scan3A_83 = arith.constant 49 : i32
      %scan3A_84 = arith.addi %scan3A_82, %scan3A_83 : i32
      %scan3A_85 = arith.constant 1 : i32
      scf.for %scan3A_152 = %scan3A_82 to %scan3A_84 step %scan3A_85  : i32 {
        %mul3A_153 = arith.constant 2 : i32
        %mul3A_154 = arith.muli %scan3A_152, %mul3A_153 : i32
        %gt3A = arith.constant 0 : i32
        %gt3A_155 = arith.cmpi sgt, %scan3A_152, %gt3A : i32
        %convert_element_type3A_156 = arith.extui %gt3A_155 : i1 to i32
        %cond3A_157 = arith.constant 0 : i32
        %cond3A_158 = arith.cmpi ne, %convert_element_type3A_156, %cond3A_157 : i32
        scf.if %cond3A_158 {
          %dma_wait3A_246 = arith.constant 0 : i32
          %dma_wait3A_247 = arith.constant 0 : i32
          %dma_wait3A_248 = arith.constant 0 : i32
          %dma_wait3A_249 = tpu.memref_slice %arg23[%dma_wait3A_247, %dma_wait3A_248] : memref<384x64xbf16, #tpu.memory_space<vmem>> -> memref<128x64xbf16, #tpu.memory_space<vmem>>
          %dma_wait3A_250 = arith.constant 0 : i32
          %dma_wait3A_251 = tpu.memref_slice %arg21[%dma_wait3A_246, %dma_wait3A_250] : memref<3x128xi32, #tpu.memory_space<vmem>> -> memref<1x128xi32, #tpu.memory_space<vmem>>
          %dma_wait3A_252 = tpu.memref_squeeze %dma_wait3A_251 : memref<1x128xi32, #tpu.memory_space<vmem>> -> memref<128xi32, #tpu.memory_space<vmem>>
          %dma_wait3A_253 = arith.constant 0 : i32
          %dma_wait3A_254 = arith.constant 0 : i32
          %dma_wait3A_255 = tpu.memref_slice %arg17[%dma_wait3A_253, %dma_wait3A_254] : memref<51200x64xbf16, #tpu.memory_space<vmem_shared>> -> memref<51200x64xbf16, #tpu.memory_space<vmem_shared>>
          tpu.wait_indirect_dma semaphore(%arg27 : memref<!tpu.dma_semaphore, #tpu.memory_space<semaphore_mem>>) src(%dma_wait3A_249 : memref<128x64xbf16, #tpu.memory_space<vmem>>) dst(%dma_wait3A_255 : memref<51200x64xbf16, #tpu.memory_space<vmem_shared>>)
          %dma_wait3A_256 = arith.constant 1 : i32
          %dma_wait3A_257 = arith.constant 128 : i32
          %dma_wait3A_258 = arith.constant 0 : i32
          %dma_wait3A_259 = tpu.memref_slice %arg23[%dma_wait3A_257, %dma_wait3A_258] : memref<384x64xbf16, #tpu.memory_space<vmem>> -> memref<128x64xbf16, #tpu.memory_space<vmem>>
          %dma_wait3A_260 = arith.constant 0 : i32
          %dma_wait3A_261 = tpu.memref_slice %arg21[%dma_wait3A_256, %dma_wait3A_260] : memref<3x128xi32, #tpu.memory_space<vmem>> -> memref<1x128xi32, #tpu.memory_space<vmem>>
          %dma_wait3A_262 = tpu.memref_squeeze %dma_wait3A_261 : memref<1x128xi32, #tpu.memory_space<vmem>> -> memref<128xi32, #tpu.memory_space<vmem>>
          %dma_wait3A_263 = arith.constant 0 : i32
          %dma_wait3A_264 = arith.constant 0 : i32
          %dma_wait3A_265 = tpu.memref_slice %arg17[%dma_wait3A_263, %dma_wait3A_264] : memref<51200x64xbf16, #tpu.memory_space<vmem_shared>> -> memref<51200x64xbf16, #tpu.memory_space<vmem_shared>>
          tpu.wait_indirect_dma semaphore(%arg27 : memref<!tpu.dma_semaphore, #tpu.memory_space<semaphore_mem>>) src(%dma_wait3A_259 : memref<128x64xbf16, #tpu.memory_space<vmem>>) dst(%dma_wait3A_265 : memref<51200x64xbf16, #tpu.memory_space<vmem_shared>>)
          %dma_wait3A_266 = arith.constant 2 : i32
          %dma_wait3A_267 = arith.constant 256 : i32
          %dma_wait3A_268 = arith.constant 0 : i32
          %dma_wait3A_269 = tpu.memref_slice %arg23[%dma_wait3A_267, %dma_wait3A_268] : memref<384x64xbf16, #tpu.memory_space<vmem>> -> memref<128x64xbf16, #tpu.memory_space<vmem>>
          %dma_wait3A_270 = arith.constant 0 : i32
          %dma_wait3A_271 = tpu.memref_slice %arg21[%dma_wait3A_266, %dma_wait3A_270] : memref<3x128xi32, #tpu.memory_space<vmem>> -> memref<1x128xi32, #tpu.memory_space<vmem>>
          %dma_wait3A_272 = tpu.memref_squeeze %dma_wait3A_271 : memref<1x128xi32, #tpu.memory_space<vmem>> -> memref<128xi32, #tpu.memory_space<vmem>>
          %dma_wait3A_273 = arith.constant 0 : i32
          %dma_wait3A_274 = arith.constant 0 : i32
          %dma_wait3A_275 = tpu.memref_slice %arg17[%dma_wait3A_273, %dma_wait3A_274] : memref<51200x64xbf16, #tpu.memory_space<vmem_shared>> -> memref<51200x64xbf16, #tpu.memory_space<vmem_shared>>
          tpu.wait_indirect_dma semaphore(%arg27 : memref<!tpu.dma_semaphore, #tpu.memory_space<semaphore_mem>>) src(%dma_wait3A_269 : memref<128x64xbf16, #tpu.memory_space<vmem>>) dst(%dma_wait3A_275 : memref<51200x64xbf16, #tpu.memory_space<vmem_shared>>)
        } else {
        }
        %add3A_159 = arith.constant 1 : i32
        %add3A_160 = arith.addi %mul3A_154, %add3A_159 : i32
        %mul3A_161 = arith.constant 294 : i32
        %mul3A_162 = arith.muli %arg1, %mul3A_161 : i32
        %mul3A_163 = arith.constant 3 : i32
        %mul3A_164 = arith.muli %add3A_160, %mul3A_163 : i32
        %add3A_165 = arith.addi %mul3A_162, %mul3A_164 : i32
        "tpu.region"() ({
          %run_scoped3A = tpu.sem_alloc : memref<!tpu.dma_semaphore, #tpu.memory_space<semaphore_mem>>
          %dma_start3A_246 = arith.constant 0 : i32
          %dma_start3A_247 = tpu.memref_slice %arg12[%add3A_165, %dma_start3A_246] : memref<4704x128xi32, #tpu.memory_space<hbm>> -> memref<3x128xi32, #tpu.memory_space<hbm>>
          %dma_start3A_248 = arith.constant 0 : i32
          %dma_start3A_249 = tpu.memref_slice %arg12[%add3A_165, %dma_start3A_248] : memref<4704x128xi32, #tpu.memory_space<hbm>> -> memref<3x128xi32, #tpu.memory_space<hbm>>
          tpu.enqueue_dma source(%dma_start3A_249 : memref<3x128xi32, #tpu.memory_space<hbm>>) target(%arg21 : memref<3x128xi32, #tpu.memory_space<vmem>>) target_semaphore(%run_scoped3A : memref<!tpu.dma_semaphore, #tpu.memory_space<semaphore_mem>>)
          %dma_wait3A_250 = arith.constant 0 : i32
          %dma_wait3A_251 = tpu.memref_slice %arg12[%add3A_165, %dma_wait3A_250] : memref<4704x128xi32, #tpu.memory_space<hbm>> -> memref<3x128xi32, #tpu.memory_space<hbm>>
          %dma_wait3A_252 = arith.constant 0 : i32
          %dma_wait3A_253 = tpu.memref_slice %arg12[%add3A_165, %dma_wait3A_252] : memref<4704x128xi32, #tpu.memory_space<hbm>> -> memref<3x128xi32, #tpu.memory_space<hbm>>
          tpu.wait_dma2 semaphore(%run_scoped3A : memref<!tpu.dma_semaphore, #tpu.memory_space<semaphore_mem>>) src(%dma_wait3A_253 : memref<3x128xi32, #tpu.memory_space<hbm>>) dst(%arg21 : memref<3x128xi32, #tpu.memory_space<vmem>>)
          tpu.yield
        }) : () -> ()
        %mul3A_166 = arith.constant 37632 : i32
        %mul3A_167 = arith.muli %arg1, %mul3A_166 : i32
        %mul3A_168 = arith.constant 384 : i32
        %mul3A_169 = arith.muli %add3A_160, %mul3A_168 : i32
        %add3A_170 = arith.addi %mul3A_167, %mul3A_169 : i32
        "tpu.region"() ({
          %run_scoped3A = tpu.sem_alloc : memref<!tpu.dma_semaphore, #tpu.memory_space<semaphore_mem>>
          %dma_start3A_246 = tpu.memref_slice %arg9[%add3A_170] : memref<602112xi32, #tpu.memory_space<hbm>> -> memref<384xi32, #tpu.memory_space<hbm>>
          %dma_start3A_247 = tpu.memref_slice %arg9[%add3A_170] : memref<602112xi32, #tpu.memory_space<hbm>> -> memref<384xi32, #tpu.memory_space<hbm>>
          tpu.enqueue_dma source(%dma_start3A_247 : memref<384xi32, #tpu.memory_space<hbm>>) target(%arg19 : memref<384xi32, #tpu.memory_space<vmem>>) target_semaphore(%run_scoped3A : memref<!tpu.dma_semaphore, #tpu.memory_space<semaphore_mem>>)
          %dma_wait3A_248 = tpu.memref_slice %arg9[%add3A_170] : memref<602112xi32, #tpu.memory_space<hbm>> -> memref<384xi32, #tpu.memory_space<hbm>>
          %dma_wait3A_249 = tpu.memref_slice %arg9[%add3A_170] : memref<602112xi32, #tpu.memory_space<hbm>> -> memref<384xi32, #tpu.memory_space<hbm>>
          tpu.wait_dma2 semaphore(%run_scoped3A : memref<!tpu.dma_semaphore, #tpu.memory_space<semaphore_mem>>) src(%dma_wait3A_249 : memref<384xi32, #tpu.memory_space<hbm>>) dst(%arg19 : memref<384xi32, #tpu.memory_space<vmem>>)
          tpu.yield
        }) : () -> ()
        %dma_start3A_171 = arith.constant 0 : i32
        %dma_start3A_172 = arith.constant 0 : i32
        %dma_start3A_173 = tpu.memref_slice %arg3[%dma_start3A_171, %dma_start3A_172] : memref<100000x64xbf16, #tpu.memory_space<hbm>> -> memref<100000x64xbf16, #tpu.memory_space<hbm>>
        tpu.enqueue_indirect_dma source(%dma_start3A_173 : memref<100000x64xbf16, #tpu.memory_space<hbm>>) target(%arg23 : memref<384x64xbf16, #tpu.memory_space<vmem>>) offsets(%arg19 : memref<384xi32, #tpu.memory_space<vmem>>) semaphore(%arg25 : memref<!tpu.dma_semaphore, #tpu.memory_space<semaphore_mem>>)
        %dma_wait3A_174 = arith.constant 0 : i32
        %dma_wait3A_175 = arith.constant 0 : i32
        %dma_wait3A_176 = tpu.memref_slice %arg3[%dma_wait3A_174, %dma_wait3A_175] : memref<100000x64xbf16, #tpu.memory_space<hbm>> -> memref<100000x64xbf16, #tpu.memory_space<hbm>>
        tpu.wait_indirect_dma semaphore(%arg24 : memref<!tpu.dma_semaphore, #tpu.memory_space<semaphore_mem>>) src(%dma_wait3A_176 : memref<100000x64xbf16, #tpu.memory_space<hbm>>) dst(%arg22 : memref<384x64xbf16, #tpu.memory_space<vmem>>)
        %dma_start3A_177 = arith.constant 0 : i32
        %dma_start3A_178 = arith.constant 0 : i32
        %dma_start3A_179 = arith.constant 0 : i32
        %dma_start3A_180 = tpu.memref_slice %arg22[%dma_start3A_178, %dma_start3A_179] : memref<384x64xbf16, #tpu.memory_space<vmem>> -> memref<128x64xbf16, #tpu.memory_space<vmem>>
        %dma_start3A_181 = arith.constant 0 : i32
        %dma_start3A_182 = tpu.memref_slice %arg20[%dma_start3A_177, %dma_start3A_181] : memref<3x128xi32, #tpu.memory_space<vmem>> -> memref<1x128xi32, #tpu.memory_space<vmem>>
        %dma_start3A_183 = tpu.memref_squeeze %dma_start3A_182 : memref<1x128xi32, #tpu.memory_space<vmem>> -> memref<128xi32, #tpu.memory_space<vmem>>
        %dma_start3A_184 = arith.constant 0 : i32
        %dma_start3A_185 = arith.constant 0 : i32
        %dma_start3A_186 = tpu.memref_slice %arg17[%dma_start3A_184, %dma_start3A_185] : memref<51200x64xbf16, #tpu.memory_space<vmem_shared>> -> memref<51200x64xbf16, #tpu.memory_space<vmem_shared>>
        tpu.enqueue_indirect_dma source(%dma_start3A_180 : memref<128x64xbf16, #tpu.memory_space<vmem>>) target(%dma_start3A_186 : memref<51200x64xbf16, #tpu.memory_space<vmem_shared>>) offsets(%dma_start3A_183 : memref<128xi32, #tpu.memory_space<vmem>>) semaphore(%arg26 : memref<!tpu.dma_semaphore, #tpu.memory_space<semaphore_mem>>) {add = true}
        %dma_start3A_187 = arith.constant 1 : i32
        %dma_start3A_188 = arith.constant 128 : i32
        %dma_start3A_189 = arith.constant 0 : i32
        %dma_start3A_190 = tpu.memref_slice %arg22[%dma_start3A_188, %dma_start3A_189] : memref<384x64xbf16, #tpu.memory_space<vmem>> -> memref<128x64xbf16, #tpu.memory_space<vmem>>
        %dma_start3A_191 = arith.constant 0 : i32
        %dma_start3A_192 = tpu.memref_slice %arg20[%dma_start3A_187, %dma_start3A_191] : memref<3x128xi32, #tpu.memory_space<vmem>> -> memref<1x128xi32, #tpu.memory_space<vmem>>
        %dma_start3A_193 = tpu.memref_squeeze %dma_start3A_192 : memref<1x128xi32, #tpu.memory_space<vmem>> -> memref<128xi32, #tpu.memory_space<vmem>>
        %dma_start3A_194 = arith.constant 0 : i32
        %dma_start3A_195 = arith.constant 0 : i32
        %dma_start3A_196 = tpu.memref_slice %arg17[%dma_start3A_194, %dma_start3A_195] : memref<51200x64xbf16, #tpu.memory_space<vmem_shared>> -> memref<51200x64xbf16, #tpu.memory_space<vmem_shared>>
        tpu.enqueue_indirect_dma source(%dma_start3A_190 : memref<128x64xbf16, #tpu.memory_space<vmem>>) target(%dma_start3A_196 : memref<51200x64xbf16, #tpu.memory_space<vmem_shared>>) offsets(%dma_start3A_193 : memref<128xi32, #tpu.memory_space<vmem>>) semaphore(%arg26 : memref<!tpu.dma_semaphore, #tpu.memory_space<semaphore_mem>>) {add = true}
        %dma_start3A_197 = arith.constant 2 : i32
        %dma_start3A_198 = arith.constant 256 : i32
        %dma_start3A_199 = arith.constant 0 : i32
        %dma_start3A_200 = tpu.memref_slice %arg22[%dma_start3A_198, %dma_start3A_199] : memref<384x64xbf16, #tpu.memory_space<vmem>> -> memref<128x64xbf16, #tpu.memory_space<vmem>>
        %dma_start3A_201 = arith.constant 0 : i32
        %dma_start3A_202 = tpu.memref_slice %arg20[%dma_start3A_197, %dma_start3A_201] : memref<3x128xi32, #tpu.memory_space<vmem>> -> memref<1x128xi32, #tpu.memory_space<vmem>>
        %dma_start3A_203 = tpu.memref_squeeze %dma_start3A_202 : memref<1x128xi32, #tpu.memory_space<vmem>> -> memref<128xi32, #tpu.memory_space<vmem>>
        %dma_start3A_204 = arith.constant 0 : i32
        %dma_start3A_205 = arith.constant 0 : i32
        %dma_start3A_206 = tpu.memref_slice %arg17[%dma_start3A_204, %dma_start3A_205] : memref<51200x64xbf16, #tpu.memory_space<vmem_shared>> -> memref<51200x64xbf16, #tpu.memory_space<vmem_shared>>
        tpu.enqueue_indirect_dma source(%dma_start3A_200 : memref<128x64xbf16, #tpu.memory_space<vmem>>) target(%dma_start3A_206 : memref<51200x64xbf16, #tpu.memory_space<vmem_shared>>) offsets(%dma_start3A_203 : memref<128xi32, #tpu.memory_space<vmem>>) semaphore(%arg26 : memref<!tpu.dma_semaphore, #tpu.memory_space<semaphore_mem>>) {add = true}
        %dma_wait3A_207 = arith.constant 0 : i32
        %dma_wait3A_208 = arith.constant 0 : i32
        %dma_wait3A_209 = tpu.memref_slice %arg3[%dma_wait3A_207, %dma_wait3A_208] : memref<100000x64xbf16, #tpu.memory_space<hbm>> -> memref<100000x64xbf16, #tpu.memory_space<hbm>>
        tpu.wait_indirect_dma semaphore(%arg25 : memref<!tpu.dma_semaphore, #tpu.memory_space<semaphore_mem>>) src(%dma_wait3A_209 : memref<100000x64xbf16, #tpu.memory_space<hbm>>) dst(%arg23 : memref<384x64xbf16, #tpu.memory_space<vmem>>)
        %dma_start3A_210 = arith.constant 0 : i32
        %dma_start3A_211 = arith.constant 0 : i32
        %dma_start3A_212 = arith.constant 0 : i32
        %dma_start3A_213 = tpu.memref_slice %arg23[%dma_start3A_211, %dma_start3A_212] : memref<384x64xbf16, #tpu.memory_space<vmem>> -> memref<128x64xbf16, #tpu.memory_space<vmem>>
        %dma_start3A_214 = arith.constant 0 : i32
        %dma_start3A_215 = tpu.memref_slice %arg21[%dma_start3A_210, %dma_start3A_214] : memref<3x128xi32, #tpu.memory_space<vmem>> -> memref<1x128xi32, #tpu.memory_space<vmem>>
        %dma_start3A_216 = tpu.memref_squeeze %dma_start3A_215 : memref<1x128xi32, #tpu.memory_space<vmem>> -> memref<128xi32, #tpu.memory_space<vmem>>
        %dma_start3A_217 = arith.constant 0 : i32
        %dma_start3A_218 = arith.constant 0 : i32
        %dma_start3A_219 = tpu.memref_slice %arg17[%dma_start3A_217, %dma_start3A_218] : memref<51200x64xbf16, #tpu.memory_space<vmem_shared>> -> memref<51200x64xbf16, #tpu.memory_space<vmem_shared>>
        tpu.enqueue_indirect_dma source(%dma_start3A_213 : memref<128x64xbf16, #tpu.memory_space<vmem>>) target(%dma_start3A_219 : memref<51200x64xbf16, #tpu.memory_space<vmem_shared>>) offsets(%dma_start3A_216 : memref<128xi32, #tpu.memory_space<vmem>>) semaphore(%arg27 : memref<!tpu.dma_semaphore, #tpu.memory_space<semaphore_mem>>) {add = true}
        %dma_start3A_220 = arith.constant 1 : i32
        %dma_start3A_221 = arith.constant 128 : i32
        %dma_start3A_222 = arith.constant 0 : i32
        %dma_start3A_223 = tpu.memref_slice %arg23[%dma_start3A_221, %dma_start3A_222] : memref<384x64xbf16, #tpu.memory_space<vmem>> -> memref<128x64xbf16, #tpu.memory_space<vmem>>
        %dma_start3A_224 = arith.constant 0 : i32
        %dma_start3A_225 = tpu.memref_slice %arg21[%dma_start3A_220, %dma_start3A_224] : memref<3x128xi32, #tpu.memory_space<vmem>> -> memref<1x128xi32, #tpu.memory_space<vmem>>
        %dma_start3A_226 = tpu.memref_squeeze %dma_start3A_225 : memref<1x128xi32, #tpu.memory_space<vmem>> -> memref<128xi32, #tpu.memory_space<vmem>>
        %dma_start3A_227 = arith.constant 0 : i32
        %dma_start3A_228 = arith.constant 0 : i32
        %dma_start3A_229 = tpu.memref_slice %arg17[%dma_start3A_227, %dma_start3A_228] : memref<51200x64xbf16, #tpu.memory_space<vmem_shared>> -> memref<51200x64xbf16, #tpu.memory_space<vmem_shared>>
        tpu.enqueue_indirect_dma source(%dma_start3A_223 : memref<128x64xbf16, #tpu.memory_space<vmem>>) target(%dma_start3A_229 : memref<51200x64xbf16, #tpu.memory_space<vmem_shared>>) offsets(%dma_start3A_226 : memref<128xi32, #tpu.memory_space<vmem>>) semaphore(%arg27 : memref<!tpu.dma_semaphore, #tpu.memory_space<semaphore_mem>>) {add = true}
        %dma_start3A_230 = arith.constant 2 : i32
        %dma_start3A_231 = arith.constant 256 : i32
        %dma_start3A_232 = arith.constant 0 : i32
        %dma_start3A_233 = tpu.memref_slice %arg23[%dma_start3A_231, %dma_start3A_232] : memref<384x64xbf16, #tpu.memory_space<vmem>> -> memref<128x64xbf16, #tpu.memory_space<vmem>>
        %dma_start3A_234 = arith.constant 0 : i32
        %dma_start3A_235 = tpu.memref_slice %arg21[%dma_start3A_230, %dma_start3A_234] : memref<3x128xi32, #tpu.memory_space<vmem>> -> memref<1x128xi32, #tpu.memory_space<vmem>>
        %dma_start3A_236 = tpu.memref_squeeze %dma_start3A_235 : memref<1x128xi32, #tpu.memory_space<vmem>> -> memref<128xi32, #tpu.memory_space<vmem>>
        %dma_start3A_237 = arith.constant 0 : i32
        %dma_start3A_238 = arith.constant 0 : i32
        %dma_start3A_239 = tpu.memref_slice %arg17[%dma_start3A_237, %dma_start3A_238] : memref<51200x64xbf16, #tpu.memory_space<vmem_shared>> -> memref<51200x64xbf16, #tpu.memory_space<vmem_shared>>
        tpu.enqueue_indirect_dma source(%dma_start3A_233 : memref<128x64xbf16, #tpu.memory_space<vmem>>) target(%dma_start3A_239 : memref<51200x64xbf16, #tpu.memory_space<vmem_shared>>) offsets(%dma_start3A_236 : memref<128xi32, #tpu.memory_space<vmem>>) semaphore(%arg27 : memref<!tpu.dma_semaphore, #tpu.memory_space<semaphore_mem>>) {add = true}
        %add3A_240 = arith.constant 1 : i32
        %add3A_241 = arith.addi %scan3A_152, %add3A_240 : i32
        %lt3A = arith.constant 49 : i32
        %lt3A_242 = arith.cmpi slt, %add3A_241, %lt3A : i32
        %convert_element_type3A_243 = arith.extui %lt3A_242 : i1 to i32
        %cond3A_244 = arith.constant 0 : i32
        %cond3A_245 = arith.cmpi ne, %convert_element_type3A_243, %cond3A_244 : i32
        scf.if %cond3A_245 {
          %dma_wait3A_246 = arith.constant 0 : i32
          %dma_wait3A_247 = arith.constant 0 : i32
          %dma_wait3A_248 = arith.constant 0 : i32
          %dma_wait3A_249 = tpu.memref_slice %arg22[%dma_wait3A_247, %dma_wait3A_248] : memref<384x64xbf16, #tpu.memory_space<vmem>> -> memref<128x64xbf16, #tpu.memory_space<vmem>>
          %dma_wait3A_250 = arith.constant 0 : i32
          %dma_wait3A_251 = tpu.memref_slice %arg20[%dma_wait3A_246, %dma_wait3A_250] : memref<3x128xi32, #tpu.memory_space<vmem>> -> memref<1x128xi32, #tpu.memory_space<vmem>>
          %dma_wait3A_252 = tpu.memref_squeeze %dma_wait3A_251 : memref<1x128xi32, #tpu.memory_space<vmem>> -> memref<128xi32, #tpu.memory_space<vmem>>
          %dma_wait3A_253 = arith.constant 0 : i32
          %dma_wait3A_254 = arith.constant 0 : i32
          %dma_wait3A_255 = tpu.memref_slice %arg17[%dma_wait3A_253, %dma_wait3A_254] : memref<51200x64xbf16, #tpu.memory_space<vmem_shared>> -> memref<51200x64xbf16, #tpu.memory_space<vmem_shared>>
          tpu.wait_indirect_dma semaphore(%arg26 : memref<!tpu.dma_semaphore, #tpu.memory_space<semaphore_mem>>) src(%dma_wait3A_249 : memref<128x64xbf16, #tpu.memory_space<vmem>>) dst(%dma_wait3A_255 : memref<51200x64xbf16, #tpu.memory_space<vmem_shared>>)
          %dma_wait3A_256 = arith.constant 1 : i32
          %dma_wait3A_257 = arith.constant 128 : i32
          %dma_wait3A_258 = arith.constant 0 : i32
          %dma_wait3A_259 = tpu.memref_slice %arg22[%dma_wait3A_257, %dma_wait3A_258] : memref<384x64xbf16, #tpu.memory_space<vmem>> -> memref<128x64xbf16, #tpu.memory_space<vmem>>
          %dma_wait3A_260 = arith.constant 0 : i32
          %dma_wait3A_261 = tpu.memref_slice %arg20[%dma_wait3A_256, %dma_wait3A_260] : memref<3x128xi32, #tpu.memory_space<vmem>> -> memref<1x128xi32, #tpu.memory_space<vmem>>
          %dma_wait3A_262 = tpu.memref_squeeze %dma_wait3A_261 : memref<1x128xi32, #tpu.memory_space<vmem>> -> memref<128xi32, #tpu.memory_space<vmem>>
          %dma_wait3A_263 = arith.constant 0 : i32
          %dma_wait3A_264 = arith.constant 0 : i32
          %dma_wait3A_265 = tpu.memref_slice %arg17[%dma_wait3A_263, %dma_wait3A_264] : memref<51200x64xbf16, #tpu.memory_space<vmem_shared>> -> memref<51200x64xbf16, #tpu.memory_space<vmem_shared>>
          tpu.wait_indirect_dma semaphore(%arg26 : memref<!tpu.dma_semaphore, #tpu.memory_space<semaphore_mem>>) src(%dma_wait3A_259 : memref<128x64xbf16, #tpu.memory_space<vmem>>) dst(%dma_wait3A_265 : memref<51200x64xbf16, #tpu.memory_space<vmem_shared>>)
          %dma_wait3A_266 = arith.constant 2 : i32
          %dma_wait3A_267 = arith.constant 256 : i32
          %dma_wait3A_268 = arith.constant 0 : i32
          %dma_wait3A_269 = tpu.memref_slice %arg22[%dma_wait3A_267, %dma_wait3A_268] : memref<384x64xbf16, #tpu.memory_space<vmem>> -> memref<128x64xbf16, #tpu.memory_space<vmem>>
          %dma_wait3A_270 = arith.constant 0 : i32
          %dma_wait3A_271 = tpu.memref_slice %arg20[%dma_wait3A_266, %dma_wait3A_270] : memref<3x128xi32, #tpu.memory_space<vmem>> -> memref<1x128xi32, #tpu.memory_space<vmem>>
          %dma_wait3A_272 = tpu.memref_squeeze %dma_wait3A_271 : memref<1x128xi32, #tpu.memory_space<vmem>> -> memref<128xi32, #tpu.memory_space<vmem>>
          %dma_wait3A_273 = arith.constant 0 : i32
          %dma_wait3A_274 = arith.constant 0 : i32
          %dma_wait3A_275 = tpu.memref_slice %arg17[%dma_wait3A_273, %dma_wait3A_274] : memref<51200x64xbf16, #tpu.memory_space<vmem_shared>> -> memref<51200x64xbf16, #tpu.memory_space<vmem_shared>>
          tpu.wait_indirect_dma semaphore(%arg26 : memref<!tpu.dma_semaphore, #tpu.memory_space<semaphore_mem>>) src(%dma_wait3A_269 : memref<128x64xbf16, #tpu.memory_space<vmem>>) dst(%dma_wait3A_275 : memref<51200x64xbf16, #tpu.memory_space<vmem_shared>>)
          %add3A_276 = arith.constant 2 : i32
          %add3A_277 = arith.addi %mul3A_154, %add3A_276 : i32
          %mul3A_278 = arith.constant 294 : i32
          %mul3A_279 = arith.muli %arg1, %mul3A_278 : i32
          %mul3A_280 = arith.constant 3 : i32
          %mul3A_281 = arith.muli %add3A_277, %mul3A_280 : i32
          %add3A_282 = arith.addi %mul3A_279, %mul3A_281 : i32
          "tpu.region"() ({
            %run_scoped3A = tpu.sem_alloc : memref<!tpu.dma_semaphore, #tpu.memory_space<semaphore_mem>>
            %dma_start3A_291 = arith.constant 0 : i32
            %dma_start3A_292 = tpu.memref_slice %arg12[%add3A_282, %dma_start3A_291] : memref<4704x128xi32, #tpu.memory_space<hbm>> -> memref<3x128xi32, #tpu.memory_space<hbm>>
            %dma_start3A_293 = arith.constant 0 : i32
            %dma_start3A_294 = tpu.memref_slice %arg12[%add3A_282, %dma_start3A_293] : memref<4704x128xi32, #tpu.memory_space<hbm>> -> memref<3x128xi32, #tpu.memory_space<hbm>>
            tpu.enqueue_dma source(%dma_start3A_294 : memref<3x128xi32, #tpu.memory_space<hbm>>) target(%arg20 : memref<3x128xi32, #tpu.memory_space<vmem>>) target_semaphore(%run_scoped3A : memref<!tpu.dma_semaphore, #tpu.memory_space<semaphore_mem>>)
            %dma_wait3A_295 = arith.constant 0 : i32
            %dma_wait3A_296 = tpu.memref_slice %arg12[%add3A_282, %dma_wait3A_295] : memref<4704x128xi32, #tpu.memory_space<hbm>> -> memref<3x128xi32, #tpu.memory_space<hbm>>
            %dma_wait3A_297 = arith.constant 0 : i32
            %dma_wait3A_298 = tpu.memref_slice %arg12[%add3A_282, %dma_wait3A_297] : memref<4704x128xi32, #tpu.memory_space<hbm>> -> memref<3x128xi32, #tpu.memory_space<hbm>>
            tpu.wait_dma2 semaphore(%run_scoped3A : memref<!tpu.dma_semaphore, #tpu.memory_space<semaphore_mem>>) src(%dma_wait3A_298 : memref<3x128xi32, #tpu.memory_space<hbm>>) dst(%arg20 : memref<3x128xi32, #tpu.memory_space<vmem>>)
            tpu.yield
          }) : () -> ()
          %mul3A_283 = arith.constant 37632 : i32
          %mul3A_284 = arith.muli %arg1, %mul3A_283 : i32
          %mul3A_285 = arith.constant 384 : i32
          %mul3A_286 = arith.muli %add3A_277, %mul3A_285 : i32
          %add3A_287 = arith.addi %mul3A_284, %mul3A_286 : i32
          "tpu.region"() ({
            %run_scoped3A = tpu.sem_alloc : memref<!tpu.dma_semaphore, #tpu.memory_space<semaphore_mem>>
            %dma_start3A_291 = tpu.memref_slice %arg9[%add3A_287] : memref<602112xi32, #tpu.memory_space<hbm>> -> memref<384xi32, #tpu.memory_space<hbm>>
            %dma_start3A_292 = tpu.memref_slice %arg9[%add3A_287] : memref<602112xi32, #tpu.memory_space<hbm>> -> memref<384xi32, #tpu.memory_space<hbm>>
            tpu.enqueue_dma source(%dma_start3A_292 : memref<384xi32, #tpu.memory_space<hbm>>) target(%arg18 : memref<384xi32, #tpu.memory_space<vmem>>) target_semaphore(%run_scoped3A : memref<!tpu.dma_semaphore, #tpu.memory_space<semaphore_mem>>)
            %dma_wait3A_293 = tpu.memref_slice %arg9[%add3A_287] : memref<602112xi32, #tpu.memory_space<hbm>> -> memref<384xi32, #tpu.memory_space<hbm>>
            %dma_wait3A_294 = tpu.memref_slice %arg9[%add3A_287] : memref<602112xi32, #tpu.memory_space<hbm>> -> memref<384xi32, #tpu.memory_space<hbm>>
            tpu.wait_dma2 semaphore(%run_scoped3A : memref<!tpu.dma_semaphore, #tpu.memory_space<semaphore_mem>>) src(%dma_wait3A_294 : memref<384xi32, #tpu.memory_space<hbm>>) dst(%arg18 : memref<384xi32, #tpu.memory_space<vmem>>)
            tpu.yield
          }) : () -> ()
          %dma_start3A_288 = arith.constant 0 : i32
          %dma_start3A_289 = arith.constant 0 : i32
          %dma_start3A_290 = tpu.memref_slice %arg3[%dma_start3A_288, %dma_start3A_289] : memref<100000x64xbf16, #tpu.memory_space<hbm>> -> memref<100000x64xbf16, #tpu.memory_space<hbm>>
          tpu.enqueue_indirect_dma source(%dma_start3A_290 : memref<100000x64xbf16, #tpu.memory_space<hbm>>) target(%arg22 : memref<384x64xbf16, #tpu.memory_space<vmem>>) offsets(%arg18 : memref<384xi32, #tpu.memory_space<vmem>>) semaphore(%arg24 : memref<!tpu.dma_semaphore, #tpu.memory_space<semaphore_mem>>)
        } else {
        }
      }
      %scan3A_86 = arith.constant 49 : i32
      %dma_wait3A_87 = arith.constant 0 : i32
      %dma_wait3A_88 = arith.constant 0 : i32
      %dma_wait3A_89 = arith.constant 0 : i32
      %dma_wait3A_90 = tpu.memref_slice %arg22[%dma_wait3A_88, %dma_wait3A_89] : memref<384x64xbf16, #tpu.memory_space<vmem>> -> memref<128x64xbf16, #tpu.memory_space<vmem>>
      %dma_wait3A_91 = arith.constant 0 : i32
      %dma_wait3A_92 = tpu.memref_slice %arg20[%dma_wait3A_87, %dma_wait3A_91] : memref<3x128xi32, #tpu.memory_space<vmem>> -> memref<1x128xi32, #tpu.memory_space<vmem>>
      %dma_wait3A_93 = tpu.memref_squeeze %dma_wait3A_92 : memref<1x128xi32, #tpu.memory_space<vmem>> -> memref<128xi32, #tpu.memory_space<vmem>>
      %dma_wait3A_94 = arith.constant 0 : i32
      %dma_wait3A_95 = arith.constant 0 : i32
      %dma_wait3A_96 = tpu.memref_slice %arg17[%dma_wait3A_94, %dma_wait3A_95] : memref<51200x64xbf16, #tpu.memory_space<vmem_shared>> -> memref<51200x64xbf16, #tpu.memory_space<vmem_shared>>
      tpu.wait_indirect_dma semaphore(%arg26 : memref<!tpu.dma_semaphore, #tpu.memory_space<semaphore_mem>>) src(%dma_wait3A_90 : memref<128x64xbf16, #tpu.memory_space<vmem>>) dst(%dma_wait3A_96 : memref<51200x64xbf16, #tpu.memory_space<vmem_shared>>)
      %dma_wait3A_97 = arith.constant 1 : i32
      %dma_wait3A_98 = arith.constant 128 : i32
      %dma_wait3A_99 = arith.constant 0 : i32
      %dma_wait3A_100 = tpu.memref_slice %arg22[%dma_wait3A_98, %dma_wait3A_99] : memref<384x64xbf16, #tpu.memory_space<vmem>> -> memref<128x64xbf16, #tpu.memory_space<vmem>>
      %dma_wait3A_101 = arith.constant 0 : i32
      %dma_wait3A_102 = tpu.memref_slice %arg20[%dma_wait3A_97, %dma_wait3A_101] : memref<3x128xi32, #tpu.memory_space<vmem>> -> memref<1x128xi32, #tpu.memory_space<vmem>>
      %dma_wait3A_103 = tpu.memref_squeeze %dma_wait3A_102 : memref<1x128xi32, #tpu.memory_space<vmem>> -> memref<128xi32, #tpu.memory_space<vmem>>
      %dma_wait3A_104 = arith.constant 0 : i32
      %dma_wait3A_105 = arith.constant 0 : i32
      %dma_wait3A_106 = tpu.memref_slice %arg17[%dma_wait3A_104, %dma_wait3A_105] : memref<51200x64xbf16, #tpu.memory_space<vmem_shared>> -> memref<51200x64xbf16, #tpu.memory_space<vmem_shared>>
      tpu.wait_indirect_dma semaphore(%arg26 : memref<!tpu.dma_semaphore, #tpu.memory_space<semaphore_mem>>) src(%dma_wait3A_100 : memref<128x64xbf16, #tpu.memory_space<vmem>>) dst(%dma_wait3A_106 : memref<51200x64xbf16, #tpu.memory_space<vmem_shared>>)
      %dma_wait3A_107 = arith.constant 2 : i32
      %dma_wait3A_108 = arith.constant 256 : i32
      %dma_wait3A_109 = arith.constant 0 : i32
      %dma_wait3A_110 = tpu.memref_slice %arg22[%dma_wait3A_108, %dma_wait3A_109] : memref<384x64xbf16, #tpu.memory_space<vmem>> -> memref<128x64xbf16, #tpu.memory_space<vmem>>
      %dma_wait3A_111 = arith.constant 0 : i32
      %dma_wait3A_112 = tpu.memref_slice %arg20[%dma_wait3A_107, %dma_wait3A_111] : memref<3x128xi32, #tpu.memory_space<vmem>> -> memref<1x128xi32, #tpu.memory_space<vmem>>
      %dma_wait3A_113 = tpu.memref_squeeze %dma_wait3A_112 : memref<1x128xi32, #tpu.memory_space<vmem>> -> memref<128xi32, #tpu.memory_space<vmem>>
      %dma_wait3A_114 = arith.constant 0 : i32
      %dma_wait3A_115 = arith.constant 0 : i32
      %dma_wait3A_116 = tpu.memref_slice %arg17[%dma_wait3A_114, %dma_wait3A_115] : memref<51200x64xbf16, #tpu.memory_space<vmem_shared>> -> memref<51200x64xbf16, #tpu.memory_space<vmem_shared>>
      tpu.wait_indirect_dma semaphore(%arg26 : memref<!tpu.dma_semaphore, #tpu.memory_space<semaphore_mem>>) src(%dma_wait3A_110 : memref<128x64xbf16, #tpu.memory_space<vmem>>) dst(%dma_wait3A_116 : memref<51200x64xbf16, #tpu.memory_space<vmem_shared>>)
      %dma_wait3A_117 = arith.constant 0 : i32
      %dma_wait3A_118 = arith.constant 0 : i32
      %dma_wait3A_119 = arith.constant 0 : i32
      %dma_wait3A_120 = tpu.memref_slice %arg23[%dma_wait3A_118, %dma_wait3A_119] : memref<384x64xbf16, #tpu.memory_space<vmem>> -> memref<128x64xbf16, #tpu.memory_space<vmem>>
      %dma_wait3A_121 = arith.constant 0 : i32
      %dma_wait3A_122 = tpu.memref_slice %arg21[%dma_wait3A_117, %dma_wait3A_121] : memref<3x128xi32, #tpu.memory_space<vmem>> -> memref<1x128xi32, #tpu.memory_space<vmem>>
      %dma_wait3A_123 = tpu.memref_squeeze %dma_wait3A_122 : memref<1x128xi32, #tpu.memory_space<vmem>> -> memref<128xi32, #tpu.memory_space<vmem>>
      %dma_wait3A_124 = arith.constant 0 : i32
      %dma_wait3A_125 = arith.constant 0 : i32
      %dma_wait3A_126 = tpu.memref_slice %arg17[%dma_wait3A_124, %dma_wait3A_125] : memref<51200x64xbf16, #tpu.memory_space<vmem_shared>> -> memref<51200x64xbf16, #tpu.memory_space<vmem_shared>>
      tpu.wait_indirect_dma semaphore(%arg27 : memref<!tpu.dma_semaphore, #tpu.memory_space<semaphore_mem>>) src(%dma_wait3A_120 : memref<128x64xbf16, #tpu.memory_space<vmem>>) dst(%dma_wait3A_126 : memref<51200x64xbf16, #tpu.memory_space<vmem_shared>>)
      %dma_wait3A_127 = arith.constant 1 : i32
      %dma_wait3A_128 = arith.constant 128 : i32
      %dma_wait3A_129 = arith.constant 0 : i32
      %dma_wait3A_130 = tpu.memref_slice %arg23[%dma_wait3A_128, %dma_wait3A_129] : memref<384x64xbf16, #tpu.memory_space<vmem>> -> memref<128x64xbf16, #tpu.memory_space<vmem>>
      %dma_wait3A_131 = arith.constant 0 : i32
      %dma_wait3A_132 = tpu.memref_slice %arg21[%dma_wait3A_127, %dma_wait3A_131] : memref<3x128xi32, #tpu.memory_space<vmem>> -> memref<1x128xi32, #tpu.memory_space<vmem>>
      %dma_wait3A_133 = tpu.memref_squeeze %dma_wait3A_132 : memref<1x128xi32, #tpu.memory_space<vmem>> -> memref<128xi32, #tpu.memory_space<vmem>>
      %dma_wait3A_134 = arith.constant 0 : i32
      %dma_wait3A_135 = arith.constant 0 : i32
      %dma_wait3A_136 = tpu.memref_slice %arg17[%dma_wait3A_134, %dma_wait3A_135] : memref<51200x64xbf16, #tpu.memory_space<vmem_shared>> -> memref<51200x64xbf16, #tpu.memory_space<vmem_shared>>
      tpu.wait_indirect_dma semaphore(%arg27 : memref<!tpu.dma_semaphore, #tpu.memory_space<semaphore_mem>>) src(%dma_wait3A_130 : memref<128x64xbf16, #tpu.memory_space<vmem>>) dst(%dma_wait3A_136 : memref<51200x64xbf16, #tpu.memory_space<vmem_shared>>)
      %dma_wait3A_137 = arith.constant 2 : i32
      %dma_wait3A_138 = arith.constant 256 : i32
      %dma_wait3A_139 = arith.constant 0 : i32
      %dma_wait3A_140 = tpu.memref_slice %arg23[%dma_wait3A_138, %dma_wait3A_139] : memref<384x64xbf16, #tpu.memory_space<vmem>> -> memref<128x64xbf16, #tpu.memory_space<vmem>>
      %dma_wait3A_141 = arith.constant 0 : i32
      %dma_wait3A_142 = tpu.memref_slice %arg21[%dma_wait3A_137, %dma_wait3A_141] : memref<3x128xi32, #tpu.memory_space<vmem>> -> memref<1x128xi32, #tpu.memory_space<vmem>>
      %dma_wait3A_143 = tpu.memref_squeeze %dma_wait3A_142 : memref<1x128xi32, #tpu.memory_space<vmem>> -> memref<128xi32, #tpu.memory_space<vmem>>
      %dma_wait3A_144 = arith.constant 0 : i32
      %dma_wait3A_145 = arith.constant 0 : i32
      %dma_wait3A_146 = tpu.memref_slice %arg17[%dma_wait3A_144, %dma_wait3A_145] : memref<51200x64xbf16, #tpu.memory_space<vmem_shared>> -> memref<51200x64xbf16, #tpu.memory_space<vmem_shared>>
      tpu.wait_indirect_dma semaphore(%arg27 : memref<!tpu.dma_semaphore, #tpu.memory_space<semaphore_mem>>) src(%dma_wait3A_140 : memref<128x64xbf16, #tpu.memory_space<vmem>>) dst(%dma_wait3A_146 : memref<51200x64xbf16, #tpu.memory_space<vmem_shared>>)
      %barrier3A_147 = arith.constant 0 : index
      tpu.barrier barrier_id(%barrier3A_147)
      %mul3A_148 = arith.constant 3200 : i32
      %mul3A_149 = arith.muli %arg1, %mul3A_148 : i32
      %mul3A_150 = arith.constant 3200 : i32
      %mul3A_151 = arith.muli %arg1, %mul3A_150 : i32
      "tpu.region"() ({
        %run_scoped3A = tpu.sem_alloc : memref<!tpu.dma_semaphore, #tpu.memory_space<semaphore_mem>>
        %dma_start3A_152 = arith.constant 64 : i32
        %dma_start3A_153 = tpu.memref_slice %arg16[%mul3A_151, %dma_start3A_152] : memref<51200x128xbf16, #tpu.memory_space<hbm>> -> memref<3200x64xbf16, #tpu.memory_space<hbm>>
        %dma_start3A_154 = arith.constant 0 : i32
        %dma_start3A_155 = tpu.memref_slice %arg17[%mul3A_149, %dma_start3A_154] : memref<51200x64xbf16, #tpu.memory_space<vmem_shared>> -> memref<3200x64xbf16, #tpu.memory_space<vmem_shared>>
        tpu.enqueue_dma source(%dma_start3A_155 : memref<3200x64xbf16, #tpu.memory_space<vmem_shared>>) target(%dma_start3A_153 : memref<3200x64xbf16, #tpu.memory_space<hbm>>) target_semaphore(%run_scoped3A : memref<!tpu.dma_semaphore, #tpu.memory_space<semaphore_mem>>)
        %dma_wait3A_156 = arith.constant 64 : i32
        %dma_wait3A_157 = tpu.memref_slice %arg16[%mul3A_151, %dma_wait3A_156] : memref<51200x128xbf16, #tpu.memory_space<hbm>> -> memref<3200x64xbf16, #tpu.memory_space<hbm>>
        %dma_wait3A_158 = arith.constant 0 : i32
        %dma_wait3A_159 = tpu.memref_slice %arg17[%mul3A_149, %dma_wait3A_158] : memref<51200x64xbf16, #tpu.memory_space<vmem_shared>> -> memref<3200x64xbf16, #tpu.memory_space<vmem_shared>>
        tpu.wait_dma2 semaphore(%run_scoped3A : memref<!tpu.dma_semaphore, #tpu.memory_space<semaphore_mem>>) src(%dma_wait3A_159 : memref<3200x64xbf16, #tpu.memory_space<vmem_shared>>) dst(%dma_wait3A_157 : memref<3200x64xbf16, #tpu.memory_space<hbm>>)
        tpu.yield
      }) : () -> ()
    } else {
    }
    return
  }
}

#map = affine_map<(d0, d1) -> (0, 0)>
module attributes {stable_mosaic.version = 14 : i64} {
  func.func @body(%arg0: i32, %arg1: i32, %arg2: memref<4704x128xi32, #tpu.memory_space<hbm>>, %arg3: memref<4704x128xi32, #tpu.memory_space<hbm>>, %arg4: memref<4704x128xi32, #tpu.memory_space<hbm>>, %arg5: memref<800x8xf32, #tpu.memory_space<hbm>>, %arg6: memref<384x8xf32, #tpu.memory_space<hbm>>, %arg7: memref<51200x32xf32, #tpu.memory_space<hbm>>, %arg8: memref<51200x32xf32, #tpu.memory_space<hbm>>, %arg9: memref<51200x8xf32, #tpu.memory_space<vmem_shared>>, %arg10: memref<3x128xi32, #tpu.memory_space<vmem>>, %arg11: memref<384x8xf32, #tpu.memory_space<vmem>>, %arg12: memref<!tpu.dma_semaphore, #tpu.memory_space<semaphore_mem>>, %arg13: memref<!tpu.dma_semaphore, #tpu.memory_space<semaphore_mem>>) attributes {dimension_semantics = [#tpu.dimension_semantics<core_parallel>, #tpu.dimension_semantics<subcore_parallel>], iteration_bounds = array<i64: 2, 16>, scalar_prefetch = 0 : i64, scratch_operands = 5 : i64, tpu.core_type = #tpu.core_type<sc_vector_subcore>, window_params = [{transform_indices = #map}, {transform_indices = #map}, {transform_indices = #map}, {transform_indices = #map}, {transform_indices = #map}, {transform_indices = #map}, {transform_indices = #map}]} {
    "tpu.region"() ({
      %run_scoped3A = tpu.sem_alloc : memref<!tpu.dma_semaphore, #tpu.memory_space<semaphore_mem>>
      tpu.enqueue_dma source(%arg6 : memref<384x8xf32, #tpu.memory_space<hbm>>) target(%arg11 : memref<384x8xf32, #tpu.memory_space<vmem>>) target_semaphore(%run_scoped3A : memref<!tpu.dma_semaphore, #tpu.memory_space<semaphore_mem>>)
      tpu.wait_dma2 semaphore(%run_scoped3A : memref<!tpu.dma_semaphore, #tpu.memory_space<semaphore_mem>>) src(%arg6 : memref<384x8xf32, #tpu.memory_space<hbm>>) dst(%arg11 : memref<384x8xf32, #tpu.memory_space<vmem>>)
      tpu.yield
    }) : () -> ()
    %mul3A = arith.constant 3200 : i32
    %mul3A_0 = arith.muli %arg1, %mul3A : i32
    %add3A = arith.constant 0 : i32
    %add3A_1 = arith.addi %mul3A_0, %add3A : i32
    %dma_start3A = arith.constant 0 : i32
    %dma_start3A_2 = tpu.memref_slice %arg9[%add3A_1, %dma_start3A] : memref<51200x8xf32, #tpu.memory_space<vmem_shared>> -> memref<800x8xf32, #tpu.memory_space<vmem_shared>>
    tpu.enqueue_dma source(%arg5 : memref<800x8xf32, #tpu.memory_space<hbm>>) target(%dma_start3A_2 : memref<800x8xf32, #tpu.memory_space<vmem_shared>>) target_semaphore(%arg13 : memref<!tpu.dma_semaphore, #tpu.memory_space<semaphore_mem>>)
    %mul3A_3 = arith.constant 3200 : i32
    %mul3A_4 = arith.muli %arg1, %mul3A_3 : i32
    %add3A_5 = arith.constant 800 : i32
    %add3A_6 = arith.addi %mul3A_4, %add3A_5 : i32
    %dma_start3A_7 = arith.constant 0 : i32
    %dma_start3A_8 = tpu.memref_slice %arg9[%add3A_6, %dma_start3A_7] : memref<51200x8xf32, #tpu.memory_space<vmem_shared>> -> memref<800x8xf32, #tpu.memory_space<vmem_shared>>
    tpu.enqueue_dma source(%arg5 : memref<800x8xf32, #tpu.memory_space<hbm>>) target(%dma_start3A_8 : memref<800x8xf32, #tpu.memory_space<vmem_shared>>) target_semaphore(%arg13 : memref<!tpu.dma_semaphore, #tpu.memory_space<semaphore_mem>>)
    %mul3A_9 = arith.constant 3200 : i32
    %mul3A_10 = arith.muli %arg1, %mul3A_9 : i32
    %add3A_11 = arith.constant 1600 : i32
    %add3A_12 = arith.addi %mul3A_10, %add3A_11 : i32
    %dma_start3A_13 = arith.constant 0 : i32
    %dma_start3A_14 = tpu.memref_slice %arg9[%add3A_12, %dma_start3A_13] : memref<51200x8xf32, #tpu.memory_space<vmem_shared>> -> memref<800x8xf32, #tpu.memory_space<vmem_shared>>
    tpu.enqueue_dma source(%arg5 : memref<800x8xf32, #tpu.memory_space<hbm>>) target(%dma_start3A_14 : memref<800x8xf32, #tpu.memory_space<vmem_shared>>) target_semaphore(%arg13 : memref<!tpu.dma_semaphore, #tpu.memory_space<semaphore_mem>>)
    %mul3A_15 = arith.constant 3200 : i32
    %mul3A_16 = arith.muli %arg1, %mul3A_15 : i32
    %add3A_17 = arith.constant 2400 : i32
    %add3A_18 = arith.addi %mul3A_16, %add3A_17 : i32
    %dma_start3A_19 = arith.constant 0 : i32
    %dma_start3A_20 = tpu.memref_slice %arg9[%add3A_18, %dma_start3A_19] : memref<51200x8xf32, #tpu.memory_space<vmem_shared>> -> memref<800x8xf32, #tpu.memory_space<vmem_shared>>
    tpu.enqueue_dma source(%arg5 : memref<800x8xf32, #tpu.memory_space<hbm>>) target(%dma_start3A_20 : memref<800x8xf32, #tpu.memory_space<vmem_shared>>) target_semaphore(%arg13 : memref<!tpu.dma_semaphore, #tpu.memory_space<semaphore_mem>>)
    %mul3A_21 = arith.constant 3200 : i32
    %mul3A_22 = arith.muli %arg1, %mul3A_21 : i32
    %add3A_23 = arith.constant 0 : i32
    %add3A_24 = arith.addi %mul3A_22, %add3A_23 : i32
    %dma_wait3A = arith.constant 0 : i32
    %dma_wait3A_25 = tpu.memref_slice %arg9[%add3A_24, %dma_wait3A] : memref<51200x8xf32, #tpu.memory_space<vmem_shared>> -> memref<800x8xf32, #tpu.memory_space<vmem_shared>>
    tpu.wait_dma2 semaphore(%arg13 : memref<!tpu.dma_semaphore, #tpu.memory_space<semaphore_mem>>) src(%arg5 : memref<800x8xf32, #tpu.memory_space<hbm>>) dst(%dma_wait3A_25 : memref<800x8xf32, #tpu.memory_space<vmem_shared>>)
    %mul3A_26 = arith.constant 3200 : i32
    %mul3A_27 = arith.muli %arg1, %mul3A_26 : i32
    %add3A_28 = arith.constant 800 : i32
    %add3A_29 = arith.addi %mul3A_27, %add3A_28 : i32
    %dma_wait3A_30 = arith.constant 0 : i32
    %dma_wait3A_31 = tpu.memref_slice %arg9[%add3A_29, %dma_wait3A_30] : memref<51200x8xf32, #tpu.memory_space<vmem_shared>> -> memref<800x8xf32, #tpu.memory_space<vmem_shared>>
    tpu.wait_dma2 semaphore(%arg13 : memref<!tpu.dma_semaphore, #tpu.memory_space<semaphore_mem>>) src(%arg5 : memref<800x8xf32, #tpu.memory_space<hbm>>) dst(%dma_wait3A_31 : memref<800x8xf32, #tpu.memory_space<vmem_shared>>)
    %mul3A_32 = arith.constant 3200 : i32
    %mul3A_33 = arith.muli %arg1, %mul3A_32 : i32
    %add3A_34 = arith.constant 1600 : i32
    %add3A_35 = arith.addi %mul3A_33, %add3A_34 : i32
    %dma_wait3A_36 = arith.constant 0 : i32
    %dma_wait3A_37 = tpu.memref_slice %arg9[%add3A_35, %dma_wait3A_36] : memref<51200x8xf32, #tpu.memory_space<vmem_shared>> -> memref<800x8xf32, #tpu.memory_space<vmem_shared>>
    tpu.wait_dma2 semaphore(%arg13 : memref<!tpu.dma_semaphore, #tpu.memory_space<semaphore_mem>>) src(%arg5 : memref<800x8xf32, #tpu.memory_space<hbm>>) dst(%dma_wait3A_37 : memref<800x8xf32, #tpu.memory_space<vmem_shared>>)
    %mul3A_38 = arith.constant 3200 : i32
    %mul3A_39 = arith.muli %arg1, %mul3A_38 : i32
    %add3A_40 = arith.constant 2400 : i32
    %add3A_41 = arith.addi %mul3A_39, %add3A_40 : i32
    %dma_wait3A_42 = arith.constant 0 : i32
    %dma_wait3A_43 = tpu.memref_slice %arg9[%add3A_41, %dma_wait3A_42] : memref<51200x8xf32, #tpu.memory_space<vmem_shared>> -> memref<800x8xf32, #tpu.memory_space<vmem_shared>>
    tpu.wait_dma2 semaphore(%arg13 : memref<!tpu.dma_semaphore, #tpu.memory_space<semaphore_mem>>) src(%arg5 : memref<800x8xf32, #tpu.memory_space<hbm>>) dst(%dma_wait3A_43 : memref<800x8xf32, #tpu.memory_space<vmem_shared>>)
    %barrier3A = arith.constant 0 : index
    tpu.barrier barrier_id(%barrier3A)
    %scan3A = arith.constant 0 : i32
    %scan3A_44 = arith.constant 0 : i32
    %scan3A_45 = arith.constant 49 : i32
    %scan3A_46 = arith.addi %scan3A_44, %scan3A_45 : i32
    %scan3A_47 = arith.constant 1 : i32
    scf.for %scan3A_189 = %scan3A_44 to %scan3A_46 step %scan3A_47  : i32 {
      %mul3A_190 = arith.constant 2352 : i32
      %mul3A_191 = arith.muli %arg0, %mul3A_190 : i32
      %mul3A_192 = arith.constant 147 : i32
      %mul3A_193 = arith.muli %arg1, %mul3A_192 : i32
      %add3A_194 = arith.addi %mul3A_191, %mul3A_193 : i32
      %mul3A_195 = arith.constant 3 : i32
      %mul3A_196 = arith.muli %scan3A_189, %mul3A_195 : i32
      %add3A_197 = arith.addi %add3A_194, %mul3A_196 : i32
      "tpu.region"() ({
        %run_scoped3A = tpu.sem_alloc : memref<!tpu.dma_semaphore, #tpu.memory_space<semaphore_mem>>
        %dma_start3A_258 = arith.constant 0 : i32
        %dma_start3A_259 = tpu.memref_slice %arg2[%add3A_197, %dma_start3A_258] : memref<4704x128xi32, #tpu.memory_space<hbm>> -> memref<3x128xi32, #tpu.memory_space<hbm>>
        %dma_start3A_260 = arith.constant 0 : i32
        %dma_start3A_261 = tpu.memref_slice %arg2[%add3A_197, %dma_start3A_260] : memref<4704x128xi32, #tpu.memory_space<hbm>> -> memref<3x128xi32, #tpu.memory_space<hbm>>
        tpu.enqueue_dma source(%dma_start3A_261 : memref<3x128xi32, #tpu.memory_space<hbm>>) target(%arg10 : memref<3x128xi32, #tpu.memory_space<vmem>>) target_semaphore(%run_scoped3A : memref<!tpu.dma_semaphore, #tpu.memory_space<semaphore_mem>>)
        %dma_wait3A_262 = arith.constant 0 : i32
        %dma_wait3A_263 = tpu.memref_slice %arg2[%add3A_197, %dma_wait3A_262] : memref<4704x128xi32, #tpu.memory_space<hbm>> -> memref<3x128xi32, #tpu.memory_space<hbm>>
        %dma_wait3A_264 = arith.constant 0 : i32
        %dma_wait3A_265 = tpu.memref_slice %arg2[%add3A_197, %dma_wait3A_264] : memref<4704x128xi32, #tpu.memory_space<hbm>> -> memref<3x128xi32, #tpu.memory_space<hbm>>
        tpu.wait_dma2 semaphore(%run_scoped3A : memref<!tpu.dma_semaphore, #tpu.memory_space<semaphore_mem>>) src(%dma_wait3A_265 : memref<3x128xi32, #tpu.memory_space<hbm>>) dst(%arg10 : memref<3x128xi32, #tpu.memory_space<vmem>>)
        tpu.yield
      }) : () -> ()
      %dma_start3A_198 = arith.constant 0 : i32
      %dma_start3A_199 = arith.constant 0 : i32
      %dma_start3A_200 = arith.constant 0 : i32
      %dma_start3A_201 = tpu.memref_slice %arg11[%dma_start3A_199, %dma_start3A_200] : memref<384x8xf32, #tpu.memory_space<vmem>> -> memref<128x8xf32, #tpu.memory_space<vmem>>
      %dma_start3A_202 = arith.constant 0 : i32
      %dma_start3A_203 = tpu.memref_slice %arg10[%dma_start3A_198, %dma_start3A_202] : memref<3x128xi32, #tpu.memory_space<vmem>> -> memref<1x128xi32, #tpu.memory_space<vmem>>
      %dma_start3A_204 = tpu.memref_squeeze %dma_start3A_203 : memref<1x128xi32, #tpu.memory_space<vmem>> -> memref<128xi32, #tpu.memory_space<vmem>>
      %dma_start3A_205 = arith.constant 0 : i32
      %dma_start3A_206 = arith.constant 0 : i32
      %dma_start3A_207 = tpu.memref_slice %arg9[%dma_start3A_205, %dma_start3A_206] : memref<51200x8xf32, #tpu.memory_space<vmem_shared>> -> memref<51200x8xf32, #tpu.memory_space<vmem_shared>>
      tpu.enqueue_indirect_dma source(%dma_start3A_201 : memref<128x8xf32, #tpu.memory_space<vmem>>) target(%dma_start3A_207 : memref<51200x8xf32, #tpu.memory_space<vmem_shared>>) offsets(%dma_start3A_204 : memref<128xi32, #tpu.memory_space<vmem>>) semaphore(%arg12 : memref<!tpu.dma_semaphore, #tpu.memory_space<semaphore_mem>>) {add = true}
      %dma_start3A_208 = arith.constant 1 : i32
      %dma_start3A_209 = arith.constant 128 : i32
      %dma_start3A_210 = arith.constant 0 : i32
      %dma_start3A_211 = tpu.memref_slice %arg11[%dma_start3A_209, %dma_start3A_210] : memref<384x8xf32, #tpu.memory_space<vmem>> -> memref<128x8xf32, #tpu.memory_space<vmem>>
      %dma_start3A_212 = arith.constant 0 : i32
      %dma_start3A_213 = tpu.memref_slice %arg10[%dma_start3A_208, %dma_start3A_212] : memref<3x128xi32, #tpu.memory_space<vmem>> -> memref<1x128xi32, #tpu.memory_space<vmem>>
      %dma_start3A_214 = tpu.memref_squeeze %dma_start3A_213 : memref<1x128xi32, #tpu.memory_space<vmem>> -> memref<128xi32, #tpu.memory_space<vmem>>
      %dma_start3A_215 = arith.constant 0 : i32
      %dma_start3A_216 = arith.constant 0 : i32
      %dma_start3A_217 = tpu.memref_slice %arg9[%dma_start3A_215, %dma_start3A_216] : memref<51200x8xf32, #tpu.memory_space<vmem_shared>> -> memref<51200x8xf32, #tpu.memory_space<vmem_shared>>
      tpu.enqueue_indirect_dma source(%dma_start3A_211 : memref<128x8xf32, #tpu.memory_space<vmem>>) target(%dma_start3A_217 : memref<51200x8xf32, #tpu.memory_space<vmem_shared>>) offsets(%dma_start3A_214 : memref<128xi32, #tpu.memory_space<vmem>>) semaphore(%arg12 : memref<!tpu.dma_semaphore, #tpu.memory_space<semaphore_mem>>) {add = true}
      %dma_start3A_218 = arith.constant 2 : i32
      %dma_start3A_219 = arith.constant 256 : i32
      %dma_start3A_220 = arith.constant 0 : i32
      %dma_start3A_221 = tpu.memref_slice %arg11[%dma_start3A_219, %dma_start3A_220] : memref<384x8xf32, #tpu.memory_space<vmem>> -> memref<128x8xf32, #tpu.memory_space<vmem>>
      %dma_start3A_222 = arith.constant 0 : i32
      %dma_start3A_223 = tpu.memref_slice %arg10[%dma_start3A_218, %dma_start3A_222] : memref<3x128xi32, #tpu.memory_space<vmem>> -> memref<1x128xi32, #tpu.memory_space<vmem>>
      %dma_start3A_224 = tpu.memref_squeeze %dma_start3A_223 : memref<1x128xi32, #tpu.memory_space<vmem>> -> memref<128xi32, #tpu.memory_space<vmem>>
      %dma_start3A_225 = arith.constant 0 : i32
      %dma_start3A_226 = arith.constant 0 : i32
      %dma_start3A_227 = tpu.memref_slice %arg9[%dma_start3A_225, %dma_start3A_226] : memref<51200x8xf32, #tpu.memory_space<vmem_shared>> -> memref<51200x8xf32, #tpu.memory_space<vmem_shared>>
      tpu.enqueue_indirect_dma source(%dma_start3A_221 : memref<128x8xf32, #tpu.memory_space<vmem>>) target(%dma_start3A_227 : memref<51200x8xf32, #tpu.memory_space<vmem_shared>>) offsets(%dma_start3A_224 : memref<128xi32, #tpu.memory_space<vmem>>) semaphore(%arg12 : memref<!tpu.dma_semaphore, #tpu.memory_space<semaphore_mem>>) {add = true}
      %dma_wait3A_228 = arith.constant 0 : i32
      %dma_wait3A_229 = arith.constant 0 : i32
      %dma_wait3A_230 = arith.constant 0 : i32
      %dma_wait3A_231 = tpu.memref_slice %arg11[%dma_wait3A_229, %dma_wait3A_230] : memref<384x8xf32, #tpu.memory_space<vmem>> -> memref<128x8xf32, #tpu.memory_space<vmem>>
      %dma_wait3A_232 = arith.constant 0 : i32
      %dma_wait3A_233 = tpu.memref_slice %arg10[%dma_wait3A_228, %dma_wait3A_232] : memref<3x128xi32, #tpu.memory_space<vmem>> -> memref<1x128xi32, #tpu.memory_space<vmem>>
      %dma_wait3A_234 = tpu.memref_squeeze %dma_wait3A_233 : memref<1x128xi32, #tpu.memory_space<vmem>> -> memref<128xi32, #tpu.memory_space<vmem>>
      %dma_wait3A_235 = arith.constant 0 : i32
      %dma_wait3A_236 = arith.constant 0 : i32
      %dma_wait3A_237 = tpu.memref_slice %arg9[%dma_wait3A_235, %dma_wait3A_236] : memref<51200x8xf32, #tpu.memory_space<vmem_shared>> -> memref<51200x8xf32, #tpu.memory_space<vmem_shared>>
      tpu.wait_indirect_dma semaphore(%arg12 : memref<!tpu.dma_semaphore, #tpu.memory_space<semaphore_mem>>) src(%dma_wait3A_231 : memref<128x8xf32, #tpu.memory_space<vmem>>) dst(%dma_wait3A_237 : memref<51200x8xf32, #tpu.memory_space<vmem_shared>>)
      %dma_wait3A_238 = arith.constant 1 : i32
      %dma_wait3A_239 = arith.constant 128 : i32
      %dma_wait3A_240 = arith.constant 0 : i32
      %dma_wait3A_241 = tpu.memref_slice %arg11[%dma_wait3A_239, %dma_wait3A_240] : memref<384x8xf32, #tpu.memory_space<vmem>> -> memref<128x8xf32, #tpu.memory_space<vmem>>
      %dma_wait3A_242 = arith.constant 0 : i32
      %dma_wait3A_243 = tpu.memref_slice %arg10[%dma_wait3A_238, %dma_wait3A_242] : memref<3x128xi32, #tpu.memory_space<vmem>> -> memref<1x128xi32, #tpu.memory_space<vmem>>
      %dma_wait3A_244 = tpu.memref_squeeze %dma_wait3A_243 : memref<1x128xi32, #tpu.memory_space<vmem>> -> memref<128xi32, #tpu.memory_space<vmem>>
      %dma_wait3A_245 = arith.constant 0 : i32
      %dma_wait3A_246 = arith.constant 0 : i32
      %dma_wait3A_247 = tpu.memref_slice %arg9[%dma_wait3A_245, %dma_wait3A_246] : memref<51200x8xf32, #tpu.memory_space<vmem_shared>> -> memref<51200x8xf32, #tpu.memory_space<vmem_shared>>
      tpu.wait_indirect_dma semaphore(%arg12 : memref<!tpu.dma_semaphore, #tpu.memory_space<semaphore_mem>>) src(%dma_wait3A_241 : memref<128x8xf32, #tpu.memory_space<vmem>>) dst(%dma_wait3A_247 : memref<51200x8xf32, #tpu.memory_space<vmem_shared>>)
      %dma_wait3A_248 = arith.constant 2 : i32
      %dma_wait3A_249 = arith.constant 256 : i32
      %dma_wait3A_250 = arith.constant 0 : i32
      %dma_wait3A_251 = tpu.memref_slice %arg11[%dma_wait3A_249, %dma_wait3A_250] : memref<384x8xf32, #tpu.memory_space<vmem>> -> memref<128x8xf32, #tpu.memory_space<vmem>>
      %dma_wait3A_252 = arith.constant 0 : i32
      %dma_wait3A_253 = tpu.memref_slice %arg10[%dma_wait3A_248, %dma_wait3A_252] : memref<3x128xi32, #tpu.memory_space<vmem>> -> memref<1x128xi32, #tpu.memory_space<vmem>>
      %dma_wait3A_254 = tpu.memref_squeeze %dma_wait3A_253 : memref<1x128xi32, #tpu.memory_space<vmem>> -> memref<128xi32, #tpu.memory_space<vmem>>
      %dma_wait3A_255 = arith.constant 0 : i32
      %dma_wait3A_256 = arith.constant 0 : i32
      %dma_wait3A_257 = tpu.memref_slice %arg9[%dma_wait3A_255, %dma_wait3A_256] : memref<51200x8xf32, #tpu.memory_space<vmem_shared>> -> memref<51200x8xf32, #tpu.memory_space<vmem_shared>>
      tpu.wait_indirect_dma semaphore(%arg12 : memref<!tpu.dma_semaphore, #tpu.memory_space<semaphore_mem>>) src(%dma_wait3A_251 : memref<128x8xf32, #tpu.memory_space<vmem>>) dst(%dma_wait3A_257 : memref<51200x8xf32, #tpu.memory_space<vmem_shared>>)
    }
    %scan3A_48 = arith.constant 49 : i32
    %barrier3A_49 = arith.constant 0 : index
    tpu.barrier barrier_id(%barrier3A_49)
    %eq3A = arith.constant 0 : i32
    %eq3A_50 = arith.cmpi eq, %arg0, %eq3A : i32
    %convert_element_type3A = arith.extui %eq3A_50 : i1 to i32
    %cond3A = arith.constant 0 : i32
    %cond3A_51 = arith.cmpi ne, %convert_element_type3A, %cond3A : i32
    scf.if %cond3A_51 {
      %mul3A_189 = arith.constant 3200 : i32
      %mul3A_190 = arith.muli %arg1, %mul3A_189 : i32
      %mul3A_191 = arith.constant 3200 : i32
      %mul3A_192 = arith.muli %arg1, %mul3A_191 : i32
      "tpu.region"() ({
        %run_scoped3A = tpu.sem_alloc : memref<!tpu.dma_semaphore, #tpu.memory_space<semaphore_mem>>
        %dma_start3A_193 = arith.constant 0 : i32
        %dma_start3A_194 = tpu.memref_slice %arg7[%mul3A_192, %dma_start3A_193] : memref<51200x32xf32, #tpu.memory_space<hbm>> -> memref<3200x8xf32, #tpu.memory_space<hbm>>
        %dma_start3A_195 = arith.constant 0 : i32
        %dma_start3A_196 = tpu.memref_slice %arg9[%mul3A_190, %dma_start3A_195] : memref<51200x8xf32, #tpu.memory_space<vmem_shared>> -> memref<3200x8xf32, #tpu.memory_space<vmem_shared>>
        tpu.enqueue_dma source(%dma_start3A_196 : memref<3200x8xf32, #tpu.memory_space<vmem_shared>>) target(%dma_start3A_194 : memref<3200x8xf32, #tpu.memory_space<hbm>>) target_semaphore(%run_scoped3A : memref<!tpu.dma_semaphore, #tpu.memory_space<semaphore_mem>>)
        %dma_wait3A_197 = arith.constant 0 : i32
        %dma_wait3A_198 = tpu.memref_slice %arg7[%mul3A_192, %dma_wait3A_197] : memref<51200x32xf32, #tpu.memory_space<hbm>> -> memref<3200x8xf32, #tpu.memory_space<hbm>>
        %dma_wait3A_199 = arith.constant 0 : i32
        %dma_wait3A_200 = tpu.memref_slice %arg9[%mul3A_190, %dma_wait3A_199] : memref<51200x8xf32, #tpu.memory_space<vmem_shared>> -> memref<3200x8xf32, #tpu.memory_space<vmem_shared>>
        tpu.wait_dma2 semaphore(%run_scoped3A : memref<!tpu.dma_semaphore, #tpu.memory_space<semaphore_mem>>) src(%dma_wait3A_200 : memref<3200x8xf32, #tpu.memory_space<vmem_shared>>) dst(%dma_wait3A_198 : memref<3200x8xf32, #tpu.memory_space<hbm>>)
        tpu.yield
      }) : () -> ()
    } else {
    }
    %eq3A_52 = arith.constant 1 : i32
    %eq3A_53 = arith.cmpi eq, %arg0, %eq3A_52 : i32
    %convert_element_type3A_54 = arith.extui %eq3A_53 : i1 to i32
    %cond3A_55 = arith.constant 0 : i32
    %cond3A_56 = arith.cmpi ne, %convert_element_type3A_54, %cond3A_55 : i32
    scf.if %cond3A_56 {
      %mul3A_189 = arith.constant 3200 : i32
      %mul3A_190 = arith.muli %arg1, %mul3A_189 : i32
      %mul3A_191 = arith.constant 3200 : i32
      %mul3A_192 = arith.muli %arg1, %mul3A_191 : i32
      "tpu.region"() ({
        %run_scoped3A = tpu.sem_alloc : memref<!tpu.dma_semaphore, #tpu.memory_space<semaphore_mem>>
        %dma_start3A_193 = arith.constant 0 : i32
        %dma_start3A_194 = tpu.memref_slice %arg8[%mul3A_192, %dma_start3A_193] : memref<51200x32xf32, #tpu.memory_space<hbm>> -> memref<3200x8xf32, #tpu.memory_space<hbm>>
        %dma_start3A_195 = arith.constant 0 : i32
        %dma_start3A_196 = tpu.memref_slice %arg9[%mul3A_190, %dma_start3A_195] : memref<51200x8xf32, #tpu.memory_space<vmem_shared>> -> memref<3200x8xf32, #tpu.memory_space<vmem_shared>>
        tpu.enqueue_dma source(%dma_start3A_196 : memref<3200x8xf32, #tpu.memory_space<vmem_shared>>) target(%dma_start3A_194 : memref<3200x8xf32, #tpu.memory_space<hbm>>) target_semaphore(%run_scoped3A : memref<!tpu.dma_semaphore, #tpu.memory_space<semaphore_mem>>)
        %dma_wait3A_197 = arith.constant 0 : i32
        %dma_wait3A_198 = tpu.memref_slice %arg8[%mul3A_192, %dma_wait3A_197] : memref<51200x32xf32, #tpu.memory_space<hbm>> -> memref<3200x8xf32, #tpu.memory_space<hbm>>
        %dma_wait3A_199 = arith.constant 0 : i32
        %dma_wait3A_200 = tpu.memref_slice %arg9[%mul3A_190, %dma_wait3A_199] : memref<51200x8xf32, #tpu.memory_space<vmem_shared>> -> memref<3200x8xf32, #tpu.memory_space<vmem_shared>>
        tpu.wait_dma2 semaphore(%run_scoped3A : memref<!tpu.dma_semaphore, #tpu.memory_space<semaphore_mem>>) src(%dma_wait3A_200 : memref<3200x8xf32, #tpu.memory_space<vmem_shared>>) dst(%dma_wait3A_198 : memref<3200x8xf32, #tpu.memory_space<hbm>>)
        tpu.yield
      }) : () -> ()
    } else {
    }
    %mul3A_57 = arith.constant 3200 : i32
    %mul3A_58 = arith.muli %arg1, %mul3A_57 : i32
    %add3A_59 = arith.constant 0 : i32
    %add3A_60 = arith.addi %mul3A_58, %add3A_59 : i32
    %dma_start3A_61 = arith.constant 0 : i32
    %dma_start3A_62 = tpu.memref_slice %arg9[%add3A_60, %dma_start3A_61] : memref<51200x8xf32, #tpu.memory_space<vmem_shared>> -> memref<800x8xf32, #tpu.memory_space<vmem_shared>>
    tpu.enqueue_dma source(%arg5 : memref<800x8xf32, #tpu.memory_space<hbm>>) target(%dma_start3A_62 : memref<800x8xf32, #tpu.memory_space<vmem_shared>>) target_semaphore(%arg13 : memref<!tpu.dma_semaphore, #tpu.memory_space<semaphore_mem>>)
    %mul3A_63 = arith.constant 3200 : i32
    %mul3A_64 = arith.muli %arg1, %mul3A_63 : i32
    %add3A_65 = arith.constant 800 : i32
    %add3A_66 = arith.addi %mul3A_64, %add3A_65 : i32
    %dma_start3A_67 = arith.constant 0 : i32
    %dma_start3A_68 = tpu.memref_slice %arg9[%add3A_66, %dma_start3A_67] : memref<51200x8xf32, #tpu.memory_space<vmem_shared>> -> memref<800x8xf32, #tpu.memory_space<vmem_shared>>
    tpu.enqueue_dma source(%arg5 : memref<800x8xf32, #tpu.memory_space<hbm>>) target(%dma_start3A_68 : memref<800x8xf32, #tpu.memory_space<vmem_shared>>) target_semaphore(%arg13 : memref<!tpu.dma_semaphore, #tpu.memory_space<semaphore_mem>>)
    %mul3A_69 = arith.constant 3200 : i32
    %mul3A_70 = arith.muli %arg1, %mul3A_69 : i32
    %add3A_71 = arith.constant 1600 : i32
    %add3A_72 = arith.addi %mul3A_70, %add3A_71 : i32
    %dma_start3A_73 = arith.constant 0 : i32
    %dma_start3A_74 = tpu.memref_slice %arg9[%add3A_72, %dma_start3A_73] : memref<51200x8xf32, #tpu.memory_space<vmem_shared>> -> memref<800x8xf32, #tpu.memory_space<vmem_shared>>
    tpu.enqueue_dma source(%arg5 : memref<800x8xf32, #tpu.memory_space<hbm>>) target(%dma_start3A_74 : memref<800x8xf32, #tpu.memory_space<vmem_shared>>) target_semaphore(%arg13 : memref<!tpu.dma_semaphore, #tpu.memory_space<semaphore_mem>>)
    %mul3A_75 = arith.constant 3200 : i32
    %mul3A_76 = arith.muli %arg1, %mul3A_75 : i32
    %add3A_77 = arith.constant 2400 : i32
    %add3A_78 = arith.addi %mul3A_76, %add3A_77 : i32
    %dma_start3A_79 = arith.constant 0 : i32
    %dma_start3A_80 = tpu.memref_slice %arg9[%add3A_78, %dma_start3A_79] : memref<51200x8xf32, #tpu.memory_space<vmem_shared>> -> memref<800x8xf32, #tpu.memory_space<vmem_shared>>
    tpu.enqueue_dma source(%arg5 : memref<800x8xf32, #tpu.memory_space<hbm>>) target(%dma_start3A_80 : memref<800x8xf32, #tpu.memory_space<vmem_shared>>) target_semaphore(%arg13 : memref<!tpu.dma_semaphore, #tpu.memory_space<semaphore_mem>>)
    %mul3A_81 = arith.constant 3200 : i32
    %mul3A_82 = arith.muli %arg1, %mul3A_81 : i32
    %add3A_83 = arith.constant 0 : i32
    %add3A_84 = arith.addi %mul3A_82, %add3A_83 : i32
    %dma_wait3A_85 = arith.constant 0 : i32
    %dma_wait3A_86 = tpu.memref_slice %arg9[%add3A_84, %dma_wait3A_85] : memref<51200x8xf32, #tpu.memory_space<vmem_shared>> -> memref<800x8xf32, #tpu.memory_space<vmem_shared>>
    tpu.wait_dma2 semaphore(%arg13 : memref<!tpu.dma_semaphore, #tpu.memory_space<semaphore_mem>>) src(%arg5 : memref<800x8xf32, #tpu.memory_space<hbm>>) dst(%dma_wait3A_86 : memref<800x8xf32, #tpu.memory_space<vmem_shared>>)
    %mul3A_87 = arith.constant 3200 : i32
    %mul3A_88 = arith.muli %arg1, %mul3A_87 : i32
    %add3A_89 = arith.constant 800 : i32
    %add3A_90 = arith.addi %mul3A_88, %add3A_89 : i32
    %dma_wait3A_91 = arith.constant 0 : i32
    %dma_wait3A_92 = tpu.memref_slice %arg9[%add3A_90, %dma_wait3A_91] : memref<51200x8xf32, #tpu.memory_space<vmem_shared>> -> memref<800x8xf32, #tpu.memory_space<vmem_shared>>
    tpu.wait_dma2 semaphore(%arg13 : memref<!tpu.dma_semaphore, #tpu.memory_space<semaphore_mem>>) src(%arg5 : memref<800x8xf32, #tpu.memory_space<hbm>>) dst(%dma_wait3A_92 : memref<800x8xf32, #tpu.memory_space<vmem_shared>>)
    %mul3A_93 = arith.constant 3200 : i32
    %mul3A_94 = arith.muli %arg1, %mul3A_93 : i32
    %add3A_95 = arith.constant 1600 : i32
    %add3A_96 = arith.addi %mul3A_94, %add3A_95 : i32
    %dma_wait3A_97 = arith.constant 0 : i32
    %dma_wait3A_98 = tpu.memref_slice %arg9[%add3A_96, %dma_wait3A_97] : memref<51200x8xf32, #tpu.memory_space<vmem_shared>> -> memref<800x8xf32, #tpu.memory_space<vmem_shared>>
    tpu.wait_dma2 semaphore(%arg13 : memref<!tpu.dma_semaphore, #tpu.memory_space<semaphore_mem>>) src(%arg5 : memref<800x8xf32, #tpu.memory_space<hbm>>) dst(%dma_wait3A_98 : memref<800x8xf32, #tpu.memory_space<vmem_shared>>)
    %mul3A_99 = arith.constant 3200 : i32
    %mul3A_100 = arith.muli %arg1, %mul3A_99 : i32
    %add3A_101 = arith.constant 2400 : i32
    %add3A_102 = arith.addi %mul3A_100, %add3A_101 : i32
    %dma_wait3A_103 = arith.constant 0 : i32
    %dma_wait3A_104 = tpu.memref_slice %arg9[%add3A_102, %dma_wait3A_103] : memref<51200x8xf32, #tpu.memory_space<vmem_shared>> -> memref<800x8xf32, #tpu.memory_space<vmem_shared>>
    tpu.wait_dma2 semaphore(%arg13 : memref<!tpu.dma_semaphore, #tpu.memory_space<semaphore_mem>>) src(%arg5 : memref<800x8xf32, #tpu.memory_space<hbm>>) dst(%dma_wait3A_104 : memref<800x8xf32, #tpu.memory_space<vmem_shared>>)
    %barrier3A_105 = arith.constant 0 : index
    tpu.barrier barrier_id(%barrier3A_105)
    %scan3A_106 = arith.constant 0 : i32
    %scan3A_107 = arith.constant 0 : i32
    %scan3A_108 = arith.constant 49 : i32
    %scan3A_109 = arith.addi %scan3A_107, %scan3A_108 : i32
    %scan3A_110 = arith.constant 1 : i32
    scf.for %scan3A_189 = %scan3A_107 to %scan3A_109 step %scan3A_110  : i32 {
      %mul3A_190 = arith.constant 2352 : i32
      %mul3A_191 = arith.muli %arg0, %mul3A_190 : i32
      %mul3A_192 = arith.constant 147 : i32
      %mul3A_193 = arith.muli %arg1, %mul3A_192 : i32
      %add3A_194 = arith.addi %mul3A_191, %mul3A_193 : i32
      %mul3A_195 = arith.constant 3 : i32
      %mul3A_196 = arith.muli %scan3A_189, %mul3A_195 : i32
      %add3A_197 = arith.addi %add3A_194, %mul3A_196 : i32
      "tpu.region"() ({
        %run_scoped3A = tpu.sem_alloc : memref<!tpu.dma_semaphore, #tpu.memory_space<semaphore_mem>>
        %dma_start3A_258 = arith.constant 0 : i32
        %dma_start3A_259 = tpu.memref_slice %arg3[%add3A_197, %dma_start3A_258] : memref<4704x128xi32, #tpu.memory_space<hbm>> -> memref<3x128xi32, #tpu.memory_space<hbm>>
        %dma_start3A_260 = arith.constant 0 : i32
        %dma_start3A_261 = tpu.memref_slice %arg3[%add3A_197, %dma_start3A_260] : memref<4704x128xi32, #tpu.memory_space<hbm>> -> memref<3x128xi32, #tpu.memory_space<hbm>>
        tpu.enqueue_dma source(%dma_start3A_261 : memref<3x128xi32, #tpu.memory_space<hbm>>) target(%arg10 : memref<3x128xi32, #tpu.memory_space<vmem>>) target_semaphore(%run_scoped3A : memref<!tpu.dma_semaphore, #tpu.memory_space<semaphore_mem>>)
        %dma_wait3A_262 = arith.constant 0 : i32
        %dma_wait3A_263 = tpu.memref_slice %arg3[%add3A_197, %dma_wait3A_262] : memref<4704x128xi32, #tpu.memory_space<hbm>> -> memref<3x128xi32, #tpu.memory_space<hbm>>
        %dma_wait3A_264 = arith.constant 0 : i32
        %dma_wait3A_265 = tpu.memref_slice %arg3[%add3A_197, %dma_wait3A_264] : memref<4704x128xi32, #tpu.memory_space<hbm>> -> memref<3x128xi32, #tpu.memory_space<hbm>>
        tpu.wait_dma2 semaphore(%run_scoped3A : memref<!tpu.dma_semaphore, #tpu.memory_space<semaphore_mem>>) src(%dma_wait3A_265 : memref<3x128xi32, #tpu.memory_space<hbm>>) dst(%arg10 : memref<3x128xi32, #tpu.memory_space<vmem>>)
        tpu.yield
      }) : () -> ()
      %dma_start3A_198 = arith.constant 0 : i32
      %dma_start3A_199 = arith.constant 0 : i32
      %dma_start3A_200 = arith.constant 0 : i32
      %dma_start3A_201 = tpu.memref_slice %arg11[%dma_start3A_199, %dma_start3A_200] : memref<384x8xf32, #tpu.memory_space<vmem>> -> memref<128x8xf32, #tpu.memory_space<vmem>>
      %dma_start3A_202 = arith.constant 0 : i32
      %dma_start3A_203 = tpu.memref_slice %arg10[%dma_start3A_198, %dma_start3A_202] : memref<3x128xi32, #tpu.memory_space<vmem>> -> memref<1x128xi32, #tpu.memory_space<vmem>>
      %dma_start3A_204 = tpu.memref_squeeze %dma_start3A_203 : memref<1x128xi32, #tpu.memory_space<vmem>> -> memref<128xi32, #tpu.memory_space<vmem>>
      %dma_start3A_205 = arith.constant 0 : i32
      %dma_start3A_206 = arith.constant 0 : i32
      %dma_start3A_207 = tpu.memref_slice %arg9[%dma_start3A_205, %dma_start3A_206] : memref<51200x8xf32, #tpu.memory_space<vmem_shared>> -> memref<51200x8xf32, #tpu.memory_space<vmem_shared>>
      tpu.enqueue_indirect_dma source(%dma_start3A_201 : memref<128x8xf32, #tpu.memory_space<vmem>>) target(%dma_start3A_207 : memref<51200x8xf32, #tpu.memory_space<vmem_shared>>) offsets(%dma_start3A_204 : memref<128xi32, #tpu.memory_space<vmem>>) semaphore(%arg12 : memref<!tpu.dma_semaphore, #tpu.memory_space<semaphore_mem>>) {add = true}
      %dma_start3A_208 = arith.constant 1 : i32
      %dma_start3A_209 = arith.constant 128 : i32
      %dma_start3A_210 = arith.constant 0 : i32
      %dma_start3A_211 = tpu.memref_slice %arg11[%dma_start3A_209, %dma_start3A_210] : memref<384x8xf32, #tpu.memory_space<vmem>> -> memref<128x8xf32, #tpu.memory_space<vmem>>
      %dma_start3A_212 = arith.constant 0 : i32
      %dma_start3A_213 = tpu.memref_slice %arg10[%dma_start3A_208, %dma_start3A_212] : memref<3x128xi32, #tpu.memory_space<vmem>> -> memref<1x128xi32, #tpu.memory_space<vmem>>
      %dma_start3A_214 = tpu.memref_squeeze %dma_start3A_213 : memref<1x128xi32, #tpu.memory_space<vmem>> -> memref<128xi32, #tpu.memory_space<vmem>>
      %dma_start3A_215 = arith.constant 0 : i32
      %dma_start3A_216 = arith.constant 0 : i32
      %dma_start3A_217 = tpu.memref_slice %arg9[%dma_start3A_215, %dma_start3A_216] : memref<51200x8xf32, #tpu.memory_space<vmem_shared>> -> memref<51200x8xf32, #tpu.memory_space<vmem_shared>>
      tpu.enqueue_indirect_dma source(%dma_start3A_211 : memref<128x8xf32, #tpu.memory_space<vmem>>) target(%dma_start3A_217 : memref<51200x8xf32, #tpu.memory_space<vmem_shared>>) offsets(%dma_start3A_214 : memref<128xi32, #tpu.memory_space<vmem>>) semaphore(%arg12 : memref<!tpu.dma_semaphore, #tpu.memory_space<semaphore_mem>>) {add = true}
      %dma_start3A_218 = arith.constant 2 : i32
      %dma_start3A_219 = arith.constant 256 : i32
      %dma_start3A_220 = arith.constant 0 : i32
      %dma_start3A_221 = tpu.memref_slice %arg11[%dma_start3A_219, %dma_start3A_220] : memref<384x8xf32, #tpu.memory_space<vmem>> -> memref<128x8xf32, #tpu.memory_space<vmem>>
      %dma_start3A_222 = arith.constant 0 : i32
      %dma_start3A_223 = tpu.memref_slice %arg10[%dma_start3A_218, %dma_start3A_222] : memref<3x128xi32, #tpu.memory_space<vmem>> -> memref<1x128xi32, #tpu.memory_space<vmem>>
      %dma_start3A_224 = tpu.memref_squeeze %dma_start3A_223 : memref<1x128xi32, #tpu.memory_space<vmem>> -> memref<128xi32, #tpu.memory_space<vmem>>
      %dma_start3A_225 = arith.constant 0 : i32
      %dma_start3A_226 = arith.constant 0 : i32
      %dma_start3A_227 = tpu.memref_slice %arg9[%dma_start3A_225, %dma_start3A_226] : memref<51200x8xf32, #tpu.memory_space<vmem_shared>> -> memref<51200x8xf32, #tpu.memory_space<vmem_shared>>
      tpu.enqueue_indirect_dma source(%dma_start3A_221 : memref<128x8xf32, #tpu.memory_space<vmem>>) target(%dma_start3A_227 : memref<51200x8xf32, #tpu.memory_space<vmem_shared>>) offsets(%dma_start3A_224 : memref<128xi32, #tpu.memory_space<vmem>>) semaphore(%arg12 : memref<!tpu.dma_semaphore, #tpu.memory_space<semaphore_mem>>) {add = true}
      %dma_wait3A_228 = arith.constant 0 : i32
      %dma_wait3A_229 = arith.constant 0 : i32
      %dma_wait3A_230 = arith.constant 0 : i32
      %dma_wait3A_231 = tpu.memref_slice %arg11[%dma_wait3A_229, %dma_wait3A_230] : memref<384x8xf32, #tpu.memory_space<vmem>> -> memref<128x8xf32, #tpu.memory_space<vmem>>
      %dma_wait3A_232 = arith.constant 0 : i32
      %dma_wait3A_233 = tpu.memref_slice %arg10[%dma_wait3A_228, %dma_wait3A_232] : memref<3x128xi32, #tpu.memory_space<vmem>> -> memref<1x128xi32, #tpu.memory_space<vmem>>
      %dma_wait3A_234 = tpu.memref_squeeze %dma_wait3A_233 : memref<1x128xi32, #tpu.memory_space<vmem>> -> memref<128xi32, #tpu.memory_space<vmem>>
      %dma_wait3A_235 = arith.constant 0 : i32
      %dma_wait3A_236 = arith.constant 0 : i32
      %dma_wait3A_237 = tpu.memref_slice %arg9[%dma_wait3A_235, %dma_wait3A_236] : memref<51200x8xf32, #tpu.memory_space<vmem_shared>> -> memref<51200x8xf32, #tpu.memory_space<vmem_shared>>
      tpu.wait_indirect_dma semaphore(%arg12 : memref<!tpu.dma_semaphore, #tpu.memory_space<semaphore_mem>>) src(%dma_wait3A_231 : memref<128x8xf32, #tpu.memory_space<vmem>>) dst(%dma_wait3A_237 : memref<51200x8xf32, #tpu.memory_space<vmem_shared>>)
      %dma_wait3A_238 = arith.constant 1 : i32
      %dma_wait3A_239 = arith.constant 128 : i32
      %dma_wait3A_240 = arith.constant 0 : i32
      %dma_wait3A_241 = tpu.memref_slice %arg11[%dma_wait3A_239, %dma_wait3A_240] : memref<384x8xf32, #tpu.memory_space<vmem>> -> memref<128x8xf32, #tpu.memory_space<vmem>>
      %dma_wait3A_242 = arith.constant 0 : i32
      %dma_wait3A_243 = tpu.memref_slice %arg10[%dma_wait3A_238, %dma_wait3A_242] : memref<3x128xi32, #tpu.memory_space<vmem>> -> memref<1x128xi32, #tpu.memory_space<vmem>>
      %dma_wait3A_244 = tpu.memref_squeeze %dma_wait3A_243 : memref<1x128xi32, #tpu.memory_space<vmem>> -> memref<128xi32, #tpu.memory_space<vmem>>
      %dma_wait3A_245 = arith.constant 0 : i32
      %dma_wait3A_246 = arith.constant 0 : i32
      %dma_wait3A_247 = tpu.memref_slice %arg9[%dma_wait3A_245, %dma_wait3A_246] : memref<51200x8xf32, #tpu.memory_space<vmem_shared>> -> memref<51200x8xf32, #tpu.memory_space<vmem_shared>>
      tpu.wait_indirect_dma semaphore(%arg12 : memref<!tpu.dma_semaphore, #tpu.memory_space<semaphore_mem>>) src(%dma_wait3A_241 : memref<128x8xf32, #tpu.memory_space<vmem>>) dst(%dma_wait3A_247 : memref<51200x8xf32, #tpu.memory_space<vmem_shared>>)
      %dma_wait3A_248 = arith.constant 2 : i32
      %dma_wait3A_249 = arith.constant 256 : i32
      %dma_wait3A_250 = arith.constant 0 : i32
      %dma_wait3A_251 = tpu.memref_slice %arg11[%dma_wait3A_249, %dma_wait3A_250] : memref<384x8xf32, #tpu.memory_space<vmem>> -> memref<128x8xf32, #tpu.memory_space<vmem>>
      %dma_wait3A_252 = arith.constant 0 : i32
      %dma_wait3A_253 = tpu.memref_slice %arg10[%dma_wait3A_248, %dma_wait3A_252] : memref<3x128xi32, #tpu.memory_space<vmem>> -> memref<1x128xi32, #tpu.memory_space<vmem>>
      %dma_wait3A_254 = tpu.memref_squeeze %dma_wait3A_253 : memref<1x128xi32, #tpu.memory_space<vmem>> -> memref<128xi32, #tpu.memory_space<vmem>>
      %dma_wait3A_255 = arith.constant 0 : i32
      %dma_wait3A_256 = arith.constant 0 : i32
      %dma_wait3A_257 = tpu.memref_slice %arg9[%dma_wait3A_255, %dma_wait3A_256] : memref<51200x8xf32, #tpu.memory_space<vmem_shared>> -> memref<51200x8xf32, #tpu.memory_space<vmem_shared>>
      tpu.wait_indirect_dma semaphore(%arg12 : memref<!tpu.dma_semaphore, #tpu.memory_space<semaphore_mem>>) src(%dma_wait3A_251 : memref<128x8xf32, #tpu.memory_space<vmem>>) dst(%dma_wait3A_257 : memref<51200x8xf32, #tpu.memory_space<vmem_shared>>)
    }
    %scan3A_111 = arith.constant 49 : i32
    %barrier3A_112 = arith.constant 0 : index
    tpu.barrier barrier_id(%barrier3A_112)
    %eq3A_113 = arith.constant 0 : i32
    %eq3A_114 = arith.cmpi eq, %arg0, %eq3A_113 : i32
    %convert_element_type3A_115 = arith.extui %eq3A_114 : i1 to i32
    %cond3A_116 = arith.constant 0 : i32
    %cond3A_117 = arith.cmpi ne, %convert_element_type3A_115, %cond3A_116 : i32
    scf.if %cond3A_117 {
      %mul3A_189 = arith.constant 3200 : i32
      %mul3A_190 = arith.muli %arg1, %mul3A_189 : i32
      %mul3A_191 = arith.constant 3200 : i32
      %mul3A_192 = arith.muli %arg1, %mul3A_191 : i32
      "tpu.region"() ({
        %run_scoped3A = tpu.sem_alloc : memref<!tpu.dma_semaphore, #tpu.memory_space<semaphore_mem>>
        %dma_start3A_193 = arith.constant 8 : i32
        %dma_start3A_194 = tpu.memref_slice %arg7[%mul3A_192, %dma_start3A_193] : memref<51200x32xf32, #tpu.memory_space<hbm>> -> memref<3200x8xf32, #tpu.memory_space<hbm>>
        %dma_start3A_195 = arith.constant 0 : i32
        %dma_start3A_196 = tpu.memref_slice %arg9[%mul3A_190, %dma_start3A_195] : memref<51200x8xf32, #tpu.memory_space<vmem_shared>> -> memref<3200x8xf32, #tpu.memory_space<vmem_shared>>
        tpu.enqueue_dma source(%dma_start3A_196 : memref<3200x8xf32, #tpu.memory_space<vmem_shared>>) target(%dma_start3A_194 : memref<3200x8xf32, #tpu.memory_space<hbm>>) target_semaphore(%run_scoped3A : memref<!tpu.dma_semaphore, #tpu.memory_space<semaphore_mem>>)
        %dma_wait3A_197 = arith.constant 8 : i32
        %dma_wait3A_198 = tpu.memref_slice %arg7[%mul3A_192, %dma_wait3A_197] : memref<51200x32xf32, #tpu.memory_space<hbm>> -> memref<3200x8xf32, #tpu.memory_space<hbm>>
        %dma_wait3A_199 = arith.constant 0 : i32
        %dma_wait3A_200 = tpu.memref_slice %arg9[%mul3A_190, %dma_wait3A_199] : memref<51200x8xf32, #tpu.memory_space<vmem_shared>> -> memref<3200x8xf32, #tpu.memory_space<vmem_shared>>
        tpu.wait_dma2 semaphore(%run_scoped3A : memref<!tpu.dma_semaphore, #tpu.memory_space<semaphore_mem>>) src(%dma_wait3A_200 : memref<3200x8xf32, #tpu.memory_space<vmem_shared>>) dst(%dma_wait3A_198 : memref<3200x8xf32, #tpu.memory_space<hbm>>)
        tpu.yield
      }) : () -> ()
    } else {
    }
    %eq3A_118 = arith.constant 1 : i32
    %eq3A_119 = arith.cmpi eq, %arg0, %eq3A_118 : i32
    %convert_element_type3A_120 = arith.extui %eq3A_119 : i1 to i32
    %cond3A_121 = arith.constant 0 : i32
    %cond3A_122 = arith.cmpi ne, %convert_element_type3A_120, %cond3A_121 : i32
    scf.if %cond3A_122 {
      %mul3A_189 = arith.constant 3200 : i32
      %mul3A_190 = arith.muli %arg1, %mul3A_189 : i32
      %mul3A_191 = arith.constant 3200 : i32
      %mul3A_192 = arith.muli %arg1, %mul3A_191 : i32
      "tpu.region"() ({
        %run_scoped3A = tpu.sem_alloc : memref<!tpu.dma_semaphore, #tpu.memory_space<semaphore_mem>>
        %dma_start3A_193 = arith.constant 8 : i32
        %dma_start3A_194 = tpu.memref_slice %arg8[%mul3A_192, %dma_start3A_193] : memref<51200x32xf32, #tpu.memory_space<hbm>> -> memref<3200x8xf32, #tpu.memory_space<hbm>>
        %dma_start3A_195 = arith.constant 0 : i32
        %dma_start3A_196 = tpu.memref_slice %arg9[%mul3A_190, %dma_start3A_195] : memref<51200x8xf32, #tpu.memory_space<vmem_shared>> -> memref<3200x8xf32, #tpu.memory_space<vmem_shared>>
        tpu.enqueue_dma source(%dma_start3A_196 : memref<3200x8xf32, #tpu.memory_space<vmem_shared>>) target(%dma_start3A_194 : memref<3200x8xf32, #tpu.memory_space<hbm>>) target_semaphore(%run_scoped3A : memref<!tpu.dma_semaphore, #tpu.memory_space<semaphore_mem>>)
        %dma_wait3A_197 = arith.constant 8 : i32
        %dma_wait3A_198 = tpu.memref_slice %arg8[%mul3A_192, %dma_wait3A_197] : memref<51200x32xf32, #tpu.memory_space<hbm>> -> memref<3200x8xf32, #tpu.memory_space<hbm>>
        %dma_wait3A_199 = arith.constant 0 : i32
        %dma_wait3A_200 = tpu.memref_slice %arg9[%mul3A_190, %dma_wait3A_199] : memref<51200x8xf32, #tpu.memory_space<vmem_shared>> -> memref<3200x8xf32, #tpu.memory_space<vmem_shared>>
        tpu.wait_dma2 semaphore(%run_scoped3A : memref<!tpu.dma_semaphore, #tpu.memory_space<semaphore_mem>>) src(%dma_wait3A_200 : memref<3200x8xf32, #tpu.memory_space<vmem_shared>>) dst(%dma_wait3A_198 : memref<3200x8xf32, #tpu.memory_space<hbm>>)
        tpu.yield
      }) : () -> ()
    } else {
    }
    %mul3A_123 = arith.constant 3200 : i32
    %mul3A_124 = arith.muli %arg1, %mul3A_123 : i32
    %add3A_125 = arith.constant 0 : i32
    %add3A_126 = arith.addi %mul3A_124, %add3A_125 : i32
    %dma_start3A_127 = arith.constant 0 : i32
    %dma_start3A_128 = tpu.memref_slice %arg9[%add3A_126, %dma_start3A_127] : memref<51200x8xf32, #tpu.memory_space<vmem_shared>> -> memref<800x8xf32, #tpu.memory_space<vmem_shared>>
    tpu.enqueue_dma source(%arg5 : memref<800x8xf32, #tpu.memory_space<hbm>>) target(%dma_start3A_128 : memref<800x8xf32, #tpu.memory_space<vmem_shared>>) target_semaphore(%arg13 : memref<!tpu.dma_semaphore, #tpu.memory_space<semaphore_mem>>)
    %mul3A_129 = arith.constant 3200 : i32
    %mul3A_130 = arith.muli %arg1, %mul3A_129 : i32
    %add3A_131 = arith.constant 800 : i32
    %add3A_132 = arith.addi %mul3A_130, %add3A_131 : i32
    %dma_start3A_133 = arith.constant 0 : i32
    %dma_start3A_134 = tpu.memref_slice %arg9[%add3A_132, %dma_start3A_133] : memref<51200x8xf32, #tpu.memory_space<vmem_shared>> -> memref<800x8xf32, #tpu.memory_space<vmem_shared>>
    tpu.enqueue_dma source(%arg5 : memref<800x8xf32, #tpu.memory_space<hbm>>) target(%dma_start3A_134 : memref<800x8xf32, #tpu.memory_space<vmem_shared>>) target_semaphore(%arg13 : memref<!tpu.dma_semaphore, #tpu.memory_space<semaphore_mem>>)
    %mul3A_135 = arith.constant 3200 : i32
    %mul3A_136 = arith.muli %arg1, %mul3A_135 : i32
    %add3A_137 = arith.constant 1600 : i32
    %add3A_138 = arith.addi %mul3A_136, %add3A_137 : i32
    %dma_start3A_139 = arith.constant 0 : i32
    %dma_start3A_140 = tpu.memref_slice %arg9[%add3A_138, %dma_start3A_139] : memref<51200x8xf32, #tpu.memory_space<vmem_shared>> -> memref<800x8xf32, #tpu.memory_space<vmem_shared>>
    tpu.enqueue_dma source(%arg5 : memref<800x8xf32, #tpu.memory_space<hbm>>) target(%dma_start3A_140 : memref<800x8xf32, #tpu.memory_space<vmem_shared>>) target_semaphore(%arg13 : memref<!tpu.dma_semaphore, #tpu.memory_space<semaphore_mem>>)
    %mul3A_141 = arith.constant 3200 : i32
    %mul3A_142 = arith.muli %arg1, %mul3A_141 : i32
    %add3A_143 = arith.constant 2400 : i32
    %add3A_144 = arith.addi %mul3A_142, %add3A_143 : i32
    %dma_start3A_145 = arith.constant 0 : i32
    %dma_start3A_146 = tpu.memref_slice %arg9[%add3A_144, %dma_start3A_145] : memref<51200x8xf32, #tpu.memory_space<vmem_shared>> -> memref<800x8xf32, #tpu.memory_space<vmem_shared>>
    tpu.enqueue_dma source(%arg5 : memref<800x8xf32, #tpu.memory_space<hbm>>) target(%dma_start3A_146 : memref<800x8xf32, #tpu.memory_space<vmem_shared>>) target_semaphore(%arg13 : memref<!tpu.dma_semaphore, #tpu.memory_space<semaphore_mem>>)
    %mul3A_147 = arith.constant 3200 : i32
    %mul3A_148 = arith.muli %arg1, %mul3A_147 : i32
    %add3A_149 = arith.constant 0 : i32
    %add3A_150 = arith.addi %mul3A_148, %add3A_149 : i32
    %dma_wait3A_151 = arith.constant 0 : i32
    %dma_wait3A_152 = tpu.memref_slice %arg9[%add3A_150, %dma_wait3A_151] : memref<51200x8xf32, #tpu.memory_space<vmem_shared>> -> memref<800x8xf32, #tpu.memory_space<vmem_shared>>
    tpu.wait_dma2 semaphore(%arg13 : memref<!tpu.dma_semaphore, #tpu.memory_space<semaphore_mem>>) src(%arg5 : memref<800x8xf32, #tpu.memory_space<hbm>>) dst(%dma_wait3A_152 : memref<800x8xf32, #tpu.memory_space<vmem_shared>>)
    %mul3A_153 = arith.constant 3200 : i32
    %mul3A_154 = arith.muli %arg1, %mul3A_153 : i32
    %add3A_155 = arith.constant 800 : i32
    %add3A_156 = arith.addi %mul3A_154, %add3A_155 : i32
    %dma_wait3A_157 = arith.constant 0 : i32
    %dma_wait3A_158 = tpu.memref_slice %arg9[%add3A_156, %dma_wait3A_157] : memref<51200x8xf32, #tpu.memory_space<vmem_shared>> -> memref<800x8xf32, #tpu.memory_space<vmem_shared>>
    tpu.wait_dma2 semaphore(%arg13 : memref<!tpu.dma_semaphore, #tpu.memory_space<semaphore_mem>>) src(%arg5 : memref<800x8xf32, #tpu.memory_space<hbm>>) dst(%dma_wait3A_158 : memref<800x8xf32, #tpu.memory_space<vmem_shared>>)
    %mul3A_159 = arith.constant 3200 : i32
    %mul3A_160 = arith.muli %arg1, %mul3A_159 : i32
    %add3A_161 = arith.constant 1600 : i32
    %add3A_162 = arith.addi %mul3A_160, %add3A_161 : i32
    %dma_wait3A_163 = arith.constant 0 : i32
    %dma_wait3A_164 = tpu.memref_slice %arg9[%add3A_162, %dma_wait3A_163] : memref<51200x8xf32, #tpu.memory_space<vmem_shared>> -> memref<800x8xf32, #tpu.memory_space<vmem_shared>>
    tpu.wait_dma2 semaphore(%arg13 : memref<!tpu.dma_semaphore, #tpu.memory_space<semaphore_mem>>) src(%arg5 : memref<800x8xf32, #tpu.memory_space<hbm>>) dst(%dma_wait3A_164 : memref<800x8xf32, #tpu.memory_space<vmem_shared>>)
    %mul3A_165 = arith.constant 3200 : i32
    %mul3A_166 = arith.muli %arg1, %mul3A_165 : i32
    %add3A_167 = arith.constant 2400 : i32
    %add3A_168 = arith.addi %mul3A_166, %add3A_167 : i32
    %dma_wait3A_169 = arith.constant 0 : i32
    %dma_wait3A_170 = tpu.memref_slice %arg9[%add3A_168, %dma_wait3A_169] : memref<51200x8xf32, #tpu.memory_space<vmem_shared>> -> memref<800x8xf32, #tpu.memory_space<vmem_shared>>
    tpu.wait_dma2 semaphore(%arg13 : memref<!tpu.dma_semaphore, #tpu.memory_space<semaphore_mem>>) src(%arg5 : memref<800x8xf32, #tpu.memory_space<hbm>>) dst(%dma_wait3A_170 : memref<800x8xf32, #tpu.memory_space<vmem_shared>>)
    %barrier3A_171 = arith.constant 0 : index
    tpu.barrier barrier_id(%barrier3A_171)
    %scan3A_172 = arith.constant 0 : i32
    %scan3A_173 = arith.constant 0 : i32
    %scan3A_174 = arith.constant 49 : i32
    %scan3A_175 = arith.addi %scan3A_173, %scan3A_174 : i32
    %scan3A_176 = arith.constant 1 : i32
    scf.for %scan3A_189 = %scan3A_173 to %scan3A_175 step %scan3A_176  : i32 {
      %mul3A_190 = arith.constant 2352 : i32
      %mul3A_191 = arith.muli %arg0, %mul3A_190 : i32
      %mul3A_192 = arith.constant 147 : i32
      %mul3A_193 = arith.muli %arg1, %mul3A_192 : i32
      %add3A_194 = arith.addi %mul3A_191, %mul3A_193 : i32
      %mul3A_195 = arith.constant 3 : i32
      %mul3A_196 = arith.muli %scan3A_189, %mul3A_195 : i32
      %add3A_197 = arith.addi %add3A_194, %mul3A_196 : i32
      "tpu.region"() ({
        %run_scoped3A = tpu.sem_alloc : memref<!tpu.dma_semaphore, #tpu.memory_space<semaphore_mem>>
        %dma_start3A_258 = arith.constant 0 : i32
        %dma_start3A_259 = tpu.memref_slice %arg4[%add3A_197, %dma_start3A_258] : memref<4704x128xi32, #tpu.memory_space<hbm>> -> memref<3x128xi32, #tpu.memory_space<hbm>>
        %dma_start3A_260 = arith.constant 0 : i32
        %dma_start3A_261 = tpu.memref_slice %arg4[%add3A_197, %dma_start3A_260] : memref<4704x128xi32, #tpu.memory_space<hbm>> -> memref<3x128xi32, #tpu.memory_space<hbm>>
        tpu.enqueue_dma source(%dma_start3A_261 : memref<3x128xi32, #tpu.memory_space<hbm>>) target(%arg10 : memref<3x128xi32, #tpu.memory_space<vmem>>) target_semaphore(%run_scoped3A : memref<!tpu.dma_semaphore, #tpu.memory_space<semaphore_mem>>)
        %dma_wait3A_262 = arith.constant 0 : i32
        %dma_wait3A_263 = tpu.memref_slice %arg4[%add3A_197, %dma_wait3A_262] : memref<4704x128xi32, #tpu.memory_space<hbm>> -> memref<3x128xi32, #tpu.memory_space<hbm>>
        %dma_wait3A_264 = arith.constant 0 : i32
        %dma_wait3A_265 = tpu.memref_slice %arg4[%add3A_197, %dma_wait3A_264] : memref<4704x128xi32, #tpu.memory_space<hbm>> -> memref<3x128xi32, #tpu.memory_space<hbm>>
        tpu.wait_dma2 semaphore(%run_scoped3A : memref<!tpu.dma_semaphore, #tpu.memory_space<semaphore_mem>>) src(%dma_wait3A_265 : memref<3x128xi32, #tpu.memory_space<hbm>>) dst(%arg10 : memref<3x128xi32, #tpu.memory_space<vmem>>)
        tpu.yield
      }) : () -> ()
      %dma_start3A_198 = arith.constant 0 : i32
      %dma_start3A_199 = arith.constant 0 : i32
      %dma_start3A_200 = arith.constant 0 : i32
      %dma_start3A_201 = tpu.memref_slice %arg11[%dma_start3A_199, %dma_start3A_200] : memref<384x8xf32, #tpu.memory_space<vmem>> -> memref<128x8xf32, #tpu.memory_space<vmem>>
      %dma_start3A_202 = arith.constant 0 : i32
      %dma_start3A_203 = tpu.memref_slice %arg10[%dma_start3A_198, %dma_start3A_202] : memref<3x128xi32, #tpu.memory_space<vmem>> -> memref<1x128xi32, #tpu.memory_space<vmem>>
      %dma_start3A_204 = tpu.memref_squeeze %dma_start3A_203 : memref<1x128xi32, #tpu.memory_space<vmem>> -> memref<128xi32, #tpu.memory_space<vmem>>
      %dma_start3A_205 = arith.constant 0 : i32
      %dma_start3A_206 = arith.constant 0 : i32
      %dma_start3A_207 = tpu.memref_slice %arg9[%dma_start3A_205, %dma_start3A_206] : memref<51200x8xf32, #tpu.memory_space<vmem_shared>> -> memref<51200x8xf32, #tpu.memory_space<vmem_shared>>
      tpu.enqueue_indirect_dma source(%dma_start3A_201 : memref<128x8xf32, #tpu.memory_space<vmem>>) target(%dma_start3A_207 : memref<51200x8xf32, #tpu.memory_space<vmem_shared>>) offsets(%dma_start3A_204 : memref<128xi32, #tpu.memory_space<vmem>>) semaphore(%arg12 : memref<!tpu.dma_semaphore, #tpu.memory_space<semaphore_mem>>) {add = true}
      %dma_start3A_208 = arith.constant 1 : i32
      %dma_start3A_209 = arith.constant 128 : i32
      %dma_start3A_210 = arith.constant 0 : i32
      %dma_start3A_211 = tpu.memref_slice %arg11[%dma_start3A_209, %dma_start3A_210] : memref<384x8xf32, #tpu.memory_space<vmem>> -> memref<128x8xf32, #tpu.memory_space<vmem>>
      %dma_start3A_212 = arith.constant 0 : i32
      %dma_start3A_213 = tpu.memref_slice %arg10[%dma_start3A_208, %dma_start3A_212] : memref<3x128xi32, #tpu.memory_space<vmem>> -> memref<1x128xi32, #tpu.memory_space<vmem>>
      %dma_start3A_214 = tpu.memref_squeeze %dma_start3A_213 : memref<1x128xi32, #tpu.memory_space<vmem>> -> memref<128xi32, #tpu.memory_space<vmem>>
      %dma_start3A_215 = arith.constant 0 : i32
      %dma_start3A_216 = arith.constant 0 : i32
      %dma_start3A_217 = tpu.memref_slice %arg9[%dma_start3A_215, %dma_start3A_216] : memref<51200x8xf32, #tpu.memory_space<vmem_shared>> -> memref<51200x8xf32, #tpu.memory_space<vmem_shared>>
      tpu.enqueue_indirect_dma source(%dma_start3A_211 : memref<128x8xf32, #tpu.memory_space<vmem>>) target(%dma_start3A_217 : memref<51200x8xf32, #tpu.memory_space<vmem_shared>>) offsets(%dma_start3A_214 : memref<128xi32, #tpu.memory_space<vmem>>) semaphore(%arg12 : memref<!tpu.dma_semaphore, #tpu.memory_space<semaphore_mem>>) {add = true}
      %dma_start3A_218 = arith.constant 2 : i32
      %dma_start3A_219 = arith.constant 256 : i32
      %dma_start3A_220 = arith.constant 0 : i32
      %dma_start3A_221 = tpu.memref_slice %arg11[%dma_start3A_219, %dma_start3A_220] : memref<384x8xf32, #tpu.memory_space<vmem>> -> memref<128x8xf32, #tpu.memory_space<vmem>>
      %dma_start3A_222 = arith.constant 0 : i32
      %dma_start3A_223 = tpu.memref_slice %arg10[%dma_start3A_218, %dma_start3A_222] : memref<3x128xi32, #tpu.memory_space<vmem>> -> memref<1x128xi32, #tpu.memory_space<vmem>>
      %dma_start3A_224 = tpu.memref_squeeze %dma_start3A_223 : memref<1x128xi32, #tpu.memory_space<vmem>> -> memref<128xi32, #tpu.memory_space<vmem>>
      %dma_start3A_225 = arith.constant 0 : i32
      %dma_start3A_226 = arith.constant 0 : i32
      %dma_start3A_227 = tpu.memref_slice %arg9[%dma_start3A_225, %dma_start3A_226] : memref<51200x8xf32, #tpu.memory_space<vmem_shared>> -> memref<51200x8xf32, #tpu.memory_space<vmem_shared>>
      tpu.enqueue_indirect_dma source(%dma_start3A_221 : memref<128x8xf32, #tpu.memory_space<vmem>>) target(%dma_start3A_227 : memref<51200x8xf32, #tpu.memory_space<vmem_shared>>) offsets(%dma_start3A_224 : memref<128xi32, #tpu.memory_space<vmem>>) semaphore(%arg12 : memref<!tpu.dma_semaphore, #tpu.memory_space<semaphore_mem>>) {add = true}
      %dma_wait3A_228 = arith.constant 0 : i32
      %dma_wait3A_229 = arith.constant 0 : i32
      %dma_wait3A_230 = arith.constant 0 : i32
      %dma_wait3A_231 = tpu.memref_slice %arg11[%dma_wait3A_229, %dma_wait3A_230] : memref<384x8xf32, #tpu.memory_space<vmem>> -> memref<128x8xf32, #tpu.memory_space<vmem>>
      %dma_wait3A_232 = arith.constant 0 : i32
      %dma_wait3A_233 = tpu.memref_slice %arg10[%dma_wait3A_228, %dma_wait3A_232] : memref<3x128xi32, #tpu.memory_space<vmem>> -> memref<1x128xi32, #tpu.memory_space<vmem>>
      %dma_wait3A_234 = tpu.memref_squeeze %dma_wait3A_233 : memref<1x128xi32, #tpu.memory_space<vmem>> -> memref<128xi32, #tpu.memory_space<vmem>>
      %dma_wait3A_235 = arith.constant 0 : i32
      %dma_wait3A_236 = arith.constant 0 : i32
      %dma_wait3A_237 = tpu.memref_slice %arg9[%dma_wait3A_235, %dma_wait3A_236] : memref<51200x8xf32, #tpu.memory_space<vmem_shared>> -> memref<51200x8xf32, #tpu.memory_space<vmem_shared>>
      tpu.wait_indirect_dma semaphore(%arg12 : memref<!tpu.dma_semaphore, #tpu.memory_space<semaphore_mem>>) src(%dma_wait3A_231 : memref<128x8xf32, #tpu.memory_space<vmem>>) dst(%dma_wait3A_237 : memref<51200x8xf32, #tpu.memory_space<vmem_shared>>)
      %dma_wait3A_238 = arith.constant 1 : i32
      %dma_wait3A_239 = arith.constant 128 : i32
      %dma_wait3A_240 = arith.constant 0 : i32
      %dma_wait3A_241 = tpu.memref_slice %arg11[%dma_wait3A_239, %dma_wait3A_240] : memref<384x8xf32, #tpu.memory_space<vmem>> -> memref<128x8xf32, #tpu.memory_space<vmem>>
      %dma_wait3A_242 = arith.constant 0 : i32
      %dma_wait3A_243 = tpu.memref_slice %arg10[%dma_wait3A_238, %dma_wait3A_242] : memref<3x128xi32, #tpu.memory_space<vmem>> -> memref<1x128xi32, #tpu.memory_space<vmem>>
      %dma_wait3A_244 = tpu.memref_squeeze %dma_wait3A_243 : memref<1x128xi32, #tpu.memory_space<vmem>> -> memref<128xi32, #tpu.memory_space<vmem>>
      %dma_wait3A_245 = arith.constant 0 : i32
      %dma_wait3A_246 = arith.constant 0 : i32
      %dma_wait3A_247 = tpu.memref_slice %arg9[%dma_wait3A_245, %dma_wait3A_246] : memref<51200x8xf32, #tpu.memory_space<vmem_shared>> -> memref<51200x8xf32, #tpu.memory_space<vmem_shared>>
      tpu.wait_indirect_dma semaphore(%arg12 : memref<!tpu.dma_semaphore, #tpu.memory_space<semaphore_mem>>) src(%dma_wait3A_241 : memref<128x8xf32, #tpu.memory_space<vmem>>) dst(%dma_wait3A_247 : memref<51200x8xf32, #tpu.memory_space<vmem_shared>>)
      %dma_wait3A_248 = arith.constant 2 : i32
      %dma_wait3A_249 = arith.constant 256 : i32
      %dma_wait3A_250 = arith.constant 0 : i32
      %dma_wait3A_251 = tpu.memref_slice %arg11[%dma_wait3A_249, %dma_wait3A_250] : memref<384x8xf32, #tpu.memory_space<vmem>> -> memref<128x8xf32, #tpu.memory_space<vmem>>
      %dma_wait3A_252 = arith.constant 0 : i32
      %dma_wait3A_253 = tpu.memref_slice %arg10[%dma_wait3A_248, %dma_wait3A_252] : memref<3x128xi32, #tpu.memory_space<vmem>> -> memref<1x128xi32, #tpu.memory_space<vmem>>
      %dma_wait3A_254 = tpu.memref_squeeze %dma_wait3A_253 : memref<1x128xi32, #tpu.memory_space<vmem>> -> memref<128xi32, #tpu.memory_space<vmem>>
      %dma_wait3A_255 = arith.constant 0 : i32
      %dma_wait3A_256 = arith.constant 0 : i32
      %dma_wait3A_257 = tpu.memref_slice %arg9[%dma_wait3A_255, %dma_wait3A_256] : memref<51200x8xf32, #tpu.memory_space<vmem_shared>> -> memref<51200x8xf32, #tpu.memory_space<vmem_shared>>
      tpu.wait_indirect_dma semaphore(%arg12 : memref<!tpu.dma_semaphore, #tpu.memory_space<semaphore_mem>>) src(%dma_wait3A_251 : memref<128x8xf32, #tpu.memory_space<vmem>>) dst(%dma_wait3A_257 : memref<51200x8xf32, #tpu.memory_space<vmem_shared>>)
    }
    %scan3A_177 = arith.constant 49 : i32
    %barrier3A_178 = arith.constant 0 : index
    tpu.barrier barrier_id(%barrier3A_178)
    %eq3A_179 = arith.constant 0 : i32
    %eq3A_180 = arith.cmpi eq, %arg0, %eq3A_179 : i32
    %convert_element_type3A_181 = arith.extui %eq3A_180 : i1 to i32
    %cond3A_182 = arith.constant 0 : i32
    %cond3A_183 = arith.cmpi ne, %convert_element_type3A_181, %cond3A_182 : i32
    scf.if %cond3A_183 {
      %mul3A_189 = arith.constant 3200 : i32
      %mul3A_190 = arith.muli %arg1, %mul3A_189 : i32
      %mul3A_191 = arith.constant 3200 : i32
      %mul3A_192 = arith.muli %arg1, %mul3A_191 : i32
      "tpu.region"() ({
        %run_scoped3A = tpu.sem_alloc : memref<!tpu.dma_semaphore, #tpu.memory_space<semaphore_mem>>
        %dma_start3A_193 = arith.constant 16 : i32
        %dma_start3A_194 = tpu.memref_slice %arg7[%mul3A_192, %dma_start3A_193] : memref<51200x32xf32, #tpu.memory_space<hbm>> -> memref<3200x8xf32, #tpu.memory_space<hbm>>
        %dma_start3A_195 = arith.constant 0 : i32
        %dma_start3A_196 = tpu.memref_slice %arg9[%mul3A_190, %dma_start3A_195] : memref<51200x8xf32, #tpu.memory_space<vmem_shared>> -> memref<3200x8xf32, #tpu.memory_space<vmem_shared>>
        tpu.enqueue_dma source(%dma_start3A_196 : memref<3200x8xf32, #tpu.memory_space<vmem_shared>>) target(%dma_start3A_194 : memref<3200x8xf32, #tpu.memory_space<hbm>>) target_semaphore(%run_scoped3A : memref<!tpu.dma_semaphore, #tpu.memory_space<semaphore_mem>>)
        %dma_wait3A_197 = arith.constant 16 : i32
        %dma_wait3A_198 = tpu.memref_slice %arg7[%mul3A_192, %dma_wait3A_197] : memref<51200x32xf32, #tpu.memory_space<hbm>> -> memref<3200x8xf32, #tpu.memory_space<hbm>>
        %dma_wait3A_199 = arith.constant 0 : i32
        %dma_wait3A_200 = tpu.memref_slice %arg9[%mul3A_190, %dma_wait3A_199] : memref<51200x8xf32, #tpu.memory_space<vmem_shared>> -> memref<3200x8xf32, #tpu.memory_space<vmem_shared>>
        tpu.wait_dma2 semaphore(%run_scoped3A : memref<!tpu.dma_semaphore, #tpu.memory_space<semaphore_mem>>) src(%dma_wait3A_200 : memref<3200x8xf32, #tpu.memory_space<vmem_shared>>) dst(%dma_wait3A_198 : memref<3200x8xf32, #tpu.memory_space<hbm>>)
        tpu.yield
      }) : () -> ()
    } else {
    }
    %eq3A_184 = arith.constant 1 : i32
    %eq3A_185 = arith.cmpi eq, %arg0, %eq3A_184 : i32
    %convert_element_type3A_186 = arith.extui %eq3A_185 : i1 to i32
    %cond3A_187 = arith.constant 0 : i32
    %cond3A_188 = arith.cmpi ne, %convert_element_type3A_186, %cond3A_187 : i32
    scf.if %cond3A_188 {
      %mul3A_189 = arith.constant 3200 : i32
      %mul3A_190 = arith.muli %arg1, %mul3A_189 : i32
      %mul3A_191 = arith.constant 3200 : i32
      %mul3A_192 = arith.muli %arg1, %mul3A_191 : i32
      "tpu.region"() ({
        %run_scoped3A = tpu.sem_alloc : memref<!tpu.dma_semaphore, #tpu.memory_space<semaphore_mem>>
        %dma_start3A_193 = arith.constant 16 : i32
        %dma_start3A_194 = tpu.memref_slice %arg8[%mul3A_192, %dma_start3A_193] : memref<51200x32xf32, #tpu.memory_space<hbm>> -> memref<3200x8xf32, #tpu.memory_space<hbm>>
        %dma_start3A_195 = arith.constant 0 : i32
        %dma_start3A_196 = tpu.memref_slice %arg9[%mul3A_190, %dma_start3A_195] : memref<51200x8xf32, #tpu.memory_space<vmem_shared>> -> memref<3200x8xf32, #tpu.memory_space<vmem_shared>>
        tpu.enqueue_dma source(%dma_start3A_196 : memref<3200x8xf32, #tpu.memory_space<vmem_shared>>) target(%dma_start3A_194 : memref<3200x8xf32, #tpu.memory_space<hbm>>) target_semaphore(%run_scoped3A : memref<!tpu.dma_semaphore, #tpu.memory_space<semaphore_mem>>)
        %dma_wait3A_197 = arith.constant 16 : i32
        %dma_wait3A_198 = tpu.memref_slice %arg8[%mul3A_192, %dma_wait3A_197] : memref<51200x32xf32, #tpu.memory_space<hbm>> -> memref<3200x8xf32, #tpu.memory_space<hbm>>
        %dma_wait3A_199 = arith.constant 0 : i32
        %dma_wait3A_200 = tpu.memref_slice %arg9[%mul3A_190, %dma_wait3A_199] : memref<51200x8xf32, #tpu.memory_space<vmem_shared>> -> memref<3200x8xf32, #tpu.memory_space<vmem_shared>>
        tpu.wait_dma2 semaphore(%run_scoped3A : memref<!tpu.dma_semaphore, #tpu.memory_space<semaphore_mem>>) src(%dma_wait3A_200 : memref<3200x8xf32, #tpu.memory_space<vmem_shared>>) dst(%dma_wait3A_198 : memref<3200x8xf32, #tpu.memory_space<hbm>>)
        tpu.yield
      }) : () -> ()
    } else {
    }
    return
  }
}

module attributes {stable_mosaic.version = 14 : i64} {
  func.func @_tc1_body(%arg0: i32, %arg1: memref<2000x128xf32, #tpu.memory_space<vmem>>, %arg2: memref<2000x128xf32, #tpu.memory_space<vmem>>, %arg3: memref<128x128xf32, #tpu.memory_space<vmem>>, %arg4: memref<1x128xf32, #tpu.memory_space<vmem>>, %arg5: memref<128x128xf32, #tpu.memory_space<vmem>>, %arg6: memref<1x128xf32, #tpu.memory_space<vmem>>, %arg7: memref<128x128xf32, #tpu.memory_space<vmem>>, %arg8: memref<1x128xf32, #tpu.memory_space<vmem>>, %arg9: memref<1x128xf32, #tpu.memory_space<vmem>>, %arg10: memref<1x128xf32, #tpu.memory_space<vmem>>, %arg11: memref<1x128xf32, #tpu.memory_space<vmem>>, %arg12: memref<128x128xf32, #tpu.memory_space<vmem>>, %arg13: memref<2000x128xf32, #tpu.memory_space<vmem>>, %arg14: memref<2000x128xbf16, #tpu.memory_space<vmem>>, %arg15: memref<2000x128xbf16, #tpu.memory_space<vmem>>, %arg16: memref<2000x128xf32, #tpu.memory_space<vmem>>) attributes {dimension_semantics = [#tpu.dimension_semantics<arbitrary>], iteration_bounds = array<i64: 25>, scalar_prefetch = 0 : i64, scratch_operands = 0 : i64, tpu.core_type = #tpu.core_type<tc>, window_params = [{transform_indices = @transform_0, window_bounds = array<i64: 2000, 128>}, {transform_indices = @transform_1, window_bounds = array<i64: 2000, 128>}, {pipeline_mode = #tpu.pipeline_mode<synchronous>, transform_indices = @transform_2, window_bounds = array<i64: 128, 128>}, {pipeline_mode = #tpu.pipeline_mode<synchronous>, transform_indices = @transform_3, window_bounds = array<i64: 1, 128>}, {pipeline_mode = #tpu.pipeline_mode<synchronous>, transform_indices = @transform_4, window_bounds = array<i64: 128, 128>}, {pipeline_mode = #tpu.pipeline_mode<synchronous>, transform_indices = @transform_5, window_bounds = array<i64: 1, 128>}, {pipeline_mode = #tpu.pipeline_mode<synchronous>, transform_indices = @transform_6, window_bounds = array<i64: 128, 128>}, {pipeline_mode = #tpu.pipeline_mode<synchronous>, transform_indices = @transform_7, window_bounds = array<i64: 1, 128>}, {pipeline_mode = #tpu.pipeline_mode<synchronous>, transform_indices = @transform_8, window_bounds = array<i64: 1, 128>}, {pipeline_mode = #tpu.pipeline_mode<synchronous>, transform_indices = @transform_9, window_bounds = array<i64: 1, 128>}, {pipeline_mode = #tpu.pipeline_mode<synchronous>, transform_indices = @transform_10, window_bounds = array<i64: 1, 128>}, {pipeline_mode = #tpu.pipeline_mode<synchronous>, transform_indices = @transform_11, window_bounds = array<i64: 128, 128>}, {transform_indices = @transform_12, window_bounds = array<i64: 2000, 128>}, {transform_indices = @transform_13, window_bounds = array<i64: 2000, 128>}, {transform_indices = @transform_14, window_bounds = array<i64: 2000, 128>}, {transform_indices = @transform_15, window_bounds = array<i64: 2000, 128>}]} {
    %get3A = arith.constant 0 : index
    %get3A_0 = arith.constant 0 : index
    %get3A_1 = vector.load %arg1[%get3A, %get3A_0] : memref<2000x128xf32, #tpu.memory_space<vmem>>, vector<2000x128xf32>
    %get3A_2 = arith.constant 0 : index
    %get3A_3 = arith.constant 0 : index
    %get3A_4 = vector.load %arg3[%get3A_2, %get3A_3] : memref<128x128xf32, #tpu.memory_space<vmem>>, vector<128x128xf32>
    %dot_general3A = arith.constant dense<0.000000e+00> : vector<2000x128xf32>
    %dot_general3A_5 = tpu.matmul %get3A_1, %get3A_4, %dot_general3A {dimension_numbers = #tpu.dot_dimension_numbers<[1], [0], [0], [1], [0, 0, 1, 1], [], []>, transpose_lhs_hint = false} : vector<2000x128xf32>, vector<128x128xf32>, vector<2000x128xf32> -> vector<2000x128xf32>
    %get3A_6 = arith.constant 0 : index
    %get3A_7 = arith.constant 0 : index
    %get3A_8 = vector.load %arg4[%get3A_6, %get3A_7] : memref<1x128xf32, #tpu.memory_space<vmem>>, vector<1x128xf32>
    %add3A = vector.broadcast %get3A_8 : vector<1x128xf32> to vector<2000x128xf32>
    %add3A_9 = arith.addf %dot_general3A_5, %add3A : vector<2000x128xf32>
    %max3A = arith.constant 0.000000e+00 : f32
    %max3A_10 = vector.broadcast %max3A : f32 to vector<2000x128xf32>
    %max3A_11 = arith.maximumf %add3A_9, %max3A_10 : vector<2000x128xf32>
    %get3A_12 = arith.constant 0 : index
    %get3A_13 = arith.constant 0 : index
    %get3A_14 = vector.load %arg2[%get3A_12, %get3A_13] : memref<2000x128xf32, #tpu.memory_space<vmem>>, vector<2000x128xf32>
    %get3A_15 = arith.constant 0 : index
    %get3A_16 = arith.constant 0 : index
    %get3A_17 = vector.load %arg5[%get3A_15, %get3A_16] : memref<128x128xf32, #tpu.memory_space<vmem>>, vector<128x128xf32>
    %dot_general3A_18 = arith.constant dense<0.000000e+00> : vector<2000x128xf32>
    %dot_general3A_19 = tpu.matmul %get3A_14, %get3A_17, %dot_general3A_18 {dimension_numbers = #tpu.dot_dimension_numbers<[1], [0], [0], [1], [0, 0, 1, 1], [], []>, transpose_lhs_hint = false} : vector<2000x128xf32>, vector<128x128xf32>, vector<2000x128xf32> -> vector<2000x128xf32>
    %get3A_20 = arith.constant 0 : index
    %get3A_21 = arith.constant 0 : index
    %get3A_22 = vector.load %arg6[%get3A_20, %get3A_21] : memref<1x128xf32, #tpu.memory_space<vmem>>, vector<1x128xf32>
    %add3A_23 = vector.broadcast %get3A_22 : vector<1x128xf32> to vector<2000x128xf32>
    %add3A_24 = arith.addf %dot_general3A_19, %add3A_23 : vector<2000x128xf32>
    %max3A_25 = arith.constant 0.000000e+00 : f32
    %max3A_26 = vector.broadcast %max3A_25 : f32 to vector<2000x128xf32>
    %max3A_27 = arith.maximumf %add3A_24, %max3A_26 : vector<2000x128xf32>
    %swap3A = arith.constant 0 : index
    %swap3A_28 = arith.constant 0 : index
    %swap3A_29 = vector.load %arg13[%swap3A, %swap3A_28] : memref<2000x128xf32, #tpu.memory_space<vmem>>, vector<2000x128xf32>
    tpu.vector_store %arg13[%swap3A, %swap3A_28], %max3A_11 {strides = array<i32>} : memref<2000x128xf32, #tpu.memory_space<vmem>>, vector<2000x128xf32>,
    %convert_element_type3A = arith.truncf %max3A_11 : vector<2000x128xf32> to vector<2000x128xbf16>
    %swap3A_30 = arith.constant 0 : index
    %swap3A_31 = arith.constant 0 : index
    %swap3A_32 = vector.load %arg14[%swap3A_30, %swap3A_31] : memref<2000x128xbf16, #tpu.memory_space<vmem>>, vector<2000x128xbf16>
    tpu.vector_store %arg14[%swap3A_30, %swap3A_31], %convert_element_type3A {strides = array<i32>} : memref<2000x128xbf16, #tpu.memory_space<vmem>>, vector<2000x128xbf16>,
    %convert_element_type3A_33 = arith.truncf %max3A_27 : vector<2000x128xf32> to vector<2000x128xbf16>
    %swap3A_34 = arith.constant 0 : index
    %swap3A_35 = arith.constant 0 : index
    %swap3A_36 = vector.load %arg15[%swap3A_34, %swap3A_35] : memref<2000x128xbf16, #tpu.memory_space<vmem>>, vector<2000x128xbf16>
    tpu.vector_store %arg15[%swap3A_34, %swap3A_35], %convert_element_type3A_33 {strides = array<i32>} : memref<2000x128xbf16, #tpu.memory_space<vmem>>, vector<2000x128xbf16>,
    %get3A_37 = arith.constant 0 : index
    %get3A_38 = arith.constant 0 : index
    %get3A_39 = vector.load %arg8[%get3A_37, %get3A_38] : memref<1x128xf32, #tpu.memory_space<vmem>>, vector<1x128xf32>
    %get3A_40 = arith.constant 0 : index
    %get3A_41 = arith.constant 0 : index
    %get3A_42 = vector.load %arg9[%get3A_40, %get3A_41] : memref<1x128xf32, #tpu.memory_space<vmem>>, vector<1x128xf32>
    %mul3A = arith.constant 5.000000e-01 : f32
    %mul3A_43 = vector.broadcast %mul3A : f32 to vector<1x128xf32>
    %mul3A_44 = arith.mulf %mul3A_43, %get3A_42 : vector<1x128xf32>
    %add3A_45 = arith.addf %get3A_39, %mul3A_44 : vector<1x128xf32>
    %get3A_46 = arith.constant 0 : index
    %get3A_47 = arith.constant 0 : index
    %get3A_48 = vector.load %arg10[%get3A_46, %get3A_47] : memref<1x128xf32, #tpu.memory_space<vmem>>, vector<1x128xf32>
    %mul3A_49 = arith.constant 5.000000e-01 : f32
    %mul3A_50 = vector.broadcast %mul3A_49 : f32 to vector<1x128xf32>
    %mul3A_51 = arith.mulf %mul3A_50, %get3A_48 : vector<1x128xf32>
    %add3A_52 = arith.addf %add3A_45, %mul3A_51 : vector<1x128xf32>
    %get3A_53 = arith.constant 0 : index
    %get3A_54 = arith.constant 0 : index
    %get3A_55 = vector.load %arg11[%get3A_53, %get3A_54] : memref<1x128xf32, #tpu.memory_space<vmem>>, vector<1x128xf32>
    %add3A_56 = arith.addf %add3A_52, %get3A_55 : vector<1x128xf32>
    %get3A_57 = arith.constant 0 : index
    %get3A_58 = arith.constant 0 : index
    %get3A_59 = vector.load %arg7[%get3A_57, %get3A_58] : memref<128x128xf32, #tpu.memory_space<vmem>>, vector<128x128xf32>
    %get3A_60 = arith.constant 0 : index
    %get3A_61 = arith.constant 0 : index
    %get3A_62 = vector.load %arg12[%get3A_60, %get3A_61] : memref<128x128xf32, #tpu.memory_space<vmem>>, vector<128x128xf32>
    %add3A_63 = arith.addf %get3A_59, %get3A_62 : vector<128x128xf32>
    %dot_general3A_64 = arith.constant dense<0.000000e+00> : vector<2000x128xf32>
    %dot_general3A_65 = tpu.matmul %max3A_11, %add3A_63, %dot_general3A_64 {dimension_numbers = #tpu.dot_dimension_numbers<[1], [0], [0], [1], [0, 0, 1, 1], [], []>, transpose_lhs_hint = false} : vector<2000x128xf32>, vector<128x128xf32>, vector<2000x128xf32> -> vector<2000x128xf32>
    %add3A_66 = vector.broadcast %add3A_56 : vector<1x128xf32> to vector<2000x128xf32>
    %add3A_67 = arith.addf %dot_general3A_65, %add3A_66 : vector<2000x128xf32>
    %swap3A_68 = arith.constant 0 : index
    %swap3A_69 = arith.constant 0 : index
    %swap3A_70 = vector.load %arg16[%swap3A_68, %swap3A_69] : memref<2000x128xf32, #tpu.memory_space<vmem>>, vector<2000x128xf32>
    tpu.vector_store %arg16[%swap3A_68, %swap3A_69], %add3A_67 {strides = array<i32>} : memref<2000x128xf32, #tpu.memory_space<vmem>>, vector<2000x128xf32>,
    return
  }
  func.func @transform_0(%arg0: i32) -> (i32, i32) {
    %c0_i32 = arith.constant 0 : i32
    %c0_i32_0 = arith.constant 0 : i32
    return %arg0, %c0_i32 : i32, i32
  }
  func.func @transform_1(%arg0: i32) -> (i32, i32) {
    %c0_i32 = arith.constant 0 : i32
    %c0_i32_0 = arith.constant 0 : i32
    return %arg0, %c0_i32 : i32, i32
  }
  func.func @transform_2(%arg0: i32) -> (i32, i32) {
    %c0_i32 = arith.constant 0 : i32
    %c0_i32_0 = arith.constant 0 : i32
    %c0_i32_1 = arith.constant 0 : i32
    return %c0_i32, %c0_i32_0 : i32, i32
  }
  func.func @transform_3(%arg0: i32) -> (i32, i32) {
    %c0_i32 = arith.constant 0 : i32
    %c0_i32_0 = arith.constant 0 : i32
    %c0_i32_1 = arith.constant 0 : i32
    return %c0_i32, %c0_i32_0 : i32, i32
  }
  func.func @transform_4(%arg0: i32) -> (i32, i32) {
    %c0_i32 = arith.constant 0 : i32
    %c0_i32_0 = arith.constant 0 : i32
    %c0_i32_1 = arith.constant 0 : i32
    return %c0_i32, %c0_i32_0 : i32, i32
  }
  func.func @transform_5(%arg0: i32) -> (i32, i32) {
    %c0_i32 = arith.constant 0 : i32
    %c0_i32_0 = arith.constant 0 : i32
    %c0_i32_1 = arith.constant 0 : i32
    return %c0_i32, %c0_i32_0 : i32, i32
  }
  func.func @transform_6(%arg0: i32) -> (i32, i32) {
    %c0_i32 = arith.constant 0 : i32
    %c0_i32_0 = arith.constant 0 : i32
    %c0_i32_1 = arith.constant 0 : i32
    return %c0_i32, %c0_i32_0 : i32, i32
  }
  func.func @transform_7(%arg0: i32) -> (i32, i32) {
    %c0_i32 = arith.constant 0 : i32
    %c0_i32_0 = arith.constant 0 : i32
    %c0_i32_1 = arith.constant 0 : i32
    return %c0_i32, %c0_i32_0 : i32, i32
  }
  func.func @transform_8(%arg0: i32) -> (i32, i32) {
    %c0_i32 = arith.constant 0 : i32
    %c0_i32_0 = arith.constant 0 : i32
    %c0_i32_1 = arith.constant 0 : i32
    return %c0_i32, %c0_i32_0 : i32, i32
  }
  func.func @transform_9(%arg0: i32) -> (i32, i32) {
    %c0_i32 = arith.constant 0 : i32
    %c0_i32_0 = arith.constant 0 : i32
    %c0_i32_1 = arith.constant 0 : i32
    return %c0_i32, %c0_i32_0 : i32, i32
  }
  func.func @transform_10(%arg0: i32) -> (i32, i32) {
    %c0_i32 = arith.constant 0 : i32
    %c0_i32_0 = arith.constant 0 : i32
    %c0_i32_1 = arith.constant 0 : i32
    return %c0_i32, %c0_i32_0 : i32, i32
  }
  func.func @transform_11(%arg0: i32) -> (i32, i32) {
    %c0_i32 = arith.constant 0 : i32
    %c0_i32_0 = arith.constant 0 : i32
    %c0_i32_1 = arith.constant 0 : i32
    return %c0_i32, %c0_i32_0 : i32, i32
  }
  func.func @transform_12(%arg0: i32) -> (i32, i32) {
    %c0_i32 = arith.constant 0 : i32
    %c0_i32_0 = arith.constant 0 : i32
    return %arg0, %c0_i32 : i32, i32
  }
  func.func @transform_13(%arg0: i32) -> (i32, i32) {
    %c0_i32 = arith.constant 0 : i32
    %c0_i32_0 = arith.constant 0 : i32
    return %arg0, %c0_i32 : i32, i32
  }
  func.func @transform_14(%arg0: i32) -> (i32, i32) {
    %c0_i32 = arith.constant 0 : i32
    %c0_i32_0 = arith.constant 0 : i32
    return %arg0, %c0_i32 : i32, i32
  }
  func.func @transform_15(%arg0: i32) -> (i32, i32) {
    %c0_i32 = arith.constant 0 : i32
    %c0_i32_0 = arith.constant 0 : i32
    return %arg0, %c0_i32 : i32, i32
  }
}

module attributes {stable_mosaic.version = 14 : i64} {
  func.func @_tc2_body(%arg0: i32, %arg1: memref<2000x128xf32, #tpu.memory_space<vmem>>, %arg2: memref<2000x128xf32, #tpu.memory_space<vmem>>, %arg3: memref<2000x128xbf16, #tpu.memory_space<vmem>>, %arg4: memref<2000x128xbf16, #tpu.memory_space<vmem>>, %arg5: memref<2000x128xbf16, #tpu.memory_space<vmem>>, %arg6: memref<2000x32xf32, #tpu.memory_space<vmem>>, %arg7: memref<2000x32xf32, #tpu.memory_space<vmem>>, %arg8: memref<128x128xf32, #tpu.memory_space<vmem>>, %arg9: memref<128x128xf32, #tpu.memory_space<vmem>>, %arg10: memref<128x128xf32, #tpu.memory_space<vmem>>, %arg11: memref<128x128xf32, #tpu.memory_space<vmem>>, %arg12: memref<1x128xf32, #tpu.memory_space<vmem>>, %arg13: memref<2000x128xf32, #tpu.memory_space<vmem>>) attributes {dimension_semantics = [#tpu.dimension_semantics<arbitrary>], iteration_bounds = array<i64: 25>, scalar_prefetch = 0 : i64, scratch_operands = 0 : i64, tpu.core_type = #tpu.core_type<tc>, window_params = [{transform_indices = @transform_0, window_bounds = array<i64: 2000, 128>}, {transform_indices = @transform_1, window_bounds = array<i64: 2000, 128>}, {transform_indices = @transform_2, window_bounds = array<i64: 2000, 128>}, {transform_indices = @transform_3, window_bounds = array<i64: 2000, 128>}, {transform_indices = @transform_4, window_bounds = array<i64: 2000, 128>}, {transform_indices = @transform_5, window_bounds = array<i64: 2000, 32>}, {transform_indices = @transform_6, window_bounds = array<i64: 2000, 32>}, {pipeline_mode = #tpu.pipeline_mode<synchronous>, transform_indices = @transform_7, window_bounds = array<i64: 128, 128>}, {pipeline_mode = #tpu.pipeline_mode<synchronous>, transform_indices = @transform_8, window_bounds = array<i64: 128, 128>}, {pipeline_mode = #tpu.pipeline_mode<synchronous>, transform_indices = @transform_9, window_bounds = array<i64: 128, 128>}, {pipeline_mode = #tpu.pipeline_mode<synchronous>, transform_indices = @transform_10, window_bounds = array<i64: 128, 128>}, {pipeline_mode = #tpu.pipeline_mode<synchronous>, transform_indices = @transform_11, window_bounds = array<i64: 1, 128>}, {transform_indices = @transform_12, window_bounds = array<i64: 2000, 128>}]} {
    %get3A = arith.constant 0 : index
    %get3A_0 = arith.constant 0 : index
    %get3A_1 = vector.load %arg6[%get3A, %get3A_0] : memref<2000x32xf32, #tpu.memory_space<vmem>>, vector<2000x32xf32>
    %slice3A = vector.extract_strided_slice %get3A_1 {offsets = [0, 0], sizes = [2000, 1], strides = [1, 1]} : vector<2000x32xf32> to vector<2000x1xf32>
    %get3A_2 = arith.constant 0 : index
    %get3A_3 = arith.constant 0 : index
    %get3A_4 = vector.load %arg7[%get3A_2, %get3A_3] : memref<2000x32xf32, #tpu.memory_space<vmem>>, vector<2000x32xf32>
    %slice3A_5 = vector.extract_strided_slice %get3A_4 {offsets = [0, 0], sizes = [2000, 1], strides = [1, 1]} : vector<2000x32xf32> to vector<2000x1xf32>
    %add3A = arith.addf %slice3A, %slice3A_5 : vector<2000x1xf32>
    %max3A = arith.constant 1.000000e+00 : f32
    %max3A_6 = vector.broadcast %max3A : f32 to vector<2000x1xf32>
    %max3A_7 = arith.maximumf %add3A, %max3A_6 : vector<2000x1xf32>
    %get3A_8 = arith.constant 0 : index
    %get3A_9 = arith.constant 0 : index
    %get3A_10 = vector.load %arg6[%get3A_8, %get3A_9] : memref<2000x32xf32, #tpu.memory_space<vmem>>, vector<2000x32xf32>
    %slice3A_11 = vector.extract_strided_slice %get3A_10 {offsets = [0, 8], sizes = [2000, 1], strides = [1, 1]} : vector<2000x32xf32> to vector<2000x1xf32>
    %get3A_12 = arith.constant 0 : index
    %get3A_13 = arith.constant 0 : index
    %get3A_14 = vector.load %arg7[%get3A_12, %get3A_13] : memref<2000x32xf32, #tpu.memory_space<vmem>>, vector<2000x32xf32>
    %slice3A_15 = vector.extract_strided_slice %get3A_14 {offsets = [0, 8], sizes = [2000, 1], strides = [1, 1]} : vector<2000x32xf32> to vector<2000x1xf32>
    %add3A_16 = arith.addf %slice3A_11, %slice3A_15 : vector<2000x1xf32>
    %max3A_17 = arith.constant 1.000000e+00 : f32
    %max3A_18 = vector.broadcast %max3A_17 : f32 to vector<2000x1xf32>
    %max3A_19 = arith.maximumf %add3A_16, %max3A_18 : vector<2000x1xf32>
    %get3A_20 = arith.constant 0 : index
    %get3A_21 = arith.constant 0 : index
    %get3A_22 = vector.load %arg6[%get3A_20, %get3A_21] : memref<2000x32xf32, #tpu.memory_space<vmem>>, vector<2000x32xf32>
    %slice3A_23 = vector.extract_strided_slice %get3A_22 {offsets = [0, 16], sizes = [2000, 1], strides = [1, 1]} : vector<2000x32xf32> to vector<2000x1xf32>
    %get3A_24 = arith.constant 0 : index
    %get3A_25 = arith.constant 0 : index
    %get3A_26 = vector.load %arg7[%get3A_24, %get3A_25] : memref<2000x32xf32, #tpu.memory_space<vmem>>, vector<2000x32xf32>
    %slice3A_27 = vector.extract_strided_slice %get3A_26 {offsets = [0, 16], sizes = [2000, 1], strides = [1, 1]} : vector<2000x32xf32> to vector<2000x1xf32>
    %add3A_28 = arith.addf %slice3A_23, %slice3A_27 : vector<2000x1xf32>
    %max3A_29 = arith.constant 1.000000e+00 : f32
    %max3A_30 = vector.broadcast %max3A_29 : f32 to vector<2000x1xf32>
    %max3A_31 = arith.maximumf %add3A_28, %max3A_30 : vector<2000x1xf32>
    %get3A_32 = arith.constant 0 : index
    %get3A_33 = arith.constant 0 : index
    %get3A_34 = vector.load %arg1[%get3A_32, %get3A_33] : memref<2000x128xf32, #tpu.memory_space<vmem>>, vector<2000x128xf32>
    %mul3A = arith.constant 5.000000e-01 : f32
    %mul3A_35 = vector.broadcast %mul3A : f32 to vector<2000x128xf32>
    %mul3A_36 = arith.mulf %mul3A_35, %get3A_34 : vector<2000x128xf32>
    %get3A_37 = arith.constant 0 : index
    %get3A_38 = arith.constant 0 : index
    %get3A_39 = vector.load %arg3[%get3A_37, %get3A_38] : memref<2000x128xbf16, #tpu.memory_space<vmem>>, vector<2000x128xbf16>
    %convert_element_type3A = arith.extf %get3A_39 : vector<2000x128xbf16> to vector<2000x128xf32>
    %div3A = vector.broadcast %max3A_7 : vector<2000x1xf32> to vector<2000x128xf32>
    %div3A_40 = arith.divf %convert_element_type3A, %div3A : vector<2000x128xf32>
    %get3A_41 = arith.constant 0 : index
    %get3A_42 = arith.constant 0 : index
    %get3A_43 = vector.load %arg8[%get3A_41, %get3A_42] : memref<128x128xf32, #tpu.memory_space<vmem>>, vector<128x128xf32>
    %dot_general3A = arith.constant dense<0.000000e+00> : vector<2000x128xf32>
    %dot_general3A_44 = tpu.matmul %div3A_40, %get3A_43, %dot_general3A {dimension_numbers = #tpu.dot_dimension_numbers<[1], [0], [0], [1], [0, 0, 1, 1], [], []>, transpose_lhs_hint = false} : vector<2000x128xf32>, vector<128x128xf32>, vector<2000x128xf32> -> vector<2000x128xf32>
    %mul3A_45 = arith.constant 2.500000e-01 : f32
    %mul3A_46 = vector.broadcast %mul3A_45 : f32 to vector<2000x128xf32>
    %mul3A_47 = arith.mulf %mul3A_46, %dot_general3A_44 : vector<2000x128xf32>
    %add3A_48 = arith.addf %mul3A_36, %mul3A_47 : vector<2000x128xf32>
    %get3A_49 = arith.constant 0 : index
    %get3A_50 = arith.constant 0 : index
    %get3A_51 = vector.load %arg4[%get3A_49, %get3A_50] : memref<2000x128xbf16, #tpu.memory_space<vmem>>, vector<2000x128xbf16>
    %convert_element_type3A_52 = arith.extf %get3A_51 : vector<2000x128xbf16> to vector<2000x128xf32>
    %div3A_53 = vector.broadcast %max3A_19 : vector<2000x1xf32> to vector<2000x128xf32>
    %div3A_54 = arith.divf %convert_element_type3A_52, %div3A_53 : vector<2000x128xf32>
    %get3A_55 = arith.constant 0 : index
    %get3A_56 = arith.constant 0 : index
    %get3A_57 = vector.load %arg9[%get3A_55, %get3A_56] : memref<128x128xf32, #tpu.memory_space<vmem>>, vector<128x128xf32>
    %dot_general3A_58 = arith.constant dense<0.000000e+00> : vector<2000x128xf32>
    %dot_general3A_59 = tpu.matmul %div3A_54, %get3A_57, %dot_general3A_58 {dimension_numbers = #tpu.dot_dimension_numbers<[1], [0], [0], [1], [0, 0, 1, 1], [], []>, transpose_lhs_hint = false} : vector<2000x128xf32>, vector<128x128xf32>, vector<2000x128xf32> -> vector<2000x128xf32>
    %mul3A_60 = arith.constant 2.500000e-01 : f32
    %mul3A_61 = vector.broadcast %mul3A_60 : f32 to vector<2000x128xf32>
    %mul3A_62 = arith.mulf %mul3A_61, %dot_general3A_59 : vector<2000x128xf32>
    %add3A_63 = arith.addf %add3A_48, %mul3A_62 : vector<2000x128xf32>
    %get3A_64 = arith.constant 0 : index
    %get3A_65 = arith.constant 0 : index
    %get3A_66 = vector.load %arg5[%get3A_64, %get3A_65] : memref<2000x128xbf16, #tpu.memory_space<vmem>>, vector<2000x128xbf16>
    %convert_element_type3A_67 = arith.extf %get3A_66 : vector<2000x128xbf16> to vector<2000x128xf32>
    %div3A_68 = vector.broadcast %max3A_31 : vector<2000x1xf32> to vector<2000x128xf32>
    %div3A_69 = arith.divf %convert_element_type3A_67, %div3A_68 : vector<2000x128xf32>
    %get3A_70 = arith.constant 0 : index
    %get3A_71 = arith.constant 0 : index
    %get3A_72 = vector.load %arg10[%get3A_70, %get3A_71] : memref<128x128xf32, #tpu.memory_space<vmem>>, vector<128x128xf32>
    %dot_general3A_73 = arith.constant dense<0.000000e+00> : vector<2000x128xf32>
    %dot_general3A_74 = tpu.matmul %div3A_69, %get3A_72, %dot_general3A_73 {dimension_numbers = #tpu.dot_dimension_numbers<[1], [0], [0], [1], [0, 0, 1, 1], [], []>, transpose_lhs_hint = false} : vector<2000x128xf32>, vector<128x128xf32>, vector<2000x128xf32> -> vector<2000x128xf32>
    %mul3A_75 = arith.constant 5.000000e-01 : f32
    %mul3A_76 = vector.broadcast %mul3A_75 : f32 to vector<2000x128xf32>
    %mul3A_77 = arith.mulf %mul3A_76, %dot_general3A_74 : vector<2000x128xf32>
    %add3A_78 = arith.addf %add3A_63, %mul3A_77 : vector<2000x128xf32>
    %get3A_79 = arith.constant 0 : index
    %get3A_80 = arith.constant 0 : index
    %get3A_81 = vector.load %arg2[%get3A_79, %get3A_80] : memref<2000x128xf32, #tpu.memory_space<vmem>>, vector<2000x128xf32>
    %add3A_82 = arith.addf %add3A_78, %get3A_81 : vector<2000x128xf32>
    %max3A_83 = arith.constant 0.000000e+00 : f32
    %max3A_84 = vector.broadcast %max3A_83 : f32 to vector<2000x128xf32>
    %max3A_85 = arith.maximumf %add3A_82, %max3A_84 : vector<2000x128xf32>
    %get3A_86 = arith.constant 0 : index
    %get3A_87 = arith.constant 0 : index
    %get3A_88 = vector.load %arg11[%get3A_86, %get3A_87] : memref<128x128xf32, #tpu.memory_space<vmem>>, vector<128x128xf32>
    %dot_general3A_89 = arith.constant dense<0.000000e+00> : vector<2000x128xf32>
    %dot_general3A_90 = tpu.matmul %max3A_85, %get3A_88, %dot_general3A_89 {dimension_numbers = #tpu.dot_dimension_numbers<[1], [0], [0], [1], [0, 0, 1, 1], [], []>, transpose_lhs_hint = false} : vector<2000x128xf32>, vector<128x128xf32>, vector<2000x128xf32> -> vector<2000x128xf32>
    %get3A_91 = arith.constant 0 : index
    %get3A_92 = arith.constant 0 : index
    %get3A_93 = vector.load %arg12[%get3A_91, %get3A_92] : memref<1x128xf32, #tpu.memory_space<vmem>>, vector<1x128xf32>
    %add3A_94 = vector.broadcast %get3A_93 : vector<1x128xf32> to vector<2000x128xf32>
    %add3A_95 = arith.addf %dot_general3A_90, %add3A_94 : vector<2000x128xf32>
    %swap3A = arith.constant 0 : index
    %swap3A_96 = arith.constant 0 : index
    %swap3A_97 = vector.load %arg13[%swap3A, %swap3A_96] : memref<2000x128xf32, #tpu.memory_space<vmem>>, vector<2000x128xf32>
    tpu.vector_store %arg13[%swap3A, %swap3A_96], %add3A_95 {strides = array<i32>} : memref<2000x128xf32, #tpu.memory_space<vmem>>, vector<2000x128xf32>,
    return
  }
  func.func @transform_0(%arg0: i32) -> (i32, i32) {
    %c0_i32 = arith.constant 0 : i32
    %c0_i32_0 = arith.constant 0 : i32
    return %arg0, %c0_i32 : i32, i32
  }
  func.func @transform_1(%arg0: i32) -> (i32, i32) {
    %c0_i32 = arith.constant 0 : i32
    %c0_i32_0 = arith.constant 0 : i32
    return %arg0, %c0_i32 : i32, i32
  }
  func.func @transform_2(%arg0: i32) -> (i32, i32) {
    %c0_i32 = arith.constant 0 : i32
    %c0_i32_0 = arith.constant 0 : i32
    return %arg0, %c0_i32 : i32, i32
  }
  func.func @transform_3(%arg0: i32) -> (i32, i32) {
    %c0_i32 = arith.constant 0 : i32
    %c0_i32_0 = arith.constant 0 : i32
    return %arg0, %c0_i32 : i32, i32
  }
  func.func @transform_4(%arg0: i32) -> (i32, i32) {
    %c0_i32 = arith.constant 0 : i32
    %c0_i32_0 = arith.constant 0 : i32
    return %arg0, %c0_i32 : i32, i32
  }
  func.func @transform_5(%arg0: i32) -> (i32, i32) {
    %c0_i32 = arith.constant 0 : i32
    %c0_i32_0 = arith.constant 0 : i32
    return %arg0, %c0_i32 : i32, i32
  }
  func.func @transform_6(%arg0: i32) -> (i32, i32) {
    %c0_i32 = arith.constant 0 : i32
    %c0_i32_0 = arith.constant 0 : i32
    return %arg0, %c0_i32 : i32, i32
  }
  func.func @transform_7(%arg0: i32) -> (i32, i32) {
    %c0_i32 = arith.constant 0 : i32
    %c0_i32_0 = arith.constant 0 : i32
    %c0_i32_1 = arith.constant 0 : i32
    return %c0_i32, %c0_i32_0 : i32, i32
  }
  func.func @transform_8(%arg0: i32) -> (i32, i32) {
    %c0_i32 = arith.constant 0 : i32
    %c0_i32_0 = arith.constant 0 : i32
    %c0_i32_1 = arith.constant 0 : i32
    return %c0_i32, %c0_i32_0 : i32, i32
  }
  func.func @transform_9(%arg0: i32) -> (i32, i32) {
    %c0_i32 = arith.constant 0 : i32
    %c0_i32_0 = arith.constant 0 : i32
    %c0_i32_1 = arith.constant 0 : i32
    return %c0_i32, %c0_i32_0 : i32, i32
  }
  func.func @transform_10(%arg0: i32) -> (i32, i32) {
    %c0_i32 = arith.constant 0 : i32
    %c0_i32_0 = arith.constant 0 : i32
    %c0_i32_1 = arith.constant 0 : i32
    return %c0_i32, %c0_i32_0 : i32, i32
  }
  func.func @transform_11(%arg0: i32) -> (i32, i32) {
    %c0_i32 = arith.constant 0 : i32
    %c0_i32_0 = arith.constant 0 : i32
    %c0_i32_1 = arith.constant 0 : i32
    return %c0_i32, %c0_i32_0 : i32, i32
  }
  func.func @transform_12(%arg0: i32) -> (i32, i32) {
    %c0_i32 = arith.constant 0 : i32
    %c0_i32_0 = arith.constant 0 : i32
    return %arg0, %c0_i32 : i32, i32
  }
}

</mosaic_0001>

<sc_bundles>
// kernel: kernel.6.cloned.1.call-start
scs
__scs_entry_jumppad:
0x0: {  	(pc) =	sbr.rel $0x88, $3  }
0x1: {  	(tag) =	ssettag $0x0;
	lr =	simm.s32 $0x1  }
0x2: {  	[smem:$0x3F8E] =	sst lr;
	_ =	strace $0xD0000000  }
0x3: {  	_ = 	snop  }
0x4: {  	_ = 	snop  }
0x5: {  	_ = 	snop  }
0x6: {  	_ = 	snop  }
0x7: {  	_ = 	snop  }
__scs_overlays_trampoline_lowered:
0x8: {  	[smem:$0x3F9D] =	sst s0  }
0x9: {  	[smem:$0x3F9E] =	sst s1  }
0xa: {  	[smem:$0x3F9F] =	sst s2  }
0xb: {  	[smem:$0x3FA0] =	sst s3  }
0xc: {  	[smem:$0x3FA1] =	sst s4  }
0xd: {  	[smem:$0x3FA2] =	sst s5  }
0xe: {  	[smem:$0x3FA3] =	sst s6  }
0xf: {  	[smem:$0x3FA4] =	sst s7  }
0x10: {  	[smem:$0x3FA5] =	sst s8  }
0x11: {  	[smem:$0x3FA6] =	sst s9;
	s0 =	simm.s32 @!p0 $0x0  }
0x12: {  	s1 =	sld [smem:$0x3F8C];
	s0 =	simm.s32 @p0 $0x1  }
0x13: {  	[smem:$0x3FA7] =	sst s0;
	s0 =	simm.s32 @!p1 $0x0  }
0x14: {  	s2 =	sld [smem:$0x3F8B];
	s0 =	simm.s32 @p1 $0x1  }
0x15: {  	[smem:$0x3FA8] =	sst s0;
	s0 =	simm.s32 @!p2 $0x0  }
0x16: {  	s3 =	sld [smem:$0x3FDB];
	s0 =	simm.s32 @p2 $0x1  }
0x17: {  	s4 =	simm.s32 $0x1BF5;
	[smem:$0x3FAA] =	sst s0  }
0x18: {  	s0 =	sld [smem:$0x3F8D];
	_ =	swait.ge [sflag:s4], $0x0  }
0x19: {  	s7 =	sld [smem:$0x3F8E]  }
0x1a: {  	s8 =	sadd.s32 $0xFFFFE003, lr  }
0x1b: {  	s9 =	sadd.s32 $0xFFFFFEF7, lr;
	s5 =	simm.s32 $0xFFFFFFFF;
	p2 =	slt.u32 s8, $0xFFFFF086  }
0x1c: {  	p1 =	slt.u32 s9, $0xF7A;
	s5 =	simm.s32 @!p2 $0x0  }
0x1d: {  	s5 =	simm.s32 @p1 $0x1;
	p0 =	seq.s32 s7, s2  }
0x1e: {  	s7 =	smul.u32 @!p0 $0xF7A, s2;
	p2 =	seq.s32 @!p0 s5, $0x0  }
0x1f: {  	s9 =	smul.u32 $0xF7A, s1;
	s8 =	simm.s32 @!p0 $0x1BF5;
	p2 =	por !p2, p0  }
0x20: {  	[sflag:s8] =	ssyncset.s32 @!p0 $0xFFFFF086;
	s6 =	sadd.s32 @!p0 s3, s7;
	s7 =	simm.s32 @!p0 $0x108  }
0x21: {  	s3 =	sadd.s32 s3, s9;
	s6 =	sadd.s32 @!p0 $0x88, s6;
	s7 =	simm.s32 @p2 $0x1082  }
0x22: {  	[simem:s7], [sflag:s8] =	dma.local @!p0 [hbm:s6], $0xF7A  }
0x23: {  	s9 =	sor.u32 $0xD0000000, s2;
	s6 =	simm.s32 $0x108;
	_ =	swait.ge @!p0 [sflag:s8], $0x0  }
0x24: {  	s3 =	sadd.s32 $0x88, s3;
	s6 =	simm.s32 @!p1 $0x1082;
	[sflag:s4] =	ssyncset.s32 $0xFFFFF086  }
0x25: {  	[simem:s6], [sflag:s4] =	dma.local [hbm:s3], $0xF7A  }
0x26: {  	[smem:$0x3F8E] =	sst s1;
	(tag) =	ssettag s2;
	_ =	strace s9  }
0x27: {  	s1 =	sld [smem:$0x3F9E]  }
0x28: {  	s2 =	sld [smem:$0x3F9F]  }
0x29: {  	s4 =	sld [smem:$0x3FA1]  }
0x2a: {  	p0 =	seq.s32 s5, $0x0;
	s5 =	sld [smem:$0x3FA2]  }
0x2b: {  	s6 =	sld [smem:$0x3FA3]  }
0x2c: {  	s7 =	sld [smem:$0x3FA4]  }
0x2d: {  	s3 =	simm.s32 $0x108;
	s8 =	sld [smem:$0x3FA5]  }
0x2e: {  	s3 =	simm.s32 @!p0 $0x1082;
	s9 =	sld [smem:$0x3FA6]  }
0x2f: {  	lr =	sadd.s32 s0, s3;
	s0 =	sld [smem:$0x3F9D]  }
0x30: {  	s3 =	sld [smem:$0x3FA0]  }
0x31: {  	[smem:$0x3FA9] =	sst s10  }
0x32: {  	s10 =	sld [smem:$0x3FA7];
	_ =	sdelay $0x3  }
0x33: {  	p0 =	seq.s32 s10, $0x1;
	s10 =	sld [smem:$0x3FA9];
	_ =	sdelay $0x3  }
0x34: {  	[smem:$0x3FA9] =	sst s10  }
0x35: {  	s10 =	sld [smem:$0x3FA8];
	_ =	sdelay $0x3  }
0x36: {  	p1 =	seq.s32 s10, $0x1;
	s10 =	sld [smem:$0x3FA9];
	_ =	sdelay $0x3  }
0x37: {  	[smem:$0x3FA9] =	sst s10  }
0x38: {  	s10 =	sld [smem:$0x3FAA]  }
0x39: {  	_ = 	snop;
	(pc) =	sbr.ind lr, $3  }
0x3a: {  	_ = 	snop  }
0x3b: {  	_ = 	snop  }
0x3c: {  	p2 =	seq.s32 s10, $0x1;
	s10 =	sld [smem:$0x3FA9]  }
0x3d: {  	_ =	shalt  }
0x3e: {  	_ =	shalt  }
0x3f: {  	_ =	shalt  }
0x40: {  	_ =	shalt  }
0x41: {  	_ =	shalt  }
0x42: {  	_ =	shalt  }
0x43: {  	_ =	shalt  }
0x44: {  	_ =	shalt  }
0x45: {  	_ =	shalt  }
0x46: {  	_ =	shalt  }
0x47: {  	_ =	shalt  }
0x48: {  	_ =	shalt  }
0x49: {  	_ =	shalt  }
0x4a: {  	_ =	shalt  }
0x4b: {  	_ =	shalt  }
0x4c: {  	_ =	shalt  }
0x4d: {  	_ =	shalt  }
0x4e: {  	_ =	shalt  }
0x4f: {  	_ =	shalt  }
0x50: {  	_ =	shalt  }
0x51: {  	_ =	shalt  }
0x52: {  	_ =	shalt  }
0x53: {  	_ =	shalt  }
0x54: {  	_ =	shalt  }
0x55: {  	_ =	shalt  }
0x56: {  	_ =	shalt  }
0x57: {  	_ =	shalt  }
0x58: {  	_ =	shalt  }
0x59: {  	_ =	shalt  }
0x5a: {  	_ =	shalt  }
0x5b: {  	_ =	shalt  }
0x5c: {  	_ =	shalt  }
0x5d: {  	_ =	shalt  }
0x5e: {  	_ =	shalt  }
0x5f: {  	_ =	shalt  }
0x60: {  	_ =	shalt  }
0x61: {  	_ =	shalt  }
0x62: {  	_ =	shalt  }
0x63: {  	_ =	shalt  }
0x64: {  	_ =	shalt  }
0x65: {  	_ =	shalt  }
0x66: {  	_ =	shalt  }
0x67: {  	_ =	shalt  }
0x68: {  	_ =	shalt  }
0x69: {  	_ =	shalt  }
0x6a: {  	_ =	shalt  }
0x6b: {  	_ =	shalt  }
0x6c: {  	_ =	shalt  }
0x6d: {  	_ =	shalt  }
0x6e: {  	_ =	shalt  }
0x6f: {  	_ =	shalt  }
0x70: {  	_ =	shalt  }
0x71: {  	_ =	shalt  }
0x72: {  	_ =	shalt  }
0x73: {  	_ =	shalt  }
0x74: {  	_ =	shalt  }
0x75: {  	_ =	shalt  }
0x76: {  	_ =	shalt  }
0x77: {  	_ =	shalt  }
0x78: {  	_ =	shalt  }
0x79: {  	_ =	shalt  }
0x7a: {  	_ =	shalt  }
0x7b: {  	_ =	shalt  }
0x7c: {  	_ =	shalt  }
0x7d: {  	_ =	shalt  }
0x7e: {  	_ =	shalt  }
0x7f: {  	_ =	shalt  }
0x80: {  	_ =	shalt  }
0x81: {  	_ =	shalt  }
0x82: {  	_ =	shalt  }
0x83: {  	_ =	shalt  }
0x84: {  	_ =	shalt  }
0x85: {  	_ =	shalt  }
0x86: {  	_ =	shalt  }
0x87: {  	_ =	shalt  }
.Lfunc_end0:
.L_simem_size_0:
called_computation_lowered:
.L_overlay_start_0:
0x88: {  	s2 =	sld [smem:$0x3FD9]  }
0x89: {  	s3 =	sld [smem:$0x3FFE];
	_ =	sdelay $0x1  }
0x8a: {  	s1 =	srdreg.scid  }
0x8b: {  	s0 =	sand.u32 $0x1, s1  }
0x8c: {  	s17 =	sshll.u32 s0, $0xA;
	s2 =	sadd.s32 s3, s2  }
0x8d: {  	s2 =	sadd.s32 s2, s17  }
0x8e: {  	[smem:$0x3FB5] =	sst s2  }
0x8f: {  	_ = 	snop  }
0x90: {  	(tm) =	ssettm $0x1  }
0x91: {  	s18 =	sld [smem:$0x3FFB];
	_ =	sdelay $0x3  }
0x92: {  	_ =	strace s18  }
0x93: {  	s2 =	sld [smem:$0x3FFC];
	_ =	sdelay $0x3  }
0x94: {  	_ =	strace s2  }
0x95: {  	s2 =	sld [smem:$0x3FFD];
	_ =	sdelay $0x3  }
0x96: {  	_ =	strace s2  }
0x97: {  	_ =	strace $0x8FFFFFFF  }
0x98: {  	s19 =	sld [smem:$0x3FDB];
	_ =	sdelay $0x1  }
0x99: {  	s20 =	simm.s32 $_scs_section_size  }
0x9a: {  	s4 =	simm.s32 $_size__tile_overlayer_lowered;
	s5 =	simm.s32 $_tile_overlayer_lowered  }
0x9b: {  	s6 =	simm.s32 $0x1BFF;
	s21 =	sshll.u32 s5, $0x1;
	s3 =	sadd.s32 s20, s19  }
0x9c: {  	s22 =	simm.s32 $0x0;
	s4 =	sshll.u32 s4, $0x1;
	s5 =	sadd.s32 s21, s3  }
0x9d: {  	[timem:s22], [sflag:s6] =	dma.local [hbm:s5], s4  }
0x9e: {  	_ =	swait.ge [sflag:s6], s4  }
0x9f: {  	s4 =	ssub.s32 $0x0, s4;
	[sflag:s6] =	ssyncset.done $0x0  }
0xa0: {  	[sflag:s6] =	ssyncadd.s32 s4;
	_ =	sdelay $0x1  }
0xa1: {  	s23 =	simm.s32 $0x1B8B  }
0xa2: {  	_ =	swait.ge [sflag:s23], $0x1  }
0xa3: {  	[sflag:s23] =	ssyncset.done $0x0  }
0xa4: {  	[sflag:s23] =	ssyncadd.s32 $0xFFFFFFFF  }
0xa5: {  	s4 =	sld [smem:$0x0]  }
0xa6: {  	s5 =	sand.u32 $0xFFFFFFFE, s1  }
0xa7: {  	p0 =	sne.s32 s1, s5  }
0xa8: {  	s5 =	sshll.u32 @p0 s5, $0xE  }
0xa9: {  	s5 =	sadd.s32 @p0 $0x11B8D, s5;
	s6 =	sshll.u32 @p0 s4, $0x11  }
0xaa: {  	s5 =	sor.u32 @p0 s6, s5  }
0xab: {  	[sflag:s5] =	ssyncadd.remote.s32 @p0 $0x1;
	_ =	sdelay $0x1  }
0xac: {  	s5 =	simm.s32 @p0 $0x1B8D  }
0xad: {  	_ =	swait.eq @p0 [sflag:s5], $0x1  }
0xae: {  	[sflag:s5] =	ssyncadd.s32 @p0 $0xFFFFFFFF  }
0xaf: {  	s6 =	sshll.u32 @!p0 s1, $0xE  }
0xb0: {  	s6 =	sor.u32 @!p0 $0x4000, s6;
	s5 =	simm.s32 @!p0 $0x1B8D  }
0xb1: {  	s4 =	sshll.u32 @!p0 s4, $0x11;
	s6 =	sadd.s32 @!p0 $0x11B8D, s6;
	_ =	swait.eq @!p0 [sflag:s5], $0x1  }
0xb2: {  	s4 =	sor.u32 @!p0 s4, s6;
	[sflag:s5] =	ssyncadd.s32 @!p0 $0xFFFFFFFF  }
0xb3: {  	s25 =	simm.s32 $0x1B8E;
	s24 =	sld [smem:$0x3FFE];
	[sflag:s4] =	ssyncadd.remote.s32 @!p0 $0x1  }
0xb4: {  	s26 =	simm.s32 $execute0_lowered;
	[smem:$0x3FD2] =	sst s25  }
0xb5: {  	s5 =	sshll.u32 s26, $0x1;
	_ =	strace $0x80000049;
	[dreg:$0x1] =	wrdreg $0xFFFFFFFF  }
0xb6: {  	s28 =	simm.s32 $_size_execute0_lowered;
	s3 =	sadd.s32 s3, s5;
	[dreg:$0x0] =	wrdreg $0x0  }
0xb7: {  	s5 =	sshll.u32 s28, $0x1;
	[dreg:$0x2] =	wrdreg s3  }
0xb8: {  	[dreg:$0x3] =	wrdreg s5  }
0xb9: {  	[dreg:$0x4] =	wrdreg $0xC0  }
0xba: {  	_ =	task [dreg:s22], $0x5FFFF  }
0xbb: {  	[dreg:$0x1] =	wrdreg $0xFFFFFFFF  }
0xbc: {  	[dreg:$0x0] =	wrdreg $0x60  }
0xbd: {  	[dreg:$0x2] =	wrdreg s24  }
0xbe: {  	[dreg:$0x3] =	wrdreg $0x0  }
0xbf: {  	[dreg:$0x4] =	wrdreg $0x9  }
0xc0: {  	_ =	task.clear_ibuf [dreg:s22], $0x5FFFF;
	_ =	strace $0x90000049  }
0xc1: {  	s29 =	simm.s32 $0x9;
	_ =	strace $0x8000004B  }
0xc2: {  	_ =	swait.ge [sflag:s29], $0x1  }
0xc3: {  	[sflag:s29] =	ssyncadd.s32 $0xFFFFFFFF  }
0xc4: {  	_ =	strace $0x9000004B  }
0xc5: {  	_ =	sfence  }
0xc6: {  	s30 =	sld [smem:$0x0];
	_ =	sdelay $0x2  }
0xc7: {  	s31 =	sshll.u32 s1, $0xD;
	s1 =	sshrl.u32 s1, $0x2  }
0xc8: {  	s4 =	sand.u32 $0x4000, s31;
	s1 =	sadd.s32 s1, s30  }
0xc9: {  	s0 =	sor.u32 s4, s0;
	s1 =	sshll.u32 s1, $0x11  }
0xca: {  	s0 =	sor.u32 s1, s0  }
0xcb: {  	s0 =	sadd.s32 $0x8F2B, s0  }
0xcc: {  	[sflag:s0] =	ssyncadd.remote.s32 $0x1  }
0xcd: {  	_ =	sfence.sel $0xFFFF  }
0xce: {  	[dreg:$0x0] =	wrdreg $0xFFFFFFFF;
	(pc) =	sbr.abs _section_cstart, $3  }
0xcf: {  	[dreg:$0x1] =	wrdreg $0xFFFFFFFF  }
0xd0: {  	_ =	task.clear_ibuf [dreg:s22], $0x2FFFF;
	_ =	strace $0x9FFFFFFF  }
0xd1: {  	(tm) =	ssettm $0x7FFFFFFF  }
tec
execute0_lowered:
.L_overlay_start_1:
0x0: {  	(tag) =	ssettag $0x1  }
0x1: {  	s0 =	rddreg [dreg:$0x0]  }
0x2: {  	s1 =	rddreg [dreg:$0x1]  }
0x3: {  	s2 =	simm.s32 $0x0;
	s3 =	srdreg.scid;
	s15 =	stileid.u32  }
0x4: {  	s13 =	simm.s32 $0x6580;
	s14 =	simm.s32 $0x3;
	s21 =	simm.s32 $0x2  }
0x5: {  	s28 =	simm.s32 $0x6D80;
	s29 =	simm.s32 $0x1;
	s6 =	smul.u32 $0x19000, s15  }
0x6: {  	s30 =	simm.s32 $0x4;
	s31 =	simm.s32 $0x0;
	s22 =	smul.u32 $0x3200, s15  }
0x7: {  	[smem:$0x7FF] =	sst s2;
	s3 =	sand.u32 $0x1, s3;
	s23 =	smul.u32 $0x930, s15  }
0x8: {  	s9 =	sadd.s32 $0x4C00, s0;
	s15 =	sshll.u32 s15, $0x6;
	s4 =	smul.u32 $0x9300, s3  }
0x9: {  	_ =	strace $0x8000004A;
	s5 =	ssub.s32 $0x2, s3;
	[dreg:$0x3] =	wrdreg s9  }
0xa: {  	p0 =	seq.s32 s3, $0x0;
	s16 =	sor.u32 $0x1C02, s15;
	s8 =	sshrl.u32 s5, $0x1  }
0xb: {  	s6 =	sshrl.u32 s6, $0x2;
	s7 =	sadd.s32 s4, s0;
	s4 =	sadd.s32 $0x4800, s0  }
0xc: {  	s5 =	ssub.s32 s5, s8;
	s8 =	simm.s32 $0x401600;
	s17 =	sadd.s32 s6, s1  }
0xd: {  	s8 =	simm.s32 @!p0 $0x3CF600;
	s18 =	sadd.s32 $0x1900, s17;
	s19 =	sadd.s32 $0x3200, s17  }
0xe: {  	s20 =	sadd.s32 $0x4B00, s17;
	s24 =	sadd.s32 s23, s7;
	s25 =	smax.u32 s5, $0x1  }
0xf: {  	s17 =	sshrl.u32 s17, $0x3;
	s23 =	simm.s32 $0x80;
	s0 =	sadd.s32 s8, s0  }
0x10: {  	[dreg:$0x4] =	wrdreg s25;
	s9 =	sadd.s32 $0x286C00, s24;
	s11 =	sadd.s32 $0x274600, s24  }
0x11: {  	s12 =	sadd.s32 $0x262000, s24;
	s18 =	sshrl.u32 s18, $0x3;
	s19 =	sshrl.u32 s19, $0x3  }
0x12: {  	s20 =	sshrl.u32 s20, $0x3;
	s24 =	simm.s32 $0x6480;
	s6 =	sadd.s32 s0, s22  }
0x13: {  	s25 =	simm.s32 $0x6980;
	s22 =	simm.s32 $0x6400;
	s26 =	sadd.s32 $0x1, s6  }
0x14: {  	s10 =	sadd.s32 $0x2, s6;
	[dreg:$0x5] =	wrdreg s26;
	s26 =	simm.s32 $0x6500  }
.LBB2_1:
0x15: {  	s0 =	rddreg [dreg:$0x3]  }
0x16: {  	[tilespmem:s13], [sflag:$0x3] =	stream.linear.gather [hbm4b:s0+s2], $0xC00, $0x38;
	[tilespmem:$0x7180] =	vst v63  }
0x17: {  	_ =	swait.ge [sflag:s14], $0xC00  }
0x18: {  	[sflag:s14] =	ssyncset.done $0x0  }
0x19: {  	[sflag:s14] =	ssyncadd.s32 $0xFFFFF400  }
0x1a: {  	[spmem:s17], [sflag:s16] =	dma.local [hbm:s4], $0x320  }
0x1b: {  	[spmem:s18], [sflag:s16] =	dma.local [hbm:s4], $0x320  }
0x1c: {  	[spmem:s19], [sflag:s16] =	dma.local [hbm:s4], $0x320  }
0x1d: {  	[spmem:s20], [sflag:s16] =	dma.local [hbm:s4], $0x320  }
0x1e: {  	_ =	swait.ge [sflag:s21], $0x320  }
0x1f: {  	[sflag:s21] =	ssyncset.done $0x0  }
0x20: {  	[sflag:s21] =	ssyncadd.s32 $0xFFFFFCE0  }
0x21: {  	_ =	swait.ge [sflag:s21], $0x320  }
0x22: {  	[sflag:s21] =	ssyncset.done $0x0  }
0x23: {  	[sflag:s21] =	ssyncadd.s32 $0xFFFFFCE0  }
0x24: {  	_ =	swait.ge [sflag:s21], $0x320  }
0x25: {  	[sflag:s21] =	ssyncset.done $0x0  }
0x26: {  	[sflag:s21] =	ssyncadd.s32 $0xFFFFFCE0  }
0x27: {  	_ =	swait.ge [sflag:s21], $0x320  }
0x28: {  	[sflag:s21] =	ssyncset.done $0x0  }
0x29: {  	[sflag:s21] =	ssyncadd.s32 $0xFFFFFCE0  }
0x2a: {  	s8 =	sadd.s32 $0x0, s9;
	[bflag:$0x0] =	sbarrier.arrive $0xFFFF  }
0x2b: {  	[tilespmem:s22], [sflag:$0x3] =	stream.linear.gather [hbm4b:s8+s2], $0x180, $0x38;
	[tilespmem:$0x7180] =	vst v63  }
0x2c: {  	_ =	swait.ge [sflag:s14], $0x180  }
0x2d: {  	[sflag:s14] =	ssyncset.done $0x0  }
0x2e: {  	[sflag:s14] =	ssyncadd.s32 $0xFFFFFE80  }
0x2f: {  	[spmem:s1] =	stream.indirect.scatter.add.f32 [tilespmem:s13], [sflag:$0x1], $0x8, s22, s23, $0xb8;
	[tilespmem:$0x7180] =	vst v63  }
0x30: {  	_ = 	snop  }
0x31: {  	[spmem:s1] =	stream.indirect.scatter.add.f32 [tilespmem:s25], [sflag:$0x1], $0x8, s24, s23, $0xb8;
	[tilespmem:$0x7180] =	vst v63  }
0x32: {  	_ = 	snop  }
0x33: {  	[spmem:s1] =	stream.indirect.scatter.add.f32 [tilespmem:s28], [sflag:$0x1], $0x8, s26, s23, $0xb8;
	[tilespmem:$0x7180] =	vst v63  }
0x34: {  	_ =	swait.ge [sflag:s29], $0x400  }
0x35: {  	[sflag:s29] =	ssyncset.done $0x0  }
0x36: {  	[sflag:s29] =	ssyncadd.s32 $0xFFFFFC00  }
0x37: {  	_ =	swait.ge [sflag:s29], $0x400  }
0x38: {  	[sflag:s29] =	ssyncset.done $0x0  }
0x39: {  	[sflag:s29] =	ssyncadd.s32 $0xFFFFFC00  }
0x3a: {  	_ =	swait.ge [sflag:s29], $0x400  }
0x3b: {  	s3 =	simm.s32 $0x60;
	s0 =	simm.s32 $0x30;
	[sflag:s29] =	ssyncset.done $0x0  }
.LBB2_2:
0x3c: {  	s5 =	sadd.s32 s0, s9  }
0x3d: {  	[sflag:s29] =	ssyncadd.s32 $0xFFFFFC00;
	s0 =	smov.u32 s3;
	s7 =	sadd.s32 $0x30, s3  }
0x3e: {  	[tilespmem:s22], [sflag:$0x3] =	stream.linear.gather [hbm4b:s5+s2], $0x180, $0x38;
	[tilespmem:$0x7180] =	vst v63  }
0x3f: {  	p0 =	sne.s32 s3, $0x900;
	_ =	swait.ge [sflag:s14], $0x180  }
0x40: {  	[sflag:s14] =	ssyncset.done $0x0  }
0x41: {  	[sflag:s14] =	ssyncadd.s32 $0xFFFFFE80  }
0x42: {  	[spmem:s1] =	stream.indirect.scatter.add.f32 [tilespmem:s13], [sflag:$0x1], $0x8, s22, s23, $0xb8;
	[tilespmem:$0x7180] =	vst v63  }
0x43: {  	_ = 	snop  }
0x44: {  	[spmem:s1] =	stream.indirect.scatter.add.f32 [tilespmem:s25], [sflag:$0x1], $0x8, s24, s23, $0xb8;
	[tilespmem:$0x7180] =	vst v63  }
0x45: {  	_ = 	snop  }
0x46: {  	[spmem:s1] =	stream.indirect.scatter.add.f32 [tilespmem:s28], [sflag:$0x1], $0x8, s26, s23, $0xb8;
	[tilespmem:$0x7180] =	vst v63  }
0x47: {  	_ =	swait.ge [sflag:s29], $0x400  }
0x48: {  	[sflag:s29] =	ssyncset.done $0x0  }
0x49: {  	[sflag:s29] =	ssyncadd.s32 $0xFFFFFC00  }
.Ltmp0:
0x4a: {  	_ =	swait.ge [sflag:s29], $0x400;
	(pc) =	sbr.rel @p0 .LBB2_2-.Ltmp0, $4  }
0x4b: {  	[sflag:s29] =	ssyncset.done $0x0  }
0x4c: {  	[sflag:s29] =	ssyncadd.s32 $0xFFFFFC00  }
0x4d: {  	_ =	swait.ge [sflag:s29], $0x400  }
0x4e: {  	s3 =	smov.u32 s7;
	[sflag:s29] =	ssyncset.done $0x0  }
0x4f: {  	s0 =	sadd.s32 s0, s9;
	[sflag:s29] =	ssyncadd.s32 $0xFFFFFC00  }
0x50: {  	[tilespmem:s22], [sflag:$0x3] =	stream.linear.gather [hbm4b:s0+s2], $0x180, $0x38;
	[tilespmem:$0x7180] =	vst v63  }
0x51: {  	_ =	swait.ge [sflag:s14], $0x180  }
0x52: {  	[sflag:s14] =	ssyncset.done $0x0  }
0x53: {  	[sflag:s14] =	ssyncadd.s32 $0xFFFFFE80  }
0x54: {  	[spmem:s1] =	stream.indirect.scatter.add.f32 [tilespmem:s13], [sflag:$0x1], $0x8, s22, s23, $0xb8;
	[tilespmem:$0x7180] =	vst v63  }
0x55: {  	_ = 	snop  }
0x56: {  	[spmem:s1] =	stream.indirect.scatter.add.f32 [tilespmem:s25], [sflag:$0x1], $0x8, s24, s23, $0xb8;
	[tilespmem:$0x7180] =	vst v63  }
0x57: {  	_ = 	snop  }
0x58: {  	[spmem:s1] =	stream.indirect.scatter.add.f32 [tilespmem:s28], [sflag:$0x1], $0x8, s26, s23, $0xb8;
	[tilespmem:$0x7180] =	vst v63  }
0x59: {  	_ =	swait.ge [sflag:s29], $0x400  }
0x5a: {  	[sflag:s29] =	ssyncset.done $0x0  }
0x5b: {  	[sflag:s29] =	ssyncadd.s32 $0xFFFFFC00  }
0x5c: {  	_ =	swait.ge [sflag:s29], $0x400  }
0x5d: {  	[sflag:s29] =	ssyncset.done $0x0  }
0x5e: {  	[sflag:s29] =	ssyncadd.s32 $0xFFFFFC00  }
0x5f: {  	_ =	swait.ge [sflag:s29], $0x400  }
0x60: {  	[sflag:s29] =	ssyncset.done $0x0  }
0x61: {  	[sflag:s29] =	ssyncadd.s32 $0xFFFFFC00  }
0x62: {  	s0 =	sor.u32 $0x1C03, s15;
	[bflag:$0x0] =	sbarrier.arrive $0xFFFF  }
0x63: {  	[hbm:s6@s30], [sflag:s0] =	dma.strided [spmem:s17@s29], $0xC80, s29, $0x1   }
0x64: {  	_ =	swait.ge [sflag:s14], $0xC80  }
0x65: {  	[sflag:s14] =	ssyncset.done $0x0  }
0x66: {  	[sflag:s14] =	ssyncadd.s32 $0xFFFFF380  }
0x67: {  	[spmem:s17], [sflag:s16] =	dma.local [hbm:s4], $0x320  }
0x68: {  	[spmem:s18], [sflag:s16] =	dma.local [hbm:s4], $0x320  }
0x69: {  	[spmem:s19], [sflag:s16] =	dma.local [hbm:s4], $0x320  }
0x6a: {  	[spmem:s20], [sflag:s16] =	dma.local [hbm:s4], $0x320  }
0x6b: {  	_ =	swait.ge [sflag:s21], $0x320  }
0x6c: {  	[sflag:s21] =	ssyncset.done $0x0  }
0x6d: {  	[sflag:s21] =	ssyncadd.s32 $0xFFFFFCE0  }
0x6e: {  	_ =	swait.ge [sflag:s21], $0x320  }
0x6f: {  	[sflag:s21] =	ssyncset.done $0x0  }
0x70: {  	[sflag:s21] =	ssyncadd.s32 $0xFFFFFCE0  }
0x71: {  	_ =	swait.ge [sflag:s21], $0x320  }
0x72: {  	[sflag:s21] =	ssyncset.done $0x0  }
0x73: {  	[sflag:s21] =	ssyncadd.s32 $0xFFFFFCE0  }
0x74: {  	_ =	swait.ge [sflag:s21], $0x320  }
0x75: {  	[sflag:s21] =	ssyncset.done $0x0  }
0x76: {  	[sflag:s21] =	ssyncadd.s32 $0xFFFFFCE0  }
0x77: {  	s3 =	sadd.s32 $0x0, s11;
	[bflag:$0x0] =	sbarrier.arrive $0xFFFF  }
0x78: {  	[tilespmem:s22], [sflag:$0x3] =	stream.linear.gather [hbm4b:s3+s2], $0x180, $0x38;
	[tilespmem:$0x7180] =	vst v63  }
0x79: {  	_ =	swait.ge [sflag:s14], $0x180  }
0x7a: {  	[sflag:s14] =	ssyncset.done $0x0  }
0x7b: {  	[sflag:s14] =	ssyncadd.s32 $0xFFFFFE80  }
0x7c: {  	[spmem:s1] =	stream.indirect.scatter.add.f32 [tilespmem:s13], [sflag:$0x1], $0x8, s22, s23, $0xb8;
	[tilespmem:$0x7180] =	vst v63  }
0x7d: {  	_ = 	snop  }
0x7e: {  	[spmem:s1] =	stream.indirect.scatter.add.f32 [tilespmem:s25], [sflag:$0x1], $0x8, s24, s23, $0xb8;
	[tilespmem:$0x7180] =	vst v63  }
0x7f: {  	_ = 	snop  }
0x80: {  	[spmem:s1] =	stream.indirect.scatter.add.f32 [tilespmem:s28], [sflag:$0x1], $0x8, s26, s23, $0xb8;
	[tilespmem:$0x7180] =	vst v63  }
0x81: {  	_ =	swait.ge [sflag:s29], $0x400  }
0x82: {  	[sflag:s29] =	ssyncset.done $0x0  }
0x83: {  	[sflag:s29] =	ssyncadd.s32 $0xFFFFFC00  }
0x84: {  	_ =	swait.ge [sflag:s29], $0x400  }
0x85: {  	[sflag:s29] =	ssyncset.done $0x0  }
0x86: {  	[sflag:s29] =	ssyncadd.s32 $0xFFFFFC00  }
0x87: {  	_ =	swait.ge [sflag:s29], $0x400  }
0x88: {  	s5 =	simm.s32 $0x60;
	s3 =	simm.s32 $0x30;
	[sflag:s29] =	ssyncset.done $0x0  }
.LBB2_4:
0x89: {  	s7 =	sadd.s32 s3, s11  }
0x8a: {  	[sflag:s29] =	ssyncadd.s32 $0xFFFFFC00;
	s3 =	smov.u32 s5;
	s8 =	sadd.s32 $0x30, s5  }
0x8b: {  	[tilespmem:s22], [sflag:$0x3] =	stream.linear.gather [hbm4b:s7+s2], $0x180, $0x38;
	[tilespmem:$0x7180] =	vst v63  }
0x8c: {  	p0 =	sne.s32 s5, $0x900;
	_ =	swait.ge [sflag:s14], $0x180  }
0x8d: {  	[sflag:s14] =	ssyncset.done $0x0  }
0x8e: {  	[sflag:s14] =	ssyncadd.s32 $0xFFFFFE80  }
0x8f: {  	[spmem:s1] =	stream.indirect.scatter.add.f32 [tilespmem:s13], [sflag:$0x1], $0x8, s22, s23, $0xb8;
	[tilespmem:$0x7180] =	vst v63  }
0x90: {  	_ = 	snop  }
0x91: {  	[spmem:s1] =	stream.indirect.scatter.add.f32 [tilespmem:s25], [sflag:$0x1], $0x8, s24, s23, $0xb8;
	[tilespmem:$0x7180] =	vst v63  }
0x92: {  	_ = 	snop  }
0x93: {  	[spmem:s1] =	stream.indirect.scatter.add.f32 [tilespmem:s28], [sflag:$0x1], $0x8, s26, s23, $0xb8;
	[tilespmem:$0x7180] =	vst v63  }
0x94: {  	_ =	swait.ge [sflag:s29], $0x400  }
0x95: {  	[sflag:s29] =	ssyncset.done $0x0  }
0x96: {  	[sflag:s29] =	ssyncadd.s32 $0xFFFFFC00  }
.Ltmp1:
0x97: {  	_ =	swait.ge [sflag:s29], $0x400;
	(pc) =	sbr.rel @p0 .LBB2_4-.Ltmp1, $4  }
0x98: {  	[sflag:s29] =	ssyncset.done $0x0  }
0x99: {  	[sflag:s29] =	ssyncadd.s32 $0xFFFFFC00  }
0x9a: {  	_ =	swait.ge [sflag:s29], $0x400  }
0x9b: {  	s5 =	smov.u32 s8;
	[sflag:s29] =	ssyncset.done $0x0  }
0x9c: {  	s3 =	sadd.s32 s3, s11;
	[sflag:s29] =	ssyncadd.s32 $0xFFFFFC00  }
0x9d: {  	[tilespmem:s22], [sflag:$0x3] =	stream.linear.gather [hbm4b:s3+s2], $0x180, $0x38;
	[tilespmem:$0x7180] =	vst v63  }
0x9e: {  	_ =	swait.ge [sflag:s14], $0x180  }
0x9f: {  	[sflag:s14] =	ssyncset.done $0x0  }
0xa0: {  	[sflag:s14] =	ssyncadd.s32 $0xFFFFFE80  }
0xa1: {  	[spmem:s1] =	stream.indirect.scatter.add.f32 [tilespmem:s13], [sflag:$0x1], $0x8, s22, s23, $0xb8;
	[tilespmem:$0x7180] =	vst v63  }
0xa2: {  	_ = 	snop  }
0xa3: {  	[spmem:s1] =	stream.indirect.scatter.add.f32 [tilespmem:s25], [sflag:$0x1], $0x8, s24, s23, $0xb8;
	[tilespmem:$0x7180] =	vst v63  }
0xa4: {  	_ = 	snop  }
0xa5: {  	[spmem:s1] =	stream.indirect.scatter.add.f32 [tilespmem:s28], [sflag:$0x1], $0x8, s26, s23, $0xb8;
	[tilespmem:$0x7180] =	vst v63  }
0xa6: {  	_ =	swait.ge [sflag:s29], $0x400  }
0xa7: {  	[sflag:s29] =	ssyncset.done $0x0  }
0xa8: {  	[sflag:s29] =	ssyncadd.s32 $0xFFFFFC00  }
0xa9: {  	_ =	swait.ge [sflag:s29], $0x400  }
0xaa: {  	[sflag:s29] =	ssyncset.done $0x0  }
0xab: {  	[sflag:s29] =	ssyncadd.s32 $0xFFFFFC00  }
0xac: {  	_ =	swait.ge [sflag:s29], $0x400  }
0xad: {  	[sflag:s29] =	ssyncset.done $0x0  }
0xae: {  	[sflag:s29] =	ssyncadd.s32 $0xFFFFFC00  }
0xaf: {  	[bflag:$0x0] =	sbarrier.arrive $0xFFFF  }
0xb0: {  	s7 =	rddreg [dreg:$0x5]  }
0xb1: {  	[hbm:s7@s30], [sflag:s0] =	dma.strided [spmem:s17@s29], $0xC80, s29, $0x1   }
0xb2: {  	_ =	swait.ge [sflag:s14], $0xC80  }
0xb3: {  	[sflag:s14] =	ssyncset.done $0x0  }
0xb4: {  	[sflag:s14] =	ssyncadd.s32 $0xFFFFF380  }
0xb5: {  	[spmem:s17], [sflag:s16] =	dma.local [hbm:s4], $0x320  }
0xb6: {  	[spmem:s18], [sflag:s16] =	dma.local [hbm:s4], $0x320  }
0xb7: {  	[spmem:s19], [sflag:s16] =	dma.local [hbm:s4], $0x320  }
0xb8: {  	[spmem:s20], [sflag:s16] =	dma.local [hbm:s4], $0x320  }
0xb9: {  	_ =	swait.ge [sflag:s21], $0x320  }
0xba: {  	[sflag:s21] =	ssyncset.done $0x0  }
0xbb: {  	[sflag:s21] =	ssyncadd.s32 $0xFFFFFCE0  }
0xbc: {  	_ =	swait.ge [sflag:s21], $0x320  }
0xbd: {  	[sflag:s21] =	ssyncset.done $0x0  }
0xbe: {  	[sflag:s21] =	ssyncadd.s32 $0xFFFFFCE0  }
0xbf: {  	_ =	swait.ge [sflag:s21], $0x320  }
0xc0: {  	[sflag:s21] =	ssyncset.done $0x0  }
0xc1: {  	[sflag:s21] =	ssyncadd.s32 $0xFFFFFCE0  }
0xc2: {  	_ =	swait.ge [sflag:s21], $0x320  }
0xc3: {  	[sflag:s21] =	ssyncset.done $0x0  }
0xc4: {  	[sflag:s21] =	ssyncadd.s32 $0xFFFFFCE0  }
0xc5: {  	s8 =	sadd.s32 $0x0, s12;
	[bflag:$0x0] =	sbarrier.arrive $0xFFFF  }
0xc6: {  	[tilespmem:s22], [sflag:$0x3] =	stream.linear.gather [hbm4b:s8+s2], $0x180, $0x38;
	[tilespmem:$0x7180] =	vst v63  }
0xc7: {  	_ =	swait.ge [sflag:s14], $0x180  }
0xc8: {  	[sflag:s14] =	ssyncset.done $0x0  }
0xc9: {  	[sflag:s14] =	ssyncadd.s32 $0xFFFFFE80  }
0xca: {  	[spmem:s1] =	stream.indirect.scatter.add.f32 [tilespmem:s13], [sflag:$0x1], $0x8, s22, s23, $0xb8;
	[tilespmem:$0x7180] =	vst v63  }
0xcb: {  	_ = 	snop  }
0xcc: {  	[spmem:s1] =	stream.indirect.scatter.add.f32 [tilespmem:s25], [sflag:$0x1], $0x8, s24, s23, $0xb8;
	[tilespmem:$0x7180] =	vst v63  }
0xcd: {  	_ = 	snop  }
0xce: {  	[spmem:s1] =	stream.indirect.scatter.add.f32 [tilespmem:s28], [sflag:$0x1], $0x8, s26, s23, $0xb8;
	[tilespmem:$0x7180] =	vst v63  }
0xcf: {  	_ =	swait.ge [sflag:s29], $0x400  }
0xd0: {  	[sflag:s29] =	ssyncset.done $0x0  }
0xd1: {  	[sflag:s29] =	ssyncadd.s32 $0xFFFFFC00  }
0xd2: {  	_ =	swait.ge [sflag:s29], $0x400  }
0xd3: {  	[sflag:s29] =	ssyncset.done $0x0  }
0xd4: {  	[sflag:s29] =	ssyncadd.s32 $0xFFFFFC00  }
0xd5: {  	_ =	swait.ge [sflag:s29], $0x400  }
0xd6: {  	s5 =	simm.s32 $0x60;
	s3 =	simm.s32 $0x30;
	[sflag:s29] =	ssyncset.done $0x0  }
.LBB2_6:
0xd7: {  	s7 =	sadd.s32 s3, s12  }
0xd8: {  	[sflag:s29] =	ssyncadd.s32 $0xFFFFFC00;
	s3 =	smov.u32 s5;
	s8 =	sadd.s32 $0x30, s5  }
0xd9: {  	[tilespmem:s22], [sflag:$0x3] =	stream.linear.gather [hbm4b:s7+s2], $0x180, $0x38;
	[tilespmem:$0x7180] =	vst v63  }
0xda: {  	p0 =	sne.s32 s5, $0x900;
	_ =	swait.ge [sflag:s14], $0x180  }
0xdb: {  	[sflag:s14] =	ssyncset.done $0x0  }
0xdc: {  	[sflag:s14] =	ssyncadd.s32 $0xFFFFFE80  }
0xdd: {  	[spmem:s1] =	stream.indirect.scatter.add.f32 [tilespmem:s13], [sflag:$0x1], $0x8, s22, s23, $0xb8;
	[tilespmem:$0x7180] =	vst v63  }
0xde: {  	_ = 	snop  }
0xdf: {  	[spmem:s1] =	stream.indirect.scatter.add.f32 [tilespmem:s25], [sflag:$0x1], $0x8, s24, s23, $0xb8;
	[tilespmem:$0x7180] =	vst v63  }
0xe0: {  	_ = 	snop  }
0xe1: {  	[spmem:s1] =	stream.indirect.scatter.add.f32 [tilespmem:s28], [sflag:$0x1], $0x8, s26, s23, $0xb8;
	[tilespmem:$0x7180] =	vst v63  }
0xe2: {  	_ =	swait.ge [sflag:s29], $0x400  }
0xe3: {  	[sflag:s29] =	ssyncset.done $0x0  }
0xe4: {  	[sflag:s29] =	ssyncadd.s32 $0xFFFFFC00  }
.Ltmp2:
0xe5: {  	_ =	swait.ge [sflag:s29], $0x400;
	(pc) =	sbr.rel @p0 .LBB2_6-.Ltmp2, $4  }
0xe6: {  	[sflag:s29] =	ssyncset.done $0x0  }
0xe7: {  	[sflag:s29] =	ssyncadd.s32 $0xFFFFFC00  }
0xe8: {  	_ =	swait.ge [sflag:s29], $0x400  }
0xe9: {  	s5 =	smov.u32 s8;
	[sflag:s29] =	ssyncset.done $0x0  }
0xea: {  	s3 =	sadd.s32 s3, s12;
	[sflag:s29] =	ssyncadd.s32 $0xFFFFFC00  }
0xeb: {  	[tilespmem:s22], [sflag:$0x3] =	stream.linear.gather [hbm4b:s3+s2], $0x180, $0x38;
	[tilespmem:$0x7180] =	vst v63  }
0xec: {  	_ =	swait.ge [sflag:s14], $0x180  }
0xed: {  	[sflag:s14] =	ssyncset.done $0x0  }
0xee: {  	[sflag:s14] =	ssyncadd.s32 $0xFFFFFE80  }
0xef: {  	[spmem:s1] =	stream.indirect.scatter.add.f32 [tilespmem:s13], [sflag:$0x1], $0x8, s22, s23, $0xb8;
	[tilespmem:$0x7180] =	vst v63  }
0xf0: {  	_ = 	snop  }
0xf1: {  	[spmem:s1] =	stream.indirect.scatter.add.f32 [tilespmem:s25], [sflag:$0x1], $0x8, s24, s23, $0xb8;
	[tilespmem:$0x7180] =	vst v63  }
0xf2: {  	_ = 	snop  }
0xf3: {  	[spmem:s1] =	stream.indirect.scatter.add.f32 [tilespmem:s28], [sflag:$0x1], $0x8, s26, s23, $0xb8;
	[tilespmem:$0x7180] =	vst v63  }
0xf4: {  	_ =	swait.ge [sflag:s29], $0x400  }
0xf5: {  	[sflag:s29] =	ssyncset.done $0x0  }
0xf6: {  	[sflag:s29] =	ssyncadd.s32 $0xFFFFFC00  }
0xf7: {  	_ =	swait.ge [sflag:s29], $0x400  }
0xf8: {  	[sflag:s29] =	ssyncset.done $0x0  }
0xf9: {  	[sflag:s29] =	ssyncadd.s32 $0xFFFFFC00  }
0xfa: {  	_ =	swait.ge [sflag:s29], $0x400  }
0xfb: {  	[sflag:s29] =	ssyncset.done $0x0  }
0xfc: {  	[sflag:s29] =	ssyncadd.s32 $0xFFFFFC00  }
0xfd: {  	[bflag:$0x0] =	sbarrier.arrive $0xFFFF  }
0xfe: {  	[hbm:s10@s30], [sflag:s0] =	dma.strided [spmem:s17@s29], $0xC80, s29, $0x1   }
0xff: {  	_ =	swait.ge [sflag:s14], $0xC80  }
0x100: {  	s31 =	sadd.s32 $0x1, s31;
	s8 =	rddreg [dreg:$0x4]  }
0x101: {  	p0 =	sne.s32 s31, s8  }
.Ltmp3:
0x102: {  	_ = 	snop;
	(pc) =	sbr.rel @p0 .LBB2_1-.Ltmp3, $3  }
0x103: {  	_ =	sdelay $0x1  }
0x104: {  	[sflag:s14] =	ssyncset.done $0x0  }
0x105: {  	[sflag:s14] =	ssyncadd.s32 $0xFFFFF380  }
0x106: {  	_ =	sfence.sel $0x180000  }
0x107: {  	[bflag:$0x0] =	sbarrier.arrive $0xFFFF  }
0x108: {  	_ =	strace $0x9000004A  }
0x109: {  	s0 =	stileid.u32;
	[bflag:$0x2] =	sbarrier.arrive $0xFFFF  }
0x10a: {  	p0 =	sne.s32 s0, $0x0;
	s0 =	rddreg [dreg:$0x2]  }
0x10b: {  	s0 =	sadd.s32 @!p0 $0x100000, s0  }
0x10c: {  	[sflag:s0] =	ssyncadd.tile.s32 @!p0 $0x1;
	_ =	shalt  }
.Lfunc_end2:
_tile_overlayer_lowered:
.L_overlay_start_2:
0x10d: {  	(tag) =	ssettag $0x2  }
0x10e: {  	s0 =	rddreg [dreg:$0x0];
	s2 =	stileid.u32  }
0x10f: {  	s1 =	rddreg [dreg:$0x1];
	p0 =	sne.s32 s2, $0x0  }
0x110: {  	s3 =	rddreg [dreg:$0x2];
	[bflag:$0x3] =	sbarrier.arrive $0xFFFF;
	s2 =	simm.s32 @!p0 $0x1C03  }
0x111: {  	[timem:s3], [sflag:s2] =	dma.local @!p0 [hbm:s0], s1  }
0x112: {  	s0 =	simm.s32 @!p0 $0x3  }
0x113: {  	_ =	swait.ge @!p0 [sflag:s0], s1  }
0x114: {  	s1 =	ssub.s32 @!p0 $0x0, s1;
	[sflag:s0] =	ssyncset.done @!p0 $0x0  }
0x115: {  	[sflag:s0] =	ssyncadd.s32 @!p0 s1  }
0x116: {  	[bflag:$0x3] =	sbarrier.arrive $0xFFFF  }
0x117: {  	_ =	shalt  }

// kernel: kernel.9.cloned.1.call-start
scs
__scs_entry_jumppad:
0x0: {  	(pc) =	sbr.rel $0x88, $3  }
0x1: {  	(tag) =	ssettag $0x0;
	lr =	simm.s32 $0x1  }
0x2: {  	[smem:$0x3F8E] =	sst lr;
	_ =	strace $0xD0000000  }
0x3: {  	_ = 	snop  }
0x4: {  	_ = 	snop  }
0x5: {  	_ = 	snop  }
0x6: {  	_ = 	snop  }
0x7: {  	_ = 	snop  }
__scs_overlays_trampoline_lowered:
0x8: {  	[smem:$0x3F9D] =	sst s0  }
0x9: {  	[smem:$0x3F9E] =	sst s1  }
0xa: {  	[smem:$0x3F9F] =	sst s2  }
0xb: {  	[smem:$0x3FA0] =	sst s3  }
0xc: {  	[smem:$0x3FA1] =	sst s4  }
0xd: {  	[smem:$0x3FA2] =	sst s5  }
0xe: {  	[smem:$0x3FA3] =	sst s6  }
0xf: {  	[smem:$0x3FA4] =	sst s7  }
0x10: {  	[smem:$0x3FA5] =	sst s8  }
0x11: {  	[smem:$0x3FA6] =	sst s9;
	s0 =	simm.s32 @!p0 $0x0  }
0x12: {  	s1 =	sld [smem:$0x3F8C];
	s0 =	simm.s32 @p0 $0x1  }
0x13: {  	[smem:$0x3FA7] =	sst s0;
	s0 =	simm.s32 @!p1 $0x0  }
0x14: {  	s2 =	sld [smem:$0x3F8B];
	s0 =	simm.s32 @p1 $0x1  }
0x15: {  	[smem:$0x3FA8] =	sst s0;
	s0 =	simm.s32 @!p2 $0x0  }
0x16: {  	s3 =	sld [smem:$0x3FDB];
	s0 =	simm.s32 @p2 $0x1  }
0x17: {  	s4 =	simm.s32 $0x1BF5;
	[smem:$0x3FAA] =	sst s0  }
0x18: {  	s0 =	sld [smem:$0x3F8D];
	_ =	swait.ge [sflag:s4], $0x0  }
0x19: {  	s7 =	sld [smem:$0x3F8E]  }
0x1a: {  	s8 =	sadd.s32 $0xFFFFE003, lr  }
0x1b: {  	s9 =	sadd.s32 $0xFFFFFEF7, lr;
	s5 =	simm.s32 $0xFFFFFFFF;
	p2 =	slt.u32 s8, $0xFFFFF086  }
0x1c: {  	p1 =	slt.u32 s9, $0xF7A;
	s5 =	simm.s32 @!p2 $0x0  }
0x1d: {  	s5 =	simm.s32 @p1 $0x1;
	p0 =	seq.s32 s7, s2  }
0x1e: {  	s7 =	smul.u32 @!p0 $0xF7A, s2;
	p2 =	seq.s32 @!p0 s5, $0x0  }
0x1f: {  	s9 =	smul.u32 $0xF7A, s1;
	s8 =	simm.s32 @!p0 $0x1BF5;
	p2 =	por !p2, p0  }
0x20: {  	[sflag:s8] =	ssyncset.s32 @!p0 $0xFFFFF086;
	s6 =	sadd.s32 @!p0 s3, s7;
	s7 =	simm.s32 @!p0 $0x108  }
0x21: {  	s3 =	sadd.s32 s3, s9;
	s6 =	sadd.s32 @!p0 $0x88, s6;
	s7 =	simm.s32 @p2 $0x1082  }
0x22: {  	[simem:s7], [sflag:s8] =	dma.local @!p0 [hbm:s6], $0xF7A  }
0x23: {  	s9 =	sor.u32 $0xD0000000, s2;
	s6 =	simm.s32 $0x108;
	_ =	swait.ge @!p0 [sflag:s8], $0x0  }
0x24: {  	s3 =	sadd.s32 $0x88, s3;
	s6 =	simm.s32 @!p1 $0x1082;
	[sflag:s4] =	ssyncset.s32 $0xFFFFF086  }
0x25: {  	[simem:s6], [sflag:s4] =	dma.local [hbm:s3], $0xF7A  }
0x26: {  	[smem:$0x3F8E] =	sst s1;
	(tag) =	ssettag s2;
	_ =	strace s9  }
0x27: {  	s1 =	sld [smem:$0x3F9E]  }
0x28: {  	s2 =	sld [smem:$0x3F9F]  }
0x29: {  	s4 =	sld [smem:$0x3FA1]  }
0x2a: {  	p0 =	seq.s32 s5, $0x0;
	s5 =	sld [smem:$0x3FA2]  }
0x2b: {  	s6 =	sld [smem:$0x3FA3]  }
0x2c: {  	s7 =	sld [smem:$0x3FA4]  }
0x2d: {  	s3 =	simm.s32 $0x108;
	s8 =	sld [smem:$0x3FA5]  }
0x2e: {  	s3 =	simm.s32 @!p0 $0x1082;
	s9 =	sld [smem:$0x3FA6]  }
0x2f: {  	lr =	sadd.s32 s0, s3;
	s0 =	sld [smem:$0x3F9D]  }
0x30: {  	s3 =	sld [smem:$0x3FA0]  }
0x31: {  	[smem:$0x3FA9] =	sst s10  }
0x32: {  	s10 =	sld [smem:$0x3FA7];
	_ =	sdelay $0x3  }
0x33: {  	p0 =	seq.s32 s10, $0x1;
	s10 =	sld [smem:$0x3FA9];
	_ =	sdelay $0x3  }
0x34: {  	[smem:$0x3FA9] =	sst s10  }
0x35: {  	s10 =	sld [smem:$0x3FA8];
	_ =	sdelay $0x3  }
0x36: {  	p1 =	seq.s32 s10, $0x1;
	s10 =	sld [smem:$0x3FA9];
	_ =	sdelay $0x3  }
0x37: {  	[smem:$0x3FA9] =	sst s10  }
0x38: {  	s10 =	sld [smem:$0x3FAA]  }
0x39: {  	_ = 	snop;
	(pc) =	sbr.ind lr, $3  }
0x3a: {  	_ = 	snop  }
0x3b: {  	_ = 	snop  }
0x3c: {  	p2 =	seq.s32 s10, $0x1;
	s10 =	sld [smem:$0x3FA9]  }
0x3d: {  	_ =	shalt  }
0x3e: {  	_ =	shalt  }
0x3f: {  	_ =	shalt  }
0x40: {  	_ =	shalt  }
0x41: {  	_ =	shalt  }
0x42: {  	_ =	shalt  }
0x43: {  	_ =	shalt  }
0x44: {  	_ =	shalt  }
0x45: {  	_ =	shalt  }
0x46: {  	_ =	shalt  }
0x47: {  	_ =	shalt  }
0x48: {  	_ =	shalt  }
0x49: {  	_ =	shalt  }
0x4a: {  	_ =	shalt  }
0x4b: {  	_ =	shalt  }
0x4c: {  	_ =	shalt  }
0x4d: {  	_ =	shalt  }
0x4e: {  	_ =	shalt  }
0x4f: {  	_ =	shalt  }
0x50: {  	_ =	shalt  }
0x51: {  	_ =	shalt  }
0x52: {  	_ =	shalt  }
0x53: {  	_ =	shalt  }
0x54: {  	_ =	shalt  }
0x55: {  	_ =	shalt  }
0x56: {  	_ =	shalt  }
0x57: {  	_ =	shalt  }
0x58: {  	_ =	shalt  }
0x59: {  	_ =	shalt  }
0x5a: {  	_ =	shalt  }
0x5b: {  	_ =	shalt  }
0x5c: {  	_ =	shalt  }
0x5d: {  	_ =	shalt  }
0x5e: {  	_ =	shalt  }
0x5f: {  	_ =	shalt  }
0x60: {  	_ =	shalt  }
0x61: {  	_ =	shalt  }
0x62: {  	_ =	shalt  }
0x63: {  	_ =	shalt  }
0x64: {  	_ =	shalt  }
0x65: {  	_ =	shalt  }
0x66: {  	_ =	shalt  }
0x67: {  	_ =	shalt  }
0x68: {  	_ =	shalt  }
0x69: {  	_ =	shalt  }
0x6a: {  	_ =	shalt  }
0x6b: {  	_ =	shalt  }
0x6c: {  	_ =	shalt  }
0x6d: {  	_ =	shalt  }
0x6e: {  	_ =	shalt  }
0x6f: {  	_ =	shalt  }
0x70: {  	_ =	shalt  }
0x71: {  	_ =	shalt  }
0x72: {  	_ =	shalt  }
0x73: {  	_ =	shalt  }
0x74: {  	_ =	shalt  }
0x75: {  	_ =	shalt  }
0x76: {  	_ =	shalt  }
0x77: {  	_ =	shalt  }
0x78: {  	_ =	shalt  }
0x79: {  	_ =	shalt  }
0x7a: {  	_ =	shalt  }
0x7b: {  	_ =	shalt  }
0x7c: {  	_ =	shalt  }
0x7d: {  	_ =	shalt  }
0x7e: {  	_ =	shalt  }
0x7f: {  	_ =	shalt  }
0x80: {  	_ =	shalt  }
0x81: {  	_ =	shalt  }
0x82: {  	_ =	shalt  }
0x83: {  	_ =	shalt  }
0x84: {  	_ =	shalt  }
0x85: {  	_ =	shalt  }
0x86: {  	_ =	shalt  }
0x87: {  	_ =	shalt  }
.Lfunc_end0:
.L_simem_size_0:
called_computation.1_lowered:
.L_overlay_start_0:
0x88: {  	s2 =	sld [smem:$0x3FD9]  }
0x89: {  	s3 =	sld [smem:$0x3FFE];
	_ =	sdelay $0x1  }
0x8a: {  	s1 =	srdreg.scid  }
0x8b: {  	s0 =	sand.u32 $0x1, s1  }
0x8c: {  	s17 =	sshll.u32 s0, $0xA;
	s2 =	sadd.s32 s3, s2  }
0x8d: {  	s2 =	sadd.s32 s2, s17  }
0x8e: {  	[smem:$0x3FB5] =	sst s2  }
0x8f: {  	_ = 	snop  }
0x90: {  	s2 =	sld [smem:$0x3FD0];
	(tm) =	ssettm $0x1  }
0x91: {  	s18 =	sld [smem:$0x3FFB];
	_ =	sdelay $0x3  }
0x92: {  	_ =	strace s18  }
0x93: {  	s3 =	sld [smem:$0x3FFC];
	_ =	sdelay $0x3  }
0x94: {  	_ =	strace s3  }
0x95: {  	s3 =	sld [smem:$0x3FFD];
	_ =	sdelay $0x3  }
0x96: {  	_ =	strace s3  }
0x97: {  	_ =	strace $0x8FFFFFFF  }
0x98: {  	s19 =	sld [smem:$0x3FDB];
	_ =	sdelay $0x1  }
0x99: {  	s4 =	simm.s32 $_scs_section_size  }
0x9a: {  	s5 =	simm.s32 $_size__tile_overlayer_lowered;
	s6 =	simm.s32 $_tile_overlayer_lowered  }
0x9b: {  	s22 =	simm.s32 $0x1BFF;
	s21 =	sshll.u32 s6, $0x1;
	s3 =	sadd.s32 s4, s19  }
0x9c: {  	s7 =	simm.s32 $0x0;
	s20 =	sshll.u32 s5, $0x1;
	s5 =	sadd.s32 s21, s3  }
0x9d: {  	[timem:s7], [sflag:s22] =	dma.local [hbm:s5], s20  }
0x9e: {  	_ =	swait.ge [sflag:s22], s20  }
0x9f: {  	s4 =	ssub.s32 $0x0, s20;
	[sflag:s22] =	ssyncset.done $0x0  }
0xa0: {  	[sflag:s22] =	ssyncadd.s32 s4;
	_ =	sdelay $0x1  }
0xa1: {  	s23 =	simm.s32 $0x1B8B  }
0xa2: {  	_ =	swait.ge [sflag:s23], $0x1  }
0xa3: {  	[sflag:s23] =	ssyncset.done $0x0  }
0xa4: {  	s25 =	simm.s32 $0x1B8E;
	s24 =	sld [smem:$0x3FFE];
	[sflag:s23] =	ssyncadd.s32 $0xFFFFFFFF  }
0xa5: {  	s26 =	simm.s32 $execute0_lowered;
	[smem:$0x3FD2] =	sst s25  }
0xa6: {  	s5 =	sshll.u32 s26, $0x1;
	_ =	strace $0x80000046;
	[dreg:$0x1] =	wrdreg $0xFFFFFFFF  }
0xa7: {  	s28 =	simm.s32 $_size_execute0_lowered;
	s3 =	sadd.s32 s3, s5;
	[dreg:$0x0] =	wrdreg $0x0  }
0xa8: {  	s5 =	sshll.u32 s28, $0x1;
	[dreg:$0x2] =	wrdreg s3  }
0xa9: {  	[dreg:$0x3] =	wrdreg s5  }
0xaa: {  	[dreg:$0x4] =	wrdreg $0xC0  }
0xab: {  	_ =	task [dreg:s7], $0x5FFFF  }
0xac: {  	[dreg:$0x1] =	wrdreg $0xFFFFFFFF  }
0xad: {  	[dreg:$0x0] =	wrdreg $0x60  }
0xae: {  	[dreg:$0x2] =	wrdreg s24  }
0xaf: {  	[dreg:$0x3] =	wrdreg s2  }
0xb0: {  	[dreg:$0x4] =	wrdreg $0x0  }
0xb1: {  	[dreg:$0x5] =	wrdreg $0xA  }
0xb2: {  	_ =	task.clear_ibuf [dreg:s7], $0x6FFFF;
	_ =	strace $0x90000046  }
0xb3: {  	s29 =	simm.s32 $0xA;
	_ =	strace $0x80000048  }
0xb4: {  	_ =	swait.ge [sflag:s29], $0x1  }
0xb5: {  	[sflag:s29] =	ssyncadd.s32 $0xFFFFFFFF  }
0xb6: {  	_ =	strace $0x90000048  }
0xb7: {  	_ =	sfence  }
0xb8: {  	s30 =	sld [smem:$0x0];
	_ =	sdelay $0x2  }
0xb9: {  	s31 =	sshll.u32 s1, $0xD;
	s1 =	sshrl.u32 s1, $0x2  }
0xba: {  	s3 =	sand.u32 $0x4000, s31;
	s1 =	sadd.s32 s1, s30  }
0xbb: {  	s0 =	sor.u32 s3, s0;
	s1 =	sshll.u32 s1, $0x11  }
0xbc: {  	s0 =	sor.u32 s1, s0  }
0xbd: {  	s0 =	sadd.s32 $0x8F2B, s0  }
0xbe: {  	[sflag:s0] =	ssyncadd.remote.s32 $0x1  }
0xbf: {  	_ =	sfence.sel $0xFFFF  }
0xc0: {  	[dreg:$0x0] =	wrdreg $0xFFFFFFFF;
	(pc) =	sbr.abs _section_cstart, $3  }
0xc1: {  	[dreg:$0x1] =	wrdreg $0xFFFFFFFF  }
0xc2: {  	_ =	task.clear_ibuf [dreg:s7], $0x2FFFF;
	_ =	strace $0x9FFFFFFF  }
0xc3: {  	(tm) =	ssettm $0x7FFFFFFF  }
tec
execute0_lowered:
.L_overlay_start_1:
0x0: {  	(tag) =	ssettag $0x1  }
0x1: {  	s0 =	rddreg [dreg:$0x0]  }
0x2: {  	s5 =	rddreg [dreg:$0x1]  }
0x3: {  	s1 =	rddreg [dreg:$0x2];
	s28 =	simm.s32 $0x1C600  }
0x4: {  	s2 =	simm.s32 $0x0;
	s3 =	sadd.s32 $0x1FF600, s0;
	s4 =	sadd.s32 $0x19DA00, s0  }
0x5: {  	s25 =	stileid.u32;
	s7 =	sadd.s32 $0x2E2A00, s0;
	s8 =	sadd.s32 $0x2D0400, s0  }
0x6: {  	s12 =	srdreg.scid;
	s9 =	sadd.s32 $0x2BDE00, s0;
	s10 =	sadd.s32 $0x2AB800, s0  }
0x7: {  	[smem:$0x7FF] =	sst s2;
	s11 =	smul.u32 $0x1260, s25;
	s13 =	sadd.s32 $0x299200, s0  }
0x8: {  	s6 =	sadd.s32 $0x2F5000, s0;
	s14 =	smul.u32 $0x6400, s25;
	s17 =	sadd.s32 $0x261200, s0  }
0x9: {  	s16 =	smul.u32 $0x9300, s25;
	_ =	strace $0x80000047;
	[dreg:$0x4] =	wrdreg s17  }
0xa: {  	s22 =	sadd.s32 s11, s0;
	s0 =	sadd.s32 s14, s0;
	s5 =	sadd.s32 s5, s14  }
0xb: {  	s17 =	sshrl.u32 s16, $0x3;
	s14 =	sadd.s32 s11, s7;
	[dreg:$0x6] =	wrdreg s5  }
0xc: {  	s29 =	simm.s32 $0x80;
	s16 =	sadd.s32 s7, s17;
	[dreg:$0xc] =	wrdreg s14  }
0xd: {  	s31 =	simm.s32 $0x1A600;
	s19 =	sadd.s32 s6, s17;
	[dreg:$0x5] =	wrdreg s16  }
0xe: {  	s12 =	sand.u32 $0x1, s12;
	s20 =	sadd.s32 s8, s17;
	[dreg:$0x7] =	wrdreg s19  }
0xf: {  	s15 =	ssub.s32 $0x2, s12;
	s21 =	sadd.s32 s9, s17;
	[dreg:$0x8] =	wrdreg s20  }
0x10: {  	s30 =	sshrl.u32 s15, $0x1;
	s26 =	sadd.s32 s10, s17;
	[dreg:$0x9] =	wrdreg s21  }
0x11: {  	s23 =	ssub.s32 s15, s30;
	s30 =	sadd.s32 s13, s17;
	[dreg:$0xa] =	wrdreg s26  }
0x12: {  	s18 =	smul.u32 $0x64000, s25;
	s9 =	sadd.s32 s11, s9;
	[dreg:$0xb] =	wrdreg s30  }
0x13: {  	p0 =	sne.s32 s12, $0x0;
	s12 =	sadd.s32 $0x36B600, s0;
	[dreg:$0xd] =	wrdreg s9  }
0x14: {  	s15 =	sadd.s32 s11, s13;
	s13 =	sadd.s32 $0x36B604, s0;
	[dreg:$0x13] =	wrdreg s12  }
0x15: {  	s24 =	sshrl.u32 s18, $0x2;
	s18 =	sadd.s32 $0x307600, s0;
	[dreg:$0x14] =	wrdreg s13  }
0x16: {  	s17 =	sadd.s32 s11, s10;
	s0 =	sadd.s32 $0x307604, s0;
	[dreg:$0x15] =	wrdreg s18  }
0x17: {  	s5 =	sadd.s32 $0x4, s5;
	s7 =	simm.s32 $0x19480;
	[dreg:$0x16] =	wrdreg s0  }
0x18: {  	s10 =	simm.s32 $0x1E600;
	s19 =	sadd.s32 s11, s6;
	[dreg:$0x1c] =	wrdreg s5  }
0x19: {  	s16 =	sadd.s32 s11, s8;
	s20 =	sadd.s32 $0x286C00, s22;
	[dreg:$0xe] =	wrdreg s15  }
0x1a: {  	s21 =	sadd.s32 $0x274600, s22;
	s23 =	smax.u32 s23, $0x1;
	[dreg:$0x11] =	wrdreg s17  }
0x1b: {  	s22 =	sadd.s32 $0x262000, s22;
	s11 =	sadd.s32 s24, s1;
	[dreg:$0x17] =	wrdreg s23  }
0x1c: {  	s30 =	sshll.u32 s25, $0x6;
	s12 =	simm.s32 $0x6;
	[dreg:$0x12] =	wrdreg s11  }
0x1d: {  	s25 =	simm.s32 $0x19600;
	s8 =	simm.s32 $0x1;
	[dreg:$0x1a] =	wrdreg s30  }
0x1e: {  	s5 =	simm.s32 $0x19400;
	s13 =	simm.s32 $0x19500;
	[dreg:$0xf] =	wrdreg s19  }
0x1f: {  	s9 =	simm.s32 $0x19580;
	s24 =	sadd.s32 $0x6400, s11;
	[dreg:$0x10] =	wrdreg s16  }
.Ltmp0:
0x20: {  	s26 =	sadd.s32 $0xC800, s11;
	[dreg:$0x18] =	wrdreg s24;
	(pc) =	sbr.rel .LBB2_1-.Ltmp0, $4  }
0x21: {  	s18 =	simm.s32 $0x0;
	s6 =	sadd.s32 $0x12C00, s11;
	[dreg:$0x19] =	wrdreg s26  }
0x22: {  	s0 =	sor.u32 $0x1C05, s30;
	s11 =	simm.s32 $0x19300;
	[dreg:$0x1b] =	wrdreg s6  }
0x23: {  	s23 =	simm.s32 $0x1B600;
	[dreg:$0x1d] =	wrdreg s0;
	s24 =	simm.s32 $0x180  }
0x24: {  	s26 =	simm.s32 $0x19180;
	s0 =	simm.s32 $0x2;
	s6 =	simm.s32 $0x1D600  }
.LBB2_15:
0x25: {  	s14 =	rddreg [dreg:$0x16]  }
0x26: {  	s19 =	rddreg [dreg:$0xf]  }
0x27: {  	s18 =	rddreg [dreg:$0x1e];
	s14 =	smov.u32 @p1 s14  }
.LBB2_16:
0x28: {  	s15 =	simm.s32 $0x3  }
0x29: {  	_ =	swait.ge [sflag:s15], $0x1000  }
0x2a: {  	[sflag:s15] =	ssyncset.done $0x0  }
0x2b: {  	[sflag:s15] =	ssyncadd.s32 $0xFFFFF000  }
0x2c: {  	_ =	swait.ge [sflag:s15], $0x1000  }
0x2d: {  	[sflag:s15] =	ssyncset.done $0x0  }
0x2e: {  	[sflag:s15] =	ssyncadd.s32 $0xFFFFF000  }
0x2f: {  	_ =	swait.ge [sflag:s15], $0x1000  }
0x30: {  	[sflag:s15] =	ssyncset.done $0x0  }
0x31: {  	s16 =	simm.s32 $0x4;
	[sflag:s15] =	ssyncadd.s32 $0xFFFFF000  }
0x32: {  	_ =	swait.ge [sflag:s16], $0x1000  }
0x33: {  	[sflag:s16] =	ssyncset.done $0x0  }
0x34: {  	[sflag:s16] =	ssyncadd.s32 $0xFFFFF000  }
0x35: {  	_ =	swait.ge [sflag:s16], $0x1000  }
0x36: {  	[sflag:s16] =	ssyncset.done $0x0  }
0x37: {  	[sflag:s16] =	ssyncadd.s32 $0xFFFFF000  }
0x38: {  	_ =	swait.ge [sflag:s16], $0x1000  }
0x39: {  	[sflag:s16] =	ssyncset.done $0x0  }
0x3a: {  	[sflag:s16] =	ssyncadd.s32 $0xFFFFF000  }
0x3b: {  	[bflag:$0x0] =	sbarrier.arrive $0xFFFF  }
0x3c: {  	s17 =	rddreg [dreg:$0x1a]  }
0x3d: {  	s30 =	rddreg [dreg:$0x1f];
	s15 =	sor.u32 $0x1C06, s17;
	s17 =	simm.s32 $0x8  }
0x3e: {  	[hbm:s14@s17], [sflag:s15] =	dma.strided [spmem:s30@s16], $0x3200, s8, $0x4   }
0x3f: {  	_ =	swait.ge [sflag:s12], $0x3200  }
0x40: {  	s18 =	sadd.s32 $0x1, s18;
	s30 =	rddreg [dreg:$0x17]  }
0x41: {  	p1 =	sne.s32 s18, s30  }
.Ltmp1:
0x42: {  	_ = 	snop;
	(pc) =	sbr.rel @!p1 .LBB2_17-.Ltmp1, $3  }
0x43: {  	_ =	sdelay $0x1  }
0x44: {  	[sflag:s12] =	ssyncset.done $0x0  }
0x45: {  	[sflag:s12] =	ssyncadd.s32 $0xFFFFCE00  }
.LBB2_1:
0x46: {  	[dreg:$0x1e] =	wrdreg s18  }
0x47: {  	s14 =	rddreg [dreg:$0x12]  }
0x48: {  	s18 =	rddreg [dreg:$0x4]  }
0x49: {  	s16 =	rddreg [dreg:$0x1d];
	s15 =	sshrl.u32 s14, $0x3  }
0x4a: {  	[dreg:$0x1f] =	wrdreg s15  }
0x4b: {  	[spmem:s15], [sflag:s16] =	dma.local [hbm:s18], $0xC80  }
0x4c: {  	s15 =	rddreg [dreg:$0x18]  }
0x4d: {  	s15 =	sshrl.u32 s15, $0x3  }
0x4e: {  	[smem:$0x7FB] =	sst s15  }
0x4f: {  	[spmem:s15], [sflag:s16] =	dma.local [hbm:s18], $0xC80  }
0x50: {  	s15 =	rddreg [dreg:$0x19]  }
0x51: {  	s15 =	sshrl.u32 s15, $0x3  }
0x52: {  	[smem:$0x7FC] =	sst s15  }
0x53: {  	[spmem:s15], [sflag:s16] =	dma.local [hbm:s18], $0xC80  }
0x54: {  	s15 =	rddreg [dreg:$0x1b]  }
0x55: {  	s15 =	sshrl.u32 s15, $0x3  }
0x56: {  	s30 =	simm.s32 $0x5;
	[smem:$0x7FD] =	sst s15  }
0x57: {  	[spmem:s15], [sflag:s16] =	dma.local [hbm:s18], $0xC80  }
0x58: {  	_ =	swait.ge [sflag:s30], $0xC80  }
0x59: {  	[sflag:s30] =	ssyncset.done $0x0  }
0x5a: {  	[sflag:s30] =	ssyncadd.s32 $0xFFFFF380  }
0x5b: {  	_ =	swait.ge [sflag:s30], $0xC80  }
0x5c: {  	[sflag:s30] =	ssyncset.done $0x0  }
0x5d: {  	[sflag:s30] =	ssyncadd.s32 $0xFFFFF380  }
0x5e: {  	_ =	swait.ge [sflag:s30], $0xC80  }
0x5f: {  	[sflag:s30] =	ssyncset.done $0x0  }
0x60: {  	[sflag:s30] =	ssyncadd.s32 $0xFFFFF380  }
0x61: {  	_ =	swait.ge [sflag:s30], $0xC80  }
0x62: {  	[sflag:s30] =	ssyncset.done $0x0  }
0x63: {  	[sflag:s30] =	ssyncadd.s32 $0xFFFFF380  }
.Ltmp2:
0x64: {  	[bflag:$0x0] =	sbarrier.arrive $0xFFFF;
	(pc) =	sbr.rel @p0 .LBB2_9-.Ltmp2, $4  }
0x65: {  	[tilespmem:s11], [sflag:$0x6] =	stream.linear.gather [hbm4b:s20+s2], $0x180, $0x38;
	[tilespmem:$0x1F600] =	vst v63  }
0x66: {  	_ =	swait.ge [sflag:s12], $0x180  }
0x67: {  	[sflag:s12] =	ssyncset.done $0x0  }
0x68: {  	s14 =	simm.s32 $0x0;
	[sflag:s12] =	ssyncadd.s32 $0xFFFFFE80  }
0x69: {  	s15 =	rddreg [dreg:$0x7];
	s16 =	simm.s32 $0x19000  }
0x6a: {  	[tilespmem:s16], [sflag:$0x6] =	stream.linear.gather [hbm4b:s15+s14], $0x180, $0x38;
	[tilespmem:$0x1F600] =	vst v63  }
0x6b: {  	_ =	swait.ge [sflag:s12], $0x180  }
0x6c: {  	[sflag:s12] =	ssyncset.done $0x0  }
0x6d: {  	s30 =	simm.s32 $0x19380;
	[sflag:s12] =	ssyncadd.s32 $0xFFFFFE80  }
0x6e: {  	[tilespmem:s25], [sflag:$0x1] =	stream.indirect.gather [hbm4b:s3+s24], $0x20, s16, s24, $0xb8;
	[tilespmem:$0x1F600] =	vst v63  }
.LBB2_3:
0x6f: {  	p1 =	seq.s32 s14, $0x0  }
0x70: {  	s15 =	simm.s32 @!p1 $0x4  }
0x71: {  	_ =	swait.ge @!p1 [sflag:s15], $0x1000  }
0x72: {  	[sflag:s15] =	ssyncset.done @!p1 $0x0  }
0x73: {  	[sflag:s15] =	ssyncadd.s32 @!p1 $0xFFFFF000  }
0x74: {  	_ =	swait.ge @!p1 [sflag:s15], $0x1000  }
0x75: {  	[sflag:s15] =	ssyncset.done @!p1 $0x0  }
0x76: {  	[sflag:s15] =	ssyncadd.s32 @!p1 $0xFFFFF000  }
0x77: {  	_ =	swait.ge @!p1 [sflag:s15], $0x1000  }
0x78: {  	s16 =	sadd.s32 s14, s20;
	[sflag:s15] =	ssyncset.done @!p1 $0x0  }
0x79: {  	s17 =	sadd.s32 $0x30, s16;
	[sflag:s15] =	ssyncadd.s32 @!p1 $0xFFFFF000  }
0x7a: {  	[tilespmem:s7], [sflag:$0x6] =	stream.linear.gather [hbm4b:s17+s2], $0x180, $0x38;
	[tilespmem:$0x1F600] =	vst v63  }
0x7b: {  	_ =	swait.ge [sflag:s12], $0x180  }
0x7c: {  	s18 =	sadd.s32 s14, s19;
	[sflag:s12] =	ssyncset.done $0x0  }
0x7d: {  	s15 =	sadd.s32 $0x30, s18;
	[sflag:s12] =	ssyncadd.s32 $0xFFFFFE80  }
0x7e: {  	[tilespmem:s26], [sflag:$0x6] =	stream.linear.gather [hbm4b:s15+s2], $0x180, $0x38;
	[tilespmem:$0x1F600] =	vst v63  }
0x7f: {  	_ =	swait.ge [sflag:s12], $0x180  }
0x80: {  	[sflag:s12] =	ssyncset.done $0x0  }
0x81: {  	[sflag:s12] =	ssyncadd.s32 $0xFFFFFE80  }
0x82: {  	[tilespmem:s28], [sflag:$0x2] =	stream.indirect.gather [hbm4b:s3+s24], $0x20, s26, s24, $0xb8;
	[tilespmem:$0x1F600] =	vst v63  }
0x83: {  	_ =	swait.ge [sflag:s8], $0x3000  }
0x84: {  	[sflag:s8] =	ssyncset.done $0x0  }
0x85: {  	[sflag:s8] =	ssyncadd.s32 $0xFFFFD000  }
0x86: {  	[spmem:s1] =	stream.indirect.scatter.add.bf16 [tilespmem:s25], [sflag:$0x3], $0x20, s11, s29, $0xb8;
	[tilespmem:$0x1F600] =	vst v63  }
0x87: {  	_ = 	snop  }
0x88: {  	[spmem:s1] =	stream.indirect.scatter.add.bf16 [tilespmem:s31], [sflag:$0x3], $0x20, s30, s29, $0xb8;
	[tilespmem:$0x1F600] =	vst v63  }
0x89: {  	_ = 	snop  }
0x8a: {  	[spmem:s1] =	stream.indirect.scatter.add.bf16 [tilespmem:s23], [sflag:$0x3], $0x20, s5, s29, $0xb8;
	[tilespmem:$0x1F600] =	vst v63  }
0x8b: {  	_ =	swait.ge [sflag:s0], $0x3000  }
0x8c: {  	[sflag:s0] =	ssyncset.done $0x0  }
0x8d: {  	[sflag:s0] =	ssyncadd.s32 $0xFFFFD000  }
0x8e: {  	[spmem:s1] =	stream.indirect.scatter.add.bf16 [tilespmem:s28], [sflag:$0x4], $0x20, s7, s29, $0xb8;
	[tilespmem:$0x1F600] =	vst v63  }
0x8f: {  	p1 =	seq.s32 s14, $0x1200  }
0x90: {  	[spmem:s1] =	stream.indirect.scatter.add.bf16 [tilespmem:s6], [sflag:$0x4], $0x20, s13, s29, $0xb8;
	[tilespmem:$0x1F600] =	vst v63  }
0x91: {  	s15 =	simm.s32 @!p1 $0x3  }
0x92: {  	[spmem:s1] =	stream.indirect.scatter.add.bf16 [tilespmem:s10], [sflag:$0x4], $0x20, s9, s29, $0xb8;
	[tilespmem:$0x1F600] =	vst v63  }
0x93: {  	_ =	swait.ge @!p1 [sflag:s15], $0x1000  }
0x94: {  	[sflag:s15] =	ssyncset.done @!p1 $0x0  }
0x95: {  	[sflag:s15] =	ssyncadd.s32 @!p1 $0xFFFFF000  }
0x96: {  	_ =	swait.ge @!p1 [sflag:s15], $0x1000  }
0x97: {  	[sflag:s15] =	ssyncset.done @!p1 $0x0  }
0x98: {  	[sflag:s15] =	ssyncadd.s32 @!p1 $0xFFFFF000  }
0x99: {  	_ =	swait.ge @!p1 [sflag:s15], $0x1000  }
0x9a: {  	[sflag:s15] =	ssyncset.done @!p1 $0x0  }
0x9b: {  	[sflag:s15] =	ssyncadd.s32 @!p1 $0xFFFFF000;
	s15 =	sadd.s32 @!p1 s14, s20  }
0x9c: {  	s16 =	simm.s32 @!p1 $0x0;
	s17 =	simm.s32 @!p1 $0x19300;
	s15 =	sadd.s32 @!p1 $0x60, s15  }
0x9d: {  	[tilespmem:s17], [sflag:$0x6] =	stream.linear.gather @!p1 [hbm4b:s15+s16], $0x180, $0x38;
	[tilespmem:$0x1F600] =	vst v63  }
0x9e: {  	s15 =	simm.s32 @!p1 $0x6  }
0x9f: {  	_ =	swait.ge @!p1 [sflag:s15], $0x180  }
0xa0: {  	s17 =	sadd.s32 @!p1 s14, s19;
	[sflag:s15] =	ssyncset.done @!p1 $0x0  }
0xa1: {  	s18 =	simm.s32 @!p1 $0x19000;
	s17 =	sadd.s32 @!p1 $0x60, s17;
	[sflag:s15] =	ssyncadd.s32 @!p1 $0xFFFFFE80  }
0xa2: {  	[tilespmem:s18], [sflag:$0x6] =	stream.linear.gather @!p1 [hbm4b:s17+s16], $0x180, $0x38;
	[tilespmem:$0x1F600] =	vst v63  }
0xa3: {  	s14 =	sadd.s32 @!p1 $0x60, s14;
	_ =	swait.ge @!p1 [sflag:s15], $0x180  }
0xa4: {  	p2 =	sne.s32 @!p1 s14, $0x1260;
	[sflag:s15] =	ssyncset.done @!p1 $0x0  }
0xa5: {  	s16 =	simm.s32 @!p1 $0x19600;
	[sflag:s15] =	ssyncadd.s32 @!p1 $0xFFFFFE80;
	s15 =	simm.s32 @!p1 $0x180  }
0xa6: {  	[tilespmem:s16], [sflag:$0x1] =	stream.indirect.gather @!p1 [hbm4b:s3+s15], $0x20, s18, s15, $0xb8;
	[tilespmem:$0x1F600] =	vst v63  }
0xa7: {  	p1 =	por p1, !p2  }
.Ltmp3:
0xa8: {  	_ = 	snop;
	(pc) =	sbr.rel @!p1 .LBB2_3-.Ltmp3, $1  }
0xa9: {  	_ =	sdelay $0x3  }
0xaa: {  	s5 =	simm.s32 $0x3  }
0xab: {  	_ =	swait.ge [sflag:s5], $0x1000  }
0xac: {  	[sflag:s5] =	ssyncset.done $0x0  }
0xad: {  	[sflag:s5] =	ssyncadd.s32 $0xFFFFF000  }
0xae: {  	_ =	swait.ge [sflag:s5], $0x1000  }
0xaf: {  	[sflag:s5] =	ssyncset.done $0x0  }
0xb0: {  	[sflag:s5] =	ssyncadd.s32 $0xFFFFF000  }
0xb1: {  	_ =	swait.ge [sflag:s5], $0x1000  }
0xb2: {  	[sflag:s5] =	ssyncset.done $0x0  }
0xb3: {  	s13 =	simm.s32 $0x4;
	[sflag:s5] =	ssyncadd.s32 $0xFFFFF000  }
0xb4: {  	_ =	swait.ge [sflag:s13], $0x1000  }
0xb5: {  	[sflag:s13] =	ssyncset.done $0x0  }
0xb6: {  	[sflag:s13] =	ssyncadd.s32 $0xFFFFF000  }
0xb7: {  	_ =	swait.ge [sflag:s13], $0x1000  }
0xb8: {  	[sflag:s13] =	ssyncset.done $0x0  }
0xb9: {  	[sflag:s13] =	ssyncadd.s32 $0xFFFFF000  }
0xba: {  	_ =	swait.ge [sflag:s13], $0x1000  }
0xbb: {  	[sflag:s13] =	ssyncset.done $0x0  }
0xbc: {  	[sflag:s13] =	ssyncadd.s32 $0xFFFFF000  }
0xbd: {  	[bflag:$0x0] =	sbarrier.arrive $0xFFFF  }
0xbe: {  	s14 =	rddreg [dreg:$0x1a]  }
0xbf: {  	s15 =	rddreg [dreg:$0x6]  }
0xc0: {  	s9 =	rddreg [dreg:$0x1f];
	s10 =	sor.u32 $0x1C06, s14  }
0xc1: {  	s6 =	simm.s32 $0x8;
	[smem:$0x7FA] =	sst s10  }
0xc2: {  	[hbm:s15@s6], [sflag:s10] =	dma.strided [spmem:s9@s13], $0x3200, s8, $0x4   }
0xc3: {  	_ =	swait.ge [sflag:s12], $0x3200  }
0xc4: {  	[sflag:s12] =	ssyncset.done $0x0;
	s16 =	rddreg [dreg:$0x4]  }
0xc5: {  	s15 =	rddreg [dreg:$0x1d];
	[sflag:s12] =	ssyncadd.s32 $0xFFFFCE00  }
0xc6: {  	[spmem:s9], [sflag:s15] =	dma.local [hbm:s16], $0xC80  }
0xc7: {  	s17 =	sld [smem:$0x7FB];
	_ =	sdelay $0x2  }
0xc8: {  	[spmem:s17], [sflag:s15] =	dma.local [hbm:s16], $0xC80  }
0xc9: {  	s5 =	sld [smem:$0x7FC];
	_ =	sdelay $0x2  }
0xca: {  	[spmem:s5], [sflag:s15] =	dma.local [hbm:s16], $0xC80  }
0xcb: {  	s5 =	sld [smem:$0x7FD];
	_ =	sdelay $0x1  }
0xcc: {  	s18 =	simm.s32 $0x5  }
0xcd: {  	[spmem:s5], [sflag:s15] =	dma.local [hbm:s16], $0xC80  }
0xce: {  	_ =	swait.ge [sflag:s18], $0xC80  }
0xcf: {  	[sflag:s18] =	ssyncset.done $0x0  }
0xd0: {  	[sflag:s18] =	ssyncadd.s32 $0xFFFFF380  }
0xd1: {  	_ =	swait.ge [sflag:s18], $0xC80  }
0xd2: {  	[sflag:s18] =	ssyncset.done $0x0  }
0xd3: {  	[sflag:s18] =	ssyncadd.s32 $0xFFFFF380  }
0xd4: {  	_ =	swait.ge [sflag:s18], $0xC80  }
0xd5: {  	[sflag:s18] =	ssyncset.done $0x0  }
0xd6: {  	[sflag:s18] =	ssyncadd.s32 $0xFFFFF380  }
0xd7: {  	_ =	swait.ge [sflag:s18], $0xC80  }
0xd8: {  	[sflag:s18] =	ssyncset.done $0x0  }
0xd9: {  	[sflag:s18] =	ssyncadd.s32 $0xFFFFF380  }
0xda: {  	s14 =	simm.s32 $0x0;
	[bflag:$0x0] =	sbarrier.arrive $0xFFFF  }
0xdb: {  	[tilespmem:s11], [sflag:$0x6] =	stream.linear.gather [hbm4b:s21+s14], $0x180, $0x38;
	[tilespmem:$0x1F600] =	vst v63  }
0xdc: {  	s31 =	simm.s32 $0x19380;
	_ =	swait.ge [sflag:s12], $0x180  }
0xdd: {  	s10 =	simm.s32 $0x19580;
	s6 =	simm.s32 $0x19500;
	[sflag:s12] =	ssyncset.done $0x0  }
0xde: {  	s16 =	simm.s32 $0x19000;
	s23 =	rddreg [dreg:$0x8];
	[sflag:s12] =	ssyncadd.s32 $0xFFFFFE80  }
0xdf: {  	[tilespmem:s16], [sflag:$0x6] =	stream.linear.gather [hbm4b:s23+s14], $0x180, $0x38;
	[tilespmem:$0x1F600] =	vst v63  }
0xe0: {  	s13 =	simm.s32 $0x1B600;
	s9 =	simm.s32 $0x1D600;
	_ =	swait.ge [sflag:s12], $0x180  }
0xe1: {  	s5 =	simm.s32 $0x1A600;
	s18 =	simm.s32 $0x1E600;
	[sflag:s12] =	ssyncset.done $0x0  }
0xe2: {  	s11 =	simm.s32 $0x19600;
	s23 =	simm.s32 $0x19400;
	[sflag:s12] =	ssyncadd.s32 $0xFFFFFE80  }
0xe3: {  	[tilespmem:s25], [sflag:$0x1] =	stream.indirect.gather [hbm4b:s3+s24], $0x20, s16, s24, $0xb8;
	[tilespmem:$0x1F600] =	vst v63  }
0xe4: {  	s30 =	rddreg [dreg:$0x10];
	s25 =	simm.s32 $0x180;
	s24 =	simm.s32 $0x19300  }
.LBB2_5:
0xe5: {  	p1 =	seq.s32 s14, $0x0  }
0xe6: {  	s15 =	simm.s32 @!p1 $0x4  }
0xe7: {  	_ =	swait.ge @!p1 [sflag:s15], $0x1000  }
0xe8: {  	[sflag:s15] =	ssyncset.done @!p1 $0x0  }
0xe9: {  	[sflag:s15] =	ssyncadd.s32 @!p1 $0xFFFFF000  }
0xea: {  	_ =	swait.ge @!p1 [sflag:s15], $0x1000  }
0xeb: {  	[sflag:s15] =	ssyncset.done @!p1 $0x0  }
0xec: {  	[sflag:s15] =	ssyncadd.s32 @!p1 $0xFFFFF000  }
0xed: {  	_ =	swait.ge @!p1 [sflag:s15], $0x1000  }
0xee: {  	s16 =	sadd.s32 s14, s21;
	[sflag:s15] =	ssyncset.done @!p1 $0x0  }
0xef: {  	s16 =	sadd.s32 $0x30, s16;
	[sflag:s15] =	ssyncadd.s32 @!p1 $0xFFFFF000  }
0xf0: {  	[tilespmem:s7], [sflag:$0x6] =	stream.linear.gather [hbm4b:s16+s2], $0x180, $0x38;
	[tilespmem:$0x1F600] =	vst v63  }
0xf1: {  	_ =	swait.ge [sflag:s12], $0x180  }
0xf2: {  	s17 =	sadd.s32 s14, s30;
	[sflag:s12] =	ssyncset.done $0x0  }
0xf3: {  	s15 =	sadd.s32 $0x30, s17;
	[sflag:s12] =	ssyncadd.s32 $0xFFFFFE80  }
0xf4: {  	[tilespmem:s26], [sflag:$0x6] =	stream.linear.gather [hbm4b:s15+s2], $0x180, $0x38;
	[tilespmem:$0x1F600] =	vst v63  }
0xf5: {  	_ =	swait.ge [sflag:s12], $0x180  }
0xf6: {  	[sflag:s12] =	ssyncset.done $0x0  }
0xf7: {  	[sflag:s12] =	ssyncadd.s32 $0xFFFFFE80  }
0xf8: {  	[tilespmem:s28], [sflag:$0x2] =	stream.indirect.gather [hbm4b:s3+s25], $0x20, s26, s25, $0xb8;
	[tilespmem:$0x1F600] =	vst v63  }
0xf9: {  	_ =	swait.ge [sflag:s8], $0x3000  }
0xfa: {  	[sflag:s8] =	ssyncset.done $0x0  }
0xfb: {  	[sflag:s8] =	ssyncadd.s32 $0xFFFFD000  }
0xfc: {  	[spmem:s1] =	stream.indirect.scatter.add.bf16 [tilespmem:s11], [sflag:$0x3], $0x20, s24, s29, $0xb8;
	[tilespmem:$0x1F600] =	vst v63  }
0xfd: {  	_ = 	snop  }
0xfe: {  	[spmem:s1] =	stream.indirect.scatter.add.bf16 [tilespmem:s5], [sflag:$0x3], $0x20, s31, s29, $0xb8;
	[tilespmem:$0x1F600] =	vst v63  }
0xff: {  	_ = 	snop  }
0x100: {  	[spmem:s1] =	stream.indirect.scatter.add.bf16 [tilespmem:s13], [sflag:$0x3], $0x20, s23, s29, $0xb8;
	[tilespmem:$0x1F600] =	vst v63  }
0x101: {  	_ =	swait.ge [sflag:s0], $0x3000  }
0x102: {  	[sflag:s0] =	ssyncset.done $0x0  }
0x103: {  	[sflag:s0] =	ssyncadd.s32 $0xFFFFD000  }
0x104: {  	[spmem:s1] =	stream.indirect.scatter.add.bf16 [tilespmem:s28], [sflag:$0x4], $0x20, s7, s29, $0xb8;
	[tilespmem:$0x1F600] =	vst v63  }
0x105: {  	p1 =	seq.s32 s14, $0x1200  }
0x106: {  	[spmem:s1] =	stream.indirect.scatter.add.bf16 [tilespmem:s9], [sflag:$0x4], $0x20, s6, s29, $0xb8;
	[tilespmem:$0x1F600] =	vst v63  }
0x107: {  	s15 =	simm.s32 @!p1 $0x3  }
0x108: {  	[spmem:s1] =	stream.indirect.scatter.add.bf16 [tilespmem:s18], [sflag:$0x4], $0x20, s10, s29, $0xb8;
	[tilespmem:$0x1F600] =	vst v63  }
0x109: {  	_ =	swait.ge @!p1 [sflag:s15], $0x1000  }
0x10a: {  	[sflag:s15] =	ssyncset.done @!p1 $0x0  }
0x10b: {  	[sflag:s15] =	ssyncadd.s32 @!p1 $0xFFFFF000  }
0x10c: {  	_ =	swait.ge @!p1 [sflag:s15], $0x1000  }
0x10d: {  	[sflag:s15] =	ssyncset.done @!p1 $0x0  }
0x10e: {  	[sflag:s15] =	ssyncadd.s32 @!p1 $0xFFFFF000  }
0x10f: {  	_ =	swait.ge @!p1 [sflag:s15], $0x1000  }
0x110: {  	[sflag:s15] =	ssyncset.done @!p1 $0x0  }
0x111: {  	[sflag:s15] =	ssyncadd.s32 @!p1 $0xFFFFF000;
	s15 =	sadd.s32 @!p1 s14, s21  }
0x112: {  	s16 =	simm.s32 @!p1 $0x0;
	s17 =	simm.s32 @!p1 $0x19300;
	s15 =	sadd.s32 @!p1 $0x60, s15  }
0x113: {  	[tilespmem:s17], [sflag:$0x6] =	stream.linear.gather @!p1 [hbm4b:s15+s16], $0x180, $0x38;
	[tilespmem:$0x1F600] =	vst v63  }
0x114: {  	s15 =	simm.s32 @!p1 $0x6  }
0x115: {  	_ =	swait.ge @!p1 [sflag:s15], $0x180  }
0x116: {  	s17 =	sadd.s32 @!p1 s14, s30;
	[sflag:s15] =	ssyncset.done @!p1 $0x0  }
0x117: {  	s18 =	simm.s32 @!p1 $0x19000;
	s17 =	sadd.s32 @!p1 $0x60, s17;
	[sflag:s15] =	ssyncadd.s32 @!p1 $0xFFFFFE80  }
0x118: {  	[tilespmem:s18], [sflag:$0x6] =	stream.linear.gather @!p1 [hbm4b:s17+s16], $0x180, $0x38;
	[tilespmem:$0x1F600] =	vst v63  }
0x119: {  	s14 =	sadd.s32 @!p1 $0x60, s14;
	_ =	swait.ge @!p1 [sflag:s15], $0x180  }
0x11a: {  	p2 =	seq.s32 @!p1 s14, $0x1260;
	[sflag:s15] =	ssyncset.done @!p1 $0x0  }
0x11b: {  	s16 =	simm.s32 @!p1 $0x19600;
	[sflag:s15] =	ssyncadd.s32 @!p1 $0xFFFFFE80;
	s15 =	simm.s32 @!p1 $0x180  }
0x11c: {  	[tilespmem:s16], [sflag:$0x1] =	stream.indirect.gather @!p1 [hbm4b:s3+s15], $0x20, s18, s15, $0xb8;
	[tilespmem:$0x1F600] =	vst v63  }
0x11d: {  	p1 =	por p1, p2  }
.Ltmp4:
0x11e: {  	_ = 	snop;
	(pc) =	sbr.rel @!p1 .LBB2_5-.Ltmp4, $2  }
0x11f: {  	_ =	sdelay $0x2  }
0x120: {  	s18 =	simm.s32 $0x1E600  }
0x121: {  	s14 =	simm.s32 $0x3  }
0x122: {  	_ =	swait.ge [sflag:s14], $0x1000  }
0x123: {  	[sflag:s14] =	ssyncset.done $0x0  }
0x124: {  	[sflag:s14] =	ssyncadd.s32 $0xFFFFF000  }
0x125: {  	_ =	swait.ge [sflag:s14], $0x1000  }
0x126: {  	[sflag:s14] =	ssyncset.done $0x0  }
0x127: {  	[sflag:s14] =	ssyncadd.s32 $0xFFFFF000  }
0x128: {  	_ =	swait.ge [sflag:s14], $0x1000  }
0x129: {  	[sflag:s14] =	ssyncset.done $0x0  }
0x12a: {  	s15 =	simm.s32 $0x4;
	[sflag:s14] =	ssyncadd.s32 $0xFFFFF000  }
0x12b: {  	_ =	swait.ge [sflag:s15], $0x1000  }
0x12c: {  	[sflag:s15] =	ssyncset.done $0x0  }
0x12d: {  	[sflag:s15] =	ssyncadd.s32 $0xFFFFF000  }
0x12e: {  	_ =	swait.ge [sflag:s15], $0x1000  }
0x12f: {  	[sflag:s15] =	ssyncset.done $0x0  }
0x130: {  	[sflag:s15] =	ssyncadd.s32 $0xFFFFF000  }
0x131: {  	_ =	swait.ge [sflag:s15], $0x1000  }
0x132: {  	[sflag:s15] =	ssyncset.done $0x0  }
0x133: {  	[sflag:s15] =	ssyncadd.s32 $0xFFFFF000  }
0x134: {  	[bflag:$0x0] =	sbarrier.arrive $0xFFFF  }
0x135: {  	s30 =	sld [smem:$0x7FA]  }
0x136: {  	s14 =	rddreg [dreg:$0x13]  }
0x137: {  	s16 =	simm.s32 $0x8;
	s17 =	rddreg [dreg:$0x1f]  }
0x138: {  	[hbm:s14@s16], [sflag:s30] =	dma.strided [spmem:s17@s15], $0x3200, s8, $0x4   }
0x139: {  	_ =	swait.ge [sflag:s12], $0x3200  }
0x13a: {  	[sflag:s12] =	ssyncset.done $0x0;
	s14 =	rddreg [dreg:$0x4]  }
0x13b: {  	s15 =	rddreg [dreg:$0x1d];
	[sflag:s12] =	ssyncadd.s32 $0xFFFFCE00  }
0x13c: {  	[spmem:s17], [sflag:s15] =	dma.local [hbm:s14], $0xC80  }
0x13d: {  	s17 =	sld [smem:$0x7FB];
	_ =	sdelay $0x2  }
0x13e: {  	[spmem:s17], [sflag:s15] =	dma.local [hbm:s14], $0xC80  }
0x13f: {  	s16 =	sld [smem:$0x7FC];
	_ =	sdelay $0x2  }
0x140: {  	[spmem:s16], [sflag:s15] =	dma.local [hbm:s14], $0xC80  }
0x141: {  	s16 =	sld [smem:$0x7FD];
	_ =	sdelay $0x2  }
0x142: {  	[spmem:s16], [sflag:s15] =	dma.local [hbm:s14], $0xC80  }
0x143: {  	s15 =	simm.s32 $0x5  }
0x144: {  	_ =	swait.ge [sflag:s15], $0xC80  }
0x145: {  	[sflag:s15] =	ssyncset.done $0x0  }
0x146: {  	[sflag:s15] =	ssyncadd.s32 $0xFFFFF380  }
0x147: {  	_ =	swait.ge [sflag:s15], $0xC80  }
0x148: {  	[sflag:s15] =	ssyncset.done $0x0  }
0x149: {  	[sflag:s15] =	ssyncadd.s32 $0xFFFFF380  }
0x14a: {  	_ =	swait.ge [sflag:s15], $0xC80  }
0x14b: {  	[sflag:s15] =	ssyncset.done $0x0  }
0x14c: {  	[sflag:s15] =	ssyncadd.s32 $0xFFFFF380  }
0x14d: {  	_ =	swait.ge [sflag:s15], $0xC80  }
0x14e: {  	[sflag:s15] =	ssyncset.done $0x0  }
0x14f: {  	[sflag:s15] =	ssyncadd.s32 $0xFFFFF380  }
0x150: {  	s14 =	simm.s32 $0x0;
	[bflag:$0x0] =	sbarrier.arrive $0xFFFF  }
0x151: {  	[tilespmem:s24], [sflag:$0x6] =	stream.linear.gather [hbm4b:s22+s14], $0x180, $0x38;
	[tilespmem:$0x1F600] =	vst v63  }
0x152: {  	_ =	swait.ge [sflag:s12], $0x180  }
0x153: {  	[sflag:s12] =	ssyncset.done $0x0  }
0x154: {  	s17 =	simm.s32 $0x19000;
	s16 =	rddreg [dreg:$0xa];
	[sflag:s12] =	ssyncadd.s32 $0xFFFFFE80  }
0x155: {  	[tilespmem:s17], [sflag:$0x6] =	stream.linear.gather [hbm4b:s16+s14], $0x180, $0x38;
	[tilespmem:$0x1F600] =	vst v63  }
0x156: {  	_ =	swait.ge [sflag:s12], $0x180  }
0x157: {  	[sflag:s12] =	ssyncset.done $0x0  }
0x158: {  	s30 =	rddreg [dreg:$0x11];
	[sflag:s12] =	ssyncadd.s32 $0xFFFFFE80  }
0x159: {  	[tilespmem:s11], [sflag:$0x1] =	stream.indirect.gather [hbm4b:s4+s25], $0x20, s17, s25, $0xb8;
	[tilespmem:$0x1F600] =	vst v63  }
.LBB2_7:
0x15a: {  	p1 =	seq.s32 s14, $0x0  }
0x15b: {  	s15 =	simm.s32 @!p1 $0x4  }
0x15c: {  	_ =	swait.ge @!p1 [sflag:s15], $0x1000  }
0x15d: {  	[sflag:s15] =	ssyncset.done @!p1 $0x0  }
0x15e: {  	[sflag:s15] =	ssyncadd.s32 @!p1 $0xFFFFF000  }
0x15f: {  	_ =	swait.ge @!p1 [sflag:s15], $0x1000  }
0x160: {  	[sflag:s15] =	ssyncset.done @!p1 $0x0  }
0x161: {  	[sflag:s15] =	ssyncadd.s32 @!p1 $0xFFFFF000  }
0x162: {  	_ =	swait.ge @!p1 [sflag:s15], $0x1000  }
0x163: {  	s16 =	sadd.s32 s14, s22;
	[sflag:s15] =	ssyncset.done @!p1 $0x0  }
0x164: {  	s16 =	sadd.s32 $0x30, s16;
	[sflag:s15] =	ssyncadd.s32 @!p1 $0xFFFFF000  }
0x165: {  	[tilespmem:s7], [sflag:$0x6] =	stream.linear.gather [hbm4b:s16+s2], $0x180, $0x38;
	[tilespmem:$0x1F600] =	vst v63  }
0x166: {  	_ =	swait.ge [sflag:s12], $0x180  }
0x167: {  	s17 =	sadd.s32 s14, s30;
	[sflag:s12] =	ssyncset.done $0x0  }
0x168: {  	s15 =	sadd.s32 $0x30, s17;
	[sflag:s12] =	ssyncadd.s32 $0xFFFFFE80  }
0x169: {  	[tilespmem:s26], [sflag:$0x6] =	stream.linear.gather [hbm4b:s15+s2], $0x180, $0x38;
	[tilespmem:$0x1F600] =	vst v63  }
0x16a: {  	_ =	swait.ge [sflag:s12], $0x180  }
0x16b: {  	[sflag:s12] =	ssyncset.done $0x0  }
0x16c: {  	[sflag:s12] =	ssyncadd.s32 $0xFFFFFE80  }
0x16d: {  	[tilespmem:s28], [sflag:$0x2] =	stream.indirect.gather [hbm4b:s4+s25], $0x20, s26, s25, $0xb8;
	[tilespmem:$0x1F600] =	vst v63  }
0x16e: {  	_ =	swait.ge [sflag:s8], $0x3000  }
0x16f: {  	[sflag:s8] =	ssyncset.done $0x0  }
0x170: {  	[sflag:s8] =	ssyncadd.s32 $0xFFFFD000  }
0x171: {  	[spmem:s1] =	stream.indirect.scatter.add.bf16 [tilespmem:s11], [sflag:$0x3], $0x20, s24, s29, $0xb8;
	[tilespmem:$0x1F600] =	vst v63  }
0x172: {  	_ = 	snop  }
0x173: {  	[spmem:s1] =	stream.indirect.scatter.add.bf16 [tilespmem:s5], [sflag:$0x3], $0x20, s31, s29, $0xb8;
	[tilespmem:$0x1F600] =	vst v63  }
0x174: {  	_ = 	snop  }
0x175: {  	[spmem:s1] =	stream.indirect.scatter.add.bf16 [tilespmem:s13], [sflag:$0x3], $0x20, s23, s29, $0xb8;
	[tilespmem:$0x1F600] =	vst v63  }
0x176: {  	_ =	swait.ge [sflag:s0], $0x3000  }
0x177: {  	[sflag:s0] =	ssyncset.done $0x0  }
0x178: {  	[sflag:s0] =	ssyncadd.s32 $0xFFFFD000  }
0x179: {  	[spmem:s1] =	stream.indirect.scatter.add.bf16 [tilespmem:s28], [sflag:$0x4], $0x20, s7, s29, $0xb8;
	[tilespmem:$0x1F600] =	vst v63  }
0x17a: {  	p1 =	seq.s32 s14, $0x1200  }
0x17b: {  	[spmem:s1] =	stream.indirect.scatter.add.bf16 [tilespmem:s9], [sflag:$0x4], $0x20, s6, s29, $0xb8;
	[tilespmem:$0x1F600] =	vst v63  }
0x17c: {  	s15 =	simm.s32 @!p1 $0x3  }
0x17d: {  	[spmem:s1] =	stream.indirect.scatter.add.bf16 [tilespmem:s18], [sflag:$0x4], $0x20, s10, s29, $0xb8;
	[tilespmem:$0x1F600] =	vst v63  }
0x17e: {  	_ =	swait.ge @!p1 [sflag:s15], $0x1000  }
0x17f: {  	[sflag:s15] =	ssyncset.done @!p1 $0x0  }
0x180: {  	[sflag:s15] =	ssyncadd.s32 @!p1 $0xFFFFF000  }
0x181: {  	_ =	swait.ge @!p1 [sflag:s15], $0x1000  }
0x182: {  	[sflag:s15] =	ssyncset.done @!p1 $0x0  }
0x183: {  	[sflag:s15] =	ssyncadd.s32 @!p1 $0xFFFFF000  }
0x184: {  	_ =	swait.ge @!p1 [sflag:s15], $0x1000  }
0x185: {  	[sflag:s15] =	ssyncset.done @!p1 $0x0  }
0x186: {  	[sflag:s15] =	ssyncadd.s32 @!p1 $0xFFFFF000;
	s15 =	sadd.s32 @!p1 s14, s22  }
0x187: {  	s16 =	simm.s32 @!p1 $0x0;
	s17 =	simm.s32 @!p1 $0x19300;
	s15 =	sadd.s32 @!p1 $0x60, s15  }
0x188: {  	[tilespmem:s17], [sflag:$0x6] =	stream.linear.gather @!p1 [hbm4b:s15+s16], $0x180, $0x38;
	[tilespmem:$0x1F600] =	vst v63  }
0x189: {  	s15 =	simm.s32 @!p1 $0x6  }
0x18a: {  	s17 =	sadd.s32 @!p1 s14, s30;
	s14 =	sadd.s32 @!p1 $0x60, s14;
	_ =	swait.ge @!p1 [sflag:s15], $0x180  }
0x18b: {  	s18 =	simm.s32 @!p1 $0x19000;
	p2 =	seq.s32 @!p1 s14, $0x1260;
	[sflag:s15] =	ssyncset.done @!p1 $0x0  }
0x18c: {  	s17 =	sadd.s32 @!p1 $0x60, s17;
	p2 =	por p1, p2;
	[sflag:s15] =	ssyncadd.s32 @!p1 $0xFFFFFE80  }
0x18d: {  	[tilespmem:s18], [sflag:$0x6] =	stream.linear.gather @!p1 [hbm4b:s17+s16], $0x180, $0x38;
	[tilespmem:$0x1F600] =	vst v63  }
.Ltmp5:
0x18e: {  	_ =	swait.ge @!p1 [sflag:s15], $0x180;
	(pc) =	sbr.rel @!p2 .LBB2_7-.Ltmp5, $4  }
0x18f: {  	[sflag:s15] =	ssyncset.done @!p1 $0x0  }
0x190: {  	s16 =	simm.s32 @!p1 $0x19600;
	[sflag:s15] =	ssyncadd.s32 @!p1 $0xFFFFFE80;
	s15 =	simm.s32 @!p1 $0x180  }
0x191: {  	[tilespmem:s16], [sflag:$0x1] =	stream.indirect.gather @!p1 [hbm4b:s4+s15], $0x20, s18, s15, $0xb8;
	[tilespmem:$0x1F600] =	vst v63  }
0x192: {  	s18 =	simm.s32 $0x1E600  }
.Ltmp6:
0x193: {  	s14 =	rddreg [dreg:$0x15];
	(pc) =	sbr.rel .LBB2_16-.Ltmp6, $4  }
0x194: {  	s31 =	simm.s32 $0x1A600;
	s5 =	simm.s32 $0x19400;
	s23 =	simm.s32 $0x1B600  }
0x195: {  	s13 =	simm.s32 $0x19500;
	s6 =	simm.s32 $0x1D600;
	s9 =	simm.s32 $0x19580  }
0x196: {  	s10 =	simm.s32 $0x1E600;
	s11 =	simm.s32 $0x19300;
	s24 =	simm.s32 $0x180  }
0x197: {  	s25 =	simm.s32 $0x19600;
	s18 =	rddreg [dreg:$0x1e];
	s14 =	smov.u32 @p1 s14  }
.LBB2_9:
0x198: {  	s15 =	rddreg [dreg:$0x5];
	s16 =	simm.s32 $0x19000  }
0x199: {  	[tilespmem:s16], [sflag:$0x6] =	stream.linear.gather [hbm4b:s15+s14], $0x180, $0x38;
	[tilespmem:$0x1F600] =	vst v63  }
0x19a: {  	_ =	swait.ge [sflag:s12], $0x180  }
0x19b: {  	[sflag:s12] =	ssyncset.done $0x0  }
0x19c: {  	s30 =	simm.s32 $0x19380;
	s19 =	rddreg [dreg:$0xc];
	[sflag:s12] =	ssyncadd.s32 $0xFFFFFE80  }
0x19d: {  	[tilespmem:s25], [sflag:$0x1] =	stream.indirect.gather [hbm4b:s3+s24], $0x20, s16, s24, $0xb8;
	[tilespmem:$0x1F600] =	vst v63  }
.LBB2_10:
0x19e: {  	p1 =	seq.s32 s14, $0x0  }
0x19f: {  	s15 =	simm.s32 @!p1 $0x4  }
0x1a0: {  	_ =	swait.ge @!p1 [sflag:s15], $0x1000  }
0x1a1: {  	[sflag:s15] =	ssyncset.done @!p1 $0x0  }
0x1a2: {  	[sflag:s15] =	ssyncadd.s32 @!p1 $0xFFFFF000  }
0x1a3: {  	_ =	swait.ge @!p1 [sflag:s15], $0x1000  }
0x1a4: {  	[sflag:s15] =	ssyncset.done @!p1 $0x0  }
0x1a5: {  	[sflag:s15] =	ssyncadd.s32 @!p1 $0xFFFFF000  }
0x1a6: {  	_ =	swait.ge @!p1 [sflag:s15], $0x1000  }
0x1a7: {  	s16 =	sadd.s32 s14, s20;
	[sflag:s15] =	ssyncset.done @!p1 $0x0  }
0x1a8: {  	s17 =	sadd.s32 $0x30, s16;
	[sflag:s15] =	ssyncadd.s32 @!p1 $0xFFFFF000  }
0x1a9: {  	[tilespmem:s7], [sflag:$0x6] =	stream.linear.gather [hbm4b:s17+s2], $0x180, $0x38;
	[tilespmem:$0x1F600] =	vst v63  }
0x1aa: {  	_ =	swait.ge [sflag:s12], $0x180  }
0x1ab: {  	s18 =	sadd.s32 s14, s19;
	[sflag:s12] =	ssyncset.done $0x0  }
0x1ac: {  	s15 =	sadd.s32 $0x30, s18;
	[sflag:s12] =	ssyncadd.s32 $0xFFFFFE80  }
0x1ad: {  	[tilespmem:s26], [sflag:$0x6] =	stream.linear.gather [hbm4b:s15+s2], $0x180, $0x38;
	[tilespmem:$0x1F600] =	vst v63  }
0x1ae: {  	_ =	swait.ge [sflag:s12], $0x180  }
0x1af: {  	[sflag:s12] =	ssyncset.done $0x0  }
0x1b0: {  	[sflag:s12] =	ssyncadd.s32 $0xFFFFFE80  }
0x1b1: {  	[tilespmem:s28], [sflag:$0x2] =	stream.indirect.gather [hbm4b:s3+s24], $0x20, s26, s24, $0xb8;
	[tilespmem:$0x1F600] =	vst v63  }
0x1b2: {  	_ =	swait.ge [sflag:s8], $0x3000  }
0x1b3: {  	[sflag:s8] =	ssyncset.done $0x0  }
0x1b4: {  	[sflag:s8] =	ssyncadd.s32 $0xFFFFD000  }
0x1b5: {  	[spmem:s1] =	stream.indirect.scatter.add.bf16 [tilespmem:s25], [sflag:$0x3], $0x20, s11, s29, $0xb8;
	[tilespmem:$0x1F600] =	vst v63  }
0x1b6: {  	_ = 	snop  }
0x1b7: {  	[spmem:s1] =	stream.indirect.scatter.add.bf16 [tilespmem:s31], [sflag:$0x3], $0x20, s30, s29, $0xb8;
	[tilespmem:$0x1F600] =	vst v63  }
0x1b8: {  	_ = 	snop  }
0x1b9: {  	[spmem:s1] =	stream.indirect.scatter.add.bf16 [tilespmem:s23], [sflag:$0x3], $0x20, s5, s29, $0xb8;
	[tilespmem:$0x1F600] =	vst v63  }
0x1ba: {  	_ =	swait.ge [sflag:s0], $0x3000  }
0x1bb: {  	[sflag:s0] =	ssyncset.done $0x0  }
0x1bc: {  	[sflag:s0] =	ssyncadd.s32 $0xFFFFD000  }
0x1bd: {  	[spmem:s1] =	stream.indirect.scatter.add.bf16 [tilespmem:s28], [sflag:$0x4], $0x20, s7, s29, $0xb8;
	[tilespmem:$0x1F600] =	vst v63  }
0x1be: {  	p1 =	seq.s32 s14, $0x1200  }
0x1bf: {  	[spmem:s1] =	stream.indirect.scatter.add.bf16 [tilespmem:s6], [sflag:$0x4], $0x20, s13, s29, $0xb8;
	[tilespmem:$0x1F600] =	vst v63  }
0x1c0: {  	s15 =	simm.s32 @!p1 $0x3  }
0x1c1: {  	[spmem:s1] =	stream.indirect.scatter.add.bf16 [tilespmem:s10], [sflag:$0x4], $0x20, s9, s29, $0xb8;
	[tilespmem:$0x1F600] =	vst v63  }
0x1c2: {  	_ =	swait.ge @!p1 [sflag:s15], $0x1000  }
0x1c3: {  	[sflag:s15] =	ssyncset.done @!p1 $0x0  }
0x1c4: {  	[sflag:s15] =	ssyncadd.s32 @!p1 $0xFFFFF000  }
0x1c5: {  	_ =	swait.ge @!p1 [sflag:s15], $0x1000  }
0x1c6: {  	[sflag:s15] =	ssyncset.done @!p1 $0x0  }
0x1c7: {  	[sflag:s15] =	ssyncadd.s32 @!p1 $0xFFFFF000  }
0x1c8: {  	_ =	swait.ge @!p1 [sflag:s15], $0x1000  }
0x1c9: {  	[sflag:s15] =	ssyncset.done @!p1 $0x0  }
0x1ca: {  	[sflag:s15] =	ssyncadd.s32 @!p1 $0xFFFFF000;
	s15 =	sadd.s32 @!p1 s14, s20  }
0x1cb: {  	s16 =	simm.s32 @!p1 $0x0;
	s17 =	simm.s32 @!p1 $0x19300;
	s15 =	sadd.s32 @!p1 $0x60, s15  }
0x1cc: {  	[tilespmem:s17], [sflag:$0x6] =	stream.linear.gather @!p1 [hbm4b:s15+s16], $0x180, $0x38;
	[tilespmem:$0x1F600] =	vst v63  }
0x1cd: {  	s15 =	simm.s32 @!p1 $0x6  }
0x1ce: {  	_ =	swait.ge @!p1 [sflag:s15], $0x180  }
0x1cf: {  	s17 =	sadd.s32 @!p1 s14, s19;
	[sflag:s15] =	ssyncset.done @!p1 $0x0  }
0x1d0: {  	s18 =	simm.s32 @!p1 $0x19000;
	s17 =	sadd.s32 @!p1 $0x60, s17;
	[sflag:s15] =	ssyncadd.s32 @!p1 $0xFFFFFE80  }
0x1d1: {  	[tilespmem:s18], [sflag:$0x6] =	stream.linear.gather @!p1 [hbm4b:s17+s16], $0x180, $0x38;
	[tilespmem:$0x1F600] =	vst v63  }
0x1d2: {  	s14 =	sadd.s32 @!p1 $0x60, s14;
	_ =	swait.ge @!p1 [sflag:s15], $0x180  }
0x1d3: {  	p2 =	seq.s32 @!p1 s14, $0x1260;
	[sflag:s15] =	ssyncset.done @!p1 $0x0  }
0x1d4: {  	s16 =	simm.s32 @!p1 $0x19600;
	[sflag:s15] =	ssyncadd.s32 @!p1 $0xFFFFFE80;
	s15 =	simm.s32 @!p1 $0x180  }
0x1d5: {  	[tilespmem:s16], [sflag:$0x1] =	stream.indirect.gather @!p1 [hbm4b:s3+s15], $0x20, s18, s15, $0xb8;
	[tilespmem:$0x1F600] =	vst v63  }
0x1d6: {  	p1 =	por p1, p2  }
.Ltmp7:
0x1d7: {  	_ = 	snop;
	(pc) =	sbr.rel @!p1 .LBB2_10-.Ltmp7, $1  }
0x1d8: {  	_ =	sdelay $0x3  }
0x1d9: {  	s14 =	simm.s32 $0x3  }
0x1da: {  	_ =	swait.ge [sflag:s14], $0x1000  }
0x1db: {  	[sflag:s14] =	ssyncset.done $0x0  }
0x1dc: {  	[sflag:s14] =	ssyncadd.s32 $0xFFFFF000  }
0x1dd: {  	_ =	swait.ge [sflag:s14], $0x1000  }
0x1de: {  	[sflag:s14] =	ssyncset.done $0x0  }
0x1df: {  	[sflag:s14] =	ssyncadd.s32 $0xFFFFF000  }
0x1e0: {  	_ =	swait.ge [sflag:s14], $0x1000  }
0x1e1: {  	[sflag:s14] =	ssyncset.done $0x0  }
0x1e2: {  	s15 =	simm.s32 $0x4;
	[sflag:s14] =	ssyncadd.s32 $0xFFFFF000  }
0x1e3: {  	_ =	swait.ge [sflag:s15], $0x1000  }
0x1e4: {  	[sflag:s15] =	ssyncset.done $0x0  }
0x1e5: {  	[sflag:s15] =	ssyncadd.s32 $0xFFFFF000  }
0x1e6: {  	_ =	swait.ge [sflag:s15], $0x1000  }
0x1e7: {  	[sflag:s15] =	ssyncset.done $0x0  }
0x1e8: {  	[sflag:s15] =	ssyncadd.s32 $0xFFFFF000  }
0x1e9: {  	_ =	swait.ge [sflag:s15], $0x1000  }
0x1ea: {  	[sflag:s15] =	ssyncset.done $0x0  }
0x1eb: {  	[sflag:s15] =	ssyncadd.s32 $0xFFFFF000  }
0x1ec: {  	[bflag:$0x0] =	sbarrier.arrive $0xFFFF  }
0x1ed: {  	s18 =	rddreg [dreg:$0x1a]  }
0x1ee: {  	s19 =	rddreg [dreg:$0x1c]  }
0x1ef: {  	s17 =	rddreg [dreg:$0x1f];
	s18 =	sor.u32 $0x1C06, s18  }
0x1f0: {  	s16 =	simm.s32 $0x8;
	[smem:$0x7F9] =	sst s18  }
0x1f1: {  	[hbm:s19@s16], [sflag:s18] =	dma.strided [spmem:s17@s15], $0x3200, s8, $0x4   }
0x1f2: {  	_ =	swait.ge [sflag:s12], $0x3200  }
0x1f3: {  	[sflag:s12] =	ssyncset.done $0x0;
	s15 =	rddreg [dreg:$0x4]  }
0x1f4: {  	s18 =	rddreg [dreg:$0x1d];
	[sflag:s12] =	ssyncadd.s32 $0xFFFFCE00  }
0x1f5: {  	[spmem:s17], [sflag:s18] =	dma.local [hbm:s15], $0xC80  }
0x1f6: {  	s19 =	sld [smem:$0x7FB];
	_ =	sdelay $0x2  }
0x1f7: {  	[spmem:s19], [sflag:s18] =	dma.local [hbm:s15], $0xC80  }
0x1f8: {  	s16 =	sld [smem:$0x7FC];
	_ =	sdelay $0x2  }
0x1f9: {  	[spmem:s16], [sflag:s18] =	dma.local [hbm:s15], $0xC80  }
0x1fa: {  	s16 =	sld [smem:$0x7FD];
	_ =	sdelay $0x1  }
0x1fb: {  	s17 =	simm.s32 $0x5  }
0x1fc: {  	[spmem:s16], [sflag:s18] =	dma.local [hbm:s15], $0xC80  }
0x1fd: {  	_ =	swait.ge [sflag:s17], $0xC80  }
0x1fe: {  	[sflag:s17] =	ssyncset.done $0x0  }
0x1ff: {  	[sflag:s17] =	ssyncadd.s32 $0xFFFFF380  }
0x200: {  	_ =	swait.ge [sflag:s17], $0xC80  }
0x201: {  	[sflag:s17] =	ssyncset.done $0x0  }
0x202: {  	[sflag:s17] =	ssyncadd.s32 $0xFFFFF380  }
0x203: {  	_ =	swait.ge [sflag:s17], $0xC80  }
0x204: {  	[sflag:s17] =	ssyncset.done $0x0  }
0x205: {  	[sflag:s17] =	ssyncadd.s32 $0xFFFFF380  }
0x206: {  	_ =	swait.ge [sflag:s17], $0xC80  }
0x207: {  	[sflag:s17] =	ssyncset.done $0x0  }
0x208: {  	[sflag:s17] =	ssyncadd.s32 $0xFFFFF380  }
0x209: {  	s14 =	simm.s32 $0x0;
	[bflag:$0x0] =	sbarrier.arrive $0xFFFF  }
0x20a: {  	[tilespmem:s11], [sflag:$0x6] =	stream.linear.gather [hbm4b:s21+s14], $0x180, $0x38;
	[tilespmem:$0x1F600] =	vst v63  }
0x20b: {  	_ =	swait.ge [sflag:s12], $0x180  }
0x20c: {  	[sflag:s12] =	ssyncset.done $0x0  }
0x20d: {  	s19 =	simm.s32 $0x19000;
	s18 =	rddreg [dreg:$0x9];
	[sflag:s12] =	ssyncadd.s32 $0xFFFFFE80  }
0x20e: {  	[tilespmem:s19], [sflag:$0x6] =	stream.linear.gather [hbm4b:s18+s14], $0x180, $0x38;
	[tilespmem:$0x1F600] =	vst v63  }
0x20f: {  	_ =	swait.ge [sflag:s12], $0x180  }
0x210: {  	[sflag:s12] =	ssyncset.done $0x0  }
0x211: {  	[sflag:s12] =	ssyncadd.s32 $0xFFFFFE80  }
0x212: {  	[tilespmem:s25], [sflag:$0x1] =	stream.indirect.gather [hbm4b:s3+s24], $0x20, s19, s24, $0xb8;
	[tilespmem:$0x1F600] =	vst v63  }
0x213: {  	s19 =	rddreg [dreg:$0xd]  }
.LBB2_12:
0x214: {  	p1 =	seq.s32 s14, $0x0  }
0x215: {  	s15 =	simm.s32 @!p1 $0x4  }
0x216: {  	_ =	swait.ge @!p1 [sflag:s15], $0x1000  }
0x217: {  	[sflag:s15] =	ssyncset.done @!p1 $0x0  }
0x218: {  	[sflag:s15] =	ssyncadd.s32 @!p1 $0xFFFFF000  }
0x219: {  	_ =	swait.ge @!p1 [sflag:s15], $0x1000  }
0x21a: {  	[sflag:s15] =	ssyncset.done @!p1 $0x0  }
0x21b: {  	[sflag:s15] =	ssyncadd.s32 @!p1 $0xFFFFF000  }
0x21c: {  	_ =	swait.ge @!p1 [sflag:s15], $0x1000  }
0x21d: {  	s16 =	sadd.s32 s14, s21;
	[sflag:s15] =	ssyncset.done @!p1 $0x0  }
0x21e: {  	s17 =	sadd.s32 $0x30, s16;
	[sflag:s15] =	ssyncadd.s32 @!p1 $0xFFFFF000  }
0x21f: {  	[tilespmem:s7], [sflag:$0x6] =	stream.linear.gather [hbm4b:s17+s2], $0x180, $0x38;
	[tilespmem:$0x1F600] =	vst v63  }
0x220: {  	_ =	swait.ge [sflag:s12], $0x180  }
0x221: {  	s18 =	sadd.s32 s14, s19;
	[sflag:s12] =	ssyncset.done $0x0  }
0x222: {  	s15 =	sadd.s32 $0x30, s18;
	[sflag:s12] =	ssyncadd.s32 $0xFFFFFE80  }
0x223: {  	[tilespmem:s26], [sflag:$0x6] =	stream.linear.gather [hbm4b:s15+s2], $0x180, $0x38;
	[tilespmem:$0x1F600] =	vst v63  }
0x224: {  	_ =	swait.ge [sflag:s12], $0x180  }
0x225: {  	[sflag:s12] =	ssyncset.done $0x0  }
0x226: {  	[sflag:s12] =	ssyncadd.s32 $0xFFFFFE80  }
0x227: {  	[tilespmem:s28], [sflag:$0x2] =	stream.indirect.gather [hbm4b:s3+s24], $0x20, s26, s24, $0xb8;
	[tilespmem:$0x1F600] =	vst v63  }
0x228: {  	_ =	swait.ge [sflag:s8], $0x3000  }
0x229: {  	[sflag:s8] =	ssyncset.done $0x0  }
0x22a: {  	[sflag:s8] =	ssyncadd.s32 $0xFFFFD000  }
0x22b: {  	[spmem:s1] =	stream.indirect.scatter.add.bf16 [tilespmem:s25], [sflag:$0x3], $0x20, s11, s29, $0xb8;
	[tilespmem:$0x1F600] =	vst v63  }
0x22c: {  	_ = 	snop  }
0x22d: {  	[spmem:s1] =	stream.indirect.scatter.add.bf16 [tilespmem:s31], [sflag:$0x3], $0x20, s30, s29, $0xb8;
	[tilespmem:$0x1F600] =	vst v63  }
0x22e: {  	_ = 	snop  }
0x22f: {  	[spmem:s1] =	stream.indirect.scatter.add.bf16 [tilespmem:s23], [sflag:$0x3], $0x20, s5, s29, $0xb8;
	[tilespmem:$0x1F600] =	vst v63  }
0x230: {  	_ =	swait.ge [sflag:s0], $0x3000  }
0x231: {  	[sflag:s0] =	ssyncset.done $0x0  }
0x232: {  	[sflag:s0] =	ssyncadd.s32 $0xFFFFD000  }
0x233: {  	[spmem:s1] =	stream.indirect.scatter.add.bf16 [tilespmem:s28], [sflag:$0x4], $0x20, s7, s29, $0xb8;
	[tilespmem:$0x1F600] =	vst v63  }
0x234: {  	p1 =	seq.s32 s14, $0x1200  }
0x235: {  	[spmem:s1] =	stream.indirect.scatter.add.bf16 [tilespmem:s6], [sflag:$0x4], $0x20, s13, s29, $0xb8;
	[tilespmem:$0x1F600] =	vst v63  }
0x236: {  	s15 =	simm.s32 @!p1 $0x3  }
0x237: {  	[spmem:s1] =	stream.indirect.scatter.add.bf16 [tilespmem:s10], [sflag:$0x4], $0x20, s9, s29, $0xb8;
	[tilespmem:$0x1F600] =	vst v63  }
0x238: {  	_ =	swait.ge @!p1 [sflag:s15], $0x1000  }
0x239: {  	[sflag:s15] =	ssyncset.done @!p1 $0x0  }
0x23a: {  	[sflag:s15] =	ssyncadd.s32 @!p1 $0xFFFFF000  }
0x23b: {  	_ =	swait.ge @!p1 [sflag:s15], $0x1000  }
0x23c: {  	[sflag:s15] =	ssyncset.done @!p1 $0x0  }
0x23d: {  	[sflag:s15] =	ssyncadd.s32 @!p1 $0xFFFFF000  }
0x23e: {  	_ =	swait.ge @!p1 [sflag:s15], $0x1000  }
0x23f: {  	[sflag:s15] =	ssyncset.done @!p1 $0x0  }
0x240: {  	[sflag:s15] =	ssyncadd.s32 @!p1 $0xFFFFF000;
	s15 =	sadd.s32 @!p1 s14, s21  }
0x241: {  	s16 =	simm.s32 @!p1 $0x0;
	s17 =	simm.s32 @!p1 $0x19300;
	s15 =	sadd.s32 @!p1 $0x60, s15  }
0x242: {  	[tilespmem:s17], [sflag:$0x6] =	stream.linear.gather @!p1 [hbm4b:s15+s16], $0x180, $0x38;
	[tilespmem:$0x1F600] =	vst v63  }
0x243: {  	s15 =	simm.s32 @!p1 $0x6  }
0x244: {  	_ =	swait.ge @!p1 [sflag:s15], $0x180  }
0x245: {  	s17 =	sadd.s32 @!p1 s14, s19;
	[sflag:s15] =	ssyncset.done @!p1 $0x0  }
0x246: {  	s18 =	simm.s32 @!p1 $0x19000;
	s17 =	sadd.s32 @!p1 $0x60, s17;
	[sflag:s15] =	ssyncadd.s32 @!p1 $0xFFFFFE80  }
0x247: {  	[tilespmem:s18], [sflag:$0x6] =	stream.linear.gather @!p1 [hbm4b:s17+s16], $0x180, $0x38;
	[tilespmem:$0x1F600] =	vst v63  }
0x248: {  	s14 =	sadd.s32 @!p1 $0x60, s14;
	_ =	swait.ge @!p1 [sflag:s15], $0x180  }
0x249: {  	p2 =	sne.s32 @!p1 s14, $0x1260;
	[sflag:s15] =	ssyncset.done @!p1 $0x0  }
0x24a: {  	s16 =	simm.s32 @!p1 $0x19600;
	[sflag:s15] =	ssyncadd.s32 @!p1 $0xFFFFFE80;
	s15 =	simm.s32 @!p1 $0x180  }
0x24b: {  	[tilespmem:s16], [sflag:$0x1] =	stream.indirect.gather @!p1 [hbm4b:s3+s15], $0x20, s18, s15, $0xb8;
	[tilespmem:$0x1F600] =	vst v63  }
0x24c: {  	p1 =	por p1, !p2  }
.Ltmp8:
0x24d: {  	_ = 	snop;
	(pc) =	sbr.rel @!p1 .LBB2_12-.Ltmp8, $1  }
0x24e: {  	_ =	sdelay $0x3  }
0x24f: {  	s14 =	simm.s32 $0x3  }
0x250: {  	_ =	swait.ge [sflag:s14], $0x1000  }
0x251: {  	[sflag:s14] =	ssyncset.done $0x0  }
0x252: {  	[sflag:s14] =	ssyncadd.s32 $0xFFFFF000  }
0x253: {  	_ =	swait.ge [sflag:s14], $0x1000  }
0x254: {  	[sflag:s14] =	ssyncset.done $0x0  }
0x255: {  	[sflag:s14] =	ssyncadd.s32 $0xFFFFF000  }
0x256: {  	_ =	swait.ge [sflag:s14], $0x1000  }
0x257: {  	[sflag:s14] =	ssyncset.done $0x0  }
0x258: {  	s15 =	simm.s32 $0x4;
	[sflag:s14] =	ssyncadd.s32 $0xFFFFF000  }
0x259: {  	_ =	swait.ge [sflag:s15], $0x1000  }
0x25a: {  	[sflag:s15] =	ssyncset.done $0x0  }
0x25b: {  	[sflag:s15] =	ssyncadd.s32 $0xFFFFF000  }
0x25c: {  	_ =	swait.ge [sflag:s15], $0x1000  }
0x25d: {  	[sflag:s15] =	ssyncset.done $0x0  }
0x25e: {  	[sflag:s15] =	ssyncadd.s32 $0xFFFFF000  }
0x25f: {  	_ =	swait.ge [sflag:s15], $0x1000  }
0x260: {  	[sflag:s15] =	ssyncset.done $0x0  }
0x261: {  	[sflag:s15] =	ssyncadd.s32 $0xFFFFF000  }
0x262: {  	[bflag:$0x0] =	sbarrier.arrive $0xFFFF  }
0x263: {  	s18 =	sld [smem:$0x7F9]  }
0x264: {  	s19 =	rddreg [dreg:$0x14]  }
0x265: {  	s16 =	simm.s32 $0x8;
	s17 =	rddreg [dreg:$0x1f]  }
0x266: {  	[hbm:s19@s16], [sflag:s18] =	dma.strided [spmem:s17@s15], $0x3200, s8, $0x4   }
0x267: {  	_ =	swait.ge [sflag:s12], $0x3200  }
0x268: {  	[sflag:s12] =	ssyncset.done $0x0;
	s15 =	rddreg [dreg:$0x4]  }
0x269: {  	s18 =	rddreg [dreg:$0x1d];
	[sflag:s12] =	ssyncadd.s32 $0xFFFFCE00  }
0x26a: {  	[spmem:s17], [sflag:s18] =	dma.local [hbm:s15], $0xC80  }
0x26b: {  	s19 =	sld [smem:$0x7FB];
	_ =	sdelay $0x2  }
0x26c: {  	[spmem:s19], [sflag:s18] =	dma.local [hbm:s15], $0xC80  }
0x26d: {  	s16 =	sld [smem:$0x7FC];
	_ =	sdelay $0x2  }
0x26e: {  	[spmem:s16], [sflag:s18] =	dma.local [hbm:s15], $0xC80  }
0x26f: {  	s16 =	sld [smem:$0x7FD];
	_ =	sdelay $0x1  }
0x270: {  	s17 =	simm.s32 $0x5  }
0x271: {  	[spmem:s16], [sflag:s18] =	dma.local [hbm:s15], $0xC80  }
0x272: {  	_ =	swait.ge [sflag:s17], $0xC80  }
0x273: {  	[sflag:s17] =	ssyncset.done $0x0  }
0x274: {  	[sflag:s17] =	ssyncadd.s32 $0xFFFFF380  }
0x275: {  	_ =	swait.ge [sflag:s17], $0xC80  }
0x276: {  	[sflag:s17] =	ssyncset.done $0x0  }
0x277: {  	[sflag:s17] =	ssyncadd.s32 $0xFFFFF380  }
0x278: {  	_ =	swait.ge [sflag:s17], $0xC80  }
0x279: {  	[sflag:s17] =	ssyncset.done $0x0  }
0x27a: {  	[sflag:s17] =	ssyncadd.s32 $0xFFFFF380  }
0x27b: {  	_ =	swait.ge [sflag:s17], $0xC80  }
0x27c: {  	[sflag:s17] =	ssyncset.done $0x0  }
0x27d: {  	[sflag:s17] =	ssyncadd.s32 $0xFFFFF380  }
0x27e: {  	s14 =	simm.s32 $0x0;
	[bflag:$0x0] =	sbarrier.arrive $0xFFFF  }
0x27f: {  	[tilespmem:s11], [sflag:$0x6] =	stream.linear.gather [hbm4b:s22+s14], $0x180, $0x38;
	[tilespmem:$0x1F600] =	vst v63  }
0x280: {  	_ =	swait.ge [sflag:s12], $0x180  }
0x281: {  	[sflag:s12] =	ssyncset.done $0x0  }
0x282: {  	s19 =	simm.s32 $0x19000;
	s18 =	rddreg [dreg:$0xb];
	[sflag:s12] =	ssyncadd.s32 $0xFFFFFE80  }
0x283: {  	[tilespmem:s19], [sflag:$0x6] =	stream.linear.gather [hbm4b:s18+s14], $0x180, $0x38;
	[tilespmem:$0x1F600] =	vst v63  }
0x284: {  	_ =	swait.ge [sflag:s12], $0x180  }
0x285: {  	[sflag:s12] =	ssyncset.done $0x0  }
0x286: {  	[sflag:s12] =	ssyncadd.s32 $0xFFFFFE80  }
0x287: {  	[tilespmem:s25], [sflag:$0x1] =	stream.indirect.gather [hbm4b:s4+s24], $0x20, s19, s24, $0xb8;
	[tilespmem:$0x1F600] =	vst v63  }
0x288: {  	s19 =	rddreg [dreg:$0xe]  }
.LBB2_14:
0x289: {  	p1 =	seq.s32 s14, $0x0  }
0x28a: {  	s15 =	simm.s32 @!p1 $0x4  }
0x28b: {  	_ =	swait.ge @!p1 [sflag:s15], $0x1000  }
0x28c: {  	[sflag:s15] =	ssyncset.done @!p1 $0x0  }
0x28d: {  	[sflag:s15] =	ssyncadd.s32 @!p1 $0xFFFFF000  }
0x28e: {  	_ =	swait.ge @!p1 [sflag:s15], $0x1000  }
0x28f: {  	[sflag:s15] =	ssyncset.done @!p1 $0x0  }
0x290: {  	[sflag:s15] =	ssyncadd.s32 @!p1 $0xFFFFF000  }
0x291: {  	_ =	swait.ge @!p1 [sflag:s15], $0x1000  }
0x292: {  	s16 =	sadd.s32 s14, s22;
	[sflag:s15] =	ssyncset.done @!p1 $0x0  }
0x293: {  	s17 =	sadd.s32 $0x30, s16;
	[sflag:s15] =	ssyncadd.s32 @!p1 $0xFFFFF000  }
0x294: {  	[tilespmem:s7], [sflag:$0x6] =	stream.linear.gather [hbm4b:s17+s2], $0x180, $0x38;
	[tilespmem:$0x1F600] =	vst v63  }
0x295: {  	_ =	swait.ge [sflag:s12], $0x180  }
0x296: {  	s18 =	sadd.s32 s14, s19;
	[sflag:s12] =	ssyncset.done $0x0  }
0x297: {  	s15 =	sadd.s32 $0x30, s18;
	[sflag:s12] =	ssyncadd.s32 $0xFFFFFE80  }
0x298: {  	[tilespmem:s26], [sflag:$0x6] =	stream.linear.gather [hbm4b:s15+s2], $0x180, $0x38;
	[tilespmem:$0x1F600] =	vst v63  }
0x299: {  	_ =	swait.ge [sflag:s12], $0x180  }
0x29a: {  	[sflag:s12] =	ssyncset.done $0x0  }
0x29b: {  	[sflag:s12] =	ssyncadd.s32 $0xFFFFFE80  }
0x29c: {  	[tilespmem:s28], [sflag:$0x2] =	stream.indirect.gather [hbm4b:s4+s24], $0x20, s26, s24, $0xb8;
	[tilespmem:$0x1F600] =	vst v63  }
0x29d: {  	_ =	swait.ge [sflag:s8], $0x3000  }
0x29e: {  	[sflag:s8] =	ssyncset.done $0x0  }
0x29f: {  	[sflag:s8] =	ssyncadd.s32 $0xFFFFD000  }
0x2a0: {  	[spmem:s1] =	stream.indirect.scatter.add.bf16 [tilespmem:s25], [sflag:$0x3], $0x20, s11, s29, $0xb8;
	[tilespmem:$0x1F600] =	vst v63  }
0x2a1: {  	_ = 	snop  }
0x2a2: {  	[spmem:s1] =	stream.indirect.scatter.add.bf16 [tilespmem:s31], [sflag:$0x3], $0x20, s30, s29, $0xb8;
	[tilespmem:$0x1F600] =	vst v63  }
0x2a3: {  	_ = 	snop  }
0x2a4: {  	[spmem:s1] =	stream.indirect.scatter.add.bf16 [tilespmem:s23], [sflag:$0x3], $0x20, s5, s29, $0xb8;
	[tilespmem:$0x1F600] =	vst v63  }
0x2a5: {  	_ =	swait.ge [sflag:s0], $0x3000  }
0x2a6: {  	[sflag:s0] =	ssyncset.done $0x0  }
0x2a7: {  	[sflag:s0] =	ssyncadd.s32 $0xFFFFD000  }
0x2a8: {  	[spmem:s1] =	stream.indirect.scatter.add.bf16 [tilespmem:s28], [sflag:$0x4], $0x20, s7, s29, $0xb8;
	[tilespmem:$0x1F600] =	vst v63  }
0x2a9: {  	p1 =	seq.s32 s14, $0x1200  }
0x2aa: {  	[spmem:s1] =	stream.indirect.scatter.add.bf16 [tilespmem:s6], [sflag:$0x4], $0x20, s13, s29, $0xb8;
	[tilespmem:$0x1F600] =	vst v63  }
0x2ab: {  	s15 =	simm.s32 @!p1 $0x3  }
0x2ac: {  	[spmem:s1] =	stream.indirect.scatter.add.bf16 [tilespmem:s10], [sflag:$0x4], $0x20, s9, s29, $0xb8;
	[tilespmem:$0x1F600] =	vst v63  }
0x2ad: {  	_ =	swait.ge @!p1 [sflag:s15], $0x1000  }
0x2ae: {  	[sflag:s15] =	ssyncset.done @!p1 $0x0  }
0x2af: {  	[sflag:s15] =	ssyncadd.s32 @!p1 $0xFFFFF000  }
0x2b0: {  	_ =	swait.ge @!p1 [sflag:s15], $0x1000  }
0x2b1: {  	[sflag:s15] =	ssyncset.done @!p1 $0x0  }
0x2b2: {  	[sflag:s15] =	ssyncadd.s32 @!p1 $0xFFFFF000  }
0x2b3: {  	_ =	swait.ge @!p1 [sflag:s15], $0x1000  }
0x2b4: {  	[sflag:s15] =	ssyncset.done @!p1 $0x0  }
0x2b5: {  	[sflag:s15] =	ssyncadd.s32 @!p1 $0xFFFFF000;
	s15 =	sadd.s32 @!p1 s14, s22  }
0x2b6: {  	s16 =	simm.s32 @!p1 $0x0;
	s17 =	simm.s32 @!p1 $0x19300;
	s15 =	sadd.s32 @!p1 $0x60, s15  }
0x2b7: {  	[tilespmem:s17], [sflag:$0x6] =	stream.linear.gather @!p1 [hbm4b:s15+s16], $0x180, $0x38;
	[tilespmem:$0x1F600] =	vst v63  }
0x2b8: {  	s15 =	simm.s32 @!p1 $0x6  }
0x2b9: {  	s17 =	sadd.s32 @!p1 s14, s19;
	s14 =	sadd.s32 @!p1 $0x60, s14;
	_ =	swait.ge @!p1 [sflag:s15], $0x180  }
0x2ba: {  	s18 =	simm.s32 @!p1 $0x19000;
	p2 =	sne.s32 @!p1 s14, $0x1260;
	[sflag:s15] =	ssyncset.done @!p1 $0x0  }
0x2bb: {  	s17 =	sadd.s32 @!p1 $0x60, s17;
	p2 =	por p1, !p2;
	[sflag:s15] =	ssyncadd.s32 @!p1 $0xFFFFFE80  }
0x2bc: {  	[tilespmem:s18], [sflag:$0x6] =	stream.linear.gather @!p1 [hbm4b:s17+s16], $0x180, $0x38;
	[tilespmem:$0x1F600] =	vst v63  }
.Ltmp9:
0x2bd: {  	_ = 	snop;
	(pc) =	sbr.rel @!p2 .LBB2_14-.Ltmp9, $4  }
0x2be: {  	_ =	swait.ge @!p1 [sflag:s15], $0x180  }
0x2bf: {  	[sflag:s15] =	ssyncset.done @!p1 $0x0  }
0x2c0: {  	s16 =	simm.s32 @!p1 $0x19600;
	[sflag:s15] =	ssyncadd.s32 @!p1 $0xFFFFFE80;
	s15 =	simm.s32 @!p1 $0x180  }
0x2c1: {  	[tilespmem:s16], [sflag:$0x1] =	stream.indirect.gather @!p1 [hbm4b:s4+s15], $0x20, s18, s15, $0xb8;
	[tilespmem:$0x1F600] =	vst v63  }
.Ltmp10:
0x2c2: {  	_ = 	snop;
	(pc) =	sbr.rel .LBB2_15-.Ltmp10, $1  }
0x2c3: {  	_ =	sdelay $0x3  }
.LBB2_17:
0x2c4: {  	_ =	sfence.sel $0x180000  }
0x2c5: {  	[bflag:$0x0] =	sbarrier.arrive $0xFFFF  }
0x2c6: {  	_ =	strace $0x90000047  }
0x2c7: {  	s0 =	stileid.u32;
	[bflag:$0x2] =	sbarrier.arrive $0xFFFF  }
0x2c8: {  	p0 =	sne.s32 s0, $0x0;
	s0 =	rddreg [dreg:$0x3]  }
0x2c9: {  	s0 =	sadd.s32 @!p0 $0x100000, s0  }
0x2ca: {  	[sflag:s0] =	ssyncadd.tile.s32 @!p0 $0x1;
	_ =	shalt  }
.Lfunc_end2:
_tile_overlayer_lowered:
.L_overlay_start_2:
0x2cb: {  	(tag) =	ssettag $0x2  }
0x2cc: {  	s0 =	rddreg [dreg:$0x0];
	s2 =	stileid.u32  }
0x2cd: {  	s1 =	rddreg [dreg:$0x1];
	p0 =	sne.s32 s2, $0x0  }
0x2ce: {  	s3 =	rddreg [dreg:$0x2];
	[bflag:$0x3] =	sbarrier.arrive $0xFFFF;
	s2 =	simm.s32 @!p0 $0x1C06  }
0x2cf: {  	[timem:s3], [sflag:s2] =	dma.local @!p0 [hbm:s0], s1  }
0x2d0: {  	s0 =	simm.s32 @!p0 $0x6  }
0x2d1: {  	_ =	swait.ge @!p0 [sflag:s0], s1  }
0x2d2: {  	s1 =	ssub.s32 @!p0 $0x0, s1;
	[sflag:s0] =	ssyncset.done @!p0 $0x0  }
0x2d3: {  	[sflag:s0] =	ssyncadd.s32 @!p0 s1  }
0x2d4: {  	[bflag:$0x3] =	sbarrier.arrive $0xFFFF  }
0x2d5: {  	_ =	shalt  }

</sc_bundles>
